<compile_context>
chip_gen: v7x
topology: tpu7x:2x2x1
jax: 0.10.2.dev20260603
libtpu: 0.0.44.dev20260713+nightly
codegen_flags: <defaults>
</compile_context>

<pallas_src>
import functools

import jax
import jax.numpy as jnp
from jax import lax
from jax.experimental import pallas as pl
from jax.experimental.pallas import tpu as pltpu
from jax.experimental.pallas import tpu_sc as plsc

B = 1024
L = 200
D = 64
NC = 2
NS = 16
NW = NC * NS
BC = 256
UPW = 800 // 16
NLR = 13


def _sc_embed(dxi_t, pri_t, dx_table, proc_table, pe_block):
    mesh = plsc.VectorSubcoreMesh(core_axis_name="c", subcore_axis_name="s")

    scratch = {
        "idx_v": pltpu.VMEM((3, 8, 8, 128), jnp.int32),
        "pe_v": pltpu.VMEM((NLR, D), jnp.float32),
        "gbuf": [pltpu.VMEM((BC, D), jnp.float32) for _ in range(2)],
        "sbuf": [pltpu.VMEM((8, 2, 12, 129), jnp.float32) for _ in range(2)],
        "gsem": [pltpu.SemaphoreType.DMA for _ in range(2)],
        "ssem": [pltpu.SemaphoreType.DMA for _ in range(2)],
    }

    @functools.partial(
        pl.kernel,
        out_type=(
            jax.ShapeDtypeStruct((L, 8, 8, 8, 128), jnp.float32),
            jax.ShapeDtypeStruct((L, 8, 8, 8, 128), jnp.float32),
        ),
        mesh=mesh,
        compiler_params=pltpu.CompilerParams(use_tc_tiling_on_sc=False,
                                             needs_layout_passes=False),
        scratch_types=scratch,
    )
    def k(dxi_hbm, pri_hbm, dxt_hbm, prt_hbm, pe_hbm, dx_out, pr_out,
          idx_v, pe_v, gbuf, sbuf, gsem, ssem):
        wid = lax.axis_index("s") * NC + lax.axis_index("c")
        wloc = lax.rem(wid, 16)
        l0 = (UPW * wloc) // 4
        tr0 = jnp.minimum(l0 // 8, 25 - 3)
        pltpu.sync_copy(pe_hbm.at[pl.ds(l0, NLR)], pe_v)

        def run(idx_hbm, tbl_hbm, out_hbm):
            pltpu.sync_copy(idx_hbm.at[pl.ds(tr0, 3)], idx_v)
            dl = lax.iota(jnp.int32, 16)
            dts = [2 * dg + dl // 8 for dg in range(4)]
            din = lax.rem(dl, 8)
            btq_v = [jnp.full((16,), btq, jnp.int32) for btq in range(2)]

            def fire(k_unit, p):
                u = UPW * wloc + k_unit
                bq = lax.rem(u, 4)
                l = u // 4
                tr_rel = l // 8 - tr0
                r = lax.rem(l, 8)
                pltpu.async_copy(
                    tbl_hbm.at[idx_v.at[tr_rel, 2 * bq, r]],
                    gbuf[p].at[pl.ds(0, 128)], gsem[p])
                pltpu.async_copy(
                    tbl_hbm.at[idx_v.at[tr_rel, 2 * bq + 1, r]],
                    gbuf[p].at[pl.ds(128, 128)], gsem[p])

            def wait_g(p):
                pltpu.make_async_copy(
                    tbl_hbm.at[pl.ds(0, BC)], gbuf[p], gsem[p]).wait()

            def wait_s(p):
                pltpu.make_async_copy(
                    sbuf[p].at[:, :, pl.ds(0, 8), pl.ds(0, 128)],
                    out_hbm.at[0, :, pl.ds(0, 2)], ssem[p]).wait()

            def unit(k_unit, h, p):
                u = UPW * wloc + k_unit
                l_rel = u // 4 - l0
                bq = lax.rem(u, 4)
                wait_g(p)

                @pl.when(h >= 1)
                def _():
                    wait_s(p)

                pe16 = [pe_v[l_rel, pl.ds(dg * 16, 16)] for dg in range(4)]
                for btq in range(2):
                    @plsc.parallel_loop(0, 128, unroll=4)
                    def _(bin_, btq=btq):
                        bin_v = jnp.full((16,), bin_, jnp.int32)
                        bloc = btq * 128 + bin_
                        for dg in range(4):
                            val = (gbuf[p][bloc, pl.ds(dg * 16, 16)]
                                   + pe16[dg])
                            plsc.store_scatter(
                                sbuf[p], [dts[dg], btq_v[btq], din, bin_v],
                                val)

                pltpu.async_copy(
                    sbuf[p].at[:, :, pl.ds(0, 8), pl.ds(0, 128)],
                    out_hbm.at[u // 4, :, pl.ds(2 * bq, 2)], ssem[p])

                @pl.when(k_unit + 2 < UPW)
                def _():
                    fire(k_unit + 2, p)

            fire(0, 0)
            fire(1, 1)

            def body(h, carry):
                unit(2 * h, h, 0)
                unit(2 * h + 1, h, 1)
                return carry

            lax.fori_loop(0, UPW // 2, body, 0)
            wait_s(0)
            wait_s(1)

        @pl.when(wid < 16)
        def _():
            run(dxi_hbm, dxt_hbm, dx_out)

        @pl.when(wid >= 16)
        def _():
            run(pri_hbm, prt_hbm, pr_out)

    return k(dxi_t, pri_t, dx_table, proc_table, pe_block)


def kernel(dx_ints, proc_ints, dx_table, proc_table, visit_table, pe):
    dxi_t = (jnp.transpose(dx_ints.astype(jnp.int32))
             .reshape(25, 8, 8, 128).transpose(0, 2, 1, 3))
    pri_t = (jnp.transpose(proc_ints.astype(jnp.int32))
             .reshape(25, 8, 8, 128).transpose(0, 2, 1, 3))
    pe_block = pe[:L, 0, :]
    o1, o2 = _sc_embed(dxi_t, pri_t, dx_table, proc_table, pe_block)
    dx_emb = o1.transpose(2, 4, 0, 1, 3).reshape(B, L, D)
    proc_emb = o2.transpose(2, 4, 0, 1, 3).reshape(B, L, D)
    visit = jnp.broadcast_to(visit_table[0][None, None, :], (B, 1, D))
    visit_mask = jnp.ones((B, 1), dtype=jnp.float32)
    return (dx_emb, proc_emb, visit, visit_mask)

# --- scband reference (transcript-rebuilt; emitter-appended) ---
"""Pipeline reference for scband-feature-embedder-44727789420988 (READ-ONLY COPY).

The authoritative reference and input builder live on the scoring server;
editing this copy changes nothing except your own understanding.
"""

import jax, jax.numpy as jnp
import numpy as np
import math

VOCAB = 100000
D = 64
B = 1024
L = 200
MAXLEN = VOCAB + 1


def _make_pe(d_model, max_len):
    position = np.arange(max_len, dtype=np.float32)[:, None]
    div_term = np.exp(np.arange(0, d_model, 2).astype(np.float32) * (-math.log(10000.0) / d_model))
    pe = np.zeros((max_len, d_model), dtype=np.float32)
    pe[:, 0::2] = np.sin(position * div_term)
    pe[:, 1::2] = np.cos(position * div_term)
    # matches pe.unsqueeze(0).transpose(0,1) -> [max_len, 1, d_model]
    return jnp.asarray(pe)[:, None, :]


def setup_inputs(seed: int = 0) -> dict:
    key = jax.random.key(seed)
    k1, k2, k3, k4, k5 = jax.random.split(key, 5)
    dx_ints = jax.random.randint(k1, (B, L), 0, VOCAB, dtype=jnp.int64)
    proc_ints = jax.random.randint(k2, (B, L), 0, VOCAB, dtype=jnp.int64)
    dx_table = jax.random.normal(k3, (VOCAB + 1, D), dtype=jnp.float32)
    dx_table = dx_table.at[VOCAB].set(0.0)  # padding_idx row zeroed
    proc_table = jax.random.normal(k4, (VOCAB + 1, D), dtype=jnp.float32)
    proc_table = proc_table.at[VOCAB].set(0.0)
    visit_table = jax.random.normal(k5, (1, D), dtype=jnp.float32)
    pe = _make_pe(D, MAXLEN)
    return {"dx_ints": dx_ints, "proc_ints": proc_ints,
            "dx_table": dx_table, "proc_table": proc_table,
            "visit_table": visit_table, "pe": pe}


def reference(dx_ints, proc_ints, dx_table, proc_table, visit_table, pe):
    batch_size = dx_ints.shape[0]
    # embedding lookups (SparseCore gather)
    dx_emb = jnp.take(dx_table, dx_ints, axis=0)      # [B, L, D]
    proc_emb = jnp.take(proc_table, proc_ints, axis=0)  # [B, L, D]
    # positional encoding: transpose(0,1) -> [L, B, D], add pe[:L], transpose back.
    # NOTE: original code applies positional_encoding_dx to BOTH dx and proc (faithful).
    dx_t = jnp.transpose(dx_emb, (1, 0, 2))
    dx_t = dx_t + pe[:dx_t.shape[0], :]
    dx_emb = jnp.transpose(dx_t, (1, 0, 2))
    proc_t = jnp.transpose(proc_emb, (1, 0, 2))
    proc_t = proc_t + pe[:proc_t.shape[0], :]
    proc_emb = jnp.transpose(proc_t, (1, 0, 2))
    # visit embedding: lookup index 0, unsqueeze(0).expand(B, -1, -1)
    visit = jnp.take(visit_table, jnp.array([0]), axis=0)  # [1, D]
    visit = jnp.broadcast_to(visit[None, :, :], (batch_size, 1, D))  # [B, 1, D]
    visit_mask = jnp.ones((batch_size, 1), dtype=jnp.float32)
    return (dx_emb, proc_emb, visit, visit_mask)

if __name__ == "__main__":
    import jax
    _d = setup_inputs()
    print(jax.jit(kernel)(*tuple(_d.values())))

</pallas_src>

<mosaic_0001>
#map = affine_map<(d0, d1) -> (0, 0, 0, 0)>
#map1 = affine_map<(d0, d1) -> (0, 0)>
#map2 = affine_map<(d0, d1) -> (0, 0, 0, 0, 0)>
module attributes {stable_mosaic.version = 14 : i64} {
  func.func @k(%arg0: i32, %arg1: i32, %arg2: memref<25x8x8x128xi32, #tpu.memory_space<hbm>>, %arg3: memref<25x8x8x128xi32, #tpu.memory_space<hbm>>, %arg4: memref<100001x64xf32, #tpu.memory_space<hbm>>, %arg5: memref<100001x64xf32, #tpu.memory_space<hbm>>, %arg6: memref<200x64xf32, #tpu.memory_space<hbm>>, %arg7: memref<200x8x8x8x128xf32, #tpu.memory_space<hbm>>, %arg8: memref<200x8x8x8x128xf32, #tpu.memory_space<hbm>>, %arg9: memref<256x64xf32, #tpu.memory_space<vmem>>, %arg10: memref<256x64xf32, #tpu.memory_space<vmem>>, %arg11: memref<!tpu.dma_semaphore, #tpu.memory_space<semaphore_mem>>, %arg12: memref<!tpu.dma_semaphore, #tpu.memory_space<semaphore_mem>>, %arg13: memref<3x8x8x128xi32, #tpu.memory_space<vmem>>, %arg14: memref<13x64xf32, #tpu.memory_space<vmem>>, %arg15: memref<8x2x12x129xf32, #tpu.memory_space<vmem>>, %arg16: memref<8x2x12x129xf32, #tpu.memory_space<vmem>>, %arg17: memref<!tpu.dma_semaphore, #tpu.memory_space<semaphore_mem>>, %arg18: memref<!tpu.dma_semaphore, #tpu.memory_space<semaphore_mem>>) attributes {dimension_semantics = [#tpu.dimension_semantics<core_parallel>, #tpu.dimension_semantics<subcore_parallel>], iteration_bounds = array<i64: 2, 16>, scalar_prefetch = 0 : i64, scratch_operands = 10 : i64, tpu.core_type = #tpu.core_type<sc_vector_subcore>, window_params = [{transform_indices = #map}, {transform_indices = #map}, {transform_indices = #map1}, {transform_indices = #map1}, {transform_indices = #map1}, {transform_indices = #map2}, {transform_indices = #map2}]} {
    %mul3A = arith.constant 2 : i32
    %mul3A_0 = arith.muli %arg1, %mul3A : i32
    %add3A = arith.addi %mul3A_0, %arg0 : i32
    %rem3A = arith.constant 16 : i32
    %rem3A_1 = arith.remsi %add3A, %rem3A : i32
    %mul3A_2 = arith.constant 50 : i32
    %mul3A_3 = arith.muli %mul3A_2, %rem3A_1 : i32
    %jit3A = arith.constant 4 : i32
    %div3A = arith.divsi %mul3A_3, %jit3A : i32
    %sign3A = arith.constant 0 : i32
    %sign3A_4 = arith.cmpi sgt, %mul3A_3, %sign3A : i32
    %sign3A_5 = arith.extui %sign3A_4 : i1 to i32
    %sign3A_6 = arith.constant 0 : i32
    %sign3A_7 = arith.cmpi slt, %mul3A_3, %sign3A_6 : i32
    %sign3A_8 = arith.extui %sign3A_7 : i1 to i32
    %sign3A_9 = arith.subi %sign3A_5, %sign3A_8 : i32
    %sign3A_10 = arith.constant 0 : i32
    %sign3A_11 = arith.cmpi sgt, %jit3A, %sign3A_10 : i32
    %sign3A_12 = arith.extui %sign3A_11 : i1 to i32
    %sign3A_13 = arith.constant 0 : i32
    %sign3A_14 = arith.cmpi slt, %jit3A, %sign3A_13 : i32
    %sign3A_15 = arith.extui %sign3A_14 : i1 to i32
    %sign3A_16 = arith.subi %sign3A_12, %sign3A_15 : i32
    %ne3A = arith.cmpi ne, %sign3A_9, %sign3A_16 : i32
    %rem3A_17 = arith.remsi %mul3A_3, %jit3A : i32
    %ne3A_18 = arith.constant 0 : i32
    %ne3A_19 = arith.cmpi ne, %rem3A_17, %ne3A_18 : i32
    %and3A = arith.andi %ne3A, %ne3A_19 : i1
    %sub3A = arith.constant 1 : i32
    %sub3A_20 = arith.subi %div3A, %sub3A : i32
    %select_n3A = arith.select %and3A, %sub3A_20, %div3A : i32
    %jit3A_21 = arith.constant 8 : i32
    %div3A_22 = arith.divsi %select_n3A, %jit3A_21 : i32
    %sign3A_23 = arith.constant 0 : i32
    %sign3A_24 = arith.cmpi sgt, %select_n3A, %sign3A_23 : i32
    %sign3A_25 = arith.extui %sign3A_24 : i1 to i32
    %sign3A_26 = arith.constant 0 : i32
    %sign3A_27 = arith.cmpi slt, %select_n3A, %sign3A_26 : i32
    %sign3A_28 = arith.extui %sign3A_27 : i1 to i32
    %sign3A_29 = arith.subi %sign3A_25, %sign3A_28 : i32
    %sign3A_30 = arith.constant 0 : i32
    %sign3A_31 = arith.cmpi sgt, %jit3A_21, %sign3A_30 : i32
    %sign3A_32 = arith.extui %sign3A_31 : i1 to i32
    %sign3A_33 = arith.constant 0 : i32
    %sign3A_34 = arith.cmpi slt, %jit3A_21, %sign3A_33 : i32
    %sign3A_35 = arith.extui %sign3A_34 : i1 to i32
    %sign3A_36 = arith.subi %sign3A_32, %sign3A_35 : i32
    %ne3A_37 = arith.cmpi ne, %sign3A_29, %sign3A_36 : i32
    %rem3A_38 = arith.remsi %select_n3A, %jit3A_21 : i32
    %ne3A_39 = arith.constant 0 : i32
    %ne3A_40 = arith.cmpi ne, %rem3A_38, %ne3A_39 : i32
    %and3A_41 = arith.andi %ne3A_37, %ne3A_40 : i1
    %sub3A_42 = arith.constant 1 : i32
    %sub3A_43 = arith.subi %div3A_22, %sub3A_42 : i32
    %select_n3A_44 = arith.select %and3A_41, %sub3A_43, %div3A_22 : i32
    %min3A = arith.constant 22 : i32
    %min3A_45 = arith.minsi %select_n3A_44, %min3A : i32
    "tpu.region"() ({
      %run_scoped3A = tpu.sem_alloc : memref<!tpu.dma_semaphore, #tpu.memory_space<semaphore_mem>>
      %dma_start3A = arith.constant 0 : i32
      %dma_start3A_52 = tpu.memref_slice %arg6[%select_n3A, %dma_start3A] : memref<200x64xf32, #tpu.memory_space<hbm>> -> memref<13x64xf32, #tpu.memory_space<hbm>>
      %dma_start3A_53 = arith.constant 0 : i32
      %dma_start3A_54 = tpu.memref_slice %arg6[%select_n3A, %dma_start3A_53] : memref<200x64xf32, #tpu.memory_space<hbm>> -> memref<13x64xf32, #tpu.memory_space<hbm>>
      tpu.enqueue_dma source(%dma_start3A_54 : memref<13x64xf32, #tpu.memory_space<hbm>>) target(%arg14 : memref<13x64xf32, #tpu.memory_space<vmem>>) target_semaphore(%run_scoped3A : memref<!tpu.dma_semaphore, #tpu.memory_space<semaphore_mem>>)
      %dma_wait3A = arith.constant 0 : i32
      %dma_wait3A_55 = tpu.memref_slice %arg6[%select_n3A, %dma_wait3A] : memref<200x64xf32, #tpu.memory_space<hbm>> -> memref<13x64xf32, #tpu.memory_space<hbm>>
      %dma_wait3A_56 = arith.constant 0 : i32
      %dma_wait3A_57 = tpu.memref_slice %arg6[%select_n3A, %dma_wait3A_56] : memref<200x64xf32, #tpu.memory_space<hbm>> -> memref<13x64xf32, #tpu.memory_space<hbm>>
      tpu.wait_dma2 semaphore(%run_scoped3A : memref<!tpu.dma_semaphore, #tpu.memory_space<semaphore_mem>>) src(%dma_wait3A_57 : memref<13x64xf32, #tpu.memory_space<hbm>>) dst(%arg14 : memref<13x64xf32, #tpu.memory_space<vmem>>)
      tpu.yield
    }) : () -> ()
    %lt3A = arith.constant 16 : i32
    %lt3A_46 = arith.cmpi slt, %add3A, %lt3A : i32
    %convert_element_type3A = arith.extui %lt3A_46 : i1 to i32
    %cond3A = arith.constant 0 : i32
    %cond3A_47 = arith.cmpi ne, %convert_element_type3A, %cond3A : i32
    scf.if %cond3A_47 {
      "tpu.region"() ({
        %run_scoped3A = tpu.sem_alloc : memref<!tpu.dma_semaphore, #tpu.memory_space<semaphore_mem>>
        %dma_start3A_405 = arith.constant 0 : i32
        %dma_start3A_406 = arith.constant 0 : i32
        %dma_start3A_407 = arith.constant 0 : i32
        %dma_start3A_408 = tpu.memref_slice %arg2[%min3A_45, %dma_start3A_405, %dma_start3A_406, %dma_start3A_407] : memref<25x8x8x128xi32, #tpu.memory_space<hbm>> -> memref<3x8x8x128xi32, #tpu.memory_space<hbm>>
        %dma_start3A_409 = arith.constant 0 : i32
        %dma_start3A_410 = arith.constant 0 : i32
        %dma_start3A_411 = arith.constant 0 : i32
        %dma_start3A_412 = tpu.memref_slice %arg2[%min3A_45, %dma_start3A_409, %dma_start3A_410, %dma_start3A_411] : memref<25x8x8x128xi32, #tpu.memory_space<hbm>> -> memref<3x8x8x128xi32, #tpu.memory_space<hbm>>
        tpu.enqueue_dma source(%dma_start3A_412 : memref<3x8x8x128xi32, #tpu.memory_space<hbm>>) target(%arg13 : memref<3x8x8x128xi32, #tpu.memory_space<vmem>>) target_semaphore(%run_scoped3A : memref<!tpu.dma_semaphore, #tpu.memory_space<semaphore_mem>>)
        %dma_wait3A_413 = arith.constant 0 : i32
        %dma_wait3A_414 = arith.constant 0 : i32
        %dma_wait3A_415 = arith.constant 0 : i32
        %dma_wait3A_416 = tpu.memref_slice %arg2[%min3A_45, %dma_wait3A_413, %dma_wait3A_414, %dma_wait3A_415] : memref<25x8x8x128xi32, #tpu.memory_space<hbm>> -> memref<3x8x8x128xi32, #tpu.memory_space<hbm>>
        %dma_wait3A_417 = arith.constant 0 : i32
        %dma_wait3A_418 = arith.constant 0 : i32
        %dma_wait3A_419 = arith.constant 0 : i32
        %dma_wait3A_420 = tpu.memref_slice %arg2[%min3A_45, %dma_wait3A_417, %dma_wait3A_418, %dma_wait3A_419] : memref<25x8x8x128xi32, #tpu.memory_space<hbm>> -> memref<3x8x8x128xi32, #tpu.memory_space<hbm>>
        tpu.wait_dma2 semaphore(%run_scoped3A : memref<!tpu.dma_semaphore, #tpu.memory_space<semaphore_mem>>) src(%dma_wait3A_420 : memref<3x8x8x128xi32, #tpu.memory_space<hbm>>) dst(%arg13 : memref<3x8x8x128xi32, #tpu.memory_space<vmem>>)
        tpu.yield
      }) : () -> ()
      %iota3A = tpu.iota {dimensions = array<i32: 0>} : vector<16xi32>
      %jit3A_52 = arith.constant 8 : i32
      %div3A_53 = vector.broadcast %jit3A_52 : i32 to vector<16xi32>
      %div3A_54 = arith.divsi %iota3A, %div3A_53 : vector<16xi32>
      %sign3A_55 = arith.constant 0 : i32
      %sign3A_56 = vector.broadcast %sign3A_55 : i32 to vector<16xi32>
      %sign3A_57 = arith.cmpi sgt, %iota3A, %sign3A_56 : vector<16xi32>
      %sign3A_58 = arith.extui %sign3A_57 : vector<16xi1> to vector<16xi32>
      %sign3A_59 = arith.constant 0 : i32
      %sign3A_60 = vector.broadcast %sign3A_59 : i32 to vector<16xi32>
      %sign3A_61 = arith.cmpi slt, %iota3A, %sign3A_60 : vector<16xi32>
      %sign3A_62 = arith.extui %sign3A_61 : vector<16xi1> to vector<16xi32>
      %sign3A_63 = arith.subi %sign3A_58, %sign3A_62 : vector<16xi32>
      %sign3A_64 = arith.constant 0 : i32
      %sign3A_65 = arith.cmpi sgt, %jit3A_52, %sign3A_64 : i32
      %sign3A_66 = arith.extui %sign3A_65 : i1 to i32
      %sign3A_67 = arith.constant 0 : i32
      %sign3A_68 = arith.cmpi slt, %jit3A_52, %sign3A_67 : i32
      %sign3A_69 = arith.extui %sign3A_68 : i1 to i32
      %sign3A_70 = arith.subi %sign3A_66, %sign3A_69 : i32
      %ne3A_71 = vector.broadcast %sign3A_70 : i32 to vector<16xi32>
      %ne3A_72 = arith.cmpi ne, %sign3A_63, %ne3A_71 : vector<16xi32>
      %rem3A_73 = vector.broadcast %jit3A_52 : i32 to vector<16xi32>
      %rem3A_74 = arith.remsi %iota3A, %rem3A_73 : vector<16xi32>
      %ne3A_75 = arith.constant 0 : i32
      %ne3A_76 = vector.broadcast %ne3A_75 : i32 to vector<16xi32>
      %ne3A_77 = arith.cmpi ne, %rem3A_74, %ne3A_76 : vector<16xi32>
      %and3A_78 = arith.andi %ne3A_72, %ne3A_77 : vector<16xi1>
      %sub3A_79 = arith.constant 1 : i32
      %sub3A_80 = vector.broadcast %sub3A_79 : i32 to vector<16xi32>
      %sub3A_81 = arith.subi %div3A_54, %sub3A_80 : vector<16xi32>
      %select_n3A_82 = arith.select %and3A_78, %sub3A_81, %div3A_54 : vector<16xi1>, vector<16xi32>
      %add3A_83 = arith.constant 0 : i32
      %add3A_84 = vector.broadcast %add3A_83 : i32 to vector<16xi32>
      %add3A_85 = arith.addi %add3A_84, %select_n3A_82 : vector<16xi32>
      %jit3A_86 = arith.constant 8 : i32
      %div3A_87 = vector.broadcast %jit3A_86 : i32 to vector<16xi32>
      %div3A_88 = arith.divsi %iota3A, %div3A_87 : vector<16xi32>
      %sign3A_89 = arith.constant 0 : i32
      %sign3A_90 = vector.broadcast %sign3A_89 : i32 to vector<16xi32>
      %sign3A_91 = arith.cmpi sgt, %iota3A, %sign3A_90 : vector<16xi32>
      %sign3A_92 = arith.extui %sign3A_91 : vector<16xi1> to vector<16xi32>
      %sign3A_93 = arith.constant 0 : i32
      %sign3A_94 = vector.broadcast %sign3A_93 : i32 to vector<16xi32>
      %sign3A_95 = arith.cmpi slt, %iota3A, %sign3A_94 : vector<16xi32>
      %sign3A_96 = arith.extui %sign3A_95 : vector<16xi1> to vector<16xi32>
      %sign3A_97 = arith.subi %sign3A_92, %sign3A_96 : vector<16xi32>
      %sign3A_98 = arith.constant 0 : i32
      %sign3A_99 = arith.cmpi sgt, %jit3A_86, %sign3A_98 : i32
      %sign3A_100 = arith.extui %sign3A_99 : i1 to i32
      %sign3A_101 = arith.constant 0 : i32
      %sign3A_102 = arith.cmpi slt, %jit3A_86, %sign3A_101 : i32
      %sign3A_103 = arith.extui %sign3A_102 : i1 to i32
      %sign3A_104 = arith.subi %sign3A_100, %sign3A_103 : i32
      %ne3A_105 = vector.broadcast %sign3A_104 : i32 to vector<16xi32>
      %ne3A_106 = arith.cmpi ne, %sign3A_97, %ne3A_105 : vector<16xi32>
      %rem3A_107 = vector.broadcast %jit3A_86 : i32 to vector<16xi32>
      %rem3A_108 = arith.remsi %iota3A, %rem3A_107 : vector<16xi32>
      %ne3A_109 = arith.constant 0 : i32
      %ne3A_110 = vector.broadcast %ne3A_109 : i32 to vector<16xi32>
      %ne3A_111 = arith.cmpi ne, %rem3A_108, %ne3A_110 : vector<16xi32>
      %and3A_112 = arith.andi %ne3A_106, %ne3A_111 : vector<16xi1>
      %sub3A_113 = arith.constant 1 : i32
      %sub3A_114 = vector.broadcast %sub3A_113 : i32 to vector<16xi32>
      %sub3A_115 = arith.subi %div3A_88, %sub3A_114 : vector<16xi32>
      %select_n3A_116 = arith.select %and3A_112, %sub3A_115, %div3A_88 : vector<16xi1>, vector<16xi32>
      %add3A_117 = arith.constant 2 : i32
      %add3A_118 = vector.broadcast %add3A_117 : i32 to vector<16xi32>
      %add3A_119 = arith.addi %add3A_118, %select_n3A_116 : vector<16xi32>
      %jit3A_120 = arith.constant 8 : i32
      %div3A_121 = vector.broadcast %jit3A_120 : i32 to vector<16xi32>
      %div3A_122 = arith.divsi %iota3A, %div3A_121 : vector<16xi32>
      %sign3A_123 = arith.constant 0 : i32
      %sign3A_124 = vector.broadcast %sign3A_123 : i32 to vector<16xi32>
      %sign3A_125 = arith.cmpi sgt, %iota3A, %sign3A_124 : vector<16xi32>
      %sign3A_126 = arith.extui %sign3A_125 : vector<16xi1> to vector<16xi32>
      %sign3A_127 = arith.constant 0 : i32
      %sign3A_128 = vector.broadcast %sign3A_127 : i32 to vector<16xi32>
      %sign3A_129 = arith.cmpi slt, %iota3A, %sign3A_128 : vector<16xi32>
      %sign3A_130 = arith.extui %sign3A_129 : vector<16xi1> to vector<16xi32>
      %sign3A_131 = arith.subi %sign3A_126, %sign3A_130 : vector<16xi32>
      %sign3A_132 = arith.constant 0 : i32
      %sign3A_133 = arith.cmpi sgt, %jit3A_120, %sign3A_132 : i32
      %sign3A_134 = arith.extui %sign3A_133 : i1 to i32
      %sign3A_135 = arith.constant 0 : i32
      %sign3A_136 = arith.cmpi slt, %jit3A_120, %sign3A_135 : i32
      %sign3A_137 = arith.extui %sign3A_136 : i1 to i32
      %sign3A_138 = arith.subi %sign3A_134, %sign3A_137 : i32
      %ne3A_139 = vector.broadcast %sign3A_138 : i32 to vector<16xi32>
      %ne3A_140 = arith.cmpi ne, %sign3A_131, %ne3A_139 : vector<16xi32>
      %rem3A_141 = vector.broadcast %jit3A_120 : i32 to vector<16xi32>
      %rem3A_142 = arith.remsi %iota3A, %rem3A_141 : vector<16xi32>
      %ne3A_143 = arith.constant 0 : i32
      %ne3A_144 = vector.broadcast %ne3A_143 : i32 to vector<16xi32>
      %ne3A_145 = arith.cmpi ne, %rem3A_142, %ne3A_144 : vector<16xi32>
      %and3A_146 = arith.andi %ne3A_140, %ne3A_145 : vector<16xi1>
      %sub3A_147 = arith.constant 1 : i32
      %sub3A_148 = vector.broadcast %sub3A_147 : i32 to vector<16xi32>
      %sub3A_149 = arith.subi %div3A_122, %sub3A_148 : vector<16xi32>
      %select_n3A_150 = arith.select %and3A_146, %sub3A_149, %div3A_122 : vector<16xi1>, vector<16xi32>
      %add3A_151 = arith.constant 4 : i32
      %add3A_152 = vector.broadcast %add3A_151 : i32 to vector<16xi32>
      %add3A_153 = arith.addi %add3A_152, %select_n3A_150 : vector<16xi32>
      %jit3A_154 = arith.constant 8 : i32
      %div3A_155 = vector.broadcast %jit3A_154 : i32 to vector<16xi32>
      %div3A_156 = arith.divsi %iota3A, %div3A_155 : vector<16xi32>
      %sign3A_157 = arith.constant 0 : i32
      %sign3A_158 = vector.broadcast %sign3A_157 : i32 to vector<16xi32>
      %sign3A_159 = arith.cmpi sgt, %iota3A, %sign3A_158 : vector<16xi32>
      %sign3A_160 = arith.extui %sign3A_159 : vector<16xi1> to vector<16xi32>
      %sign3A_161 = arith.constant 0 : i32
      %sign3A_162 = vector.broadcast %sign3A_161 : i32 to vector<16xi32>
      %sign3A_163 = arith.cmpi slt, %iota3A, %sign3A_162 : vector<16xi32>
      %sign3A_164 = arith.extui %sign3A_163 : vector<16xi1> to vector<16xi32>
      %sign3A_165 = arith.subi %sign3A_160, %sign3A_164 : vector<16xi32>
      %sign3A_166 = arith.constant 0 : i32
      %sign3A_167 = arith.cmpi sgt, %jit3A_154, %sign3A_166 : i32
      %sign3A_168 = arith.extui %sign3A_167 : i1 to i32
      %sign3A_169 = arith.constant 0 : i32
      %sign3A_170 = arith.cmpi slt, %jit3A_154, %sign3A_169 : i32
      %sign3A_171 = arith.extui %sign3A_170 : i1 to i32
      %sign3A_172 = arith.subi %sign3A_168, %sign3A_171 : i32
      %ne3A_173 = vector.broadcast %sign3A_172 : i32 to vector<16xi32>
      %ne3A_174 = arith.cmpi ne, %sign3A_165, %ne3A_173 : vector<16xi32>
      %rem3A_175 = vector.broadcast %jit3A_154 : i32 to vector<16xi32>
      %rem3A_176 = arith.remsi %iota3A, %rem3A_175 : vector<16xi32>
      %ne3A_177 = arith.constant 0 : i32
      %ne3A_178 = vector.broadcast %ne3A_177 : i32 to vector<16xi32>
      %ne3A_179 = arith.cmpi ne, %rem3A_176, %ne3A_178 : vector<16xi32>
      %and3A_180 = arith.andi %ne3A_174, %ne3A_179 : vector<16xi1>
      %sub3A_181 = arith.constant 1 : i32
      %sub3A_182 = vector.broadcast %sub3A_181 : i32 to vector<16xi32>
      %sub3A_183 = arith.subi %div3A_156, %sub3A_182 : vector<16xi32>
      %select_n3A_184 = arith.select %and3A_180, %sub3A_183, %div3A_156 : vector<16xi1>, vector<16xi32>
      %add3A_185 = arith.constant 6 : i32
      %add3A_186 = vector.broadcast %add3A_185 : i32 to vector<16xi32>
      %add3A_187 = arith.addi %add3A_186, %select_n3A_184 : vector<16xi32>
      %rem3A_188 = arith.constant 8 : i32
      %rem3A_189 = vector.broadcast %rem3A_188 : i32 to vector<16xi32>
      %rem3A_190 = arith.remsi %iota3A, %rem3A_189 : vector<16xi32>
      %broadcast_in_dim3A = arith.constant 0 : i32
      %broadcast_in_dim3A_191 = vector.broadcast %broadcast_in_dim3A : i32 to vector<16xi32>
      %broadcast_in_dim3A_192 = arith.constant 1 : i32
      %broadcast_in_dim3A_193 = vector.broadcast %broadcast_in_dim3A_192 : i32 to vector<16xi32>
      %mul3A_194 = arith.constant 50 : i32
      %mul3A_195 = arith.muli %mul3A_194, %rem3A_1 : i32
      %add3A_196 = arith.constant 0 : i32
      %add3A_197 = arith.addi %mul3A_195, %add3A_196 : i32
      %rem3A_198 = arith.constant 4 : i32
      %rem3A_199 = arith.remsi %add3A_197, %rem3A_198 : i32
      %jit3A_200 = arith.constant 4 : i32
      %div3A_201 = arith.divsi %add3A_197, %jit3A_200 : i32
      %sign3A_202 = arith.constant 0 : i32
      %sign3A_203 = arith.cmpi sgt, %add3A_197, %sign3A_202 : i32
      %sign3A_204 = arith.extui %sign3A_203 : i1 to i32
      %sign3A_205 = arith.constant 0 : i32
      %sign3A_206 = arith.cmpi slt, %add3A_197, %sign3A_205 : i32
      %sign3A_207 = arith.extui %sign3A_206 : i1 to i32
      %sign3A_208 = arith.subi %sign3A_204, %sign3A_207 : i32
      %sign3A_209 = arith.constant 0 : i32
      %sign3A_210 = arith.cmpi sgt, %jit3A_200, %sign3A_209 : i32
      %sign3A_211 = arith.extui %sign3A_210 : i1 to i32
      %sign3A_212 = arith.constant 0 : i32
      %sign3A_213 = arith.cmpi slt, %jit3A_200, %sign3A_212 : i32
      %sign3A_214 = arith.extui %sign3A_213 : i1 to i32
      %sign3A_215 = arith.subi %sign3A_211, %sign3A_214 : i32
      %ne3A_216 = arith.cmpi ne, %sign3A_208, %sign3A_215 : i32
      %rem3A_217 = arith.remsi %add3A_197, %jit3A_200 : i32
      %ne3A_218 = arith.constant 0 : i32
      %ne3A_219 = arith.cmpi ne, %rem3A_217, %ne3A_218 : i32
      %and3A_220 = arith.andi %ne3A_216, %ne3A_219 : i1
      %sub3A_221 = arith.constant 1 : i32
      %sub3A_222 = arith.subi %div3A_201, %sub3A_221 : i32
      %select_n3A_223 = arith.select %and3A_220, %sub3A_222, %div3A_201 : i32
      %jit3A_224 = arith.constant 8 : i32
      %div3A_225 = arith.divsi %select_n3A_223, %jit3A_224 : i32
      %sign3A_226 = arith.constant 0 : i32
      %sign3A_227 = arith.cmpi sgt, %select_n3A_223, %sign3A_226 : i32
      %sign3A_228 = arith.extui %sign3A_227 : i1 to i32
      %sign3A_229 = arith.constant 0 : i32
      %sign3A_230 = arith.cmpi slt, %select_n3A_223, %sign3A_229 : i32
      %sign3A_231 = arith.extui %sign3A_230 : i1 to i32
      %sign3A_232 = arith.subi %sign3A_228, %sign3A_231 : i32
      %sign3A_233 = arith.constant 0 : i32
      %sign3A_234 = arith.cmpi sgt, %jit3A_224, %sign3A_233 : i32
      %sign3A_235 = arith.extui %sign3A_234 : i1 to i32
      %sign3A_236 = arith.constant 0 : i32
      %sign3A_237 = arith.cmpi slt, %jit3A_224, %sign3A_236 : i32
      %sign3A_238 = arith.extui %sign3A_237 : i1 to i32
      %sign3A_239 = arith.subi %sign3A_235, %sign3A_238 : i32
      %ne3A_240 = arith.cmpi ne, %sign3A_232, %sign3A_239 : i32
      %rem3A_241 = arith.remsi %select_n3A_223, %jit3A_224 : i32
      %ne3A_242 = arith.constant 0 : i32
      %ne3A_243 = arith.cmpi ne, %rem3A_241, %ne3A_242 : i32
      %and3A_244 = arith.andi %ne3A_240, %ne3A_243 : i1
      %sub3A_245 = arith.constant 1 : i32
      %sub3A_246 = arith.subi %div3A_225, %sub3A_245 : i32
      %select_n3A_247 = arith.select %and3A_244, %sub3A_246, %div3A_225 : i32
      %sub3A_248 = arith.subi %select_n3A_247, %min3A_45 : i32
      %rem3A_249 = arith.constant 8 : i32
      %rem3A_250 = arith.remsi %select_n3A_223, %rem3A_249 : i32
      %mul3A_251 = arith.constant 2 : i32
      %mul3A_252 = arith.muli %mul3A_251, %rem3A_199 : i32
      %dma_start3A = arith.constant 0 : i32
      %dma_start3A_253 = arith.constant 0 : i32
      %dma_start3A_254 = tpu.memref_slice %arg9[%dma_start3A, %dma_start3A_253] : memref<256x64xf32, #tpu.memory_space<vmem>> -> memref<128x64xf32, #tpu.memory_space<vmem>>
      %dma_start3A_255 = arith.constant 0 : i32
      %dma_start3A_256 = tpu.memref_slice %arg13[%sub3A_248, %mul3A_252, %rem3A_250, %dma_start3A_255] : memref<3x8x8x128xi32, #tpu.memory_space<vmem>> -> memref<1x1x1x128xi32, #tpu.memory_space<vmem>>
      %dma_start3A_257 = tpu.memref_squeeze %dma_start3A_256 : memref<1x1x1x128xi32, #tpu.memory_space<vmem>> -> memref<128xi32, #tpu.memory_space<vmem>>
      %dma_start3A_258 = arith.constant 0 : i32
      %dma_start3A_259 = arith.constant 0 : i32
      %dma_start3A_260 = tpu.memref_slice %arg4[%dma_start3A_258, %dma_start3A_259] : memref<100001x64xf32, #tpu.memory_space<hbm>> -> memref<100001x64xf32, #tpu.memory_space<hbm>>
      tpu.enqueue_indirect_dma source(%dma_start3A_260 : memref<100001x64xf32, #tpu.memory_space<hbm>>) target(%dma_start3A_254 : memref<128x64xf32, #tpu.memory_space<vmem>>) offsets(%dma_start3A_257 : memref<128xi32, #tpu.memory_space<vmem>>) semaphore(%arg11 : memref<!tpu.dma_semaphore, #tpu.memory_space<semaphore_mem>>)
      %mul3A_261 = arith.constant 2 : i32
      %mul3A_262 = arith.muli %mul3A_261, %rem3A_199 : i32
      %add3A_263 = arith.constant 1 : i32
      %add3A_264 = arith.addi %mul3A_262, %add3A_263 : i32
      %dma_start3A_265 = arith.constant 128 : i32
      %dma_start3A_266 = arith.constant 0 : i32
      %dma_start3A_267 = tpu.memref_slice %arg9[%dma_start3A_265, %dma_start3A_266] : memref<256x64xf32, #tpu.memory_space<vmem>> -> memref<128x64xf32, #tpu.memory_space<vmem>>
      %dma_start3A_268 = arith.constant 0 : i32
      %dma_start3A_269 = tpu.memref_slice %arg13[%sub3A_248, %add3A_264, %rem3A_250, %dma_start3A_268] : memref<3x8x8x128xi32, #tpu.memory_space<vmem>> -> memref<1x1x1x128xi32, #tpu.memory_space<vmem>>
      %dma_start3A_270 = tpu.memref_squeeze %dma_start3A_269 : memref<1x1x1x128xi32, #tpu.memory_space<vmem>> -> memref<128xi32, #tpu.memory_space<vmem>>
      %dma_start3A_271 = arith.constant 0 : i32
      %dma_start3A_272 = arith.constant 0 : i32
      %dma_start3A_273 = tpu.memref_slice %arg4[%dma_start3A_271, %dma_start3A_272] : memref<100001x64xf32, #tpu.memory_space<hbm>> -> memref<100001x64xf32, #tpu.memory_space<hbm>>
      tpu.enqueue_indirect_dma source(%dma_start3A_273 : memref<100001x64xf32, #tpu.memory_space<hbm>>) target(%dma_start3A_267 : memref<128x64xf32, #tpu.memory_space<vmem>>) offsets(%dma_start3A_270 : memref<128xi32, #tpu.memory_space<vmem>>) semaphore(%arg11 : memref<!tpu.dma_semaphore, #tpu.memory_space<semaphore_mem>>)
      %mul3A_274 = arith.constant 50 : i32
      %mul3A_275 = arith.muli %mul3A_274, %rem3A_1 : i32
      %add3A_276 = arith.constant 1 : i32
      %add3A_277 = arith.addi %mul3A_275, %add3A_276 : i32
      %rem3A_278 = arith.constant 4 : i32
      %rem3A_279 = arith.remsi %add3A_277, %rem3A_278 : i32
      %jit3A_280 = arith.constant 4 : i32
      %div3A_281 = arith.divsi %add3A_277, %jit3A_280 : i32
      %sign3A_282 = arith.constant 0 : i32
      %sign3A_283 = arith.cmpi sgt, %add3A_277, %sign3A_282 : i32
      %sign3A_284 = arith.extui %sign3A_283 : i1 to i32
      %sign3A_285 = arith.constant 0 : i32
      %sign3A_286 = arith.cmpi slt, %add3A_277, %sign3A_285 : i32
      %sign3A_287 = arith.extui %sign3A_286 : i1 to i32
      %sign3A_288 = arith.subi %sign3A_284, %sign3A_287 : i32
      %sign3A_289 = arith.constant 0 : i32
      %sign3A_290 = arith.cmpi sgt, %jit3A_280, %sign3A_289 : i32
      %sign3A_291 = arith.extui %sign3A_290 : i1 to i32
      %sign3A_292 = arith.constant 0 : i32
      %sign3A_293 = arith.cmpi slt, %jit3A_280, %sign3A_292 : i32
      %sign3A_294 = arith.extui %sign3A_293 : i1 to i32
      %sign3A_295 = arith.subi %sign3A_291, %sign3A_294 : i32
      %ne3A_296 = arith.cmpi ne, %sign3A_288, %sign3A_295 : i32
      %rem3A_297 = arith.remsi %add3A_277, %jit3A_280 : i32
      %ne3A_298 = arith.constant 0 : i32
      %ne3A_299 = arith.cmpi ne, %rem3A_297, %ne3A_298 : i32
      %and3A_300 = arith.andi %ne3A_296, %ne3A_299 : i1
      %sub3A_301 = arith.constant 1 : i32
      %sub3A_302 = arith.subi %div3A_281, %sub3A_301 : i32
      %select_n3A_303 = arith.select %and3A_300, %sub3A_302, %div3A_281 : i32
      %jit3A_304 = arith.constant 8 : i32
      %div3A_305 = arith.divsi %select_n3A_303, %jit3A_304 : i32
      %sign3A_306 = arith.constant 0 : i32
      %sign3A_307 = arith.cmpi sgt, %select_n3A_303, %sign3A_306 : i32
      %sign3A_308 = arith.extui %sign3A_307 : i1 to i32
      %sign3A_309 = arith.constant 0 : i32
      %sign3A_310 = arith.cmpi slt, %select_n3A_303, %sign3A_309 : i32
      %sign3A_311 = arith.extui %sign3A_310 : i1 to i32
      %sign3A_312 = arith.subi %sign3A_308, %sign3A_311 : i32
      %sign3A_313 = arith.constant 0 : i32
      %sign3A_314 = arith.cmpi sgt, %jit3A_304, %sign3A_313 : i32
      %sign3A_315 = arith.extui %sign3A_314 : i1 to i32
      %sign3A_316 = arith.constant 0 : i32
      %sign3A_317 = arith.cmpi slt, %jit3A_304, %sign3A_316 : i32
      %sign3A_318 = arith.extui %sign3A_317 : i1 to i32
      %sign3A_319 = arith.subi %sign3A_315, %sign3A_318 : i32
      %ne3A_320 = arith.cmpi ne, %sign3A_312, %sign3A_319 : i32
      %rem3A_321 = arith.remsi %select_n3A_303, %jit3A_304 : i32
      %ne3A_322 = arith.constant 0 : i32
      %ne3A_323 = arith.cmpi ne, %rem3A_321, %ne3A_322 : i32
      %and3A_324 = arith.andi %ne3A_320, %ne3A_323 : i1
      %sub3A_325 = arith.constant 1 : i32
      %sub3A_326 = arith.subi %div3A_305, %sub3A_325 : i32
      %select_n3A_327 = arith.select %and3A_324, %sub3A_326, %div3A_305 : i32
      %sub3A_328 = arith.subi %select_n3A_327, %min3A_45 : i32
      %rem3A_329 = arith.constant 8 : i32
      %rem3A_330 = arith.remsi %select_n3A_303, %rem3A_329 : i32
      %mul3A_331 = arith.constant 2 : i32
      %mul3A_332 = arith.muli %mul3A_331, %rem3A_279 : i32
      %dma_start3A_333 = arith.constant 0 : i32
      %dma_start3A_334 = arith.constant 0 : i32
      %dma_start3A_335 = tpu.memref_slice %arg10[%dma_start3A_333, %dma_start3A_334] : memref<256x64xf32, #tpu.memory_space<vmem>> -> memref<128x64xf32, #tpu.memory_space<vmem>>
      %dma_start3A_336 = arith.constant 0 : i32
      %dma_start3A_337 = tpu.memref_slice %arg13[%sub3A_328, %mul3A_332, %rem3A_330, %dma_start3A_336] : memref<3x8x8x128xi32, #tpu.memory_space<vmem>> -> memref<1x1x1x128xi32, #tpu.memory_space<vmem>>
      %dma_start3A_338 = tpu.memref_squeeze %dma_start3A_337 : memref<1x1x1x128xi32, #tpu.memory_space<vmem>> -> memref<128xi32, #tpu.memory_space<vmem>>
      %dma_start3A_339 = arith.constant 0 : i32
      %dma_start3A_340 = arith.constant 0 : i32
      %dma_start3A_341 = tpu.memref_slice %arg4[%dma_start3A_339, %dma_start3A_340] : memref<100001x64xf32, #tpu.memory_space<hbm>> -> memref<100001x64xf32, #tpu.memory_space<hbm>>
      tpu.enqueue_indirect_dma source(%dma_start3A_341 : memref<100001x64xf32, #tpu.memory_space<hbm>>) target(%dma_start3A_335 : memref<128x64xf32, #tpu.memory_space<vmem>>) offsets(%dma_start3A_338 : memref<128xi32, #tpu.memory_space<vmem>>) semaphore(%arg12 : memref<!tpu.dma_semaphore, #tpu.memory_space<semaphore_mem>>)
      %mul3A_342 = arith.constant 2 : i32
      %mul3A_343 = arith.muli %mul3A_342, %rem3A_279 : i32
      %add3A_344 = arith.constant 1 : i32
      %add3A_345 = arith.addi %mul3A_343, %add3A_344 : i32
      %dma_start3A_346 = arith.constant 128 : i32
      %dma_start3A_347 = arith.constant 0 : i32
      %dma_start3A_348 = tpu.memref_slice %arg10[%dma_start3A_346, %dma_start3A_347] : memref<256x64xf32, #tpu.memory_space<vmem>> -> memref<128x64xf32, #tpu.memory_space<vmem>>
      %dma_start3A_349 = arith.constant 0 : i32
      %dma_start3A_350 = tpu.memref_slice %arg13[%sub3A_328, %add3A_345, %rem3A_330, %dma_start3A_349] : memref<3x8x8x128xi32, #tpu.memory_space<vmem>> -> memref<1x1x1x128xi32, #tpu.memory_space<vmem>>
      %dma_start3A_351 = tpu.memref_squeeze %dma_start3A_350 : memref<1x1x1x128xi32, #tpu.memory_space<vmem>> -> memref<128xi32, #tpu.memory_space<vmem>>
      %dma_start3A_352 = arith.constant 0 : i32
      %dma_start3A_353 = arith.constant 0 : i32
      %dma_start3A_354 = tpu.memref_slice %arg4[%dma_start3A_352, %dma_start3A_353] : memref<100001x64xf32, #tpu.memory_space<hbm>> -> memref<100001x64xf32, #tpu.memory_space<hbm>>
      tpu.enqueue_indirect_dma source(%dma_start3A_354 : memref<100001x64xf32, #tpu.memory_space<hbm>>) target(%dma_start3A_348 : memref<128x64xf32, #tpu.memory_space<vmem>>) offsets(%dma_start3A_351 : memref<128xi32, #tpu.memory_space<vmem>>) semaphore(%arg12 : memref<!tpu.dma_semaphore, #tpu.memory_space<semaphore_mem>>)
      %scan3A = arith.constant 0 : i32
      %scan3A_355 = arith.constant 0 : i32
      %scan3A_356 = arith.constant 25 : i32
      %scan3A_357 = arith.addi %scan3A_355, %scan3A_356 : i32
      %scan3A_358 = arith.constant 1 : i32
      scf.for %scan3A_405 = %scan3A_355 to %scan3A_357 step %scan3A_358  : i32 {
        %mul3A_406 = arith.constant 2 : i32
        %mul3A_407 = arith.muli %mul3A_406, %scan3A_405 : i32
        %mul3A_408 = arith.constant 50 : i32
        %mul3A_409 = arith.muli %mul3A_408, %rem3A_1 : i32
        %add3A_410 = arith.addi %mul3A_409, %mul3A_407 : i32
        %jit3A_411 = arith.constant 4 : i32
        %div3A_412 = arith.divsi %add3A_410, %jit3A_411 : i32
        %sign3A_413 = arith.constant 0 : i32
        %sign3A_414 = arith.cmpi sgt, %add3A_410, %sign3A_413 : i32
        %sign3A_415 = arith.extui %sign3A_414 : i1 to i32
        %sign3A_416 = arith.constant 0 : i32
        %sign3A_417 = arith.cmpi slt, %add3A_410, %sign3A_416 : i32
        %sign3A_418 = arith.extui %sign3A_417 : i1 to i32
        %sign3A_419 = arith.subi %sign3A_415, %sign3A_418 : i32
        %sign3A_420 = arith.constant 0 : i32
        %sign3A_421 = arith.cmpi sgt, %jit3A_411, %sign3A_420 : i32
        %sign3A_422 = arith.extui %sign3A_421 : i1 to i32
        %sign3A_423 = arith.constant 0 : i32
        %sign3A_424 = arith.cmpi slt, %jit3A_411, %sign3A_423 : i32
        %sign3A_425 = arith.extui %sign3A_424 : i1 to i32
        %sign3A_426 = arith.subi %sign3A_422, %sign3A_425 : i32
        %ne3A_427 = arith.cmpi ne, %sign3A_419, %sign3A_426 : i32
        %rem3A_428 = arith.remsi %add3A_410, %jit3A_411 : i32
        %ne3A_429 = arith.constant 0 : i32
        %ne3A_430 = arith.cmpi ne, %rem3A_428, %ne3A_429 : i32
        %and3A_431 = arith.andi %ne3A_427, %ne3A_430 : i1
        %sub3A_432 = arith.constant 1 : i32
        %sub3A_433 = arith.subi %div3A_412, %sub3A_432 : i32
        %select_n3A_434 = arith.select %and3A_431, %sub3A_433, %div3A_412 : i32
        %sub3A_435 = arith.subi %select_n3A_434, %select_n3A : i32
        %rem3A_436 = arith.constant 4 : i32
        %rem3A_437 = arith.remsi %add3A_410, %rem3A_436 : i32
        %dma_wait3A_438 = arith.constant 0 : i32
        %dma_wait3A_439 = arith.constant 0 : i32
        %dma_wait3A_440 = tpu.memref_slice %arg4[%dma_wait3A_438, %dma_wait3A_439] : memref<100001x64xf32, #tpu.memory_space<hbm>> -> memref<256x64xf32, #tpu.memory_space<hbm>>
        %dma_wait3A_441 = arith.constant 0 : i32
        %dma_wait3A_442 = arith.constant 0 : i32
        %dma_wait3A_443 = tpu.memref_slice %arg4[%dma_wait3A_441, %dma_wait3A_442] : memref<100001x64xf32, #tpu.memory_space<hbm>> -> memref<256x64xf32, #tpu.memory_space<hbm>>
        tpu.wait_dma2 semaphore(%arg11 : memref<!tpu.dma_semaphore, #tpu.memory_space<semaphore_mem>>) src(%dma_wait3A_443 : memref<256x64xf32, #tpu.memory_space<hbm>>) dst(%arg9 : memref<256x64xf32, #tpu.memory_space<vmem>>)
        %ge3A_444 = arith.constant 1 : i32
        %ge3A_445 = arith.cmpi sge, %scan3A_405, %ge3A_444 : i32
        %convert_element_type3A_446 = arith.extui %ge3A_445 : i1 to i32
        %cond3A_447 = arith.constant 0 : i32
        %cond3A_448 = arith.cmpi ne, %convert_element_type3A_446, %cond3A_447 : i32
        scf.if %cond3A_448 {
          %dma_wait3A_634 = arith.constant 0 : i32
          %dma_wait3A_635 = arith.constant 0 : i32
          %dma_wait3A_636 = arith.constant 0 : i32
          %dma_wait3A_637 = arith.constant 0 : i32
          %dma_wait3A_638 = arith.constant 0 : i32
          %dma_wait3A_639 = tpu.memref_slice %arg15[%dma_wait3A_635, %dma_wait3A_636, %dma_wait3A_637, %dma_wait3A_638] : memref<8x2x12x129xf32, #tpu.memory_space<vmem>> -> memref<8x2x8x128xf32, #tpu.memory_space<vmem>>
          %dma_wait3A_640 = arith.constant 0 : i32
          %dma_wait3A_641 = arith.constant 0 : i32
          %dma_wait3A_642 = arith.constant 0 : i32
          %dma_wait3A_643 = arith.constant 0 : i32
          %dma_wait3A_644 = tpu.memref_slice %arg7[%dma_wait3A_634, %dma_wait3A_640, %dma_wait3A_641, %dma_wait3A_642, %dma_wait3A_643] : memref<200x8x8x8x128xf32, #tpu.memory_space<hbm>> -> memref<1x8x2x8x128xf32, #tpu.memory_space<hbm>>
          %dma_wait3A_645 = tpu.memref_squeeze %dma_wait3A_644 : memref<1x8x2x8x128xf32, #tpu.memory_space<hbm>> -> memref<8x2x8x128xf32, #tpu.memory_space<hbm>>
          %dma_wait3A_646 = arith.constant 0 : i32
          %dma_wait3A_647 = arith.constant 0 : i32
          %dma_wait3A_648 = arith.constant 0 : i32
          %dma_wait3A_649 = arith.constant 0 : i32
          %dma_wait3A_650 = tpu.memref_slice %arg7[%dma_wait3A_634, %dma_wait3A_646, %dma_wait3A_647, %dma_wait3A_648, %dma_wait3A_649] : memref<200x8x8x8x128xf32, #tpu.memory_space<hbm>> -> memref<1x8x2x8x128xf32, #tpu.memory_space<hbm>>
          %dma_wait3A_651 = tpu.memref_squeeze %dma_wait3A_650 : memref<1x8x2x8x128xf32, #tpu.memory_space<hbm>> -> memref<8x2x8x128xf32, #tpu.memory_space<hbm>>
          %dma_wait3A_652 = arith.constant 0 : i32
          %dma_wait3A_653 = arith.constant 0 : i32
          %dma_wait3A_654 = arith.constant 0 : i32
          %dma_wait3A_655 = arith.constant 0 : i32
          %dma_wait3A_656 = tpu.memref_slice %arg15[%dma_wait3A_652, %dma_wait3A_653, %dma_wait3A_654, %dma_wait3A_655] : memref<8x2x12x129xf32, #tpu.memory_space<vmem>> -> memref<8x2x8x128xf32, #tpu.memory_space<vmem>>
          tpu.wait_dma2 semaphore(%arg17 : memref<!tpu.dma_semaphore, #tpu.memory_space<semaphore_mem>>) src(%dma_wait3A_656 : memref<8x2x8x128xf32, #tpu.memory_space<vmem>>) dst(%dma_wait3A_651 : memref<8x2x8x128xf32, #tpu.memory_space<hbm>>)
        } else {
        }
        %get3A = arith.index_cast %sub3A_435 : i32 to index
        %get3A_449 = arith.constant 0 : index
        %get3A_450 = tpu.vector_load %arg14[%get3A, %get3A_449] {strides = array<i32>} : memref<13x64xf32, #tpu.memory_space<vmem>>, vector<16xf32>,
        %get3A_451 = arith.index_cast %sub3A_435 : i32 to index
        %get3A_452 = arith.constant 16 : index
        %get3A_453 = tpu.vector_load %arg14[%get3A_451, %get3A_452] {strides = array<i32>} : memref<13x64xf32, #tpu.memory_space<vmem>>, vector<16xf32>,
        %get3A_454 = arith.index_cast %sub3A_435 : i32 to index
        %get3A_455 = arith.constant 32 : index
        %get3A_456 = tpu.vector_load %arg14[%get3A_454, %get3A_455] {strides = array<i32>} : memref<13x64xf32, #tpu.memory_space<vmem>>, vector<16xf32>,
        %get3A_457 = arith.index_cast %sub3A_435 : i32 to index
        %get3A_458 = arith.constant 48 : index
        %get3A_459 = tpu.vector_load %arg14[%get3A_457, %get3A_458] {strides = array<i32>} : memref<13x64xf32, #tpu.memory_space<vmem>>, vector<16xf32>,
        %parallel_loop3A = arith.constant 0 : i32
        %parallel_loop3A_460 = arith.constant 128 : i32
        %parallel_loop3A_461 = arith.constant 1 : i32
        scf.for %parallel_loop3A_634 = %parallel_loop3A to %parallel_loop3A_460 step %parallel_loop3A_461  : i32 {
          %parallel_loop3A_635 = vector.broadcast %parallel_loop3A_634 : i32 to vector<16xi32>
          %parallel_loop3A_636 = arith.constant 0 : i32
          %parallel_loop3A_637 = arith.addi %parallel_loop3A_636, %parallel_loop3A_634 : i32
          %parallel_loop3A_638 = arith.index_cast %parallel_loop3A_637 : i32 to index
          %parallel_loop3A_639 = arith.constant 0 : index
          %parallel_loop3A_640 = tpu.vector_load %arg9[%parallel_loop3A_638, %parallel_loop3A_639] {strides = array<i32>} : memref<256x64xf32, #tpu.memory_space<vmem>>, vector<16xf32>,
          %parallel_loop3A_641 = arith.addf %parallel_loop3A_640, %get3A_450 : vector<16xf32>
          tpu.vector_store_idx %arg15[%add3A_85, %broadcast_in_dim3A_191, %rem3A_190, %parallel_loop3A_635], %parallel_loop3A_641 : memref<8x2x12x129xf32, #tpu.memory_space<vmem>>[vector<16xi32>, vector<16xi32>, vector<16xi32>, vector<16xi32>], vector<16xf32>,
          %parallel_loop3A_642 = arith.index_cast %parallel_loop3A_637 : i32 to index
          %parallel_loop3A_643 = arith.constant 16 : index
          %parallel_loop3A_644 = tpu.vector_load %arg9[%parallel_loop3A_642, %parallel_loop3A_643] {strides = array<i32>} : memref<256x64xf32, #tpu.memory_space<vmem>>, vector<16xf32>,
          %parallel_loop3A_645 = arith.addf %parallel_loop3A_644, %get3A_453 : vector<16xf32>
          tpu.vector_store_idx %arg15[%add3A_119, %broadcast_in_dim3A_191, %rem3A_190, %parallel_loop3A_635], %parallel_loop3A_645 : memref<8x2x12x129xf32, #tpu.memory_space<vmem>>[vector<16xi32>, vector<16xi32>, vector<16xi32>, vector<16xi32>], vector<16xf32>,
          %parallel_loop3A_646 = arith.index_cast %parallel_loop3A_637 : i32 to index
          %parallel_loop3A_647 = arith.constant 32 : index
          %parallel_loop3A_648 = tpu.vector_load %arg9[%parallel_loop3A_646, %parallel_loop3A_647] {strides = array<i32>} : memref<256x64xf32, #tpu.memory_space<vmem>>, vector<16xf32>,
          %parallel_loop3A_649 = arith.addf %parallel_loop3A_648, %get3A_456 : vector<16xf32>
          tpu.vector_store_idx %arg15[%add3A_153, %broadcast_in_dim3A_191, %rem3A_190, %parallel_loop3A_635], %parallel_loop3A_649 : memref<8x2x12x129xf32, #tpu.memory_space<vmem>>[vector<16xi32>, vector<16xi32>, vector<16xi32>, vector<16xi32>], vector<16xf32>,
          %parallel_loop3A_650 = arith.index_cast %parallel_loop3A_637 : i32 to index
          %parallel_loop3A_651 = arith.constant 48 : index
          %parallel_loop3A_652 = tpu.vector_load %arg9[%parallel_loop3A_650, %parallel_loop3A_651] {strides = array<i32>} : memref<256x64xf32, #tpu.memory_space<vmem>>, vector<16xf32>,
          %parallel_loop3A_653 = arith.addf %parallel_loop3A_652, %get3A_459 : vector<16xf32>
          tpu.vector_store_idx %arg15[%add3A_187, %broadcast_in_dim3A_191, %rem3A_190, %parallel_loop3A_635], %parallel_loop3A_653 : memref<8x2x12x129xf32, #tpu.memory_space<vmem>>[vector<16xi32>, vector<16xi32>, vector<16xi32>, vector<16xi32>], vector<16xf32>,
        } {sc.loop_unroll_factor = 4 : i64, sc.parallel_access}
        %parallel_loop3A_462 = arith.constant 0 : i32
        %parallel_loop3A_463 = arith.constant 128 : i32
        %parallel_loop3A_464 = arith.constant 1 : i32
        scf.for %parallel_loop3A_634 = %parallel_loop3A_462 to %parallel_loop3A_463 step %parallel_loop3A_464  : i32 {
          %parallel_loop3A_635 = vector.broadcast %parallel_loop3A_634 : i32 to vector<16xi32>
          %parallel_loop3A_636 = arith.constant 128 : i32
          %parallel_loop3A_637 = arith.addi %parallel_loop3A_636, %parallel_loop3A_634 : i32
          %parallel_loop3A_638 = arith.index_cast %parallel_loop3A_637 : i32 to index
          %parallel_loop3A_639 = arith.constant 0 : index
          %parallel_loop3A_640 = tpu.vector_load %arg9[%parallel_loop3A_638, %parallel_loop3A_639] {strides = array<i32>} : memref<256x64xf32, #tpu.memory_space<vmem>>, vector<16xf32>,
          %parallel_loop3A_641 = arith.addf %parallel_loop3A_640, %get3A_450 : vector<16xf32>
          tpu.vector_store_idx %arg15[%add3A_85, %broadcast_in_dim3A_193, %rem3A_190, %parallel_loop3A_635], %parallel_loop3A_641 : memref<8x2x12x129xf32, #tpu.memory_space<vmem>>[vector<16xi32>, vector<16xi32>, vector<16xi32>, vector<16xi32>], vector<16xf32>,
          %parallel_loop3A_642 = arith.index_cast %parallel_loop3A_637 : i32 to index
          %parallel_loop3A_643 = arith.constant 16 : index
          %parallel_loop3A_644 = tpu.vector_load %arg9[%parallel_loop3A_642, %parallel_loop3A_643] {strides = array<i32>} : memref<256x64xf32, #tpu.memory_space<vmem>>, vector<16xf32>,
          %parallel_loop3A_645 = arith.addf %parallel_loop3A_644, %get3A_453 : vector<16xf32>
          tpu.vector_store_idx %arg15[%add3A_119, %broadcast_in_dim3A_193, %rem3A_190, %parallel_loop3A_635], %parallel_loop3A_645 : memref<8x2x12x129xf32, #tpu.memory_space<vmem>>[vector<16xi32>, vector<16xi32>, vector<16xi32>, vector<16xi32>], vector<16xf32>,
          %parallel_loop3A_646 = arith.index_cast %parallel_loop3A_637 : i32 to index
          %parallel_loop3A_647 = arith.constant 32 : index
          %parallel_loop3A_648 = tpu.vector_load %arg9[%parallel_loop3A_646, %parallel_loop3A_647] {strides = array<i32>} : memref<256x64xf32, #tpu.memory_space<vmem>>, vector<16xf32>,
          %parallel_loop3A_649 = arith.addf %parallel_loop3A_648, %get3A_456 : vector<16xf32>
          tpu.vector_store_idx %arg15[%add3A_153, %broadcast_in_dim3A_193, %rem3A_190, %parallel_loop3A_635], %parallel_loop3A_649 : memref<8x2x12x129xf32, #tpu.memory_space<vmem>>[vector<16xi32>, vector<16xi32>, vector<16xi32>, vector<16xi32>], vector<16xf32>,
          %parallel_loop3A_650 = arith.index_cast %parallel_loop3A_637 : i32 to index
          %parallel_loop3A_651 = arith.constant 48 : index
          %parallel_loop3A_652 = tpu.vector_load %arg9[%parallel_loop3A_650, %parallel_loop3A_651] {strides = array<i32>} : memref<256x64xf32, #tpu.memory_space<vmem>>, vector<16xf32>,
          %parallel_loop3A_653 = arith.addf %parallel_loop3A_652, %get3A_459 : vector<16xf32>
          tpu.vector_store_idx %arg15[%add3A_187, %broadcast_in_dim3A_193, %rem3A_190, %parallel_loop3A_635], %parallel_loop3A_653 : memref<8x2x12x129xf32, #tpu.memory_space<vmem>>[vector<16xi32>, vector<16xi32>, vector<16xi32>, vector<16xi32>], vector<16xf32>,
        } {sc.loop_unroll_factor = 4 : i64, sc.parallel_access}
        %jit3A_465 = arith.constant 4 : i32
        %div3A_466 = arith.divsi %add3A_410, %jit3A_465 : i32
        %sign3A_467 = arith.constant 0 : i32
        %sign3A_468 = arith.cmpi sgt, %add3A_410, %sign3A_467 : i32
        %sign3A_469 = arith.extui %sign3A_468 : i1 to i32
        %sign3A_470 = arith.constant 0 : i32
        %sign3A_471 = arith.cmpi slt, %add3A_410, %sign3A_470 : i32
        %sign3A_472 = arith.extui %sign3A_471 : i1 to i32
        %sign3A_473 = arith.subi %sign3A_469, %sign3A_472 : i32
        %sign3A_474 = arith.constant 0 : i32
        %sign3A_475 = arith.cmpi sgt, %jit3A_465, %sign3A_474 : i32
        %sign3A_476 = arith.extui %sign3A_475 : i1 to i32
        %sign3A_477 = arith.constant 0 : i32
        %sign3A_478 = arith.cmpi slt, %jit3A_465, %sign3A_477 : i32
        %sign3A_479 = arith.extui %sign3A_478 : i1 to i32
        %sign3A_480 = arith.subi %sign3A_476, %sign3A_479 : i32
        %ne3A_481 = arith.cmpi ne, %sign3A_473, %sign3A_480 : i32
        %rem3A_482 = arith.remsi %add3A_410, %jit3A_465 : i32
        %ne3A_483 = arith.constant 0 : i32
        %ne3A_484 = arith.cmpi ne, %rem3A_482, %ne3A_483 : i32
        %and3A_485 = arith.andi %ne3A_481, %ne3A_484 : i1
        %sub3A_486 = arith.constant 1 : i32
        %sub3A_487 = arith.subi %div3A_466, %sub3A_486 : i32
        %select_n3A_488 = arith.select %and3A_485, %sub3A_487, %div3A_466 : i32
        %mul3A_489 = arith.constant 2 : i32
        %mul3A_490 = arith.muli %mul3A_489, %rem3A_437 : i32
        %dma_start3A_491 = arith.constant 0 : i32
        %dma_start3A_492 = arith.constant 0 : i32
        %dma_start3A_493 = arith.constant 0 : i32
        %dma_start3A_494 = arith.constant 0 : i32
        %dma_start3A_495 = tpu.memref_slice %arg15[%dma_start3A_491, %dma_start3A_492, %dma_start3A_493, %dma_start3A_494] : memref<8x2x12x129xf32, #tpu.memory_space<vmem>> -> memref<8x2x8x128xf32, #tpu.memory_space<vmem>>
        %dma_start3A_496 = arith.constant 0 : i32
        %dma_start3A_497 = arith.constant 0 : i32
        %dma_start3A_498 = arith.constant 0 : i32
        %dma_start3A_499 = tpu.memref_slice %arg7[%select_n3A_488, %dma_start3A_496, %mul3A_490, %dma_start3A_497, %dma_start3A_498] : memref<200x8x8x8x128xf32, #tpu.memory_space<hbm>> -> memref<1x8x2x8x128xf32, #tpu.memory_space<hbm>>
        %dma_start3A_500 = tpu.memref_squeeze %dma_start3A_499 : memref<1x8x2x8x128xf32, #tpu.memory_space<hbm>> -> memref<8x2x8x128xf32, #tpu.memory_space<hbm>>
        %dma_start3A_501 = arith.constant 0 : i32
        %dma_start3A_502 = arith.constant 0 : i32
        %dma_start3A_503 = arith.constant 0 : i32
        %dma_start3A_504 = tpu.memref_slice %arg7[%select_n3A_488, %dma_start3A_501, %mul3A_490, %dma_start3A_502, %dma_start3A_503] : memref<200x8x8x8x128xf32, #tpu.memory_space<hbm>> -> memref<1x8x2x8x128xf32, #tpu.memory_space<hbm>>
        %dma_start3A_505 = tpu.memref_squeeze %dma_start3A_504 : memref<1x8x2x8x128xf32, #tpu.memory_space<hbm>> -> memref<8x2x8x128xf32, #tpu.memory_space<hbm>>
        %dma_start3A_506 = arith.constant 0 : i32
        %dma_start3A_507 = arith.constant 0 : i32
        %dma_start3A_508 = arith.constant 0 : i32
        %dma_start3A_509 = arith.constant 0 : i32
        %dma_start3A_510 = tpu.memref_slice %arg15[%dma_start3A_506, %dma_start3A_507, %dma_start3A_508, %dma_start3A_509] : memref<8x2x12x129xf32, #tpu.memory_space<vmem>> -> memref<8x2x8x128xf32, #tpu.memory_space<vmem>>
        tpu.enqueue_dma source(%dma_start3A_510 : memref<8x2x8x128xf32, #tpu.memory_space<vmem>>) target(%dma_start3A_505 : memref<8x2x8x128xf32, #tpu.memory_space<hbm>>) target_semaphore(%arg17 : memref<!tpu.dma_semaphore, #tpu.memory_space<semaphore_mem>>)
        %add3A_511 = arith.constant 2 : i32
        %add3A_512 = arith.addi %mul3A_407, %add3A_511 : i32
        %lt3A_513 = arith.constant 50 : i32
        %lt3A_514 = arith.cmpi slt, %add3A_512, %lt3A_513 : i32
        %convert_element_type3A_515 = arith.extui %lt3A_514 : i1 to i32
        %cond3A_516 = arith.constant 0 : i32
        %cond3A_517 = arith.cmpi ne, %convert_element_type3A_515, %cond3A_516 : i32
        scf.if %cond3A_517 {
          %add3A_634 = arith.constant 2 : i32
          %add3A_635 = arith.addi %mul3A_407, %add3A_634 : i32
          %mul3A_636 = arith.constant 50 : i32
          %mul3A_637 = arith.muli %mul3A_636, %rem3A_1 : i32
          %add3A_638 = arith.addi %mul3A_637, %add3A_635 : i32
          %rem3A_639 = arith.constant 4 : i32
          %rem3A_640 = arith.remsi %add3A_638, %rem3A_639 : i32
          %jit3A_641 = arith.constant 4 : i32
          %div3A_642 = arith.divsi %add3A_638, %jit3A_641 : i32
          %sign3A_643 = arith.constant 0 : i32
          %sign3A_644 = arith.cmpi sgt, %add3A_638, %sign3A_643 : i32
          %sign3A_645 = arith.extui %sign3A_644 : i1 to i32
          %sign3A_646 = arith.constant 0 : i32
          %sign3A_647 = arith.cmpi slt, %add3A_638, %sign3A_646 : i32
          %sign3A_648 = arith.extui %sign3A_647 : i1 to i32
          %sign3A_649 = arith.subi %sign3A_645, %sign3A_648 : i32
          %sign3A_650 = arith.constant 0 : i32
          %sign3A_651 = arith.cmpi sgt, %jit3A_641, %sign3A_650 : i32
          %sign3A_652 = arith.extui %sign3A_651 : i1 to i32
          %sign3A_653 = arith.constant 0 : i32
          %sign3A_654 = arith.cmpi slt, %jit3A_641, %sign3A_653 : i32
          %sign3A_655 = arith.extui %sign3A_654 : i1 to i32
          %sign3A_656 = arith.subi %sign3A_652, %sign3A_655 : i32
          %ne3A_657 = arith.cmpi ne, %sign3A_649, %sign3A_656 : i32
          %rem3A_658 = arith.remsi %add3A_638, %jit3A_641 : i32
          %ne3A_659 = arith.constant 0 : i32
          %ne3A_660 = arith.cmpi ne, %rem3A_658, %ne3A_659 : i32
          %and3A_661 = arith.andi %ne3A_657, %ne3A_660 : i1
          %sub3A_662 = arith.constant 1 : i32
          %sub3A_663 = arith.subi %div3A_642, %sub3A_662 : i32
          %select_n3A_664 = arith.select %and3A_661, %sub3A_663, %div3A_642 : i32
          %jit3A_665 = arith.constant 8 : i32
          %div3A_666 = arith.divsi %select_n3A_664, %jit3A_665 : i32
          %sign3A_667 = arith.constant 0 : i32
          %sign3A_668 = arith.cmpi sgt, %select_n3A_664, %sign3A_667 : i32
          %sign3A_669 = arith.extui %sign3A_668 : i1 to i32
          %sign3A_670 = arith.constant 0 : i32
          %sign3A_671 = arith.cmpi slt, %select_n3A_664, %sign3A_670 : i32
          %sign3A_672 = arith.extui %sign3A_671 : i1 to i32
          %sign3A_673 = arith.subi %sign3A_669, %sign3A_672 : i32
          %sign3A_674 = arith.constant 0 : i32
          %sign3A_675 = arith.cmpi sgt, %jit3A_665, %sign3A_674 : i32
          %sign3A_676 = arith.extui %sign3A_675 : i1 to i32
          %sign3A_677 = arith.constant 0 : i32
          %sign3A_678 = arith.cmpi slt, %jit3A_665, %sign3A_677 : i32
          %sign3A_679 = arith.extui %sign3A_678 : i1 to i32
          %sign3A_680 = arith.subi %sign3A_676, %sign3A_679 : i32
          %ne3A_681 = arith.cmpi ne, %sign3A_673, %sign3A_680 : i32
          %rem3A_682 = arith.remsi %select_n3A_664, %jit3A_665 : i32
          %ne3A_683 = arith.constant 0 : i32
          %ne3A_684 = arith.cmpi ne, %rem3A_682, %ne3A_683 : i32
          %and3A_685 = arith.andi %ne3A_681, %ne3A_684 : i1
          %sub3A_686 = arith.constant 1 : i32
          %sub3A_687 = arith.subi %div3A_666, %sub3A_686 : i32
          %select_n3A_688 = arith.select %and3A_685, %sub3A_687, %div3A_666 : i32
          %sub3A_689 = arith.subi %select_n3A_688, %min3A_45 : i32
          %rem3A_690 = arith.constant 8 : i32
          %rem3A_691 = arith.remsi %select_n3A_664, %rem3A_690 : i32
          %mul3A_692 = arith.constant 2 : i32
          %mul3A_693 = arith.muli %mul3A_692, %rem3A_640 : i32
          %dma_start3A_694 = arith.constant 0 : i32
          %dma_start3A_695 = arith.constant 0 : i32
          %dma_start3A_696 = tpu.memref_slice %arg9[%dma_start3A_694, %dma_start3A_695] : memref<256x64xf32, #tpu.memory_space<vmem>> -> memref<128x64xf32, #tpu.memory_space<vmem>>
          %dma_start3A_697 = arith.constant 0 : i32
          %dma_start3A_698 = tpu.memref_slice %arg13[%sub3A_689, %mul3A_693, %rem3A_691, %dma_start3A_697] : memref<3x8x8x128xi32, #tpu.memory_space<vmem>> -> memref<1x1x1x128xi32, #tpu.memory_space<vmem>>
          %dma_start3A_699 = tpu.memref_squeeze %dma_start3A_698 : memref<1x1x1x128xi32, #tpu.memory_space<vmem>> -> memref<128xi32, #tpu.memory_space<vmem>>
          %dma_start3A_700 = arith.constant 0 : i32
          %dma_start3A_701 = arith.constant 0 : i32
          %dma_start3A_702 = tpu.memref_slice %arg4[%dma_start3A_700, %dma_start3A_701] : memref<100001x64xf32, #tpu.memory_space<hbm>> -> memref<100001x64xf32, #tpu.memory_space<hbm>>
          tpu.enqueue_indirect_dma source(%dma_start3A_702 : memref<100001x64xf32, #tpu.memory_space<hbm>>) target(%dma_start3A_696 : memref<128x64xf32, #tpu.memory_space<vmem>>) offsets(%dma_start3A_699 : memref<128xi32, #tpu.memory_space<vmem>>) semaphore(%arg11 : memref<!tpu.dma_semaphore, #tpu.memory_space<semaphore_mem>>)
          %mul3A_703 = arith.constant 2 : i32
          %mul3A_704 = arith.muli %mul3A_703, %rem3A_640 : i32
          %add3A_705 = arith.constant 1 : i32
          %add3A_706 = arith.addi %mul3A_704, %add3A_705 : i32
          %dma_start3A_707 = arith.constant 128 : i32
          %dma_start3A_708 = arith.constant 0 : i32
          %dma_start3A_709 = tpu.memref_slice %arg9[%dma_start3A_707, %dma_start3A_708] : memref<256x64xf32, #tpu.memory_space<vmem>> -> memref<128x64xf32, #tpu.memory_space<vmem>>
          %dma_start3A_710 = arith.constant 0 : i32
          %dma_start3A_711 = tpu.memref_slice %arg13[%sub3A_689, %add3A_706, %rem3A_691, %dma_start3A_710] : memref<3x8x8x128xi32, #tpu.memory_space<vmem>> -> memref<1x1x1x128xi32, #tpu.memory_space<vmem>>
          %dma_start3A_712 = tpu.memref_squeeze %dma_start3A_711 : memref<1x1x1x128xi32, #tpu.memory_space<vmem>> -> memref<128xi32, #tpu.memory_space<vmem>>
          %dma_start3A_713 = arith.constant 0 : i32
          %dma_start3A_714 = arith.constant 0 : i32
          %dma_start3A_715 = tpu.memref_slice %arg4[%dma_start3A_713, %dma_start3A_714] : memref<100001x64xf32, #tpu.memory_space<hbm>> -> memref<100001x64xf32, #tpu.memory_space<hbm>>
          tpu.enqueue_indirect_dma source(%dma_start3A_715 : memref<100001x64xf32, #tpu.memory_space<hbm>>) target(%dma_start3A_709 : memref<128x64xf32, #tpu.memory_space<vmem>>) offsets(%dma_start3A_712 : memref<128xi32, #tpu.memory_space<vmem>>) semaphore(%arg11 : memref<!tpu.dma_semaphore, #tpu.memory_space<semaphore_mem>>)
        } else {
        }
        %mul3A_518 = arith.constant 2 : i32
        %mul3A_519 = arith.muli %mul3A_518, %scan3A_405 : i32
        %add3A_520 = arith.constant 1 : i32
        %add3A_521 = arith.addi %mul3A_519, %add3A_520 : i32
        %mul3A_522 = arith.constant 50 : i32
        %mul3A_523 = arith.muli %mul3A_522, %rem3A_1 : i32
        %add3A_524 = arith.addi %mul3A_523, %add3A_521 : i32
        %jit3A_525 = arith.constant 4 : i32
        %div3A_526 = arith.divsi %add3A_524, %jit3A_525 : i32
        %sign3A_527 = arith.constant 0 : i32
        %sign3A_528 = arith.cmpi sgt, %add3A_524, %sign3A_527 : i32
        %sign3A_529 = arith.extui %sign3A_528 : i1 to i32
        %sign3A_530 = arith.constant 0 : i32
        %sign3A_531 = arith.cmpi slt, %add3A_524, %sign3A_530 : i32
        %sign3A_532 = arith.extui %sign3A_531 : i1 to i32
        %sign3A_533 = arith.subi %sign3A_529, %sign3A_532 : i32
        %sign3A_534 = arith.constant 0 : i32
        %sign3A_535 = arith.cmpi sgt, %jit3A_525, %sign3A_534 : i32
        %sign3A_536 = arith.extui %sign3A_535 : i1 to i32
        %sign3A_537 = arith.constant 0 : i32
        %sign3A_538 = arith.cmpi slt, %jit3A_525, %sign3A_537 : i32
        %sign3A_539 = arith.extui %sign3A_538 : i1 to i32
        %sign3A_540 = arith.subi %sign3A_536, %sign3A_539 : i32
        %ne3A_541 = arith.cmpi ne, %sign3A_533, %sign3A_540 : i32
        %rem3A_542 = arith.remsi %add3A_524, %jit3A_525 : i32
        %ne3A_543 = arith.constant 0 : i32
        %ne3A_544 = arith.cmpi ne, %rem3A_542, %ne3A_543 : i32
        %and3A_545 = arith.andi %ne3A_541, %ne3A_544 : i1
        %sub3A_546 = arith.constant 1 : i32
        %sub3A_547 = arith.subi %div3A_526, %sub3A_546 : i32
        %select_n3A_548 = arith.select %and3A_545, %sub3A_547, %div3A_526 : i32
        %sub3A_549 = arith.subi %select_n3A_548, %select_n3A : i32
        %rem3A_550 = arith.constant 4 : i32
        %rem3A_551 = arith.remsi %add3A_524, %rem3A_550 : i32
        %dma_wait3A_552 = arith.constant 0 : i32
        %dma_wait3A_553 = arith.constant 0 : i32
        %dma_wait3A_554 = tpu.memref_slice %arg4[%dma_wait3A_552, %dma_wait3A_553] : memref<100001x64xf32, #tpu.memory_space<hbm>> -> memref<256x64xf32, #tpu.memory_space<hbm>>
        %dma_wait3A_555 = arith.constant 0 : i32
        %dma_wait3A_556 = arith.constant 0 : i32
        %dma_wait3A_557 = tpu.memref_slice %arg4[%dma_wait3A_555, %dma_wait3A_556] : memref<100001x64xf32, #tpu.memory_space<hbm>> -> memref<256x64xf32, #tpu.memory_space<hbm>>
        tpu.wait_dma2 semaphore(%arg12 : memref<!tpu.dma_semaphore, #tpu.memory_space<semaphore_mem>>) src(%dma_wait3A_557 : memref<256x64xf32, #tpu.memory_space<hbm>>) dst(%arg10 : memref<256x64xf32, #tpu.memory_space<vmem>>)
        %ge3A_558 = arith.constant 1 : i32
        %ge3A_559 = arith.cmpi sge, %scan3A_405, %ge3A_558 : i32
        %convert_element_type3A_560 = arith.extui %ge3A_559 : i1 to i32
        %cond3A_561 = arith.constant 0 : i32
        %cond3A_562 = arith.cmpi ne, %convert_element_type3A_560, %cond3A_561 : i32
        scf.if %cond3A_562 {
          %dma_wait3A_634 = arith.constant 0 : i32
          %dma_wait3A_635 = arith.constant 0 : i32
          %dma_wait3A_636 = arith.constant 0 : i32
          %dma_wait3A_637 = arith.constant 0 : i32
          %dma_wait3A_638 = arith.constant 0 : i32
          %dma_wait3A_639 = tpu.memref_slice %arg16[%dma_wait3A_635, %dma_wait3A_636, %dma_wait3A_637, %dma_wait3A_638] : memref<8x2x12x129xf32, #tpu.memory_space<vmem>> -> memref<8x2x8x128xf32, #tpu.memory_space<vmem>>
          %dma_wait3A_640 = arith.constant 0 : i32
          %dma_wait3A_641 = arith.constant 0 : i32
          %dma_wait3A_642 = arith.constant 0 : i32
          %dma_wait3A_643 = arith.constant 0 : i32
          %dma_wait3A_644 = tpu.memref_slice %arg7[%dma_wait3A_634, %dma_wait3A_640, %dma_wait3A_641, %dma_wait3A_642, %dma_wait3A_643] : memref<200x8x8x8x128xf32, #tpu.memory_space<hbm>> -> memref<1x8x2x8x128xf32, #tpu.memory_space<hbm>>
          %dma_wait3A_645 = tpu.memref_squeeze %dma_wait3A_644 : memref<1x8x2x8x128xf32, #tpu.memory_space<hbm>> -> memref<8x2x8x128xf32, #tpu.memory_space<hbm>>
          %dma_wait3A_646 = arith.constant 0 : i32
          %dma_wait3A_647 = arith.constant 0 : i32
          %dma_wait3A_648 = arith.constant 0 : i32
          %dma_wait3A_649 = arith.constant 0 : i32
          %dma_wait3A_650 = tpu.memref_slice %arg7[%dma_wait3A_634, %dma_wait3A_646, %dma_wait3A_647, %dma_wait3A_648, %dma_wait3A_649] : memref<200x8x8x8x128xf32, #tpu.memory_space<hbm>> -> memref<1x8x2x8x128xf32, #tpu.memory_space<hbm>>
          %dma_wait3A_651 = tpu.memref_squeeze %dma_wait3A_650 : memref<1x8x2x8x128xf32, #tpu.memory_space<hbm>> -> memref<8x2x8x128xf32, #tpu.memory_space<hbm>>
          %dma_wait3A_652 = arith.constant 0 : i32
          %dma_wait3A_653 = arith.constant 0 : i32
          %dma_wait3A_654 = arith.constant 0 : i32
          %dma_wait3A_655 = arith.constant 0 : i32
          %dma_wait3A_656 = tpu.memref_slice %arg16[%dma_wait3A_652, %dma_wait3A_653, %dma_wait3A_654, %dma_wait3A_655] : memref<8x2x12x129xf32, #tpu.memory_space<vmem>> -> memref<8x2x8x128xf32, #tpu.memory_space<vmem>>
          tpu.wait_dma2 semaphore(%arg18 : memref<!tpu.dma_semaphore, #tpu.memory_space<semaphore_mem>>) src(%dma_wait3A_656 : memref<8x2x8x128xf32, #tpu.memory_space<vmem>>) dst(%dma_wait3A_651 : memref<8x2x8x128xf32, #tpu.memory_space<hbm>>)
        } else {
        }
        %get3A_563 = arith.index_cast %sub3A_549 : i32 to index
        %get3A_564 = arith.constant 0 : index
        %get3A_565 = tpu.vector_load %arg14[%get3A_563, %get3A_564] {strides = array<i32>} : memref<13x64xf32, #tpu.memory_space<vmem>>, vector<16xf32>,
        %get3A_566 = arith.index_cast %sub3A_549 : i32 to index
        %get3A_567 = arith.constant 16 : index
        %get3A_568 = tpu.vector_load %arg14[%get3A_566, %get3A_567] {strides = array<i32>} : memref<13x64xf32, #tpu.memory_space<vmem>>, vector<16xf32>,
        %get3A_569 = arith.index_cast %sub3A_549 : i32 to index
        %get3A_570 = arith.constant 32 : index
        %get3A_571 = tpu.vector_load %arg14[%get3A_569, %get3A_570] {strides = array<i32>} : memref<13x64xf32, #tpu.memory_space<vmem>>, vector<16xf32>,
        %get3A_572 = arith.index_cast %sub3A_549 : i32 to index
        %get3A_573 = arith.constant 48 : index
        %get3A_574 = tpu.vector_load %arg14[%get3A_572, %get3A_573] {strides = array<i32>} : memref<13x64xf32, #tpu.memory_space<vmem>>, vector<16xf32>,
        %parallel_loop3A_575 = arith.constant 0 : i32
        %parallel_loop3A_576 = arith.constant 128 : i32
        %parallel_loop3A_577 = arith.constant 1 : i32
        scf.for %parallel_loop3A_634 = %parallel_loop3A_575 to %parallel_loop3A_576 step %parallel_loop3A_577  : i32 {
          %parallel_loop3A_635 = vector.broadcast %parallel_loop3A_634 : i32 to vector<16xi32>
          %parallel_loop3A_636 = arith.constant 0 : i32
          %parallel_loop3A_637 = arith.addi %parallel_loop3A_636, %parallel_loop3A_634 : i32
          %parallel_loop3A_638 = arith.index_cast %parallel_loop3A_637 : i32 to index
          %parallel_loop3A_639 = arith.constant 0 : index
          %parallel_loop3A_640 = tpu.vector_load %arg10[%parallel_loop3A_638, %parallel_loop3A_639] {strides = array<i32>} : memref<256x64xf32, #tpu.memory_space<vmem>>, vector<16xf32>,
          %parallel_loop3A_641 = arith.addf %parallel_loop3A_640, %get3A_565 : vector<16xf32>
          tpu.vector_store_idx %arg16[%add3A_85, %broadcast_in_dim3A_191, %rem3A_190, %parallel_loop3A_635], %parallel_loop3A_641 : memref<8x2x12x129xf32, #tpu.memory_space<vmem>>[vector<16xi32>, vector<16xi32>, vector<16xi32>, vector<16xi32>], vector<16xf32>,
          %parallel_loop3A_642 = arith.index_cast %parallel_loop3A_637 : i32 to index
          %parallel_loop3A_643 = arith.constant 16 : index
          %parallel_loop3A_644 = tpu.vector_load %arg10[%parallel_loop3A_642, %parallel_loop3A_643] {strides = array<i32>} : memref<256x64xf32, #tpu.memory_space<vmem>>, vector<16xf32>,
          %parallel_loop3A_645 = arith.addf %parallel_loop3A_644, %get3A_568 : vector<16xf32>
          tpu.vector_store_idx %arg16[%add3A_119, %broadcast_in_dim3A_191, %rem3A_190, %parallel_loop3A_635], %parallel_loop3A_645 : memref<8x2x12x129xf32, #tpu.memory_space<vmem>>[vector<16xi32>, vector<16xi32>, vector<16xi32>, vector<16xi32>], vector<16xf32>,
          %parallel_loop3A_646 = arith.index_cast %parallel_loop3A_637 : i32 to index
          %parallel_loop3A_647 = arith.constant 32 : index
          %parallel_loop3A_648 = tpu.vector_load %arg10[%parallel_loop3A_646, %parallel_loop3A_647] {strides = array<i32>} : memref<256x64xf32, #tpu.memory_space<vmem>>, vector<16xf32>,
          %parallel_loop3A_649 = arith.addf %parallel_loop3A_648, %get3A_571 : vector<16xf32>
          tpu.vector_store_idx %arg16[%add3A_153, %broadcast_in_dim3A_191, %rem3A_190, %parallel_loop3A_635], %parallel_loop3A_649 : memref<8x2x12x129xf32, #tpu.memory_space<vmem>>[vector<16xi32>, vector<16xi32>, vector<16xi32>, vector<16xi32>], vector<16xf32>,
          %parallel_loop3A_650 = arith.index_cast %parallel_loop3A_637 : i32 to index
          %parallel_loop3A_651 = arith.constant 48 : index
          %parallel_loop3A_652 = tpu.vector_load %arg10[%parallel_loop3A_650, %parallel_loop3A_651] {strides = array<i32>} : memref<256x64xf32, #tpu.memory_space<vmem>>, vector<16xf32>,
          %parallel_loop3A_653 = arith.addf %parallel_loop3A_652, %get3A_574 : vector<16xf32>
          tpu.vector_store_idx %arg16[%add3A_187, %broadcast_in_dim3A_191, %rem3A_190, %parallel_loop3A_635], %parallel_loop3A_653 : memref<8x2x12x129xf32, #tpu.memory_space<vmem>>[vector<16xi32>, vector<16xi32>, vector<16xi32>, vector<16xi32>], vector<16xf32>,
        } {sc.loop_unroll_factor = 4 : i64, sc.parallel_access}
        %parallel_loop3A_578 = arith.constant 0 : i32
        %parallel_loop3A_579 = arith.constant 128 : i32
        %parallel_loop3A_580 = arith.constant 1 : i32
        scf.for %parallel_loop3A_634 = %parallel_loop3A_578 to %parallel_loop3A_579 step %parallel_loop3A_580  : i32 {
          %parallel_loop3A_635 = vector.broadcast %parallel_loop3A_634 : i32 to vector<16xi32>
          %parallel_loop3A_636 = arith.constant 128 : i32
          %parallel_loop3A_637 = arith.addi %parallel_loop3A_636, %parallel_loop3A_634 : i32
          %parallel_loop3A_638 = arith.index_cast %parallel_loop3A_637 : i32 to index
          %parallel_loop3A_639 = arith.constant 0 : index
          %parallel_loop3A_640 = tpu.vector_load %arg10[%parallel_loop3A_638, %parallel_loop3A_639] {strides = array<i32>} : memref<256x64xf32, #tpu.memory_space<vmem>>, vector<16xf32>,
          %parallel_loop3A_641 = arith.addf %parallel_loop3A_640, %get3A_565 : vector<16xf32>
          tpu.vector_store_idx %arg16[%add3A_85, %broadcast_in_dim3A_193, %rem3A_190, %parallel_loop3A_635], %parallel_loop3A_641 : memref<8x2x12x129xf32, #tpu.memory_space<vmem>>[vector<16xi32>, vector<16xi32>, vector<16xi32>, vector<16xi32>], vector<16xf32>,
          %parallel_loop3A_642 = arith.index_cast %parallel_loop3A_637 : i32 to index
          %parallel_loop3A_643 = arith.constant 16 : index
          %parallel_loop3A_644 = tpu.vector_load %arg10[%parallel_loop3A_642, %parallel_loop3A_643] {strides = array<i32>} : memref<256x64xf32, #tpu.memory_space<vmem>>, vector<16xf32>,
          %parallel_loop3A_645 = arith.addf %parallel_loop3A_644, %get3A_568 : vector<16xf32>
          tpu.vector_store_idx %arg16[%add3A_119, %broadcast_in_dim3A_193, %rem3A_190, %parallel_loop3A_635], %parallel_loop3A_645 : memref<8x2x12x129xf32, #tpu.memory_space<vmem>>[vector<16xi32>, vector<16xi32>, vector<16xi32>, vector<16xi32>], vector<16xf32>,
          %parallel_loop3A_646 = arith.index_cast %parallel_loop3A_637 : i32 to index
          %parallel_loop3A_647 = arith.constant 32 : index
          %parallel_loop3A_648 = tpu.vector_load %arg10[%parallel_loop3A_646, %parallel_loop3A_647] {strides = array<i32>} : memref<256x64xf32, #tpu.memory_space<vmem>>, vector<16xf32>,
          %parallel_loop3A_649 = arith.addf %parallel_loop3A_648, %get3A_571 : vector<16xf32>
          tpu.vector_store_idx %arg16[%add3A_153, %broadcast_in_dim3A_193, %rem3A_190, %parallel_loop3A_635], %parallel_loop3A_649 : memref<8x2x12x129xf32, #tpu.memory_space<vmem>>[vector<16xi32>, vector<16xi32>, vector<16xi32>, vector<16xi32>], vector<16xf32>,
          %parallel_loop3A_650 = arith.index_cast %parallel_loop3A_637 : i32 to index
          %parallel_loop3A_651 = arith.constant 48 : index
          %parallel_loop3A_652 = tpu.vector_load %arg10[%parallel_loop3A_650, %parallel_loop3A_651] {strides = array<i32>} : memref<256x64xf32, #tpu.memory_space<vmem>>, vector<16xf32>,
          %parallel_loop3A_653 = arith.addf %parallel_loop3A_652, %get3A_574 : vector<16xf32>
          tpu.vector_store_idx %arg16[%add3A_187, %broadcast_in_dim3A_193, %rem3A_190, %parallel_loop3A_635], %parallel_loop3A_653 : memref<8x2x12x129xf32, #tpu.memory_space<vmem>>[vector<16xi32>, vector<16xi32>, vector<16xi32>, vector<16xi32>], vector<16xf32>,
        } {sc.loop_unroll_factor = 4 : i64, sc.parallel_access}
        %jit3A_581 = arith.constant 4 : i32
        %div3A_582 = arith.divsi %add3A_524, %jit3A_581 : i32
        %sign3A_583 = arith.constant 0 : i32
        %sign3A_584 = arith.cmpi sgt, %add3A_524, %sign3A_583 : i32
        %sign3A_585 = arith.extui %sign3A_584 : i1 to i32
        %sign3A_586 = arith.constant 0 : i32
        %sign3A_587 = arith.cmpi slt, %add3A_524, %sign3A_586 : i32
        %sign3A_588 = arith.extui %sign3A_587 : i1 to i32
        %sign3A_589 = arith.subi %sign3A_585, %sign3A_588 : i32
        %sign3A_590 = arith.constant 0 : i32
        %sign3A_591 = arith.cmpi sgt, %jit3A_581, %sign3A_590 : i32
        %sign3A_592 = arith.extui %sign3A_591 : i1 to i32
        %sign3A_593 = arith.constant 0 : i32
        %sign3A_594 = arith.cmpi slt, %jit3A_581, %sign3A_593 : i32
        %sign3A_595 = arith.extui %sign3A_594 : i1 to i32
        %sign3A_596 = arith.subi %sign3A_592, %sign3A_595 : i32
        %ne3A_597 = arith.cmpi ne, %sign3A_589, %sign3A_596 : i32
        %rem3A_598 = arith.remsi %add3A_524, %jit3A_581 : i32
        %ne3A_599 = arith.constant 0 : i32
        %ne3A_600 = arith.cmpi ne, %rem3A_598, %ne3A_599 : i32
        %and3A_601 = arith.andi %ne3A_597, %ne3A_600 : i1
        %sub3A_602 = arith.constant 1 : i32
        %sub3A_603 = arith.subi %div3A_582, %sub3A_602 : i32
        %select_n3A_604 = arith.select %and3A_601, %sub3A_603, %div3A_582 : i32
        %mul3A_605 = arith.constant 2 : i32
        %mul3A_606 = arith.muli %mul3A_605, %rem3A_551 : i32
        %dma_start3A_607 = arith.constant 0 : i32
        %dma_start3A_608 = arith.constant 0 : i32
        %dma_start3A_609 = arith.constant 0 : i32
        %dma_start3A_610 = arith.constant 0 : i32
        %dma_start3A_611 = tpu.memref_slice %arg16[%dma_start3A_607, %dma_start3A_608, %dma_start3A_609, %dma_start3A_610] : memref<8x2x12x129xf32, #tpu.memory_space<vmem>> -> memref<8x2x8x128xf32, #tpu.memory_space<vmem>>
        %dma_start3A_612 = arith.constant 0 : i32
        %dma_start3A_613 = arith.constant 0 : i32
        %dma_start3A_614 = arith.constant 0 : i32
        %dma_start3A_615 = tpu.memref_slice %arg7[%select_n3A_604, %dma_start3A_612, %mul3A_606, %dma_start3A_613, %dma_start3A_614] : memref<200x8x8x8x128xf32, #tpu.memory_space<hbm>> -> memref<1x8x2x8x128xf32, #tpu.memory_space<hbm>>
        %dma_start3A_616 = tpu.memref_squeeze %dma_start3A_615 : memref<1x8x2x8x128xf32, #tpu.memory_space<hbm>> -> memref<8x2x8x128xf32, #tpu.memory_space<hbm>>
        %dma_start3A_617 = arith.constant 0 : i32
        %dma_start3A_618 = arith.constant 0 : i32
        %dma_start3A_619 = arith.constant 0 : i32
        %dma_start3A_620 = tpu.memref_slice %arg7[%select_n3A_604, %dma_start3A_617, %mul3A_606, %dma_start3A_618, %dma_start3A_619] : memref<200x8x8x8x128xf32, #tpu.memory_space<hbm>> -> memref<1x8x2x8x128xf32, #tpu.memory_space<hbm>>
        %dma_start3A_621 = tpu.memref_squeeze %dma_start3A_620 : memref<1x8x2x8x128xf32, #tpu.memory_space<hbm>> -> memref<8x2x8x128xf32, #tpu.memory_space<hbm>>
        %dma_start3A_622 = arith.constant 0 : i32
        %dma_start3A_623 = arith.constant 0 : i32
        %dma_start3A_624 = arith.constant 0 : i32
        %dma_start3A_625 = arith.constant 0 : i32
        %dma_start3A_626 = tpu.memref_slice %arg16[%dma_start3A_622, %dma_start3A_623, %dma_start3A_624, %dma_start3A_625] : memref<8x2x12x129xf32, #tpu.memory_space<vmem>> -> memref<8x2x8x128xf32, #tpu.memory_space<vmem>>
        tpu.enqueue_dma source(%dma_start3A_626 : memref<8x2x8x128xf32, #tpu.memory_space<vmem>>) target(%dma_start3A_621 : memref<8x2x8x128xf32, #tpu.memory_space<hbm>>) target_semaphore(%arg18 : memref<!tpu.dma_semaphore, #tpu.memory_space<semaphore_mem>>)
        %add3A_627 = arith.constant 2 : i32
        %add3A_628 = arith.addi %add3A_521, %add3A_627 : i32
        %lt3A_629 = arith.constant 50 : i32
        %lt3A_630 = arith.cmpi slt, %add3A_628, %lt3A_629 : i32
        %convert_element_type3A_631 = arith.extui %lt3A_630 : i1 to i32
        %cond3A_632 = arith.constant 0 : i32
        %cond3A_633 = arith.cmpi ne, %convert_element_type3A_631, %cond3A_632 : i32
        scf.if %cond3A_633 {
          %add3A_634 = arith.constant 2 : i32
          %add3A_635 = arith.addi %add3A_521, %add3A_634 : i32
          %mul3A_636 = arith.constant 50 : i32
          %mul3A_637 = arith.muli %mul3A_636, %rem3A_1 : i32
          %add3A_638 = arith.addi %mul3A_637, %add3A_635 : i32
          %rem3A_639 = arith.constant 4 : i32
          %rem3A_640 = arith.remsi %add3A_638, %rem3A_639 : i32
          %jit3A_641 = arith.constant 4 : i32
          %div3A_642 = arith.divsi %add3A_638, %jit3A_641 : i32
          %sign3A_643 = arith.constant 0 : i32
          %sign3A_644 = arith.cmpi sgt, %add3A_638, %sign3A_643 : i32
          %sign3A_645 = arith.extui %sign3A_644 : i1 to i32
          %sign3A_646 = arith.constant 0 : i32
          %sign3A_647 = arith.cmpi slt, %add3A_638, %sign3A_646 : i32
          %sign3A_648 = arith.extui %sign3A_647 : i1 to i32
          %sign3A_649 = arith.subi %sign3A_645, %sign3A_648 : i32
          %sign3A_650 = arith.constant 0 : i32
          %sign3A_651 = arith.cmpi sgt, %jit3A_641, %sign3A_650 : i32
          %sign3A_652 = arith.extui %sign3A_651 : i1 to i32
          %sign3A_653 = arith.constant 0 : i32
          %sign3A_654 = arith.cmpi slt, %jit3A_641, %sign3A_653 : i32
          %sign3A_655 = arith.extui %sign3A_654 : i1 to i32
          %sign3A_656 = arith.subi %sign3A_652, %sign3A_655 : i32
          %ne3A_657 = arith.cmpi ne, %sign3A_649, %sign3A_656 : i32
          %rem3A_658 = arith.remsi %add3A_638, %jit3A_641 : i32
          %ne3A_659 = arith.constant 0 : i32
          %ne3A_660 = arith.cmpi ne, %rem3A_658, %ne3A_659 : i32
          %and3A_661 = arith.andi %ne3A_657, %ne3A_660 : i1
          %sub3A_662 = arith.constant 1 : i32
          %sub3A_663 = arith.subi %div3A_642, %sub3A_662 : i32
          %select_n3A_664 = arith.select %and3A_661, %sub3A_663, %div3A_642 : i32
          %jit3A_665 = arith.constant 8 : i32
          %div3A_666 = arith.divsi %select_n3A_664, %jit3A_665 : i32
          %sign3A_667 = arith.constant 0 : i32
          %sign3A_668 = arith.cmpi sgt, %select_n3A_664, %sign3A_667 : i32
          %sign3A_669 = arith.extui %sign3A_668 : i1 to i32
          %sign3A_670 = arith.constant 0 : i32
          %sign3A_671 = arith.cmpi slt, %select_n3A_664, %sign3A_670 : i32
          %sign3A_672 = arith.extui %sign3A_671 : i1 to i32
          %sign3A_673 = arith.subi %sign3A_669, %sign3A_672 : i32
          %sign3A_674 = arith.constant 0 : i32
          %sign3A_675 = arith.cmpi sgt, %jit3A_665, %sign3A_674 : i32
          %sign3A_676 = arith.extui %sign3A_675 : i1 to i32
          %sign3A_677 = arith.constant 0 : i32
          %sign3A_678 = arith.cmpi slt, %jit3A_665, %sign3A_677 : i32
          %sign3A_679 = arith.extui %sign3A_678 : i1 to i32
          %sign3A_680 = arith.subi %sign3A_676, %sign3A_679 : i32
          %ne3A_681 = arith.cmpi ne, %sign3A_673, %sign3A_680 : i32
          %rem3A_682 = arith.remsi %select_n3A_664, %jit3A_665 : i32
          %ne3A_683 = arith.constant 0 : i32
          %ne3A_684 = arith.cmpi ne, %rem3A_682, %ne3A_683 : i32
          %and3A_685 = arith.andi %ne3A_681, %ne3A_684 : i1
          %sub3A_686 = arith.constant 1 : i32
          %sub3A_687 = arith.subi %div3A_666, %sub3A_686 : i32
          %select_n3A_688 = arith.select %and3A_685, %sub3A_687, %div3A_666 : i32
          %sub3A_689 = arith.subi %select_n3A_688, %min3A_45 : i32
          %rem3A_690 = arith.constant 8 : i32
          %rem3A_691 = arith.remsi %select_n3A_664, %rem3A_690 : i32
          %mul3A_692 = arith.constant 2 : i32
          %mul3A_693 = arith.muli %mul3A_692, %rem3A_640 : i32
          %dma_start3A_694 = arith.constant 0 : i32
          %dma_start3A_695 = arith.constant 0 : i32
          %dma_start3A_696 = tpu.memref_slice %arg10[%dma_start3A_694, %dma_start3A_695] : memref<256x64xf32, #tpu.memory_space<vmem>> -> memref<128x64xf32, #tpu.memory_space<vmem>>
          %dma_start3A_697 = arith.constant 0 : i32
          %dma_start3A_698 = tpu.memref_slice %arg13[%sub3A_689, %mul3A_693, %rem3A_691, %dma_start3A_697] : memref<3x8x8x128xi32, #tpu.memory_space<vmem>> -> memref<1x1x1x128xi32, #tpu.memory_space<vmem>>
          %dma_start3A_699 = tpu.memref_squeeze %dma_start3A_698 : memref<1x1x1x128xi32, #tpu.memory_space<vmem>> -> memref<128xi32, #tpu.memory_space<vmem>>
          %dma_start3A_700 = arith.constant 0 : i32
          %dma_start3A_701 = arith.constant 0 : i32
          %dma_start3A_702 = tpu.memref_slice %arg4[%dma_start3A_700, %dma_start3A_701] : memref<100001x64xf32, #tpu.memory_space<hbm>> -> memref<100001x64xf32, #tpu.memory_space<hbm>>
          tpu.enqueue_indirect_dma source(%dma_start3A_702 : memref<100001x64xf32, #tpu.memory_space<hbm>>) target(%dma_start3A_696 : memref<128x64xf32, #tpu.memory_space<vmem>>) offsets(%dma_start3A_699 : memref<128xi32, #tpu.memory_space<vmem>>) semaphore(%arg12 : memref<!tpu.dma_semaphore, #tpu.memory_space<semaphore_mem>>)
          %mul3A_703 = arith.constant 2 : i32
          %mul3A_704 = arith.muli %mul3A_703, %rem3A_640 : i32
          %add3A_705 = arith.constant 1 : i32
          %add3A_706 = arith.addi %mul3A_704, %add3A_705 : i32
          %dma_start3A_707 = arith.constant 128 : i32
          %dma_start3A_708 = arith.constant 0 : i32
          %dma_start3A_709 = tpu.memref_slice %arg10[%dma_start3A_707, %dma_start3A_708] : memref<256x64xf32, #tpu.memory_space<vmem>> -> memref<128x64xf32, #tpu.memory_space<vmem>>
          %dma_start3A_710 = arith.constant 0 : i32
          %dma_start3A_711 = tpu.memref_slice %arg13[%sub3A_689, %add3A_706, %rem3A_691, %dma_start3A_710] : memref<3x8x8x128xi32, #tpu.memory_space<vmem>> -> memref<1x1x1x128xi32, #tpu.memory_space<vmem>>
          %dma_start3A_712 = tpu.memref_squeeze %dma_start3A_711 : memref<1x1x1x128xi32, #tpu.memory_space<vmem>> -> memref<128xi32, #tpu.memory_space<vmem>>
          %dma_start3A_713 = arith.constant 0 : i32
          %dma_start3A_714 = arith.constant 0 : i32
          %dma_start3A_715 = tpu.memref_slice %arg4[%dma_start3A_713, %dma_start3A_714] : memref<100001x64xf32, #tpu.memory_space<hbm>> -> memref<100001x64xf32, #tpu.memory_space<hbm>>
          tpu.enqueue_indirect_dma source(%dma_start3A_715 : memref<100001x64xf32, #tpu.memory_space<hbm>>) target(%dma_start3A_709 : memref<128x64xf32, #tpu.memory_space<vmem>>) offsets(%dma_start3A_712 : memref<128xi32, #tpu.memory_space<vmem>>) semaphore(%arg12 : memref<!tpu.dma_semaphore, #tpu.memory_space<semaphore_mem>>)
        } else {
        }
      }
      %scan3A_359 = arith.constant 25 : i32
      %dma_wait3A = arith.constant 0 : i32
      %dma_wait3A_360 = arith.constant 0 : i32
      %dma_wait3A_361 = arith.constant 0 : i32
      %dma_wait3A_362 = arith.constant 0 : i32
      %dma_wait3A_363 = arith.constant 0 : i32
      %dma_wait3A_364 = tpu.memref_slice %arg15[%dma_wait3A_360, %dma_wait3A_361, %dma_wait3A_362, %dma_wait3A_363] : memref<8x2x12x129xf32, #tpu.memory_space<vmem>> -> memref<8x2x8x128xf32, #tpu.memory_space<vmem>>
      %dma_wait3A_365 = arith.constant 0 : i32
      %dma_wait3A_366 = arith.constant 0 : i32
      %dma_wait3A_367 = arith.constant 0 : i32
      %dma_wait3A_368 = arith.constant 0 : i32
      %dma_wait3A_369 = tpu.memref_slice %arg7[%dma_wait3A, %dma_wait3A_365, %dma_wait3A_366, %dma_wait3A_367, %dma_wait3A_368] : memref<200x8x8x8x128xf32, #tpu.memory_space<hbm>> -> memref<1x8x2x8x128xf32, #tpu.memory_space<hbm>>
      %dma_wait3A_370 = tpu.memref_squeeze %dma_wait3A_369 : memref<1x8x2x8x128xf32, #tpu.memory_space<hbm>> -> memref<8x2x8x128xf32, #tpu.memory_space<hbm>>
      %dma_wait3A_371 = arith.constant 0 : i32
      %dma_wait3A_372 = arith.constant 0 : i32
      %dma_wait3A_373 = arith.constant 0 : i32
      %dma_wait3A_374 = arith.constant 0 : i32
      %dma_wait3A_375 = tpu.memref_slice %arg7[%dma_wait3A, %dma_wait3A_371, %dma_wait3A_372, %dma_wait3A_373, %dma_wait3A_374] : memref<200x8x8x8x128xf32, #tpu.memory_space<hbm>> -> memref<1x8x2x8x128xf32, #tpu.memory_space<hbm>>
      %dma_wait3A_376 = tpu.memref_squeeze %dma_wait3A_375 : memref<1x8x2x8x128xf32, #tpu.memory_space<hbm>> -> memref<8x2x8x128xf32, #tpu.memory_space<hbm>>
      %dma_wait3A_377 = arith.constant 0 : i32
      %dma_wait3A_378 = arith.constant 0 : i32
      %dma_wait3A_379 = arith.constant 0 : i32
      %dma_wait3A_380 = arith.constant 0 : i32
      %dma_wait3A_381 = tpu.memref_slice %arg15[%dma_wait3A_377, %dma_wait3A_378, %dma_wait3A_379, %dma_wait3A_380] : memref<8x2x12x129xf32, #tpu.memory_space<vmem>> -> memref<8x2x8x128xf32, #tpu.memory_space<vmem>>
      tpu.wait_dma2 semaphore(%arg17 : memref<!tpu.dma_semaphore, #tpu.memory_space<semaphore_mem>>) src(%dma_wait3A_381 : memref<8x2x8x128xf32, #tpu.memory_space<vmem>>) dst(%dma_wait3A_376 : memref<8x2x8x128xf32, #tpu.memory_space<hbm>>)
      %dma_wait3A_382 = arith.constant 0 : i32
      %dma_wait3A_383 = arith.constant 0 : i32
      %dma_wait3A_384 = arith.constant 0 : i32
      %dma_wait3A_385 = arith.constant 0 : i32
      %dma_wait3A_386 = arith.constant 0 : i32
      %dma_wait3A_387 = tpu.memref_slice %arg16[%dma_wait3A_383, %dma_wait3A_384, %dma_wait3A_385, %dma_wait3A_386] : memref<8x2x12x129xf32, #tpu.memory_space<vmem>> -> memref<8x2x8x128xf32, #tpu.memory_space<vmem>>
      %dma_wait3A_388 = arith.constant 0 : i32
      %dma_wait3A_389 = arith.constant 0 : i32
      %dma_wait3A_390 = arith.constant 0 : i32
      %dma_wait3A_391 = arith.constant 0 : i32
      %dma_wait3A_392 = tpu.memref_slice %arg7[%dma_wait3A_382, %dma_wait3A_388, %dma_wait3A_389, %dma_wait3A_390, %dma_wait3A_391] : memref<200x8x8x8x128xf32, #tpu.memory_space<hbm>> -> memref<1x8x2x8x128xf32, #tpu.memory_space<hbm>>
      %dma_wait3A_393 = tpu.memref_squeeze %dma_wait3A_392 : memref<1x8x2x8x128xf32, #tpu.memory_space<hbm>> -> memref<8x2x8x128xf32, #tpu.memory_space<hbm>>
      %dma_wait3A_394 = arith.constant 0 : i32
      %dma_wait3A_395 = arith.constant 0 : i32
      %dma_wait3A_396 = arith.constant 0 : i32
      %dma_wait3A_397 = arith.constant 0 : i32
      %dma_wait3A_398 = tpu.memref_slice %arg7[%dma_wait3A_382, %dma_wait3A_394, %dma_wait3A_395, %dma_wait3A_396, %dma_wait3A_397] : memref<200x8x8x8x128xf32, #tpu.memory_space<hbm>> -> memref<1x8x2x8x128xf32, #tpu.memory_space<hbm>>
      %dma_wait3A_399 = tpu.memref_squeeze %dma_wait3A_398 : memref<1x8x2x8x128xf32, #tpu.memory_space<hbm>> -> memref<8x2x8x128xf32, #tpu.memory_space<hbm>>
      %dma_wait3A_400 = arith.constant 0 : i32
      %dma_wait3A_401 = arith.constant 0 : i32
      %dma_wait3A_402 = arith.constant 0 : i32
      %dma_wait3A_403 = arith.constant 0 : i32
      %dma_wait3A_404 = tpu.memref_slice %arg16[%dma_wait3A_400, %dma_wait3A_401, %dma_wait3A_402, %dma_wait3A_403] : memref<8x2x12x129xf32, #tpu.memory_space<vmem>> -> memref<8x2x8x128xf32, #tpu.memory_space<vmem>>
      tpu.wait_dma2 semaphore(%arg18 : memref<!tpu.dma_semaphore, #tpu.memory_space<semaphore_mem>>) src(%dma_wait3A_404 : memref<8x2x8x128xf32, #tpu.memory_space<vmem>>) dst(%dma_wait3A_399 : memref<8x2x8x128xf32, #tpu.memory_space<hbm>>)
    } else {
    }
    %ge3A = arith.constant 16 : i32
    %ge3A_48 = arith.cmpi sge, %add3A, %ge3A : i32
    %convert_element_type3A_49 = arith.extui %ge3A_48 : i1 to i32
    %cond3A_50 = arith.constant 0 : i32
    %cond3A_51 = arith.cmpi ne, %convert_element_type3A_49, %cond3A_50 : i32
    scf.if %cond3A_51 {
      "tpu.region"() ({
        %run_scoped3A = tpu.sem_alloc : memref<!tpu.dma_semaphore, #tpu.memory_space<semaphore_mem>>
        %dma_start3A_405 = arith.constant 0 : i32
        %dma_start3A_406 = arith.constant 0 : i32
        %dma_start3A_407 = arith.constant 0 : i32
        %dma_start3A_408 = tpu.memref_slice %arg3[%min3A_45, %dma_start3A_405, %dma_start3A_406, %dma_start3A_407] : memref<25x8x8x128xi32, #tpu.memory_space<hbm>> -> memref<3x8x8x128xi32, #tpu.memory_space<hbm>>
        %dma_start3A_409 = arith.constant 0 : i32
        %dma_start3A_410 = arith.constant 0 : i32
        %dma_start3A_411 = arith.constant 0 : i32
        %dma_start3A_412 = tpu.memref_slice %arg3[%min3A_45, %dma_start3A_409, %dma_start3A_410, %dma_start3A_411] : memref<25x8x8x128xi32, #tpu.memory_space<hbm>> -> memref<3x8x8x128xi32, #tpu.memory_space<hbm>>
        tpu.enqueue_dma source(%dma_start3A_412 : memref<3x8x8x128xi32, #tpu.memory_space<hbm>>) target(%arg13 : memref<3x8x8x128xi32, #tpu.memory_space<vmem>>) target_semaphore(%run_scoped3A : memref<!tpu.dma_semaphore, #tpu.memory_space<semaphore_mem>>)
        %dma_wait3A_413 = arith.constant 0 : i32
        %dma_wait3A_414 = arith.constant 0 : i32
        %dma_wait3A_415 = arith.constant 0 : i32
        %dma_wait3A_416 = tpu.memref_slice %arg3[%min3A_45, %dma_wait3A_413, %dma_wait3A_414, %dma_wait3A_415] : memref<25x8x8x128xi32, #tpu.memory_space<hbm>> -> memref<3x8x8x128xi32, #tpu.memory_space<hbm>>
        %dma_wait3A_417 = arith.constant 0 : i32
        %dma_wait3A_418 = arith.constant 0 : i32
        %dma_wait3A_419 = arith.constant 0 : i32
        %dma_wait3A_420 = tpu.memref_slice %arg3[%min3A_45, %dma_wait3A_417, %dma_wait3A_418, %dma_wait3A_419] : memref<25x8x8x128xi32, #tpu.memory_space<hbm>> -> memref<3x8x8x128xi32, #tpu.memory_space<hbm>>
        tpu.wait_dma2 semaphore(%run_scoped3A : memref<!tpu.dma_semaphore, #tpu.memory_space<semaphore_mem>>) src(%dma_wait3A_420 : memref<3x8x8x128xi32, #tpu.memory_space<hbm>>) dst(%arg13 : memref<3x8x8x128xi32, #tpu.memory_space<vmem>>)
        tpu.yield
      }) : () -> ()
      %iota3A = tpu.iota {dimensions = array<i32: 0>} : vector<16xi32>
      %jit3A_52 = arith.constant 8 : i32
      %div3A_53 = vector.broadcast %jit3A_52 : i32 to vector<16xi32>
      %div3A_54 = arith.divsi %iota3A, %div3A_53 : vector<16xi32>
      %sign3A_55 = arith.constant 0 : i32
      %sign3A_56 = vector.broadcast %sign3A_55 : i32 to vector<16xi32>
      %sign3A_57 = arith.cmpi sgt, %iota3A, %sign3A_56 : vector<16xi32>
      %sign3A_58 = arith.extui %sign3A_57 : vector<16xi1> to vector<16xi32>
      %sign3A_59 = arith.constant 0 : i32
      %sign3A_60 = vector.broadcast %sign3A_59 : i32 to vector<16xi32>
      %sign3A_61 = arith.cmpi slt, %iota3A, %sign3A_60 : vector<16xi32>
      %sign3A_62 = arith.extui %sign3A_61 : vector<16xi1> to vector<16xi32>
      %sign3A_63 = arith.subi %sign3A_58, %sign3A_62 : vector<16xi32>
      %sign3A_64 = arith.constant 0 : i32
      %sign3A_65 = arith.cmpi sgt, %jit3A_52, %sign3A_64 : i32
      %sign3A_66 = arith.extui %sign3A_65 : i1 to i32
      %sign3A_67 = arith.constant 0 : i32
      %sign3A_68 = arith.cmpi slt, %jit3A_52, %sign3A_67 : i32
      %sign3A_69 = arith.extui %sign3A_68 : i1 to i32
      %sign3A_70 = arith.subi %sign3A_66, %sign3A_69 : i32
      %ne3A_71 = vector.broadcast %sign3A_70 : i32 to vector<16xi32>
      %ne3A_72 = arith.cmpi ne, %sign3A_63, %ne3A_71 : vector<16xi32>
      %rem3A_73 = vector.broadcast %jit3A_52 : i32 to vector<16xi32>
      %rem3A_74 = arith.remsi %iota3A, %rem3A_73 : vector<16xi32>
      %ne3A_75 = arith.constant 0 : i32
      %ne3A_76 = vector.broadcast %ne3A_75 : i32 to vector<16xi32>
      %ne3A_77 = arith.cmpi ne, %rem3A_74, %ne3A_76 : vector<16xi32>
      %and3A_78 = arith.andi %ne3A_72, %ne3A_77 : vector<16xi1>
      %sub3A_79 = arith.constant 1 : i32
      %sub3A_80 = vector.broadcast %sub3A_79 : i32 to vector<16xi32>
      %sub3A_81 = arith.subi %div3A_54, %sub3A_80 : vector<16xi32>
      %select_n3A_82 = arith.select %and3A_78, %sub3A_81, %div3A_54 : vector<16xi1>, vector<16xi32>
      %add3A_83 = arith.constant 0 : i32
      %add3A_84 = vector.broadcast %add3A_83 : i32 to vector<16xi32>
      %add3A_85 = arith.addi %add3A_84, %select_n3A_82 : vector<16xi32>
      %jit3A_86 = arith.constant 8 : i32
      %div3A_87 = vector.broadcast %jit3A_86 : i32 to vector<16xi32>
      %div3A_88 = arith.divsi %iota3A, %div3A_87 : vector<16xi32>
      %sign3A_89 = arith.constant 0 : i32
      %sign3A_90 = vector.broadcast %sign3A_89 : i32 to vector<16xi32>
      %sign3A_91 = arith.cmpi sgt, %iota3A, %sign3A_90 : vector<16xi32>
      %sign3A_92 = arith.extui %sign3A_91 : vector<16xi1> to vector<16xi32>
      %sign3A_93 = arith.constant 0 : i32
      %sign3A_94 = vector.broadcast %sign3A_93 : i32 to vector<16xi32>
      %sign3A_95 = arith.cmpi slt, %iota3A, %sign3A_94 : vector<16xi32>
      %sign3A_96 = arith.extui %sign3A_95 : vector<16xi1> to vector<16xi32>
      %sign3A_97 = arith.subi %sign3A_92, %sign3A_96 : vector<16xi32>
      %sign3A_98 = arith.constant 0 : i32
      %sign3A_99 = arith.cmpi sgt, %jit3A_86, %sign3A_98 : i32
      %sign3A_100 = arith.extui %sign3A_99 : i1 to i32
      %sign3A_101 = arith.constant 0 : i32
      %sign3A_102 = arith.cmpi slt, %jit3A_86, %sign3A_101 : i32
      %sign3A_103 = arith.extui %sign3A_102 : i1 to i32
      %sign3A_104 = arith.subi %sign3A_100, %sign3A_103 : i32
      %ne3A_105 = vector.broadcast %sign3A_104 : i32 to vector<16xi32>
      %ne3A_106 = arith.cmpi ne, %sign3A_97, %ne3A_105 : vector<16xi32>
      %rem3A_107 = vector.broadcast %jit3A_86 : i32 to vector<16xi32>
      %rem3A_108 = arith.remsi %iota3A, %rem3A_107 : vector<16xi32>
      %ne3A_109 = arith.constant 0 : i32
      %ne3A_110 = vector.broadcast %ne3A_109 : i32 to vector<16xi32>
      %ne3A_111 = arith.cmpi ne, %rem3A_108, %ne3A_110 : vector<16xi32>
      %and3A_112 = arith.andi %ne3A_106, %ne3A_111 : vector<16xi1>
      %sub3A_113 = arith.constant 1 : i32
      %sub3A_114 = vector.broadcast %sub3A_113 : i32 to vector<16xi32>
      %sub3A_115 = arith.subi %div3A_88, %sub3A_114 : vector<16xi32>
      %select_n3A_116 = arith.select %and3A_112, %sub3A_115, %div3A_88 : vector<16xi1>, vector<16xi32>
      %add3A_117 = arith.constant 2 : i32
      %add3A_118 = vector.broadcast %add3A_117 : i32 to vector<16xi32>
      %add3A_119 = arith.addi %add3A_118, %select_n3A_116 : vector<16xi32>
      %jit3A_120 = arith.constant 8 : i32
      %div3A_121 = vector.broadcast %jit3A_120 : i32 to vector<16xi32>
      %div3A_122 = arith.divsi %iota3A, %div3A_121 : vector<16xi32>
      %sign3A_123 = arith.constant 0 : i32
      %sign3A_124 = vector.broadcast %sign3A_123 : i32 to vector<16xi32>
      %sign3A_125 = arith.cmpi sgt, %iota3A, %sign3A_124 : vector<16xi32>
      %sign3A_126 = arith.extui %sign3A_125 : vector<16xi1> to vector<16xi32>
      %sign3A_127 = arith.constant 0 : i32
      %sign3A_128 = vector.broadcast %sign3A_127 : i32 to vector<16xi32>
      %sign3A_129 = arith.cmpi slt, %iota3A, %sign3A_128 : vector<16xi32>
      %sign3A_130 = arith.extui %sign3A_129 : vector<16xi1> to vector<16xi32>
      %sign3A_131 = arith.subi %sign3A_126, %sign3A_130 : vector<16xi32>
      %sign3A_132 = arith.constant 0 : i32
      %sign3A_133 = arith.cmpi sgt, %jit3A_120, %sign3A_132 : i32
      %sign3A_134 = arith.extui %sign3A_133 : i1 to i32
      %sign3A_135 = arith.constant 0 : i32
      %sign3A_136 = arith.cmpi slt, %jit3A_120, %sign3A_135 : i32
      %sign3A_137 = arith.extui %sign3A_136 : i1 to i32
      %sign3A_138 = arith.subi %sign3A_134, %sign3A_137 : i32
      %ne3A_139 = vector.broadcast %sign3A_138 : i32 to vector<16xi32>
      %ne3A_140 = arith.cmpi ne, %sign3A_131, %ne3A_139 : vector<16xi32>
      %rem3A_141 = vector.broadcast %jit3A_120 : i32 to vector<16xi32>
      %rem3A_142 = arith.remsi %iota3A, %rem3A_141 : vector<16xi32>
      %ne3A_143 = arith.constant 0 : i32
      %ne3A_144 = vector.broadcast %ne3A_143 : i32 to vector<16xi32>
      %ne3A_145 = arith.cmpi ne, %rem3A_142, %ne3A_144 : vector<16xi32>
      %and3A_146 = arith.andi %ne3A_140, %ne3A_145 : vector<16xi1>
      %sub3A_147 = arith.constant 1 : i32
      %sub3A_148 = vector.broadcast %sub3A_147 : i32 to vector<16xi32>
      %sub3A_149 = arith.subi %div3A_122, %sub3A_148 : vector<16xi32>
      %select_n3A_150 = arith.select %and3A_146, %sub3A_149, %div3A_122 : vector<16xi1>, vector<16xi32>
      %add3A_151 = arith.constant 4 : i32
      %add3A_152 = vector.broadcast %add3A_151 : i32 to vector<16xi32>
      %add3A_153 = arith.addi %add3A_152, %select_n3A_150 : vector<16xi32>
      %jit3A_154 = arith.constant 8 : i32
      %div3A_155 = vector.broadcast %jit3A_154 : i32 to vector<16xi32>
      %div3A_156 = arith.divsi %iota3A, %div3A_155 : vector<16xi32>
      %sign3A_157 = arith.constant 0 : i32
      %sign3A_158 = vector.broadcast %sign3A_157 : i32 to vector<16xi32>
      %sign3A_159 = arith.cmpi sgt, %iota3A, %sign3A_158 : vector<16xi32>
      %sign3A_160 = arith.extui %sign3A_159 : vector<16xi1> to vector<16xi32>
      %sign3A_161 = arith.constant 0 : i32
      %sign3A_162 = vector.broadcast %sign3A_161 : i32 to vector<16xi32>
      %sign3A_163 = arith.cmpi slt, %iota3A, %sign3A_162 : vector<16xi32>
      %sign3A_164 = arith.extui %sign3A_163 : vector<16xi1> to vector<16xi32>
      %sign3A_165 = arith.subi %sign3A_160, %sign3A_164 : vector<16xi32>
      %sign3A_166 = arith.constant 0 : i32
      %sign3A_167 = arith.cmpi sgt, %jit3A_154, %sign3A_166 : i32
      %sign3A_168 = arith.extui %sign3A_167 : i1 to i32
      %sign3A_169 = arith.constant 0 : i32
      %sign3A_170 = arith.cmpi slt, %jit3A_154, %sign3A_169 : i32
      %sign3A_171 = arith.extui %sign3A_170 : i1 to i32
      %sign3A_172 = arith.subi %sign3A_168, %sign3A_171 : i32
      %ne3A_173 = vector.broadcast %sign3A_172 : i32 to vector<16xi32>
      %ne3A_174 = arith.cmpi ne, %sign3A_165, %ne3A_173 : vector<16xi32>
      %rem3A_175 = vector.broadcast %jit3A_154 : i32 to vector<16xi32>
      %rem3A_176 = arith.remsi %iota3A, %rem3A_175 : vector<16xi32>
      %ne3A_177 = arith.constant 0 : i32
      %ne3A_178 = vector.broadcast %ne3A_177 : i32 to vector<16xi32>
      %ne3A_179 = arith.cmpi ne, %rem3A_176, %ne3A_178 : vector<16xi32>
      %and3A_180 = arith.andi %ne3A_174, %ne3A_179 : vector<16xi1>
      %sub3A_181 = arith.constant 1 : i32
      %sub3A_182 = vector.broadcast %sub3A_181 : i32 to vector<16xi32>
      %sub3A_183 = arith.subi %div3A_156, %sub3A_182 : vector<16xi32>
      %select_n3A_184 = arith.select %and3A_180, %sub3A_183, %div3A_156 : vector<16xi1>, vector<16xi32>
      %add3A_185 = arith.constant 6 : i32
      %add3A_186 = vector.broadcast %add3A_185 : i32 to vector<16xi32>
      %add3A_187 = arith.addi %add3A_186, %select_n3A_184 : vector<16xi32>
      %rem3A_188 = arith.constant 8 : i32
      %rem3A_189 = vector.broadcast %rem3A_188 : i32 to vector<16xi32>
      %rem3A_190 = arith.remsi %iota3A, %rem3A_189 : vector<16xi32>
      %broadcast_in_dim3A = arith.constant 0 : i32
      %broadcast_in_dim3A_191 = vector.broadcast %broadcast_in_dim3A : i32 to vector<16xi32>
      %broadcast_in_dim3A_192 = arith.constant 1 : i32
      %broadcast_in_dim3A_193 = vector.broadcast %broadcast_in_dim3A_192 : i32 to vector<16xi32>
      %mul3A_194 = arith.constant 50 : i32
      %mul3A_195 = arith.muli %mul3A_194, %rem3A_1 : i32
      %add3A_196 = arith.constant 0 : i32
      %add3A_197 = arith.addi %mul3A_195, %add3A_196 : i32
      %rem3A_198 = arith.constant 4 : i32
      %rem3A_199 = arith.remsi %add3A_197, %rem3A_198 : i32
      %jit3A_200 = arith.constant 4 : i32
      %div3A_201 = arith.divsi %add3A_197, %jit3A_200 : i32
      %sign3A_202 = arith.constant 0 : i32
      %sign3A_203 = arith.cmpi sgt, %add3A_197, %sign3A_202 : i32
      %sign3A_204 = arith.extui %sign3A_203 : i1 to i32
      %sign3A_205 = arith.constant 0 : i32
      %sign3A_206 = arith.cmpi slt, %add3A_197, %sign3A_205 : i32
      %sign3A_207 = arith.extui %sign3A_206 : i1 to i32
      %sign3A_208 = arith.subi %sign3A_204, %sign3A_207 : i32
      %sign3A_209 = arith.constant 0 : i32
      %sign3A_210 = arith.cmpi sgt, %jit3A_200, %sign3A_209 : i32
      %sign3A_211 = arith.extui %sign3A_210 : i1 to i32
      %sign3A_212 = arith.constant 0 : i32
      %sign3A_213 = arith.cmpi slt, %jit3A_200, %sign3A_212 : i32
      %sign3A_214 = arith.extui %sign3A_213 : i1 to i32
      %sign3A_215 = arith.subi %sign3A_211, %sign3A_214 : i32
      %ne3A_216 = arith.cmpi ne, %sign3A_208, %sign3A_215 : i32
      %rem3A_217 = arith.remsi %add3A_197, %jit3A_200 : i32
      %ne3A_218 = arith.constant 0 : i32
      %ne3A_219 = arith.cmpi ne, %rem3A_217, %ne3A_218 : i32
      %and3A_220 = arith.andi %ne3A_216, %ne3A_219 : i1
      %sub3A_221 = arith.constant 1 : i32
      %sub3A_222 = arith.subi %div3A_201, %sub3A_221 : i32
      %select_n3A_223 = arith.select %and3A_220, %sub3A_222, %div3A_201 : i32
      %jit3A_224 = arith.constant 8 : i32
      %div3A_225 = arith.divsi %select_n3A_223, %jit3A_224 : i32
      %sign3A_226 = arith.constant 0 : i32
      %sign3A_227 = arith.cmpi sgt, %select_n3A_223, %sign3A_226 : i32
      %sign3A_228 = arith.extui %sign3A_227 : i1 to i32
      %sign3A_229 = arith.constant 0 : i32
      %sign3A_230 = arith.cmpi slt, %select_n3A_223, %sign3A_229 : i32
      %sign3A_231 = arith.extui %sign3A_230 : i1 to i32
      %sign3A_232 = arith.subi %sign3A_228, %sign3A_231 : i32
      %sign3A_233 = arith.constant 0 : i32
      %sign3A_234 = arith.cmpi sgt, %jit3A_224, %sign3A_233 : i32
      %sign3A_235 = arith.extui %sign3A_234 : i1 to i32
      %sign3A_236 = arith.constant 0 : i32
      %sign3A_237 = arith.cmpi slt, %jit3A_224, %sign3A_236 : i32
      %sign3A_238 = arith.extui %sign3A_237 : i1 to i32
      %sign3A_239 = arith.subi %sign3A_235, %sign3A_238 : i32
      %ne3A_240 = arith.cmpi ne, %sign3A_232, %sign3A_239 : i32
      %rem3A_241 = arith.remsi %select_n3A_223, %jit3A_224 : i32
      %ne3A_242 = arith.constant 0 : i32
      %ne3A_243 = arith.cmpi ne, %rem3A_241, %ne3A_242 : i32
      %and3A_244 = arith.andi %ne3A_240, %ne3A_243 : i1
      %sub3A_245 = arith.constant 1 : i32
      %sub3A_246 = arith.subi %div3A_225, %sub3A_245 : i32
      %select_n3A_247 = arith.select %and3A_244, %sub3A_246, %div3A_225 : i32
      %sub3A_248 = arith.subi %select_n3A_247, %min3A_45 : i32
      %rem3A_249 = arith.constant 8 : i32
      %rem3A_250 = arith.remsi %select_n3A_223, %rem3A_249 : i32
      %mul3A_251 = arith.constant 2 : i32
      %mul3A_252 = arith.muli %mul3A_251, %rem3A_199 : i32
      %dma_start3A = arith.constant 0 : i32
      %dma_start3A_253 = arith.constant 0 : i32
      %dma_start3A_254 = tpu.memref_slice %arg9[%dma_start3A, %dma_start3A_253] : memref<256x64xf32, #tpu.memory_space<vmem>> -> memref<128x64xf32, #tpu.memory_space<vmem>>
      %dma_start3A_255 = arith.constant 0 : i32
      %dma_start3A_256 = tpu.memref_slice %arg13[%sub3A_248, %mul3A_252, %rem3A_250, %dma_start3A_255] : memref<3x8x8x128xi32, #tpu.memory_space<vmem>> -> memref<1x1x1x128xi32, #tpu.memory_space<vmem>>
      %dma_start3A_257 = tpu.memref_squeeze %dma_start3A_256 : memref<1x1x1x128xi32, #tpu.memory_space<vmem>> -> memref<128xi32, #tpu.memory_space<vmem>>
      %dma_start3A_258 = arith.constant 0 : i32
      %dma_start3A_259 = arith.constant 0 : i32
      %dma_start3A_260 = tpu.memref_slice %arg5[%dma_start3A_258, %dma_start3A_259] : memref<100001x64xf32, #tpu.memory_space<hbm>> -> memref<100001x64xf32, #tpu.memory_space<hbm>>
      tpu.enqueue_indirect_dma source(%dma_start3A_260 : memref<100001x64xf32, #tpu.memory_space<hbm>>) target(%dma_start3A_254 : memref<128x64xf32, #tpu.memory_space<vmem>>) offsets(%dma_start3A_257 : memref<128xi32, #tpu.memory_space<vmem>>) semaphore(%arg11 : memref<!tpu.dma_semaphore, #tpu.memory_space<semaphore_mem>>)
      %mul3A_261 = arith.constant 2 : i32
      %mul3A_262 = arith.muli %mul3A_261, %rem3A_199 : i32
      %add3A_263 = arith.constant 1 : i32
      %add3A_264 = arith.addi %mul3A_262, %add3A_263 : i32
      %dma_start3A_265 = arith.constant 128 : i32
      %dma_start3A_266 = arith.constant 0 : i32
      %dma_start3A_267 = tpu.memref_slice %arg9[%dma_start3A_265, %dma_start3A_266] : memref<256x64xf32, #tpu.memory_space<vmem>> -> memref<128x64xf32, #tpu.memory_space<vmem>>
      %dma_start3A_268 = arith.constant 0 : i32
      %dma_start3A_269 = tpu.memref_slice %arg13[%sub3A_248, %add3A_264, %rem3A_250, %dma_start3A_268] : memref<3x8x8x128xi32, #tpu.memory_space<vmem>> -> memref<1x1x1x128xi32, #tpu.memory_space<vmem>>
      %dma_start3A_270 = tpu.memref_squeeze %dma_start3A_269 : memref<1x1x1x128xi32, #tpu.memory_space<vmem>> -> memref<128xi32, #tpu.memory_space<vmem>>
      %dma_start3A_271 = arith.constant 0 : i32
      %dma_start3A_272 = arith.constant 0 : i32
      %dma_start3A_273 = tpu.memref_slice %arg5[%dma_start3A_271, %dma_start3A_272] : memref<100001x64xf32, #tpu.memory_space<hbm>> -> memref<100001x64xf32, #tpu.memory_space<hbm>>
      tpu.enqueue_indirect_dma source(%dma_start3A_273 : memref<100001x64xf32, #tpu.memory_space<hbm>>) target(%dma_start3A_267 : memref<128x64xf32, #tpu.memory_space<vmem>>) offsets(%dma_start3A_270 : memref<128xi32, #tpu.memory_space<vmem>>) semaphore(%arg11 : memref<!tpu.dma_semaphore, #tpu.memory_space<semaphore_mem>>)
      %mul3A_274 = arith.constant 50 : i32
      %mul3A_275 = arith.muli %mul3A_274, %rem3A_1 : i32
      %add3A_276 = arith.constant 1 : i32
      %add3A_277 = arith.addi %mul3A_275, %add3A_276 : i32
      %rem3A_278 = arith.constant 4 : i32
      %rem3A_279 = arith.remsi %add3A_277, %rem3A_278 : i32
      %jit3A_280 = arith.constant 4 : i32
      %div3A_281 = arith.divsi %add3A_277, %jit3A_280 : i32
      %sign3A_282 = arith.constant 0 : i32
      %sign3A_283 = arith.cmpi sgt, %add3A_277, %sign3A_282 : i32
      %sign3A_284 = arith.extui %sign3A_283 : i1 to i32
      %sign3A_285 = arith.constant 0 : i32
      %sign3A_286 = arith.cmpi slt, %add3A_277, %sign3A_285 : i32
      %sign3A_287 = arith.extui %sign3A_286 : i1 to i32
      %sign3A_288 = arith.subi %sign3A_284, %sign3A_287 : i32
      %sign3A_289 = arith.constant 0 : i32
      %sign3A_290 = arith.cmpi sgt, %jit3A_280, %sign3A_289 : i32
      %sign3A_291 = arith.extui %sign3A_290 : i1 to i32
      %sign3A_292 = arith.constant 0 : i32
      %sign3A_293 = arith.cmpi slt, %jit3A_280, %sign3A_292 : i32
      %sign3A_294 = arith.extui %sign3A_293 : i1 to i32
      %sign3A_295 = arith.subi %sign3A_291, %sign3A_294 : i32
      %ne3A_296 = arith.cmpi ne, %sign3A_288, %sign3A_295 : i32
      %rem3A_297 = arith.remsi %add3A_277, %jit3A_280 : i32
      %ne3A_298 = arith.constant 0 : i32
      %ne3A_299 = arith.cmpi ne, %rem3A_297, %ne3A_298 : i32
      %and3A_300 = arith.andi %ne3A_296, %ne3A_299 : i1
      %sub3A_301 = arith.constant 1 : i32
      %sub3A_302 = arith.subi %div3A_281, %sub3A_301 : i32
      %select_n3A_303 = arith.select %and3A_300, %sub3A_302, %div3A_281 : i32
      %jit3A_304 = arith.constant 8 : i32
      %div3A_305 = arith.divsi %select_n3A_303, %jit3A_304 : i32
      %sign3A_306 = arith.constant 0 : i32
      %sign3A_307 = arith.cmpi sgt, %select_n3A_303, %sign3A_306 : i32
      %sign3A_308 = arith.extui %sign3A_307 : i1 to i32
      %sign3A_309 = arith.constant 0 : i32
      %sign3A_310 = arith.cmpi slt, %select_n3A_303, %sign3A_309 : i32
      %sign3A_311 = arith.extui %sign3A_310 : i1 to i32
      %sign3A_312 = arith.subi %sign3A_308, %sign3A_311 : i32
      %sign3A_313 = arith.constant 0 : i32
      %sign3A_314 = arith.cmpi sgt, %jit3A_304, %sign3A_313 : i32
      %sign3A_315 = arith.extui %sign3A_314 : i1 to i32
      %sign3A_316 = arith.constant 0 : i32
      %sign3A_317 = arith.cmpi slt, %jit3A_304, %sign3A_316 : i32
      %sign3A_318 = arith.extui %sign3A_317 : i1 to i32
      %sign3A_319 = arith.subi %sign3A_315, %sign3A_318 : i32
      %ne3A_320 = arith.cmpi ne, %sign3A_312, %sign3A_319 : i32
      %rem3A_321 = arith.remsi %select_n3A_303, %jit3A_304 : i32
      %ne3A_322 = arith.constant 0 : i32
      %ne3A_323 = arith.cmpi ne, %rem3A_321, %ne3A_322 : i32
      %and3A_324 = arith.andi %ne3A_320, %ne3A_323 : i1
      %sub3A_325 = arith.constant 1 : i32
      %sub3A_326 = arith.subi %div3A_305, %sub3A_325 : i32
      %select_n3A_327 = arith.select %and3A_324, %sub3A_326, %div3A_305 : i32
      %sub3A_328 = arith.subi %select_n3A_327, %min3A_45 : i32
      %rem3A_329 = arith.constant 8 : i32
      %rem3A_330 = arith.remsi %select_n3A_303, %rem3A_329 : i32
      %mul3A_331 = arith.constant 2 : i32
      %mul3A_332 = arith.muli %mul3A_331, %rem3A_279 : i32
      %dma_start3A_333 = arith.constant 0 : i32
      %dma_start3A_334 = arith.constant 0 : i32
      %dma_start3A_335 = tpu.memref_slice %arg10[%dma_start3A_333, %dma_start3A_334] : memref<256x64xf32, #tpu.memory_space<vmem>> -> memref<128x64xf32, #tpu.memory_space<vmem>>
      %dma_start3A_336 = arith.constant 0 : i32
      %dma_start3A_337 = tpu.memref_slice %arg13[%sub3A_328, %mul3A_332, %rem3A_330, %dma_start3A_336] : memref<3x8x8x128xi32, #tpu.memory_space<vmem>> -> memref<1x1x1x128xi32, #tpu.memory_space<vmem>>
      %dma_start3A_338 = tpu.memref_squeeze %dma_start3A_337 : memref<1x1x1x128xi32, #tpu.memory_space<vmem>> -> memref<128xi32, #tpu.memory_space<vmem>>
      %dma_start3A_339 = arith.constant 0 : i32
      %dma_start3A_340 = arith.constant 0 : i32
      %dma_start3A_341 = tpu.memref_slice %arg5[%dma_start3A_339, %dma_start3A_340] : memref<100001x64xf32, #tpu.memory_space<hbm>> -> memref<100001x64xf32, #tpu.memory_space<hbm>>
      tpu.enqueue_indirect_dma source(%dma_start3A_341 : memref<100001x64xf32, #tpu.memory_space<hbm>>) target(%dma_start3A_335 : memref<128x64xf32, #tpu.memory_space<vmem>>) offsets(%dma_start3A_338 : memref<128xi32, #tpu.memory_space<vmem>>) semaphore(%arg12 : memref<!tpu.dma_semaphore, #tpu.memory_space<semaphore_mem>>)
      %mul3A_342 = arith.constant 2 : i32
      %mul3A_343 = arith.muli %mul3A_342, %rem3A_279 : i32
      %add3A_344 = arith.constant 1 : i32
      %add3A_345 = arith.addi %mul3A_343, %add3A_344 : i32
      %dma_start3A_346 = arith.constant 128 : i32
      %dma_start3A_347 = arith.constant 0 : i32
      %dma_start3A_348 = tpu.memref_slice %arg10[%dma_start3A_346, %dma_start3A_347] : memref<256x64xf32, #tpu.memory_space<vmem>> -> memref<128x64xf32, #tpu.memory_space<vmem>>
      %dma_start3A_349 = arith.constant 0 : i32
      %dma_start3A_350 = tpu.memref_slice %arg13[%sub3A_328, %add3A_345, %rem3A_330, %dma_start3A_349] : memref<3x8x8x128xi32, #tpu.memory_space<vmem>> -> memref<1x1x1x128xi32, #tpu.memory_space<vmem>>
      %dma_start3A_351 = tpu.memref_squeeze %dma_start3A_350 : memref<1x1x1x128xi32, #tpu.memory_space<vmem>> -> memref<128xi32, #tpu.memory_space<vmem>>
      %dma_start3A_352 = arith.constant 0 : i32
      %dma_start3A_353 = arith.constant 0 : i32
      %dma_start3A_354 = tpu.memref_slice %arg5[%dma_start3A_352, %dma_start3A_353] : memref<100001x64xf32, #tpu.memory_space<hbm>> -> memref<100001x64xf32, #tpu.memory_space<hbm>>
      tpu.enqueue_indirect_dma source(%dma_start3A_354 : memref<100001x64xf32, #tpu.memory_space<hbm>>) target(%dma_start3A_348 : memref<128x64xf32, #tpu.memory_space<vmem>>) offsets(%dma_start3A_351 : memref<128xi32, #tpu.memory_space<vmem>>) semaphore(%arg12 : memref<!tpu.dma_semaphore, #tpu.memory_space<semaphore_mem>>)
      %scan3A = arith.constant 0 : i32
      %scan3A_355 = arith.constant 0 : i32
      %scan3A_356 = arith.constant 25 : i32
      %scan3A_357 = arith.addi %scan3A_355, %scan3A_356 : i32
      %scan3A_358 = arith.constant 1 : i32
      scf.for %scan3A_405 = %scan3A_355 to %scan3A_357 step %scan3A_358  : i32 {
        %mul3A_406 = arith.constant 2 : i32
        %mul3A_407 = arith.muli %mul3A_406, %scan3A_405 : i32
        %mul3A_408 = arith.constant 50 : i32
        %mul3A_409 = arith.muli %mul3A_408, %rem3A_1 : i32
        %add3A_410 = arith.addi %mul3A_409, %mul3A_407 : i32
        %jit3A_411 = arith.constant 4 : i32
        %div3A_412 = arith.divsi %add3A_410, %jit3A_411 : i32
        %sign3A_413 = arith.constant 0 : i32
        %sign3A_414 = arith.cmpi sgt, %add3A_410, %sign3A_413 : i32
        %sign3A_415 = arith.extui %sign3A_414 : i1 to i32
        %sign3A_416 = arith.constant 0 : i32
        %sign3A_417 = arith.cmpi slt, %add3A_410, %sign3A_416 : i32
        %sign3A_418 = arith.extui %sign3A_417 : i1 to i32
        %sign3A_419 = arith.subi %sign3A_415, %sign3A_418 : i32
        %sign3A_420 = arith.constant 0 : i32
        %sign3A_421 = arith.cmpi sgt, %jit3A_411, %sign3A_420 : i32
        %sign3A_422 = arith.extui %sign3A_421 : i1 to i32
        %sign3A_423 = arith.constant 0 : i32
        %sign3A_424 = arith.cmpi slt, %jit3A_411, %sign3A_423 : i32
        %sign3A_425 = arith.extui %sign3A_424 : i1 to i32
        %sign3A_426 = arith.subi %sign3A_422, %sign3A_425 : i32
        %ne3A_427 = arith.cmpi ne, %sign3A_419, %sign3A_426 : i32
        %rem3A_428 = arith.remsi %add3A_410, %jit3A_411 : i32
        %ne3A_429 = arith.constant 0 : i32
        %ne3A_430 = arith.cmpi ne, %rem3A_428, %ne3A_429 : i32
        %and3A_431 = arith.andi %ne3A_427, %ne3A_430 : i1
        %sub3A_432 = arith.constant 1 : i32
        %sub3A_433 = arith.subi %div3A_412, %sub3A_432 : i32
        %select_n3A_434 = arith.select %and3A_431, %sub3A_433, %div3A_412 : i32
        %sub3A_435 = arith.subi %select_n3A_434, %select_n3A : i32
        %rem3A_436 = arith.constant 4 : i32
        %rem3A_437 = arith.remsi %add3A_410, %rem3A_436 : i32
        %dma_wait3A_438 = arith.constant 0 : i32
        %dma_wait3A_439 = arith.constant 0 : i32
        %dma_wait3A_440 = tpu.memref_slice %arg5[%dma_wait3A_438, %dma_wait3A_439] : memref<100001x64xf32, #tpu.memory_space<hbm>> -> memref<256x64xf32, #tpu.memory_space<hbm>>
        %dma_wait3A_441 = arith.constant 0 : i32
        %dma_wait3A_442 = arith.constant 0 : i32
        %dma_wait3A_443 = tpu.memref_slice %arg5[%dma_wait3A_441, %dma_wait3A_442] : memref<100001x64xf32, #tpu.memory_space<hbm>> -> memref<256x64xf32, #tpu.memory_space<hbm>>
        tpu.wait_dma2 semaphore(%arg11 : memref<!tpu.dma_semaphore, #tpu.memory_space<semaphore_mem>>) src(%dma_wait3A_443 : memref<256x64xf32, #tpu.memory_space<hbm>>) dst(%arg9 : memref<256x64xf32, #tpu.memory_space<vmem>>)
        %ge3A_444 = arith.constant 1 : i32
        %ge3A_445 = arith.cmpi sge, %scan3A_405, %ge3A_444 : i32
        %convert_element_type3A_446 = arith.extui %ge3A_445 : i1 to i32
        %cond3A_447 = arith.constant 0 : i32
        %cond3A_448 = arith.cmpi ne, %convert_element_type3A_446, %cond3A_447 : i32
        scf.if %cond3A_448 {
          %dma_wait3A_634 = arith.constant 0 : i32
          %dma_wait3A_635 = arith.constant 0 : i32
          %dma_wait3A_636 = arith.constant 0 : i32
          %dma_wait3A_637 = arith.constant 0 : i32
          %dma_wait3A_638 = arith.constant 0 : i32
          %dma_wait3A_639 = tpu.memref_slice %arg15[%dma_wait3A_635, %dma_wait3A_636, %dma_wait3A_637, %dma_wait3A_638] : memref<8x2x12x129xf32, #tpu.memory_space<vmem>> -> memref<8x2x8x128xf32, #tpu.memory_space<vmem>>
          %dma_wait3A_640 = arith.constant 0 : i32
          %dma_wait3A_641 = arith.constant 0 : i32
          %dma_wait3A_642 = arith.constant 0 : i32
          %dma_wait3A_643 = arith.constant 0 : i32
          %dma_wait3A_644 = tpu.memref_slice %arg8[%dma_wait3A_634, %dma_wait3A_640, %dma_wait3A_641, %dma_wait3A_642, %dma_wait3A_643] : memref<200x8x8x8x128xf32, #tpu.memory_space<hbm>> -> memref<1x8x2x8x128xf32, #tpu.memory_space<hbm>>
          %dma_wait3A_645 = tpu.memref_squeeze %dma_wait3A_644 : memref<1x8x2x8x128xf32, #tpu.memory_space<hbm>> -> memref<8x2x8x128xf32, #tpu.memory_space<hbm>>
          %dma_wait3A_646 = arith.constant 0 : i32
          %dma_wait3A_647 = arith.constant 0 : i32
          %dma_wait3A_648 = arith.constant 0 : i32
          %dma_wait3A_649 = arith.constant 0 : i32
          %dma_wait3A_650 = tpu.memref_slice %arg8[%dma_wait3A_634, %dma_wait3A_646, %dma_wait3A_647, %dma_wait3A_648, %dma_wait3A_649] : memref<200x8x8x8x128xf32, #tpu.memory_space<hbm>> -> memref<1x8x2x8x128xf32, #tpu.memory_space<hbm>>
          %dma_wait3A_651 = tpu.memref_squeeze %dma_wait3A_650 : memref<1x8x2x8x128xf32, #tpu.memory_space<hbm>> -> memref<8x2x8x128xf32, #tpu.memory_space<hbm>>
          %dma_wait3A_652 = arith.constant 0 : i32
          %dma_wait3A_653 = arith.constant 0 : i32
          %dma_wait3A_654 = arith.constant 0 : i32
          %dma_wait3A_655 = arith.constant 0 : i32
          %dma_wait3A_656 = tpu.memref_slice %arg15[%dma_wait3A_652, %dma_wait3A_653, %dma_wait3A_654, %dma_wait3A_655] : memref<8x2x12x129xf32, #tpu.memory_space<vmem>> -> memref<8x2x8x128xf32, #tpu.memory_space<vmem>>
          tpu.wait_dma2 semaphore(%arg17 : memref<!tpu.dma_semaphore, #tpu.memory_space<semaphore_mem>>) src(%dma_wait3A_656 : memref<8x2x8x128xf32, #tpu.memory_space<vmem>>) dst(%dma_wait3A_651 : memref<8x2x8x128xf32, #tpu.memory_space<hbm>>)
        } else {
        }
        %get3A = arith.index_cast %sub3A_435 : i32 to index
        %get3A_449 = arith.constant 0 : index
        %get3A_450 = tpu.vector_load %arg14[%get3A, %get3A_449] {strides = array<i32>} : memref<13x64xf32, #tpu.memory_space<vmem>>, vector<16xf32>,
        %get3A_451 = arith.index_cast %sub3A_435 : i32 to index
        %get3A_452 = arith.constant 16 : index
        %get3A_453 = tpu.vector_load %arg14[%get3A_451, %get3A_452] {strides = array<i32>} : memref<13x64xf32, #tpu.memory_space<vmem>>, vector<16xf32>,
        %get3A_454 = arith.index_cast %sub3A_435 : i32 to index
        %get3A_455 = arith.constant 32 : index
        %get3A_456 = tpu.vector_load %arg14[%get3A_454, %get3A_455] {strides = array<i32>} : memref<13x64xf32, #tpu.memory_space<vmem>>, vector<16xf32>,
        %get3A_457 = arith.index_cast %sub3A_435 : i32 to index
        %get3A_458 = arith.constant 48 : index
        %get3A_459 = tpu.vector_load %arg14[%get3A_457, %get3A_458] {strides = array<i32>} : memref<13x64xf32, #tpu.memory_space<vmem>>, vector<16xf32>,
        %parallel_loop3A = arith.constant 0 : i32
        %parallel_loop3A_460 = arith.constant 128 : i32
        %parallel_loop3A_461 = arith.constant 1 : i32
        scf.for %parallel_loop3A_634 = %parallel_loop3A to %parallel_loop3A_460 step %parallel_loop3A_461  : i32 {
          %parallel_loop3A_635 = vector.broadcast %parallel_loop3A_634 : i32 to vector<16xi32>
          %parallel_loop3A_636 = arith.constant 0 : i32
          %parallel_loop3A_637 = arith.addi %parallel_loop3A_636, %parallel_loop3A_634 : i32
          %parallel_loop3A_638 = arith.index_cast %parallel_loop3A_637 : i32 to index
          %parallel_loop3A_639 = arith.constant 0 : index
          %parallel_loop3A_640 = tpu.vector_load %arg9[%parallel_loop3A_638, %parallel_loop3A_639] {strides = array<i32>} : memref<256x64xf32, #tpu.memory_space<vmem>>, vector<16xf32>,
          %parallel_loop3A_641 = arith.addf %parallel_loop3A_640, %get3A_450 : vector<16xf32>
          tpu.vector_store_idx %arg15[%add3A_85, %broadcast_in_dim3A_191, %rem3A_190, %parallel_loop3A_635], %parallel_loop3A_641 : memref<8x2x12x129xf32, #tpu.memory_space<vmem>>[vector<16xi32>, vector<16xi32>, vector<16xi32>, vector<16xi32>], vector<16xf32>,
          %parallel_loop3A_642 = arith.index_cast %parallel_loop3A_637 : i32 to index
          %parallel_loop3A_643 = arith.constant 16 : index
          %parallel_loop3A_644 = tpu.vector_load %arg9[%parallel_loop3A_642, %parallel_loop3A_643] {strides = array<i32>} : memref<256x64xf32, #tpu.memory_space<vmem>>, vector<16xf32>,
          %parallel_loop3A_645 = arith.addf %parallel_loop3A_644, %get3A_453 : vector<16xf32>
          tpu.vector_store_idx %arg15[%add3A_119, %broadcast_in_dim3A_191, %rem3A_190, %parallel_loop3A_635], %parallel_loop3A_645 : memref<8x2x12x129xf32, #tpu.memory_space<vmem>>[vector<16xi32>, vector<16xi32>, vector<16xi32>, vector<16xi32>], vector<16xf32>,
          %parallel_loop3A_646 = arith.index_cast %parallel_loop3A_637 : i32 to index
          %parallel_loop3A_647 = arith.constant 32 : index
          %parallel_loop3A_648 = tpu.vector_load %arg9[%parallel_loop3A_646, %parallel_loop3A_647] {strides = array<i32>} : memref<256x64xf32, #tpu.memory_space<vmem>>, vector<16xf32>,
          %parallel_loop3A_649 = arith.addf %parallel_loop3A_648, %get3A_456 : vector<16xf32>
          tpu.vector_store_idx %arg15[%add3A_153, %broadcast_in_dim3A_191, %rem3A_190, %parallel_loop3A_635], %parallel_loop3A_649 : memref<8x2x12x129xf32, #tpu.memory_space<vmem>>[vector<16xi32>, vector<16xi32>, vector<16xi32>, vector<16xi32>], vector<16xf32>,
          %parallel_loop3A_650 = arith.index_cast %parallel_loop3A_637 : i32 to index
          %parallel_loop3A_651 = arith.constant 48 : index
          %parallel_loop3A_652 = tpu.vector_load %arg9[%parallel_loop3A_650, %parallel_loop3A_651] {strides = array<i32>} : memref<256x64xf32, #tpu.memory_space<vmem>>, vector<16xf32>,
          %parallel_loop3A_653 = arith.addf %parallel_loop3A_652, %get3A_459 : vector<16xf32>
          tpu.vector_store_idx %arg15[%add3A_187, %broadcast_in_dim3A_191, %rem3A_190, %parallel_loop3A_635], %parallel_loop3A_653 : memref<8x2x12x129xf32, #tpu.memory_space<vmem>>[vector<16xi32>, vector<16xi32>, vector<16xi32>, vector<16xi32>], vector<16xf32>,
        } {sc.loop_unroll_factor = 4 : i64, sc.parallel_access}
        %parallel_loop3A_462 = arith.constant 0 : i32
        %parallel_loop3A_463 = arith.constant 128 : i32
        %parallel_loop3A_464 = arith.constant 1 : i32
        scf.for %parallel_loop3A_634 = %parallel_loop3A_462 to %parallel_loop3A_463 step %parallel_loop3A_464  : i32 {
          %parallel_loop3A_635 = vector.broadcast %parallel_loop3A_634 : i32 to vector<16xi32>
          %parallel_loop3A_636 = arith.constant 128 : i32
          %parallel_loop3A_637 = arith.addi %parallel_loop3A_636, %parallel_loop3A_634 : i32
          %parallel_loop3A_638 = arith.index_cast %parallel_loop3A_637 : i32 to index
          %parallel_loop3A_639 = arith.constant 0 : index
          %parallel_loop3A_640 = tpu.vector_load %arg9[%parallel_loop3A_638, %parallel_loop3A_639] {strides = array<i32>} : memref<256x64xf32, #tpu.memory_space<vmem>>, vector<16xf32>,
          %parallel_loop3A_641 = arith.addf %parallel_loop3A_640, %get3A_450 : vector<16xf32>
          tpu.vector_store_idx %arg15[%add3A_85, %broadcast_in_dim3A_193, %rem3A_190, %parallel_loop3A_635], %parallel_loop3A_641 : memref<8x2x12x129xf32, #tpu.memory_space<vmem>>[vector<16xi32>, vector<16xi32>, vector<16xi32>, vector<16xi32>], vector<16xf32>,
          %parallel_loop3A_642 = arith.index_cast %parallel_loop3A_637 : i32 to index
          %parallel_loop3A_643 = arith.constant 16 : index
          %parallel_loop3A_644 = tpu.vector_load %arg9[%parallel_loop3A_642, %parallel_loop3A_643] {strides = array<i32>} : memref<256x64xf32, #tpu.memory_space<vmem>>, vector<16xf32>,
          %parallel_loop3A_645 = arith.addf %parallel_loop3A_644, %get3A_453 : vector<16xf32>
          tpu.vector_store_idx %arg15[%add3A_119, %broadcast_in_dim3A_193, %rem3A_190, %parallel_loop3A_635], %parallel_loop3A_645 : memref<8x2x12x129xf32, #tpu.memory_space<vmem>>[vector<16xi32>, vector<16xi32>, vector<16xi32>, vector<16xi32>], vector<16xf32>,
          %parallel_loop3A_646 = arith.index_cast %parallel_loop3A_637 : i32 to index
          %parallel_loop3A_647 = arith.constant 32 : index
          %parallel_loop3A_648 = tpu.vector_load %arg9[%parallel_loop3A_646, %parallel_loop3A_647] {strides = array<i32>} : memref<256x64xf32, #tpu.memory_space<vmem>>, vector<16xf32>,
          %parallel_loop3A_649 = arith.addf %parallel_loop3A_648, %get3A_456 : vector<16xf32>
          tpu.vector_store_idx %arg15[%add3A_153, %broadcast_in_dim3A_193, %rem3A_190, %parallel_loop3A_635], %parallel_loop3A_649 : memref<8x2x12x129xf32, #tpu.memory_space<vmem>>[vector<16xi32>, vector<16xi32>, vector<16xi32>, vector<16xi32>], vector<16xf32>,
          %parallel_loop3A_650 = arith.index_cast %parallel_loop3A_637 : i32 to index
          %parallel_loop3A_651 = arith.constant 48 : index
          %parallel_loop3A_652 = tpu.vector_load %arg9[%parallel_loop3A_650, %parallel_loop3A_651] {strides = array<i32>} : memref<256x64xf32, #tpu.memory_space<vmem>>, vector<16xf32>,
          %parallel_loop3A_653 = arith.addf %parallel_loop3A_652, %get3A_459 : vector<16xf32>
          tpu.vector_store_idx %arg15[%add3A_187, %broadcast_in_dim3A_193, %rem3A_190, %parallel_loop3A_635], %parallel_loop3A_653 : memref<8x2x12x129xf32, #tpu.memory_space<vmem>>[vector<16xi32>, vector<16xi32>, vector<16xi32>, vector<16xi32>], vector<16xf32>,
        } {sc.loop_unroll_factor = 4 : i64, sc.parallel_access}
        %jit3A_465 = arith.constant 4 : i32
        %div3A_466 = arith.divsi %add3A_410, %jit3A_465 : i32
        %sign3A_467 = arith.constant 0 : i32
        %sign3A_468 = arith.cmpi sgt, %add3A_410, %sign3A_467 : i32
        %sign3A_469 = arith.extui %sign3A_468 : i1 to i32
        %sign3A_470 = arith.constant 0 : i32
        %sign3A_471 = arith.cmpi slt, %add3A_410, %sign3A_470 : i32
        %sign3A_472 = arith.extui %sign3A_471 : i1 to i32
        %sign3A_473 = arith.subi %sign3A_469, %sign3A_472 : i32
        %sign3A_474 = arith.constant 0 : i32
        %sign3A_475 = arith.cmpi sgt, %jit3A_465, %sign3A_474 : i32
        %sign3A_476 = arith.extui %sign3A_475 : i1 to i32
        %sign3A_477 = arith.constant 0 : i32
        %sign3A_478 = arith.cmpi slt, %jit3A_465, %sign3A_477 : i32
        %sign3A_479 = arith.extui %sign3A_478 : i1 to i32
        %sign3A_480 = arith.subi %sign3A_476, %sign3A_479 : i32
        %ne3A_481 = arith.cmpi ne, %sign3A_473, %sign3A_480 : i32
        %rem3A_482 = arith.remsi %add3A_410, %jit3A_465 : i32
        %ne3A_483 = arith.constant 0 : i32
        %ne3A_484 = arith.cmpi ne, %rem3A_482, %ne3A_483 : i32
        %and3A_485 = arith.andi %ne3A_481, %ne3A_484 : i1
        %sub3A_486 = arith.constant 1 : i32
        %sub3A_487 = arith.subi %div3A_466, %sub3A_486 : i32
        %select_n3A_488 = arith.select %and3A_485, %sub3A_487, %div3A_466 : i32
        %mul3A_489 = arith.constant 2 : i32
        %mul3A_490 = arith.muli %mul3A_489, %rem3A_437 : i32
        %dma_start3A_491 = arith.constant 0 : i32
        %dma_start3A_492 = arith.constant 0 : i32
        %dma_start3A_493 = arith.constant 0 : i32
        %dma_start3A_494 = arith.constant 0 : i32
        %dma_start3A_495 = tpu.memref_slice %arg15[%dma_start3A_491, %dma_start3A_492, %dma_start3A_493, %dma_start3A_494] : memref<8x2x12x129xf32, #tpu.memory_space<vmem>> -> memref<8x2x8x128xf32, #tpu.memory_space<vmem>>
        %dma_start3A_496 = arith.constant 0 : i32
        %dma_start3A_497 = arith.constant 0 : i32
        %dma_start3A_498 = arith.constant 0 : i32
        %dma_start3A_499 = tpu.memref_slice %arg8[%select_n3A_488, %dma_start3A_496, %mul3A_490, %dma_start3A_497, %dma_start3A_498] : memref<200x8x8x8x128xf32, #tpu.memory_space<hbm>> -> memref<1x8x2x8x128xf32, #tpu.memory_space<hbm>>
        %dma_start3A_500 = tpu.memref_squeeze %dma_start3A_499 : memref<1x8x2x8x128xf32, #tpu.memory_space<hbm>> -> memref<8x2x8x128xf32, #tpu.memory_space<hbm>>
        %dma_start3A_501 = arith.constant 0 : i32
        %dma_start3A_502 = arith.constant 0 : i32
        %dma_start3A_503 = arith.constant 0 : i32
        %dma_start3A_504 = tpu.memref_slice %arg8[%select_n3A_488, %dma_start3A_501, %mul3A_490, %dma_start3A_502, %dma_start3A_503] : memref<200x8x8x8x128xf32, #tpu.memory_space<hbm>> -> memref<1x8x2x8x128xf32, #tpu.memory_space<hbm>>
        %dma_start3A_505 = tpu.memref_squeeze %dma_start3A_504 : memref<1x8x2x8x128xf32, #tpu.memory_space<hbm>> -> memref<8x2x8x128xf32, #tpu.memory_space<hbm>>
        %dma_start3A_506 = arith.constant 0 : i32
        %dma_start3A_507 = arith.constant 0 : i32
        %dma_start3A_508 = arith.constant 0 : i32
        %dma_start3A_509 = arith.constant 0 : i32
        %dma_start3A_510 = tpu.memref_slice %arg15[%dma_start3A_506, %dma_start3A_507, %dma_start3A_508, %dma_start3A_509] : memref<8x2x12x129xf32, #tpu.memory_space<vmem>> -> memref<8x2x8x128xf32, #tpu.memory_space<vmem>>
        tpu.enqueue_dma source(%dma_start3A_510 : memref<8x2x8x128xf32, #tpu.memory_space<vmem>>) target(%dma_start3A_505 : memref<8x2x8x128xf32, #tpu.memory_space<hbm>>) target_semaphore(%arg17 : memref<!tpu.dma_semaphore, #tpu.memory_space<semaphore_mem>>)
        %add3A_511 = arith.constant 2 : i32
        %add3A_512 = arith.addi %mul3A_407, %add3A_511 : i32
        %lt3A_513 = arith.constant 50 : i32
        %lt3A_514 = arith.cmpi slt, %add3A_512, %lt3A_513 : i32
        %convert_element_type3A_515 = arith.extui %lt3A_514 : i1 to i32
        %cond3A_516 = arith.constant 0 : i32
        %cond3A_517 = arith.cmpi ne, %convert_element_type3A_515, %cond3A_516 : i32
        scf.if %cond3A_517 {
          %add3A_634 = arith.constant 2 : i32
          %add3A_635 = arith.addi %mul3A_407, %add3A_634 : i32
          %mul3A_636 = arith.constant 50 : i32
          %mul3A_637 = arith.muli %mul3A_636, %rem3A_1 : i32
          %add3A_638 = arith.addi %mul3A_637, %add3A_635 : i32
          %rem3A_639 = arith.constant 4 : i32
          %rem3A_640 = arith.remsi %add3A_638, %rem3A_639 : i32
          %jit3A_641 = arith.constant 4 : i32
          %div3A_642 = arith.divsi %add3A_638, %jit3A_641 : i32
          %sign3A_643 = arith.constant 0 : i32
          %sign3A_644 = arith.cmpi sgt, %add3A_638, %sign3A_643 : i32
          %sign3A_645 = arith.extui %sign3A_644 : i1 to i32
          %sign3A_646 = arith.constant 0 : i32
          %sign3A_647 = arith.cmpi slt, %add3A_638, %sign3A_646 : i32
          %sign3A_648 = arith.extui %sign3A_647 : i1 to i32
          %sign3A_649 = arith.subi %sign3A_645, %sign3A_648 : i32
          %sign3A_650 = arith.constant 0 : i32
          %sign3A_651 = arith.cmpi sgt, %jit3A_641, %sign3A_650 : i32
          %sign3A_652 = arith.extui %sign3A_651 : i1 to i32
          %sign3A_653 = arith.constant 0 : i32
          %sign3A_654 = arith.cmpi slt, %jit3A_641, %sign3A_653 : i32
          %sign3A_655 = arith.extui %sign3A_654 : i1 to i32
          %sign3A_656 = arith.subi %sign3A_652, %sign3A_655 : i32
          %ne3A_657 = arith.cmpi ne, %sign3A_649, %sign3A_656 : i32
          %rem3A_658 = arith.remsi %add3A_638, %jit3A_641 : i32
          %ne3A_659 = arith.constant 0 : i32
          %ne3A_660 = arith.cmpi ne, %rem3A_658, %ne3A_659 : i32
          %and3A_661 = arith.andi %ne3A_657, %ne3A_660 : i1
          %sub3A_662 = arith.constant 1 : i32
          %sub3A_663 = arith.subi %div3A_642, %sub3A_662 : i32
          %select_n3A_664 = arith.select %and3A_661, %sub3A_663, %div3A_642 : i32
          %jit3A_665 = arith.constant 8 : i32
          %div3A_666 = arith.divsi %select_n3A_664, %jit3A_665 : i32
          %sign3A_667 = arith.constant 0 : i32
          %sign3A_668 = arith.cmpi sgt, %select_n3A_664, %sign3A_667 : i32
          %sign3A_669 = arith.extui %sign3A_668 : i1 to i32
          %sign3A_670 = arith.constant 0 : i32
          %sign3A_671 = arith.cmpi slt, %select_n3A_664, %sign3A_670 : i32
          %sign3A_672 = arith.extui %sign3A_671 : i1 to i32
          %sign3A_673 = arith.subi %sign3A_669, %sign3A_672 : i32
          %sign3A_674 = arith.constant 0 : i32
          %sign3A_675 = arith.cmpi sgt, %jit3A_665, %sign3A_674 : i32
          %sign3A_676 = arith.extui %sign3A_675 : i1 to i32
          %sign3A_677 = arith.constant 0 : i32
          %sign3A_678 = arith.cmpi slt, %jit3A_665, %sign3A_677 : i32
          %sign3A_679 = arith.extui %sign3A_678 : i1 to i32
          %sign3A_680 = arith.subi %sign3A_676, %sign3A_679 : i32
          %ne3A_681 = arith.cmpi ne, %sign3A_673, %sign3A_680 : i32
          %rem3A_682 = arith.remsi %select_n3A_664, %jit3A_665 : i32
          %ne3A_683 = arith.constant 0 : i32
          %ne3A_684 = arith.cmpi ne, %rem3A_682, %ne3A_683 : i32
          %and3A_685 = arith.andi %ne3A_681, %ne3A_684 : i1
          %sub3A_686 = arith.constant 1 : i32
          %sub3A_687 = arith.subi %div3A_666, %sub3A_686 : i32
          %select_n3A_688 = arith.select %and3A_685, %sub3A_687, %div3A_666 : i32
          %sub3A_689 = arith.subi %select_n3A_688, %min3A_45 : i32
          %rem3A_690 = arith.constant 8 : i32
          %rem3A_691 = arith.remsi %select_n3A_664, %rem3A_690 : i32
          %mul3A_692 = arith.constant 2 : i32
          %mul3A_693 = arith.muli %mul3A_692, %rem3A_640 : i32
          %dma_start3A_694 = arith.constant 0 : i32
          %dma_start3A_695 = arith.constant 0 : i32
          %dma_start3A_696 = tpu.memref_slice %arg9[%dma_start3A_694, %dma_start3A_695] : memref<256x64xf32, #tpu.memory_space<vmem>> -> memref<128x64xf32, #tpu.memory_space<vmem>>
          %dma_start3A_697 = arith.constant 0 : i32
          %dma_start3A_698 = tpu.memref_slice %arg13[%sub3A_689, %mul3A_693, %rem3A_691, %dma_start3A_697] : memref<3x8x8x128xi32, #tpu.memory_space<vmem>> -> memref<1x1x1x128xi32, #tpu.memory_space<vmem>>
          %dma_start3A_699 = tpu.memref_squeeze %dma_start3A_698 : memref<1x1x1x128xi32, #tpu.memory_space<vmem>> -> memref<128xi32, #tpu.memory_space<vmem>>
          %dma_start3A_700 = arith.constant 0 : i32
          %dma_start3A_701 = arith.constant 0 : i32
          %dma_start3A_702 = tpu.memref_slice %arg5[%dma_start3A_700, %dma_start3A_701] : memref<100001x64xf32, #tpu.memory_space<hbm>> -> memref<100001x64xf32, #tpu.memory_space<hbm>>
          tpu.enqueue_indirect_dma source(%dma_start3A_702 : memref<100001x64xf32, #tpu.memory_space<hbm>>) target(%dma_start3A_696 : memref<128x64xf32, #tpu.memory_space<vmem>>) offsets(%dma_start3A_699 : memref<128xi32, #tpu.memory_space<vmem>>) semaphore(%arg11 : memref<!tpu.dma_semaphore, #tpu.memory_space<semaphore_mem>>)
          %mul3A_703 = arith.constant 2 : i32
          %mul3A_704 = arith.muli %mul3A_703, %rem3A_640 : i32
          %add3A_705 = arith.constant 1 : i32
          %add3A_706 = arith.addi %mul3A_704, %add3A_705 : i32
          %dma_start3A_707 = arith.constant 128 : i32
          %dma_start3A_708 = arith.constant 0 : i32
          %dma_start3A_709 = tpu.memref_slice %arg9[%dma_start3A_707, %dma_start3A_708] : memref<256x64xf32, #tpu.memory_space<vmem>> -> memref<128x64xf32, #tpu.memory_space<vmem>>
          %dma_start3A_710 = arith.constant 0 : i32
          %dma_start3A_711 = tpu.memref_slice %arg13[%sub3A_689, %add3A_706, %rem3A_691, %dma_start3A_710] : memref<3x8x8x128xi32, #tpu.memory_space<vmem>> -> memref<1x1x1x128xi32, #tpu.memory_space<vmem>>
          %dma_start3A_712 = tpu.memref_squeeze %dma_start3A_711 : memref<1x1x1x128xi32, #tpu.memory_space<vmem>> -> memref<128xi32, #tpu.memory_space<vmem>>
          %dma_start3A_713 = arith.constant 0 : i32
          %dma_start3A_714 = arith.constant 0 : i32
          %dma_start3A_715 = tpu.memref_slice %arg5[%dma_start3A_713, %dma_start3A_714] : memref<100001x64xf32, #tpu.memory_space<hbm>> -> memref<100001x64xf32, #tpu.memory_space<hbm>>
          tpu.enqueue_indirect_dma source(%dma_start3A_715 : memref<100001x64xf32, #tpu.memory_space<hbm>>) target(%dma_start3A_709 : memref<128x64xf32, #tpu.memory_space<vmem>>) offsets(%dma_start3A_712 : memref<128xi32, #tpu.memory_space<vmem>>) semaphore(%arg11 : memref<!tpu.dma_semaphore, #tpu.memory_space<semaphore_mem>>)
        } else {
        }
        %mul3A_518 = arith.constant 2 : i32
        %mul3A_519 = arith.muli %mul3A_518, %scan3A_405 : i32
        %add3A_520 = arith.constant 1 : i32
        %add3A_521 = arith.addi %mul3A_519, %add3A_520 : i32
        %mul3A_522 = arith.constant 50 : i32
        %mul3A_523 = arith.muli %mul3A_522, %rem3A_1 : i32
        %add3A_524 = arith.addi %mul3A_523, %add3A_521 : i32
        %jit3A_525 = arith.constant 4 : i32
        %div3A_526 = arith.divsi %add3A_524, %jit3A_525 : i32
        %sign3A_527 = arith.constant 0 : i32
        %sign3A_528 = arith.cmpi sgt, %add3A_524, %sign3A_527 : i32
        %sign3A_529 = arith.extui %sign3A_528 : i1 to i32
        %sign3A_530 = arith.constant 0 : i32
        %sign3A_531 = arith.cmpi slt, %add3A_524, %sign3A_530 : i32
        %sign3A_532 = arith.extui %sign3A_531 : i1 to i32
        %sign3A_533 = arith.subi %sign3A_529, %sign3A_532 : i32
        %sign3A_534 = arith.constant 0 : i32
        %sign3A_535 = arith.cmpi sgt, %jit3A_525, %sign3A_534 : i32
        %sign3A_536 = arith.extui %sign3A_535 : i1 to i32
        %sign3A_537 = arith.constant 0 : i32
        %sign3A_538 = arith.cmpi slt, %jit3A_525, %sign3A_537 : i32
        %sign3A_539 = arith.extui %sign3A_538 : i1 to i32
        %sign3A_540 = arith.subi %sign3A_536, %sign3A_539 : i32
        %ne3A_541 = arith.cmpi ne, %sign3A_533, %sign3A_540 : i32
        %rem3A_542 = arith.remsi %add3A_524, %jit3A_525 : i32
        %ne3A_543 = arith.constant 0 : i32
        %ne3A_544 = arith.cmpi ne, %rem3A_542, %ne3A_543 : i32
        %and3A_545 = arith.andi %ne3A_541, %ne3A_544 : i1
        %sub3A_546 = arith.constant 1 : i32
        %sub3A_547 = arith.subi %div3A_526, %sub3A_546 : i32
        %select_n3A_548 = arith.select %and3A_545, %sub3A_547, %div3A_526 : i32
        %sub3A_549 = arith.subi %select_n3A_548, %select_n3A : i32
        %rem3A_550 = arith.constant 4 : i32
        %rem3A_551 = arith.remsi %add3A_524, %rem3A_550 : i32
        %dma_wait3A_552 = arith.constant 0 : i32
        %dma_wait3A_553 = arith.constant 0 : i32
        %dma_wait3A_554 = tpu.memref_slice %arg5[%dma_wait3A_552, %dma_wait3A_553] : memref<100001x64xf32, #tpu.memory_space<hbm>> -> memref<256x64xf32, #tpu.memory_space<hbm>>
        %dma_wait3A_555 = arith.constant 0 : i32
        %dma_wait3A_556 = arith.constant 0 : i32
        %dma_wait3A_557 = tpu.memref_slice %arg5[%dma_wait3A_555, %dma_wait3A_556] : memref<100001x64xf32, #tpu.memory_space<hbm>> -> memref<256x64xf32, #tpu.memory_space<hbm>>
        tpu.wait_dma2 semaphore(%arg12 : memref<!tpu.dma_semaphore, #tpu.memory_space<semaphore_mem>>) src(%dma_wait3A_557 : memref<256x64xf32, #tpu.memory_space<hbm>>) dst(%arg10 : memref<256x64xf32, #tpu.memory_space<vmem>>)
        %ge3A_558 = arith.constant 1 : i32
        %ge3A_559 = arith.cmpi sge, %scan3A_405, %ge3A_558 : i32
        %convert_element_type3A_560 = arith.extui %ge3A_559 : i1 to i32
        %cond3A_561 = arith.constant 0 : i32
        %cond3A_562 = arith.cmpi ne, %convert_element_type3A_560, %cond3A_561 : i32
        scf.if %cond3A_562 {
          %dma_wait3A_634 = arith.constant 0 : i32
          %dma_wait3A_635 = arith.constant 0 : i32
          %dma_wait3A_636 = arith.constant 0 : i32
          %dma_wait3A_637 = arith.constant 0 : i32
          %dma_wait3A_638 = arith.constant 0 : i32
          %dma_wait3A_639 = tpu.memref_slice %arg16[%dma_wait3A_635, %dma_wait3A_636, %dma_wait3A_637, %dma_wait3A_638] : memref<8x2x12x129xf32, #tpu.memory_space<vmem>> -> memref<8x2x8x128xf32, #tpu.memory_space<vmem>>
          %dma_wait3A_640 = arith.constant 0 : i32
          %dma_wait3A_641 = arith.constant 0 : i32
          %dma_wait3A_642 = arith.constant 0 : i32
          %dma_wait3A_643 = arith.constant 0 : i32
          %dma_wait3A_644 = tpu.memref_slice %arg8[%dma_wait3A_634, %dma_wait3A_640, %dma_wait3A_641, %dma_wait3A_642, %dma_wait3A_643] : memref<200x8x8x8x128xf32, #tpu.memory_space<hbm>> -> memref<1x8x2x8x128xf32, #tpu.memory_space<hbm>>
          %dma_wait3A_645 = tpu.memref_squeeze %dma_wait3A_644 : memref<1x8x2x8x128xf32, #tpu.memory_space<hbm>> -> memref<8x2x8x128xf32, #tpu.memory_space<hbm>>
          %dma_wait3A_646 = arith.constant 0 : i32
          %dma_wait3A_647 = arith.constant 0 : i32
          %dma_wait3A_648 = arith.constant 0 : i32
          %dma_wait3A_649 = arith.constant 0 : i32
          %dma_wait3A_650 = tpu.memref_slice %arg8[%dma_wait3A_634, %dma_wait3A_646, %dma_wait3A_647, %dma_wait3A_648, %dma_wait3A_649] : memref<200x8x8x8x128xf32, #tpu.memory_space<hbm>> -> memref<1x8x2x8x128xf32, #tpu.memory_space<hbm>>
          %dma_wait3A_651 = tpu.memref_squeeze %dma_wait3A_650 : memref<1x8x2x8x128xf32, #tpu.memory_space<hbm>> -> memref<8x2x8x128xf32, #tpu.memory_space<hbm>>
          %dma_wait3A_652 = arith.constant 0 : i32
          %dma_wait3A_653 = arith.constant 0 : i32
          %dma_wait3A_654 = arith.constant 0 : i32
          %dma_wait3A_655 = arith.constant 0 : i32
          %dma_wait3A_656 = tpu.memref_slice %arg16[%dma_wait3A_652, %dma_wait3A_653, %dma_wait3A_654, %dma_wait3A_655] : memref<8x2x12x129xf32, #tpu.memory_space<vmem>> -> memref<8x2x8x128xf32, #tpu.memory_space<vmem>>
          tpu.wait_dma2 semaphore(%arg18 : memref<!tpu.dma_semaphore, #tpu.memory_space<semaphore_mem>>) src(%dma_wait3A_656 : memref<8x2x8x128xf32, #tpu.memory_space<vmem>>) dst(%dma_wait3A_651 : memref<8x2x8x128xf32, #tpu.memory_space<hbm>>)
        } else {
        }
        %get3A_563 = arith.index_cast %sub3A_549 : i32 to index
        %get3A_564 = arith.constant 0 : index
        %get3A_565 = tpu.vector_load %arg14[%get3A_563, %get3A_564] {strides = array<i32>} : memref<13x64xf32, #tpu.memory_space<vmem>>, vector<16xf32>,
        %get3A_566 = arith.index_cast %sub3A_549 : i32 to index
        %get3A_567 = arith.constant 16 : index
        %get3A_568 = tpu.vector_load %arg14[%get3A_566, %get3A_567] {strides = array<i32>} : memref<13x64xf32, #tpu.memory_space<vmem>>, vector<16xf32>,
        %get3A_569 = arith.index_cast %sub3A_549 : i32 to index
        %get3A_570 = arith.constant 32 : index
        %get3A_571 = tpu.vector_load %arg14[%get3A_569, %get3A_570] {strides = array<i32>} : memref<13x64xf32, #tpu.memory_space<vmem>>, vector<16xf32>,
        %get3A_572 = arith.index_cast %sub3A_549 : i32 to index
        %get3A_573 = arith.constant 48 : index
        %get3A_574 = tpu.vector_load %arg14[%get3A_572, %get3A_573] {strides = array<i32>} : memref<13x64xf32, #tpu.memory_space<vmem>>, vector<16xf32>,
        %parallel_loop3A_575 = arith.constant 0 : i32
        %parallel_loop3A_576 = arith.constant 128 : i32
        %parallel_loop3A_577 = arith.constant 1 : i32
        scf.for %parallel_loop3A_634 = %parallel_loop3A_575 to %parallel_loop3A_576 step %parallel_loop3A_577  : i32 {
          %parallel_loop3A_635 = vector.broadcast %parallel_loop3A_634 : i32 to vector<16xi32>
          %parallel_loop3A_636 = arith.constant 0 : i32
          %parallel_loop3A_637 = arith.addi %parallel_loop3A_636, %parallel_loop3A_634 : i32
          %parallel_loop3A_638 = arith.index_cast %parallel_loop3A_637 : i32 to index
          %parallel_loop3A_639 = arith.constant 0 : index
          %parallel_loop3A_640 = tpu.vector_load %arg10[%parallel_loop3A_638, %parallel_loop3A_639] {strides = array<i32>} : memref<256x64xf32, #tpu.memory_space<vmem>>, vector<16xf32>,
          %parallel_loop3A_641 = arith.addf %parallel_loop3A_640, %get3A_565 : vector<16xf32>
          tpu.vector_store_idx %arg16[%add3A_85, %broadcast_in_dim3A_191, %rem3A_190, %parallel_loop3A_635], %parallel_loop3A_641 : memref<8x2x12x129xf32, #tpu.memory_space<vmem>>[vector<16xi32>, vector<16xi32>, vector<16xi32>, vector<16xi32>], vector<16xf32>,
          %parallel_loop3A_642 = arith.index_cast %parallel_loop3A_637 : i32 to index
          %parallel_loop3A_643 = arith.constant 16 : index
          %parallel_loop3A_644 = tpu.vector_load %arg10[%parallel_loop3A_642, %parallel_loop3A_643] {strides = array<i32>} : memref<256x64xf32, #tpu.memory_space<vmem>>, vector<16xf32>,
          %parallel_loop3A_645 = arith.addf %parallel_loop3A_644, %get3A_568 : vector<16xf32>
          tpu.vector_store_idx %arg16[%add3A_119, %broadcast_in_dim3A_191, %rem3A_190, %parallel_loop3A_635], %parallel_loop3A_645 : memref<8x2x12x129xf32, #tpu.memory_space<vmem>>[vector<16xi32>, vector<16xi32>, vector<16xi32>, vector<16xi32>], vector<16xf32>,
          %parallel_loop3A_646 = arith.index_cast %parallel_loop3A_637 : i32 to index
          %parallel_loop3A_647 = arith.constant 32 : index
          %parallel_loop3A_648 = tpu.vector_load %arg10[%parallel_loop3A_646, %parallel_loop3A_647] {strides = array<i32>} : memref<256x64xf32, #tpu.memory_space<vmem>>, vector<16xf32>,
          %parallel_loop3A_649 = arith.addf %parallel_loop3A_648, %get3A_571 : vector<16xf32>
          tpu.vector_store_idx %arg16[%add3A_153, %broadcast_in_dim3A_191, %rem3A_190, %parallel_loop3A_635], %parallel_loop3A_649 : memref<8x2x12x129xf32, #tpu.memory_space<vmem>>[vector<16xi32>, vector<16xi32>, vector<16xi32>, vector<16xi32>], vector<16xf32>,
          %parallel_loop3A_650 = arith.index_cast %parallel_loop3A_637 : i32 to index
          %parallel_loop3A_651 = arith.constant 48 : index
          %parallel_loop3A_652 = tpu.vector_load %arg10[%parallel_loop3A_650, %parallel_loop3A_651] {strides = array<i32>} : memref<256x64xf32, #tpu.memory_space<vmem>>, vector<16xf32>,
          %parallel_loop3A_653 = arith.addf %parallel_loop3A_652, %get3A_574 : vector<16xf32>
          tpu.vector_store_idx %arg16[%add3A_187, %broadcast_in_dim3A_191, %rem3A_190, %parallel_loop3A_635], %parallel_loop3A_653 : memref<8x2x12x129xf32, #tpu.memory_space<vmem>>[vector<16xi32>, vector<16xi32>, vector<16xi32>, vector<16xi32>], vector<16xf32>,
        } {sc.loop_unroll_factor = 4 : i64, sc.parallel_access}
        %parallel_loop3A_578 = arith.constant 0 : i32
        %parallel_loop3A_579 = arith.constant 128 : i32
        %parallel_loop3A_580 = arith.constant 1 : i32
        scf.for %parallel_loop3A_634 = %parallel_loop3A_578 to %parallel_loop3A_579 step %parallel_loop3A_580  : i32 {
          %parallel_loop3A_635 = vector.broadcast %parallel_loop3A_634 : i32 to vector<16xi32>
          %parallel_loop3A_636 = arith.constant 128 : i32
          %parallel_loop3A_637 = arith.addi %parallel_loop3A_636, %parallel_loop3A_634 : i32
          %parallel_loop3A_638 = arith.index_cast %parallel_loop3A_637 : i32 to index
          %parallel_loop3A_639 = arith.constant 0 : index
          %parallel_loop3A_640 = tpu.vector_load %arg10[%parallel_loop3A_638, %parallel_loop3A_639] {strides = array<i32>} : memref<256x64xf32, #tpu.memory_space<vmem>>, vector<16xf32>,
          %parallel_loop3A_641 = arith.addf %parallel_loop3A_640, %get3A_565 : vector<16xf32>
          tpu.vector_store_idx %arg16[%add3A_85, %broadcast_in_dim3A_193, %rem3A_190, %parallel_loop3A_635], %parallel_loop3A_641 : memref<8x2x12x129xf32, #tpu.memory_space<vmem>>[vector<16xi32>, vector<16xi32>, vector<16xi32>, vector<16xi32>], vector<16xf32>,
          %parallel_loop3A_642 = arith.index_cast %parallel_loop3A_637 : i32 to index
          %parallel_loop3A_643 = arith.constant 16 : index
          %parallel_loop3A_644 = tpu.vector_load %arg10[%parallel_loop3A_642, %parallel_loop3A_643] {strides = array<i32>} : memref<256x64xf32, #tpu.memory_space<vmem>>, vector<16xf32>,
          %parallel_loop3A_645 = arith.addf %parallel_loop3A_644, %get3A_568 : vector<16xf32>
          tpu.vector_store_idx %arg16[%add3A_119, %broadcast_in_dim3A_193, %rem3A_190, %parallel_loop3A_635], %parallel_loop3A_645 : memref<8x2x12x129xf32, #tpu.memory_space<vmem>>[vector<16xi32>, vector<16xi32>, vector<16xi32>, vector<16xi32>], vector<16xf32>,
          %parallel_loop3A_646 = arith.index_cast %parallel_loop3A_637 : i32 to index
          %parallel_loop3A_647 = arith.constant 32 : index
          %parallel_loop3A_648 = tpu.vector_load %arg10[%parallel_loop3A_646, %parallel_loop3A_647] {strides = array<i32>} : memref<256x64xf32, #tpu.memory_space<vmem>>, vector<16xf32>,
          %parallel_loop3A_649 = arith.addf %parallel_loop3A_648, %get3A_571 : vector<16xf32>
          tpu.vector_store_idx %arg16[%add3A_153, %broadcast_in_dim3A_193, %rem3A_190, %parallel_loop3A_635], %parallel_loop3A_649 : memref<8x2x12x129xf32, #tpu.memory_space<vmem>>[vector<16xi32>, vector<16xi32>, vector<16xi32>, vector<16xi32>], vector<16xf32>,
          %parallel_loop3A_650 = arith.index_cast %parallel_loop3A_637 : i32 to index
          %parallel_loop3A_651 = arith.constant 48 : index
          %parallel_loop3A_652 = tpu.vector_load %arg10[%parallel_loop3A_650, %parallel_loop3A_651] {strides = array<i32>} : memref<256x64xf32, #tpu.memory_space<vmem>>, vector<16xf32>,
          %parallel_loop3A_653 = arith.addf %parallel_loop3A_652, %get3A_574 : vector<16xf32>
          tpu.vector_store_idx %arg16[%add3A_187, %broadcast_in_dim3A_193, %rem3A_190, %parallel_loop3A_635], %parallel_loop3A_653 : memref<8x2x12x129xf32, #tpu.memory_space<vmem>>[vector<16xi32>, vector<16xi32>, vector<16xi32>, vector<16xi32>], vector<16xf32>,
        } {sc.loop_unroll_factor = 4 : i64, sc.parallel_access}
        %jit3A_581 = arith.constant 4 : i32
        %div3A_582 = arith.divsi %add3A_524, %jit3A_581 : i32
        %sign3A_583 = arith.constant 0 : i32
        %sign3A_584 = arith.cmpi sgt, %add3A_524, %sign3A_583 : i32
        %sign3A_585 = arith.extui %sign3A_584 : i1 to i32
        %sign3A_586 = arith.constant 0 : i32
        %sign3A_587 = arith.cmpi slt, %add3A_524, %sign3A_586 : i32
        %sign3A_588 = arith.extui %sign3A_587 : i1 to i32
        %sign3A_589 = arith.subi %sign3A_585, %sign3A_588 : i32
        %sign3A_590 = arith.constant 0 : i32
        %sign3A_591 = arith.cmpi sgt, %jit3A_581, %sign3A_590 : i32
        %sign3A_592 = arith.extui %sign3A_591 : i1 to i32
        %sign3A_593 = arith.constant 0 : i32
        %sign3A_594 = arith.cmpi slt, %jit3A_581, %sign3A_593 : i32
        %sign3A_595 = arith.extui %sign3A_594 : i1 to i32
        %sign3A_596 = arith.subi %sign3A_592, %sign3A_595 : i32
        %ne3A_597 = arith.cmpi ne, %sign3A_589, %sign3A_596 : i32
        %rem3A_598 = arith.remsi %add3A_524, %jit3A_581 : i32
        %ne3A_599 = arith.constant 0 : i32
        %ne3A_600 = arith.cmpi ne, %rem3A_598, %ne3A_599 : i32
        %and3A_601 = arith.andi %ne3A_597, %ne3A_600 : i1
        %sub3A_602 = arith.constant 1 : i32
        %sub3A_603 = arith.subi %div3A_582, %sub3A_602 : i32
        %select_n3A_604 = arith.select %and3A_601, %sub3A_603, %div3A_582 : i32
        %mul3A_605 = arith.constant 2 : i32
        %mul3A_606 = arith.muli %mul3A_605, %rem3A_551 : i32
        %dma_start3A_607 = arith.constant 0 : i32
        %dma_start3A_608 = arith.constant 0 : i32
        %dma_start3A_609 = arith.constant 0 : i32
        %dma_start3A_610 = arith.constant 0 : i32
        %dma_start3A_611 = tpu.memref_slice %arg16[%dma_start3A_607, %dma_start3A_608, %dma_start3A_609, %dma_start3A_610] : memref<8x2x12x129xf32, #tpu.memory_space<vmem>> -> memref<8x2x8x128xf32, #tpu.memory_space<vmem>>
        %dma_start3A_612 = arith.constant 0 : i32
        %dma_start3A_613 = arith.constant 0 : i32
        %dma_start3A_614 = arith.constant 0 : i32
        %dma_start3A_615 = tpu.memref_slice %arg8[%select_n3A_604, %dma_start3A_612, %mul3A_606, %dma_start3A_613, %dma_start3A_614] : memref<200x8x8x8x128xf32, #tpu.memory_space<hbm>> -> memref<1x8x2x8x128xf32, #tpu.memory_space<hbm>>
        %dma_start3A_616 = tpu.memref_squeeze %dma_start3A_615 : memref<1x8x2x8x128xf32, #tpu.memory_space<hbm>> -> memref<8x2x8x128xf32, #tpu.memory_space<hbm>>
        %dma_start3A_617 = arith.constant 0 : i32
        %dma_start3A_618 = arith.constant 0 : i32
        %dma_start3A_619 = arith.constant 0 : i32
        %dma_start3A_620 = tpu.memref_slice %arg8[%select_n3A_604, %dma_start3A_617, %mul3A_606, %dma_start3A_618, %dma_start3A_619] : memref<200x8x8x8x128xf32, #tpu.memory_space<hbm>> -> memref<1x8x2x8x128xf32, #tpu.memory_space<hbm>>
        %dma_start3A_621 = tpu.memref_squeeze %dma_start3A_620 : memref<1x8x2x8x128xf32, #tpu.memory_space<hbm>> -> memref<8x2x8x128xf32, #tpu.memory_space<hbm>>
        %dma_start3A_622 = arith.constant 0 : i32
        %dma_start3A_623 = arith.constant 0 : i32
        %dma_start3A_624 = arith.constant 0 : i32
        %dma_start3A_625 = arith.constant 0 : i32
        %dma_start3A_626 = tpu.memref_slice %arg16[%dma_start3A_622, %dma_start3A_623, %dma_start3A_624, %dma_start3A_625] : memref<8x2x12x129xf32, #tpu.memory_space<vmem>> -> memref<8x2x8x128xf32, #tpu.memory_space<vmem>>
        tpu.enqueue_dma source(%dma_start3A_626 : memref<8x2x8x128xf32, #tpu.memory_space<vmem>>) target(%dma_start3A_621 : memref<8x2x8x128xf32, #tpu.memory_space<hbm>>) target_semaphore(%arg18 : memref<!tpu.dma_semaphore, #tpu.memory_space<semaphore_mem>>)
        %add3A_627 = arith.constant 2 : i32
        %add3A_628 = arith.addi %add3A_521, %add3A_627 : i32
        %lt3A_629 = arith.constant 50 : i32
        %lt3A_630 = arith.cmpi slt, %add3A_628, %lt3A_629 : i32
        %convert_element_type3A_631 = arith.extui %lt3A_630 : i1 to i32
        %cond3A_632 = arith.constant 0 : i32
        %cond3A_633 = arith.cmpi ne, %convert_element_type3A_631, %cond3A_632 : i32
        scf.if %cond3A_633 {
          %add3A_634 = arith.constant 2 : i32
          %add3A_635 = arith.addi %add3A_521, %add3A_634 : i32
          %mul3A_636 = arith.constant 50 : i32
          %mul3A_637 = arith.muli %mul3A_636, %rem3A_1 : i32
          %add3A_638 = arith.addi %mul3A_637, %add3A_635 : i32
          %rem3A_639 = arith.constant 4 : i32
          %rem3A_640 = arith.remsi %add3A_638, %rem3A_639 : i32
          %jit3A_641 = arith.constant 4 : i32
          %div3A_642 = arith.divsi %add3A_638, %jit3A_641 : i32
          %sign3A_643 = arith.constant 0 : i32
          %sign3A_644 = arith.cmpi sgt, %add3A_638, %sign3A_643 : i32
          %sign3A_645 = arith.extui %sign3A_644 : i1 to i32
          %sign3A_646 = arith.constant 0 : i32
          %sign3A_647 = arith.cmpi slt, %add3A_638, %sign3A_646 : i32
          %sign3A_648 = arith.extui %sign3A_647 : i1 to i32
          %sign3A_649 = arith.subi %sign3A_645, %sign3A_648 : i32
          %sign3A_650 = arith.constant 0 : i32
          %sign3A_651 = arith.cmpi sgt, %jit3A_641, %sign3A_650 : i32
          %sign3A_652 = arith.extui %sign3A_651 : i1 to i32
          %sign3A_653 = arith.constant 0 : i32
          %sign3A_654 = arith.cmpi slt, %jit3A_641, %sign3A_653 : i32
          %sign3A_655 = arith.extui %sign3A_654 : i1 to i32
          %sign3A_656 = arith.subi %sign3A_652, %sign3A_655 : i32
          %ne3A_657 = arith.cmpi ne, %sign3A_649, %sign3A_656 : i32
          %rem3A_658 = arith.remsi %add3A_638, %jit3A_641 : i32
          %ne3A_659 = arith.constant 0 : i32
          %ne3A_660 = arith.cmpi ne, %rem3A_658, %ne3A_659 : i32
          %and3A_661 = arith.andi %ne3A_657, %ne3A_660 : i1
          %sub3A_662 = arith.constant 1 : i32
          %sub3A_663 = arith.subi %div3A_642, %sub3A_662 : i32
          %select_n3A_664 = arith.select %and3A_661, %sub3A_663, %div3A_642 : i32
          %jit3A_665 = arith.constant 8 : i32
          %div3A_666 = arith.divsi %select_n3A_664, %jit3A_665 : i32
          %sign3A_667 = arith.constant 0 : i32
          %sign3A_668 = arith.cmpi sgt, %select_n3A_664, %sign3A_667 : i32
          %sign3A_669 = arith.extui %sign3A_668 : i1 to i32
          %sign3A_670 = arith.constant 0 : i32
          %sign3A_671 = arith.cmpi slt, %select_n3A_664, %sign3A_670 : i32
          %sign3A_672 = arith.extui %sign3A_671 : i1 to i32
          %sign3A_673 = arith.subi %sign3A_669, %sign3A_672 : i32
          %sign3A_674 = arith.constant 0 : i32
          %sign3A_675 = arith.cmpi sgt, %jit3A_665, %sign3A_674 : i32
          %sign3A_676 = arith.extui %sign3A_675 : i1 to i32
          %sign3A_677 = arith.constant 0 : i32
          %sign3A_678 = arith.cmpi slt, %jit3A_665, %sign3A_677 : i32
          %sign3A_679 = arith.extui %sign3A_678 : i1 to i32
          %sign3A_680 = arith.subi %sign3A_676, %sign3A_679 : i32
          %ne3A_681 = arith.cmpi ne, %sign3A_673, %sign3A_680 : i32
          %rem3A_682 = arith.remsi %select_n3A_664, %jit3A_665 : i32
          %ne3A_683 = arith.constant 0 : i32
          %ne3A_684 = arith.cmpi ne, %rem3A_682, %ne3A_683 : i32
          %and3A_685 = arith.andi %ne3A_681, %ne3A_684 : i1
          %sub3A_686 = arith.constant 1 : i32
          %sub3A_687 = arith.subi %div3A_666, %sub3A_686 : i32
          %select_n3A_688 = arith.select %and3A_685, %sub3A_687, %div3A_666 : i32
          %sub3A_689 = arith.subi %select_n3A_688, %min3A_45 : i32
          %rem3A_690 = arith.constant 8 : i32
          %rem3A_691 = arith.remsi %select_n3A_664, %rem3A_690 : i32
          %mul3A_692 = arith.constant 2 : i32
          %mul3A_693 = arith.muli %mul3A_692, %rem3A_640 : i32
          %dma_start3A_694 = arith.constant 0 : i32
          %dma_start3A_695 = arith.constant 0 : i32
          %dma_start3A_696 = tpu.memref_slice %arg10[%dma_start3A_694, %dma_start3A_695] : memref<256x64xf32, #tpu.memory_space<vmem>> -> memref<128x64xf32, #tpu.memory_space<vmem>>
          %dma_start3A_697 = arith.constant 0 : i32
          %dma_start3A_698 = tpu.memref_slice %arg13[%sub3A_689, %mul3A_693, %rem3A_691, %dma_start3A_697] : memref<3x8x8x128xi32, #tpu.memory_space<vmem>> -> memref<1x1x1x128xi32, #tpu.memory_space<vmem>>
          %dma_start3A_699 = tpu.memref_squeeze %dma_start3A_698 : memref<1x1x1x128xi32, #tpu.memory_space<vmem>> -> memref<128xi32, #tpu.memory_space<vmem>>
          %dma_start3A_700 = arith.constant 0 : i32
          %dma_start3A_701 = arith.constant 0 : i32
          %dma_start3A_702 = tpu.memref_slice %arg5[%dma_start3A_700, %dma_start3A_701] : memref<100001x64xf32, #tpu.memory_space<hbm>> -> memref<100001x64xf32, #tpu.memory_space<hbm>>
          tpu.enqueue_indirect_dma source(%dma_start3A_702 : memref<100001x64xf32, #tpu.memory_space<hbm>>) target(%dma_start3A_696 : memref<128x64xf32, #tpu.memory_space<vmem>>) offsets(%dma_start3A_699 : memref<128xi32, #tpu.memory_space<vmem>>) semaphore(%arg12 : memref<!tpu.dma_semaphore, #tpu.memory_space<semaphore_mem>>)
          %mul3A_703 = arith.constant 2 : i32
          %mul3A_704 = arith.muli %mul3A_703, %rem3A_640 : i32
          %add3A_705 = arith.constant 1 : i32
          %add3A_706 = arith.addi %mul3A_704, %add3A_705 : i32
          %dma_start3A_707 = arith.constant 128 : i32
          %dma_start3A_708 = arith.constant 0 : i32
          %dma_start3A_709 = tpu.memref_slice %arg10[%dma_start3A_707, %dma_start3A_708] : memref<256x64xf32, #tpu.memory_space<vmem>> -> memref<128x64xf32, #tpu.memory_space<vmem>>
          %dma_start3A_710 = arith.constant 0 : i32
          %dma_start3A_711 = tpu.memref_slice %arg13[%sub3A_689, %add3A_706, %rem3A_691, %dma_start3A_710] : memref<3x8x8x128xi32, #tpu.memory_space<vmem>> -> memref<1x1x1x128xi32, #tpu.memory_space<vmem>>
          %dma_start3A_712 = tpu.memref_squeeze %dma_start3A_711 : memref<1x1x1x128xi32, #tpu.memory_space<vmem>> -> memref<128xi32, #tpu.memory_space<vmem>>
          %dma_start3A_713 = arith.constant 0 : i32
          %dma_start3A_714 = arith.constant 0 : i32
          %dma_start3A_715 = tpu.memref_slice %arg5[%dma_start3A_713, %dma_start3A_714] : memref<100001x64xf32, #tpu.memory_space<hbm>> -> memref<100001x64xf32, #tpu.memory_space<hbm>>
          tpu.enqueue_indirect_dma source(%dma_start3A_715 : memref<100001x64xf32, #tpu.memory_space<hbm>>) target(%dma_start3A_709 : memref<128x64xf32, #tpu.memory_space<vmem>>) offsets(%dma_start3A_712 : memref<128xi32, #tpu.memory_space<vmem>>) semaphore(%arg12 : memref<!tpu.dma_semaphore, #tpu.memory_space<semaphore_mem>>)
        } else {
        }
      }
      %scan3A_359 = arith.constant 25 : i32
      %dma_wait3A = arith.constant 0 : i32
      %dma_wait3A_360 = arith.constant 0 : i32
      %dma_wait3A_361 = arith.constant 0 : i32
      %dma_wait3A_362 = arith.constant 0 : i32
      %dma_wait3A_363 = arith.constant 0 : i32
      %dma_wait3A_364 = tpu.memref_slice %arg15[%dma_wait3A_360, %dma_wait3A_361, %dma_wait3A_362, %dma_wait3A_363] : memref<8x2x12x129xf32, #tpu.memory_space<vmem>> -> memref<8x2x8x128xf32, #tpu.memory_space<vmem>>
      %dma_wait3A_365 = arith.constant 0 : i32
      %dma_wait3A_366 = arith.constant 0 : i32
      %dma_wait3A_367 = arith.constant 0 : i32
      %dma_wait3A_368 = arith.constant 0 : i32
      %dma_wait3A_369 = tpu.memref_slice %arg8[%dma_wait3A, %dma_wait3A_365, %dma_wait3A_366, %dma_wait3A_367, %dma_wait3A_368] : memref<200x8x8x8x128xf32, #tpu.memory_space<hbm>> -> memref<1x8x2x8x128xf32, #tpu.memory_space<hbm>>
      %dma_wait3A_370 = tpu.memref_squeeze %dma_wait3A_369 : memref<1x8x2x8x128xf32, #tpu.memory_space<hbm>> -> memref<8x2x8x128xf32, #tpu.memory_space<hbm>>
      %dma_wait3A_371 = arith.constant 0 : i32
      %dma_wait3A_372 = arith.constant 0 : i32
      %dma_wait3A_373 = arith.constant 0 : i32
      %dma_wait3A_374 = arith.constant 0 : i32
      %dma_wait3A_375 = tpu.memref_slice %arg8[%dma_wait3A, %dma_wait3A_371, %dma_wait3A_372, %dma_wait3A_373, %dma_wait3A_374] : memref<200x8x8x8x128xf32, #tpu.memory_space<hbm>> -> memref<1x8x2x8x128xf32, #tpu.memory_space<hbm>>
      %dma_wait3A_376 = tpu.memref_squeeze %dma_wait3A_375 : memref<1x8x2x8x128xf32, #tpu.memory_space<hbm>> -> memref<8x2x8x128xf32, #tpu.memory_space<hbm>>
      %dma_wait3A_377 = arith.constant 0 : i32
      %dma_wait3A_378 = arith.constant 0 : i32
      %dma_wait3A_379 = arith.constant 0 : i32
      %dma_wait3A_380 = arith.constant 0 : i32
      %dma_wait3A_381 = tpu.memref_slice %arg15[%dma_wait3A_377, %dma_wait3A_378, %dma_wait3A_379, %dma_wait3A_380] : memref<8x2x12x129xf32, #tpu.memory_space<vmem>> -> memref<8x2x8x128xf32, #tpu.memory_space<vmem>>
      tpu.wait_dma2 semaphore(%arg17 : memref<!tpu.dma_semaphore, #tpu.memory_space<semaphore_mem>>) src(%dma_wait3A_381 : memref<8x2x8x128xf32, #tpu.memory_space<vmem>>) dst(%dma_wait3A_376 : memref<8x2x8x128xf32, #tpu.memory_space<hbm>>)
      %dma_wait3A_382 = arith.constant 0 : i32
      %dma_wait3A_383 = arith.constant 0 : i32
      %dma_wait3A_384 = arith.constant 0 : i32
      %dma_wait3A_385 = arith.constant 0 : i32
      %dma_wait3A_386 = arith.constant 0 : i32
      %dma_wait3A_387 = tpu.memref_slice %arg16[%dma_wait3A_383, %dma_wait3A_384, %dma_wait3A_385, %dma_wait3A_386] : memref<8x2x12x129xf32, #tpu.memory_space<vmem>> -> memref<8x2x8x128xf32, #tpu.memory_space<vmem>>
      %dma_wait3A_388 = arith.constant 0 : i32
      %dma_wait3A_389 = arith.constant 0 : i32
      %dma_wait3A_390 = arith.constant 0 : i32
      %dma_wait3A_391 = arith.constant 0 : i32
      %dma_wait3A_392 = tpu.memref_slice %arg8[%dma_wait3A_382, %dma_wait3A_388, %dma_wait3A_389, %dma_wait3A_390, %dma_wait3A_391] : memref<200x8x8x8x128xf32, #tpu.memory_space<hbm>> -> memref<1x8x2x8x128xf32, #tpu.memory_space<hbm>>
      %dma_wait3A_393 = tpu.memref_squeeze %dma_wait3A_392 : memref<1x8x2x8x128xf32, #tpu.memory_space<hbm>> -> memref<8x2x8x128xf32, #tpu.memory_space<hbm>>
      %dma_wait3A_394 = arith.constant 0 : i32
      %dma_wait3A_395 = arith.constant 0 : i32
      %dma_wait3A_396 = arith.constant 0 : i32
      %dma_wait3A_397 = arith.constant 0 : i32
      %dma_wait3A_398 = tpu.memref_slice %arg8[%dma_wait3A_382, %dma_wait3A_394, %dma_wait3A_395, %dma_wait3A_396, %dma_wait3A_397] : memref<200x8x8x8x128xf32, #tpu.memory_space<hbm>> -> memref<1x8x2x8x128xf32, #tpu.memory_space<hbm>>
      %dma_wait3A_399 = tpu.memref_squeeze %dma_wait3A_398 : memref<1x8x2x8x128xf32, #tpu.memory_space<hbm>> -> memref<8x2x8x128xf32, #tpu.memory_space<hbm>>
      %dma_wait3A_400 = arith.constant 0 : i32
      %dma_wait3A_401 = arith.constant 0 : i32
      %dma_wait3A_402 = arith.constant 0 : i32
      %dma_wait3A_403 = arith.constant 0 : i32
      %dma_wait3A_404 = tpu.memref_slice %arg16[%dma_wait3A_400, %dma_wait3A_401, %dma_wait3A_402, %dma_wait3A_403] : memref<8x2x12x129xf32, #tpu.memory_space<vmem>> -> memref<8x2x8x128xf32, #tpu.memory_space<vmem>>
      tpu.wait_dma2 semaphore(%arg18 : memref<!tpu.dma_semaphore, #tpu.memory_space<semaphore_mem>>) src(%dma_wait3A_404 : memref<8x2x8x128xf32, #tpu.memory_space<vmem>>) dst(%dma_wait3A_399 : memref<8x2x8x128xf32, #tpu.memory_space<hbm>>)
    } else {
    }
    return
  }
}

</mosaic_0001>

<sc_bundles>
// kernel: kernel.3.cloned.1.call-start
scs
__scs_entry_jumppad:
0x0: {  	(pc) =	sbr.rel $0x88, $3  }
0x1: {  	(tag) =	ssettag $0x0;
	lr =	simm.s32 $0x1  }
0x2: {  	[smem:$0x3F9B] =	sst lr;
	_ =	strace $0xD0000000  }
0x3: {  	_ = 	snop  }
0x4: {  	_ = 	snop  }
0x5: {  	_ = 	snop  }
0x6: {  	_ = 	snop  }
0x7: {  	_ = 	snop  }
__scs_overlays_trampoline_lowered:
0x8: {  	[smem:$0x3FAA] =	sst s0  }
0x9: {  	[smem:$0x3FAB] =	sst s1  }
0xa: {  	[smem:$0x3FAC] =	sst s2  }
0xb: {  	[smem:$0x3FAD] =	sst s3  }
0xc: {  	[smem:$0x3FAE] =	sst s4  }
0xd: {  	[smem:$0x3FAF] =	sst s5  }
0xe: {  	[smem:$0x3FB0] =	sst s6  }
0xf: {  	[smem:$0x3FB1] =	sst s7  }
0x10: {  	[smem:$0x3FB2] =	sst s8  }
0x11: {  	[smem:$0x3FB3] =	sst s9;
	s0 =	simm.s32 @!p0 $0x0  }
0x12: {  	s1 =	sld [smem:$0x3F99];
	s0 =	simm.s32 @p0 $0x1  }
0x13: {  	[smem:$0x3FB4] =	sst s0;
	s0 =	simm.s32 @!p1 $0x0  }
0x14: {  	s2 =	sld [smem:$0x3F98];
	s0 =	simm.s32 @p1 $0x1  }
0x15: {  	[smem:$0x3FB5] =	sst s0;
	s0 =	simm.s32 @!p2 $0x0  }
0x16: {  	s3 =	sld [smem:$0x3FDB];
	s0 =	simm.s32 @p2 $0x1  }
0x17: {  	s4 =	simm.s32 $0x1BF5;
	[smem:$0x3FB7] =	sst s0  }
0x18: {  	s0 =	sld [smem:$0x3F9A];
	_ =	swait.ge [sflag:s4], $0x0  }
0x19: {  	s7 =	sld [smem:$0x3F9B]  }
0x1a: {  	s8 =	sadd.s32 $0xFFFFE003, lr  }
0x1b: {  	s9 =	sadd.s32 $0xFFFFFEF7, lr;
	s5 =	simm.s32 $0xFFFFFFFF;
	p2 =	slt.u32 s8, $0xFFFFF086  }
0x1c: {  	p1 =	slt.u32 s9, $0xF7A;
	s5 =	simm.s32 @!p2 $0x0  }
0x1d: {  	s5 =	simm.s32 @p1 $0x1;
	p0 =	seq.s32 s7, s2  }
0x1e: {  	s7 =	smul.u32 @!p0 $0xF7A, s2;
	p2 =	seq.s32 @!p0 s5, $0x0  }
0x1f: {  	s9 =	smul.u32 $0xF7A, s1;
	s8 =	simm.s32 @!p0 $0x1BF5;
	p2 =	por !p2, p0  }
0x20: {  	[sflag:s8] =	ssyncset.s32 @!p0 $0xFFFFF086;
	s6 =	sadd.s32 @!p0 s3, s7;
	s7 =	simm.s32 @!p0 $0x108  }
0x21: {  	s3 =	sadd.s32 s3, s9;
	s6 =	sadd.s32 @!p0 $0x88, s6;
	s7 =	simm.s32 @p2 $0x1082  }
0x22: {  	[simem:s7], [sflag:s8] =	dma.local @!p0 [hbm:s6], $0xF7A  }
0x23: {  	s9 =	sor.u32 $0xD0000000, s2;
	s6 =	simm.s32 $0x108;
	_ =	swait.ge @!p0 [sflag:s8], $0x0  }
0x24: {  	s3 =	sadd.s32 $0x88, s3;
	s6 =	simm.s32 @!p1 $0x1082;
	[sflag:s4] =	ssyncset.s32 $0xFFFFF086  }
0x25: {  	[simem:s6], [sflag:s4] =	dma.local [hbm:s3], $0xF7A  }
0x26: {  	[smem:$0x3F9B] =	sst s1;
	(tag) =	ssettag s2;
	_ =	strace s9  }
0x27: {  	s1 =	sld [smem:$0x3FAB]  }
0x28: {  	s2 =	sld [smem:$0x3FAC]  }
0x29: {  	s4 =	sld [smem:$0x3FAE]  }
0x2a: {  	p0 =	seq.s32 s5, $0x0;
	s5 =	sld [smem:$0x3FAF]  }
0x2b: {  	s6 =	sld [smem:$0x3FB0]  }
0x2c: {  	s7 =	sld [smem:$0x3FB1]  }
0x2d: {  	s3 =	simm.s32 $0x108;
	s8 =	sld [smem:$0x3FB2]  }
0x2e: {  	s3 =	simm.s32 @!p0 $0x1082;
	s9 =	sld [smem:$0x3FB3]  }
0x2f: {  	lr =	sadd.s32 s0, s3;
	s0 =	sld [smem:$0x3FAA]  }
0x30: {  	s3 =	sld [smem:$0x3FAD]  }
0x31: {  	[smem:$0x3FB6] =	sst s10  }
0x32: {  	s10 =	sld [smem:$0x3FB4];
	_ =	sdelay $0x3  }
0x33: {  	p0 =	seq.s32 s10, $0x1;
	s10 =	sld [smem:$0x3FB6];
	_ =	sdelay $0x3  }
0x34: {  	[smem:$0x3FB6] =	sst s10  }
0x35: {  	s10 =	sld [smem:$0x3FB5];
	_ =	sdelay $0x3  }
0x36: {  	p1 =	seq.s32 s10, $0x1;
	s10 =	sld [smem:$0x3FB6];
	_ =	sdelay $0x3  }
0x37: {  	[smem:$0x3FB6] =	sst s10  }
0x38: {  	s10 =	sld [smem:$0x3FB7]  }
0x39: {  	_ = 	snop;
	(pc) =	sbr.ind lr, $3  }
0x3a: {  	_ = 	snop  }
0x3b: {  	_ = 	snop  }
0x3c: {  	p2 =	seq.s32 s10, $0x1;
	s10 =	sld [smem:$0x3FB6]  }
0x3d: {  	_ =	shalt  }
0x3e: {  	_ =	shalt  }
0x3f: {  	_ =	shalt  }
0x40: {  	_ =	shalt  }
0x41: {  	_ =	shalt  }
0x42: {  	_ =	shalt  }
0x43: {  	_ =	shalt  }
0x44: {  	_ =	shalt  }
0x45: {  	_ =	shalt  }
0x46: {  	_ =	shalt  }
0x47: {  	_ =	shalt  }
0x48: {  	_ =	shalt  }
0x49: {  	_ =	shalt  }
0x4a: {  	_ =	shalt  }
0x4b: {  	_ =	shalt  }
0x4c: {  	_ =	shalt  }
0x4d: {  	_ =	shalt  }
0x4e: {  	_ =	shalt  }
0x4f: {  	_ =	shalt  }
0x50: {  	_ =	shalt  }
0x51: {  	_ =	shalt  }
0x52: {  	_ =	shalt  }
0x53: {  	_ =	shalt  }
0x54: {  	_ =	shalt  }
0x55: {  	_ =	shalt  }
0x56: {  	_ =	shalt  }
0x57: {  	_ =	shalt  }
0x58: {  	_ =	shalt  }
0x59: {  	_ =	shalt  }
0x5a: {  	_ =	shalt  }
0x5b: {  	_ =	shalt  }
0x5c: {  	_ =	shalt  }
0x5d: {  	_ =	shalt  }
0x5e: {  	_ =	shalt  }
0x5f: {  	_ =	shalt  }
0x60: {  	_ =	shalt  }
0x61: {  	_ =	shalt  }
0x62: {  	_ =	shalt  }
0x63: {  	_ =	shalt  }
0x64: {  	_ =	shalt  }
0x65: {  	_ =	shalt  }
0x66: {  	_ =	shalt  }
0x67: {  	_ =	shalt  }
0x68: {  	_ =	shalt  }
0x69: {  	_ =	shalt  }
0x6a: {  	_ =	shalt  }
0x6b: {  	_ =	shalt  }
0x6c: {  	_ =	shalt  }
0x6d: {  	_ =	shalt  }
0x6e: {  	_ =	shalt  }
0x6f: {  	_ =	shalt  }
0x70: {  	_ =	shalt  }
0x71: {  	_ =	shalt  }
0x72: {  	_ =	shalt  }
0x73: {  	_ =	shalt  }
0x74: {  	_ =	shalt  }
0x75: {  	_ =	shalt  }
0x76: {  	_ =	shalt  }
0x77: {  	_ =	shalt  }
0x78: {  	_ =	shalt  }
0x79: {  	_ =	shalt  }
0x7a: {  	_ =	shalt  }
0x7b: {  	_ =	shalt  }
0x7c: {  	_ =	shalt  }
0x7d: {  	_ =	shalt  }
0x7e: {  	_ =	shalt  }
0x7f: {  	_ =	shalt  }
0x80: {  	_ =	shalt  }
0x81: {  	_ =	shalt  }
0x82: {  	_ =	shalt  }
0x83: {  	_ =	shalt  }
0x84: {  	_ =	shalt  }
0x85: {  	_ =	shalt  }
0x86: {  	_ =	shalt  }
0x87: {  	_ =	shalt  }
.Lfunc_end0:
.L_simem_size_0:
called_computation_lowered:
.L_overlay_start_0:
0x88: {  	s2 =	sld [smem:$0x3FD9]  }
0x89: {  	s3 =	sld [smem:$0x3FFE];
	_ =	sdelay $0x1  }
0x8a: {  	s1 =	srdreg.scid  }
0x8b: {  	s0 =	sand.u32 $0x1, s1  }
0x8c: {  	s14 =	sshll.u32 s0, $0xA;
	s2 =	sadd.s32 s3, s2  }
0x8d: {  	s2 =	sadd.s32 s2, s14  }
0x8e: {  	[smem:$0x3FC2] =	sst s2  }
0x8f: {  	_ = 	snop  }
0x90: {  	s2 =	sld [smem:$0x3FD0];
	_ =	sdelay $0x1  }
0x91: {  	s15 =	sld [smem:$0x3FC9]  }
0x92: {  	s5 =	simm.s32 $0xA;
	s6 =	simm.s32 $0x10;
	s4 =	sld [smem:$0x3FC8]  }
0x93: {  	[smem:s6], [sflag:s5] =	dma.local [hbm:s2], $0x1  }
0x94: {  	_ =	swait.eq [sflag:s5], $0x1  }
0x95: {  	s16 =	sld [smem:$0x10];
	[sflag:s5] =	ssyncset.done $0x0  }
0x96: {  	s17 =	sld [smem:$0x11];
	[sflag:s5] =	ssyncadd.s32 $0xFFFFFFFF  }
0x97: {  	s18 =	sld [smem:$0x12];
	(tm) =	ssettm $0x1  }
0x98: {  	s7 =	sld [smem:$0x3FFB];
	_ =	sdelay $0x3  }
0x99: {  	_ =	strace s7  }
0x9a: {  	s7 =	sld [smem:$0x3FFC];
	_ =	sdelay $0x3  }
0x9b: {  	_ =	strace s7  }
0x9c: {  	s7 =	sld [smem:$0x3FFD];
	_ =	sdelay $0x3  }
0x9d: {  	_ =	strace s7  }
0x9e: {  	_ =	strace $0x8FFFFFFF  }
0x9f: {  	s19 =	sld [smem:$0x3FDB];
	_ =	sdelay $0x1  }
0xa0: {  	s8 =	simm.s32 $_scs_section_size  }
0xa1: {  	s9 =	simm.s32 $_size__tile_overlayer_lowered;
	s10 =	simm.s32 $_tile_overlayer_lowered  }
0xa2: {  	s22 =	simm.s32 $0x1BFF;
	s21 =	sshll.u32 s10, $0x1;
	s7 =	sadd.s32 s8, s19  }
0xa3: {  	s11 =	simm.s32 $0x0;
	s20 =	sshll.u32 s9, $0x1;
	s9 =	sadd.s32 s21, s7  }
0xa4: {  	[timem:s11], [sflag:s22] =	dma.local [hbm:s9], s20  }
0xa5: {  	_ =	swait.ge [sflag:s22], s20  }
0xa6: {  	s8 =	ssub.s32 $0x0, s20;
	[sflag:s22] =	ssyncset.done $0x0  }
0xa7: {  	[sflag:s22] =	ssyncadd.s32 s8;
	_ =	sdelay $0x1  }
0xa8: {  	s23 =	simm.s32 $0x1B8B  }
0xa9: {  	_ =	swait.ge [sflag:s23], $0x1  }
0xaa: {  	[sflag:s23] =	ssyncset.done $0x0  }
0xab: {  	s25 =	simm.s32 $0x1B8E;
	s24 =	sld [smem:$0x3FFE];
	[sflag:s23] =	ssyncadd.s32 $0xFFFFFFFF  }
0xac: {  	s26 =	simm.s32 $execute0_lowered;
	[smem:$0x3FD2] =	sst s25  }
0xad: {  	s9 =	sshll.u32 s26, $0x1;
	_ =	strace $0x80000046;
	[dreg:$0x1] =	wrdreg $0xFFFFFFFF  }
0xae: {  	s28 =	simm.s32 $_size_execute0_lowered;
	s7 =	sadd.s32 s7, s9;
	[dreg:$0x0] =	wrdreg $0x0  }
0xaf: {  	s9 =	sshll.u32 s28, $0x1;
	[dreg:$0x2] =	wrdreg s7  }
0xb0: {  	[dreg:$0x3] =	wrdreg s9  }
0xb1: {  	[dreg:$0x4] =	wrdreg $0xC0  }
0xb2: {  	_ =	task [dreg:s11], $0x5FFFF  }
0xb3: {  	[dreg:$0x1] =	wrdreg $0xFFFFFFFF  }
0xb4: {  	[dreg:$0x0] =	wrdreg $0x60  }
0xb5: {  	[dreg:$0x2] =	wrdreg s15  }
0xb6: {  	[dreg:$0x3] =	wrdreg s4  }
0xb7: {  	[dreg:$0x4] =	wrdreg s24  }
0xb8: {  	[dreg:$0x5] =	wrdreg s18  }
0xb9: {  	[dreg:$0x6] =	wrdreg s16  }
0xba: {  	[dreg:$0x7] =	wrdreg s17  }
0xbb: {  	[dreg:$0x8] =	wrdreg $0x9  }
0xbc: {  	_ =	task.clear_ibuf [dreg:s11], $0x9FFFF;
	_ =	strace $0x90000046  }
0xbd: {  	s29 =	simm.s32 $0x9;
	_ =	strace $0x80000048  }
0xbe: {  	_ =	swait.ge [sflag:s29], $0x1  }
0xbf: {  	[sflag:s29] =	ssyncadd.s32 $0xFFFFFFFF  }
0xc0: {  	_ =	strace $0x90000048  }
0xc1: {  	_ =	sfence  }
0xc2: {  	s30 =	sld [smem:$0x0];
	_ =	sdelay $0x2  }
0xc3: {  	s31 =	sshll.u32 s1, $0xD;
	s1 =	sshrl.u32 s1, $0x2  }
0xc4: {  	s3 =	sand.u32 $0x4000, s31;
	s1 =	sadd.s32 s1, s30  }
0xc5: {  	s0 =	sor.u32 s3, s0;
	s1 =	sshll.u32 s1, $0x11  }
0xc6: {  	s0 =	sor.u32 s1, s0  }
0xc7: {  	s0 =	sadd.s32 $0x8F2B, s0  }
0xc8: {  	[sflag:s0] =	ssyncadd.remote.s32 $0x1  }
0xc9: {  	_ =	sfence.sel $0xFFFF  }
0xca: {  	[dreg:$0x0] =	wrdreg $0xFFFFFFFF;
	(pc) =	sbr.abs _section_cstart, $3  }
0xcb: {  	[dreg:$0x1] =	wrdreg $0xFFFFFFFF  }
0xcc: {  	_ =	task.clear_ibuf [dreg:s11], $0x2FFFF;
	_ =	strace $0x9FFFFFFF  }
0xcd: {  	(tm) =	ssettm $0x7FFFFFFF  }
tec
execute0_lowered:
.L_overlay_start_1:
0x0: {  	(tag) =	ssettag $0x1  }
0x1: {  	v0 =	vimm.s32 $0x1078;
	vm14 =	vcmask $0x300  }
0x2: {  	v1 =	vimm.s32 $0x29F8;
	vm13 =	vcmask $0x704;
	vm12 =	vcmask $0xB08  }
0x3: {  	vm11 =	vcmask $0xF0C;
	vm10 =	vcmask $0x1310;
	vm9 =	vcmask $0x1714  }
0x4: {  	vm8 =	vcmask $0x1B18;
	vm7 =	vcmask $0x1F1C;
	vm6 =	vcmask $0x2320  }
0x5: {  	vm5 =	vcmask $0x2724;
	vm4 =	vcmask $0x2B28;
	vm3 =	vcmask $0x2F2C  }
0x6: {  	vm2 =	vcmask $0x3330;
	vm1 =	vcmask $0x3734;
	vm0 =	vcmask $0x3B38  }
0x7: {  	v2 =	vimm.s32 $0x4378;
	v3 =	vimm.s32 $0x5CF8;
	v4 =	vimm.s32 $0x16D8  }
0x8: {  	v5 =	vimm.s32 $0x3058;
	v6 =	vimm.s32 $0x49D8;
	v7 =	vimm.s32 $0x6358  }
0x9: {  	v0 =	vsel vm14, $0x0, v0;
	v1 =	vsel vm14, $0x1980, v1;
	v2 =	vsel vm14, $0x3300, v2  }
0xa: {  	v3 =	vsel vm14, $0x4C80, v3;
	v4 =	vsel vm14, $0x660, v4;
	v5 =	vsel vm14, $0x1FE0, v5  }
0xb: {  	v6 =	vsel vm14, $0x3960, v6;
	v7 =	vsel vm14, $0x52E0, v7;
	v0 =	vsel vm13, $0x88, v0  }
0xc: {  	v1 =	vsel vm13, $0x1A08, v1;
	v2 =	vsel vm13, $0x3388, v2;
	v3 =	vsel vm13, $0x4D08, v3  }
0xd: {  	v4 =	vsel vm13, $0x6E8, v4;
	v5 =	vsel vm13, $0x2068, v5;
	v6 =	vsel vm13, $0x39E8, v6  }
0xe: {  	v7 =	vsel vm13, $0x5368, v7;
	v0 =	vsel vm12, $0x110, v0;
	v1 =	vsel vm12, $0x1A90, v1  }
0xf: {  	v2 =	vsel vm12, $0x3410, v2;
	v3 =	vsel vm12, $0x4D90, v3;
	v4 =	vsel vm12, $0x770, v4  }
0x10: {  	v5 =	vsel vm12, $0x20F0, v5;
	v6 =	vsel vm12, $0x3A70, v6;
	v7 =	vsel vm12, $0x53F0, v7  }
0x11: {  	v0 =	vsel vm11, $0x198, v0;
	v1 =	vsel vm11, $0x1B18, v1;
	v2 =	vsel vm11, $0x3498, v2  }
0x12: {  	v3 =	vsel vm11, $0x4E18, v3;
	v4 =	vsel vm11, $0x7F8, v4;
	v5 =	vsel vm11, $0x2178, v5  }
0x13: {  	v6 =	vsel vm11, $0x3AF8, v6;
	v7 =	vsel vm11, $0x5478, v7;
	v0 =	vsel vm10, $0x220, v0  }
0x14: {  	v1 =	vsel vm10, $0x1BA0, v1;
	v2 =	vsel vm10, $0x3520, v2;
	v3 =	vsel vm10, $0x4EA0, v3  }
0x15: {  	v4 =	vsel vm10, $0x880, v4;
	v5 =	vsel vm10, $0x2200, v5;
	v6 =	vsel vm10, $0x3B80, v6  }
0x16: {  	v7 =	vsel vm10, $0x5500, v7;
	v0 =	vsel vm9, $0x2A8, v0;
	v1 =	vsel vm9, $0x1C28, v1  }
0x17: {  	v2 =	vsel vm9, $0x35A8, v2;
	v3 =	vsel vm9, $0x4F28, v3;
	v4 =	vsel vm9, $0x908, v4  }
0x18: {  	v5 =	vsel vm9, $0x2288, v5;
	v6 =	vsel vm9, $0x3C08, v6;
	v7 =	vsel vm9, $0x5588, v7  }
0x19: {  	s0 =	rddreg [dreg:$0x0];
	v0 =	vsel vm8, $0x330, v0;
	v1 =	vsel vm8, $0x1CB0, v1;
	v2 =	vsel vm8, $0x3630, v2  }
0x1a: {  	s2 =	rddreg [dreg:$0x1];
	v3 =	vsel vm8, $0x4FB0, v3;
	v4 =	vsel vm8, $0x990, v4;
	v5 =	vsel vm8, $0x2310, v5  }
0x1b: {  	s8 =	rddreg [dreg:$0x2];
	s18 =	stileid.u32;
	v6 =	vsel vm8, $0x3C90, v6;
	v7 =	vsel vm8, $0x5610, v7;
	v0 =	vsel vm7, $0x3B8, v0  }
0x1c: {  	s10 =	rddreg [dreg:$0x3];
	s3 =	srdreg.scid;
	v1 =	vsel vm7, $0x1D38, v1;
	v2 =	vsel vm7, $0x36B8, v2;
	v3 =	vsel vm7, $0x5038, v3  }
0x1d: {  	s1 =	rddreg [dreg:$0x4];
	s28 =	simm.s32 $0x1;
	s29 =	simm.s32 $0xE340;
	v4 =	vsel vm7, $0xA18, v4;
	v5 =	vsel vm7, $0x2398, v5;
	v6 =	vsel vm7, $0x3D18, v6  }
0x1e: {  	s30 =	simm.s32 $0x2;
	s31 =	simm.s32 $0x14940;
	s4 =	sshll.u32 s18, $0x1;
	v7 =	vsel vm7, $0x5698, v7;
	v0 =	vsel vm6, $0xCC0, v0;
	v1 =	vsel vm6, $0x2640, v1  }
0x1f: {  	s11 =	sand.u32 $0x1, s3;
	s3 =	rddreg [dreg:$0x5];
	s6 =	sadd.s32 $0xC6000, s8;
	v2 =	vsel vm6, $0x3FC0, v2;
	v3 =	vsel vm6, $0x5940, v3;
	v4 =	vsel vm6, $0x1320, v4  }
0x20: {  	s8 =	sadd.s32 $0x2A00, s8;
	p0 =	sgt.u32 s18, $0x7;
	s4 =	sand.u32 $0xE, s4;
	v5 =	vsel vm6, $0x2CA0, v5;
	v6 =	vsel vm6, $0x4620, v6;
	v7 =	vsel vm6, $0x5FA0, v7  }
0x21: {  	s13 =	ssub.s32 $0x2, s11;
	s12 =	sor.u32 s11, s4;
	s4 =	simm.s32 $0x0;
	v0 =	vsel vm5, $0xD48, v0;
	v1 =	vsel vm5, $0x26C8, v1;
	v2 =	vsel vm5, $0x4048, v2  }
0x22: {  	s14 =	sshrl.u32 s13, $0x1;
	s11 =	sshll.u32 s11, $0xC;
	s5 =	smul.u32 $0x32, s12;
	v3 =	vsel vm5, $0x59C8, v3;
	v4 =	vsel vm5, $0x13A8, v4;
	v5 =	vsel vm5, $0x2D28, v5  }
0x23: {  	[smem:$0x7FF] =	sst s4;
	s13 =	ssub.s32 s13, s14;
	s12 =	smul.u32 $0x240, s12;
	v6 =	vsel vm5, $0x46A8, v6;
	v7 =	vsel vm5, $0x6028, v7;
	v0 =	vsel vm4, $0xDD0, v0  }
0x24: {  	_ =	strace $0x80000047;
	s26 =	smax.u32 s13, $0x1;
	s9 =	sshrl.u32 s5, $0x5;
	v1 =	vsel vm4, $0x2750, v1;
	v2 =	vsel vm4, $0x40D0, v2;
	v3 =	vsel vm4, $0x5A50, v3  }
0x25: {  	s16 =	sshll.u32 s5, $0x5;
	s23 =	sand.u32 $0x380, s12;
	[dreg:$0xe] =	wrdreg s26;
	v4 =	vsel vm4, $0x1430, v4;
	v5 =	vsel vm4, $0x2DB0, v5;
	v6 =	vsel vm4, $0x4730, v6  }
0x26: {  	s26 =	simm.s32 $0x6000;
	s7 =	smin.u32 s9, $0x16;
	s20 =	sand.u32 $0x380, s16;
	v7 =	vsel vm4, $0x60B0, v7;
	v0 =	vsel vm3, $0xE58, v0;
	v1 =	vsel vm3, $0x27D8, v1  }
0x27: {  	s16 =	sadd.s32 $0x2, s5;
	s15 =	ssub.s32 s9, s7;
	s9 =	sshrl.u32 s5, $0x2;
	v2 =	vsel vm3, $0x4158, v2;
	v3 =	vsel vm3, $0x5AD8, v3;
	v4 =	vsel vm3, $0x14B8, v4  }
0x28: {  	s21 =	sshll.u32 s7, $0xA;
	s17 =	sshll.u32 s15, $0xF;
	s19 =	sshll.u32 s9, $0x3;
	v5 =	vsel vm3, $0x2E38, v5;
	v6 =	vsel vm3, $0x47B8, v6;
	v7 =	vsel vm3, $0x6138, v7  }
0x29: {  	s2 =	sadd.s32 s2, s21;
	s0 =	sadd.s32 s0, s21;
	s14 =	sshra.s32 s17, $0x2;
	v0 =	vsel vm2, $0xEE0, v0;
	v1 =	vsel vm2, $0x2860, v1;
	v2 =	vsel vm2, $0x41E0, v2  }
0x2a: {  	s21 =	simm.s32 $0x5;
	[dreg:$0x9] =	wrdreg s2;
	s11 =	sor.u32 s11, s14;
	v3 =	vsel vm2, $0x5B60, v3;
	v4 =	vsel vm2, $0x1540, v4;
	v5 =	vsel vm2, $0x2EC0, v5  }
0x2b: {  	s10 =	sadd.s32 s10, s19;
	[dreg:$0xd] =	wrdreg s0;
	s11 =	sadd.s32 $0x8000, s11;
	v6 =	vsel vm2, $0x4840, v6;
	v7 =	vsel vm2, $0x61C0, v7;
	v0 =	vsel vm1, $0xF68, v0  }
.Ltmp0:
0x2c: {  	[dreg:$0x7] =	wrdreg s10;
	s22 =	sor.u32 s20, s11;
	v1 =	vsel vm1, $0x28E8, v1;
	v2 =	vsel vm1, $0x4268, v2;
	v3 =	vsel vm1, $0x5BE8, v3;
	(pc) =	sbr.rel .LBB2_1-.Ltmp0, $4  }
0x2d: {  	s25 =	sor.u32 s23, s11;
	v4 =	vsel vm1, $0x15C8, v4;
	[dreg:$0x8] =	wrdreg s22;
	s24 =	sor.u32 $0x400, s22;
	v5 =	vsel vm1, $0x2F48, v5;
	v6 =	vsel vm1, $0x48C8, v6  }
0x2e: {  	s17 =	sadd.s32 $0x3, s5;
	s10 =	sor.u32 $0x800, s25;
	v7 =	vsel vm1, $0x6248, v7;
	v0 =	vsel vm0, $0xFF0, v0;
	v1 =	vsel vm0, $0x2970, v1;
	[dreg:$0xa] =	wrdreg s24  }
0x2f: {  	s23 =	simm.s32 $0x80;
	s2 =	sor.u32 $0xC00, s25;
	v2 =	vsel vm0, $0x42F0, v2;
	v3 =	vsel vm0, $0x5C70, v3;
	v4 =	vsel vm0, $0x1650, v4;
	[dreg:$0xb] =	wrdreg s10  }
0x30: {  	s20 =	simm.s32 $0x0;
	s25 =	simm.s32 $0x4000;
	[dreg:$0xc] =	wrdreg s2;
	v5 =	vsel vm0, $0x2FD0, v5;
	v6 =	vsel vm0, $0x4950, v6;
	v7 =	vsel vm0, $0x62D0, v7  }
.LBB2_44:
0x31: {  	s0 =	simm.s32 $0x3  }
0x32: {  	_ =	swait.ge [sflag:s0], $0x4000  }
0x33: {  	[sflag:s0] =	ssyncset.done $0x0  }
0x34: {  	s2 =	simm.s32 $0x4;
	[sflag:s0] =	ssyncadd.s32 $0xFFFFC000  }
0x35: {  	_ =	swait.ge [sflag:s2], $0x4000  }
0x36: {  	s20 =	sadd.s32 $0x1, s20;
	s24 =	rddreg [dreg:$0xe]  }
0x37: {  	p1 =	sne.s32 s20, s24  }
.Ltmp1:
0x38: {  	_ = 	snop;
	(pc) =	sbr.rel @!p1 .LBB2_45-.Ltmp1, $3  }
0x39: {  	_ =	sdelay $0x1  }
0x3a: {  	[sflag:s2] =	ssyncset.done $0x0  }
0x3b: {  	[sflag:s2] =	ssyncadd.s32 $0xFFFFC000  }
.LBB2_1:
.Ltmp2:
0x3c: {  	s0 =	rddreg [dreg:$0x7];
	s2 =	simm.s32 $0xE000;
	(pc) =	sbr.rel @p0 .LBB2_23-.Ltmp2, $4  }
0x3d: {  	[tilespmem:s2], [sflag:$0x5] =	stream.linear.gather [hbm4b:s0+s4], $0x340, $0x38;
	[tilespmem:$0x1AF40] =	vst v63  }
0x3e: {  	_ =	swait.ge [sflag:s21], $0x340  }
0x3f: {  	[sflag:s21] =	ssyncset.done $0x0  }
0x40: {  	s22 =	simm.s32 $0x0;
	[sflag:s21] =	ssyncadd.s32 $0xFFFFFCC0  }
0x41: {  	s0 =	rddreg [dreg:$0xd];
	s2 =	simm.s32 $0x8000  }
0x42: {  	[tilespmem:s2], [sflag:$0x5] =	stream.linear.gather [hbm4b:s0+s22], $0x6000, $0x38;
	[tilespmem:$0x1AF40] =	vst v63  }
0x43: {  	_ =	swait.ge [sflag:s21], $0x6000  }
0x44: {  	[sflag:s21] =	ssyncset.done $0x0  }
0x45: {  	s14 =	rddreg [dreg:$0x8];
	[sflag:s21] =	ssyncadd.s32 $0xFFFFA000  }
0x46: {  	[tilespmem:s22], [sflag:$0x1] =	stream.indirect.gather [hbm4b:s6+s23], $0x40, s14, s23, $0xb8;
	[tilespmem:$0x1AF40] =	vst v63  }
0x47: {  	s18 =	simm.s32 $0x2000;
	s15 =	rddreg [dreg:$0xa]  }
0x48: {  	[tilespmem:s18], [sflag:$0x1] =	stream.indirect.gather [hbm4b:s6+s23], $0x40, s15, s23, $0xb8;
	[tilespmem:$0x1AF40] =	vst v63  }
0x49: {  	s19 =	rddreg [dreg:$0xb]  }
0x4a: {  	[tilespmem:s25], [sflag:$0x2] =	stream.indirect.gather [hbm4b:s6+s23], $0x40, s19, s23, $0xb8;
	[tilespmem:$0x1AF40] =	vst v63  }
0x4b: {  	s24 =	rddreg [dreg:$0xc]  }
0x4c: {  	[tilespmem:s26], [sflag:$0x2] =	stream.indirect.gather [hbm4b:s6+s23], $0x40, s24, s23, $0xb8;
	[tilespmem:$0x1AF40] =	vst v63  }
0x4d: {  	s24 =	simm.s32 $0x0  }
.LBB2_3:
0x4e: {  	s12 =	sshll.u32 s24, $0x1;
	_ =	swait.ge [sflag:s28], $0x4000  }
0x4f: {  	p1 =	seq.s32 s24, $0x0;
	s10 =	sadd.s32 s5, s12;
	[sflag:s28] =	ssyncset.done $0x0  }
0x50: {  	s2 =	simm.s32 @!p1 $0x3;
	s18 =	sshrl.u32 s10, $0x2;
	[sflag:s28] =	ssyncadd.s32 $0xFFFFC000  }
0x51: {  	s11 =	ssub.s32 s18, s9;
	_ =	swait.ge @!p1 [sflag:s2], $0x4000  }
0x52: {  	[sflag:s2] =	ssyncset.done @!p1 $0x0;
	s11 =	sshll.u32 s11, $0x8  }
0x53: {  	[sflag:s2] =	ssyncadd.s32 @!p1 $0xFFFFC000;
	s0 =	sshra.s32 s11, $0x2  }
0x54: {  	s13 =	simm.s32 $0x3;
	s11 =	simm.s32 $0x80;
	v11 =	vld [tilespmem:s0+$0xE000]  }
0x55: {  	v8 =	vmov s13;
	v12 =	vld [tilespmem:s11+$0x40]  }
0x56: {  	v17 =	vand.u32 $0x7F, v8  }
0x57: {  	v13 =	vadd.s32 v0, v17;
	v10 =	vld [tilespmem:s0+$0xE010]  }
0x58: {  	s15 =	simm.s32 $0x1;
	s14 =	simm.s32 $0x2;
	v8 =	vmov s22;
	v14 =	vld [tilespmem:s11+$0xFFFFFF80]  }
0x59: {  	v18 =	vmov s14;
	v16 =	vand.u32 $0x7C, v8;
	v8 =	vmov s15;
	v15 =	vld [tilespmem:s11+$0xFFFFFFC0]  }
0x5a: {  	v19 =	vadd.s32 v0, v16;
	v23 =	vand.u32 $0x7D, v8;
	v20 =	vld [tilespmem:s11+$0x0];
	v12 =	vadd.f32 v12, v11  }
0x5b: {  	v24 =	vand.u32 $0x7E, v18;
	v21 =	vadd.s32 v0, v23;
	v9 =	vld [tilespmem:s0+$0xE020]  }
0x5c: {  	v18 =	vadd.s32 v0, v24;
	v8 =	vld [tilespmem:s0+$0xE030];
	[tilespmem:v13+s29+$0x0] =	vst.idx.msk $0xffff, v12  }
0x5d: {  	v12 =	vadd.f32 v14, v11;
	v13 =	vld [tilespmem:s11+$0x50]  }
0x5e: {  	v14 =	vadd.f32 v15, v11  }
0x5f: {  	v15 =	vadd.s32 v1, v17;
	[tilespmem:v19+s29+$0x0] =	vst.idx.msk $0xffff, v12;
	v12 =	vadd.f32 v20, v11  }
0x60: {  	[tilespmem:v21+s29+$0x0] =	vst.idx.msk $0xffff, v14;
	v19 =	vld [tilespmem:s11+$0xFFFFFF90]  }
0x61: {  	v14 =	vld [tilespmem:s11+$0xFFFFFFD0];
	[tilespmem:v18+s29+$0x0] =	vst.idx.msk $0xffff, v12  }
0x62: {  	v18 =	vld [tilespmem:s11+$0x10];
	v12 =	vadd.f32 v13, v10  }
0x63: {  	s13 =	simm.s32 $0x180;
	s0 =	simm.s32 $0x7;
	v20 =	vadd.s32 v1, v23  }
0x64: {  	s19 =	simm.s32 $0x4;
	v30 =	vadd.s32 v2, v17;
	v22 =	vld [tilespmem:s13+$0x40];
	v21 =	vadd.s32 v1, v24;
	[tilespmem:v15+s29+$0x0] =	vst.idx.msk $0xffff, v12;
	v12 =	vmov s0  }
0x65: {  	v25 =	vadd.s32 v1, v16;
	v13 =	vmov s19;
	v12 =	vand.u32 $0x7F, v12;
	v26 =	vld [tilespmem:s11+$0x60]  }
0x66: {  	s14 =	simm.s32 $0x5;
	v27 =	vld [tilespmem:s13+$0xFFFFFF80];
	v13 =	vand.u32 $0x7C, v13;
	v14 =	vadd.f32 v14, v10;
	v28 =	vadd.s32 v0, v12  }
0x67: {  	s15 =	simm.s32 $0x6;
	v29 =	vld [tilespmem:s13+$0xFFFFFFC0];
	v19 =	vadd.f32 v19, v10;
	v15 =	vadd.f32 v18, v10;
	v18 =	vmov s14  }
0x68: {  	v31 =	vadd.s32 v0, v13;
	[tilespmem:v20+s29+$0x0] =	vst.idx.msk $0xffff, v14;
	v20 =	vmov s15;
	v14 =	vand.u32 $0x7D, v18;
	v18 =	vld [tilespmem:s13+$0x0]  }
0x69: {  	[tilespmem:v21+s29+$0x0] =	vst.idx.msk $0xffff, v15;
	v21 =	vadd.s32 v0, v14;
	v15 =	vand.u32 $0x7E, v20;
	v20 =	vadd.f32 v22, v11;
	v22 =	vld [tilespmem:s11+$0xFFFFFFE0]  }
0x6a: {  	[tilespmem:v25+s29+$0x0] =	vst.idx.msk $0xffff, v19;
	v19 =	vadd.s32 v0, v15;
	v25 =	vld [tilespmem:s11+$0x20];
	v26 =	vadd.f32 v26, v9  }
0x6b: {  	v27 =	vadd.f32 v27, v11;
	[tilespmem:v28+s29+$0x0] =	vst.idx.msk $0xffff, v20;
	v20 =	vld [tilespmem:s11+$0xFFFFFFA0];
	v28 =	vadd.s32 v2, v23  }
0x6c: {  	v33 =	vadd.s32 v2, v24;
	v29 =	vadd.f32 v29, v11;
	v32 =	vld [tilespmem:s13+$0x50];
	[tilespmem:v30+s29+$0x0] =	vst.idx.msk $0xffff, v26  }
0x6d: {  	[tilespmem:v31+s29+$0x0] =	vst.idx.msk $0xffff, v27;
	v27 =	vadd.s32 v2, v16;
	v18 =	vadd.f32 v18, v11;
	v30 =	vld [tilespmem:s11+$0x70]  }
0x6e: {  	v31 =	vld [tilespmem:s13+$0xFFFFFF90];
	[tilespmem:v21+s29+$0x0] =	vst.idx.msk $0xffff, v29;
	v29 =	vadd.s32 v1, v12;
	v22 =	vadd.f32 v22, v9  }
0x6f: {  	v35 =	vadd.s32 v3, v17;
	v34 =	vld [tilespmem:s13+$0xFFFFFFD0];
	[tilespmem:v19+s29+$0x0] =	vst.idx.msk $0xffff, v18;
	v18 =	vadd.f32 v25, v9  }
0x70: {  	v26 =	vadd.s32 v1, v13;
	v21 =	vld [tilespmem:s13+$0x10];
	v17 =	vadd.f32 v20, v9;
	[tilespmem:v28+s29+$0x0] =	vst.idx.msk $0xffff, v22  }
0x71: {  	s15 =	simm.s32 $0x8;
	v25 =	vadd.s32 v1, v14;
	[tilespmem:v33+s29+$0x0] =	vst.idx.msk $0xffff, v18;
	v22 =	vadd.f32 v32, v10;
	v20 =	vld [tilespmem:s11+$0xFFFFFFF0]  }
0x72: {  	v28 =	vmov s15;
	v18 =	vadd.s32 v1, v15;
	v19 =	vld [tilespmem:s11+$0x30];
	[tilespmem:v27+s29+$0x0] =	vst.idx.msk $0xffff, v17;
	v63 =	vadd.f32 v30, v8  }
0x73: {  	s19 =	simm.s32 $0xB;
	s14 =	simm.s32 $0x280;
	v23 =	vadd.s32 v3, v23;
	v17 =	vand.u32 $0x7C, v28;
	v28 =	vadd.f32 v31, v10;
	[tilespmem:v29+s29+$0x0] =	vst.idx.msk $0xffff, v22;
	v22 =	vld [tilespmem:s11+$0xFFFFFFB0]  }
0x74: {  	s2 =	simm.s32 $0xC;
	v24 =	vadd.s32 v3, v24;
	v30 =	vmov s19;
	v27 =	vld [tilespmem:s14+$0x40];
	v29 =	vadd.f32 v34, v10;
	[tilespmem:v35+s29+$0x0] =	vst.idx.msk $0xffff, v63  }
.LBB2_4:
0x75: {  	p2 =	slt.u32 s2, $0x7C;
	s11 =	sadd.s32 $0x1, s15;
	v30 =	vand.u32 $0x7F, v30;
	[tilespmem:v26+s29+$0x0] =	vst.idx.msk $0xffff, v28;
	v21 =	vadd.f32 v21, v10;
	v26 =	vld [tilespmem:s13+$0x60];
	v28 =	vadd.s32 v3, v16  }
0x76: {  	v34 =	vmovc v15;
	v31 =	vld [tilespmem:s14+$0xFFFFFF80];
	v32 =	vmov s11;
	s11 =	sadd.s32 $0x2, s15;
	v33 =	vadd.s32 v0, v30;
	[tilespmem:v25+s29+$0x0] =	vst.idx.msk $0xffff, v29;
	v20 =	vadd.f32 v20, v8;
	s15 =	smov.u32 s2  }
0x77: {  	v16 =	vmovc v13;
	v25 =	vld [tilespmem:s14+$0xFFFFFFC0];
	v15 =	vmov s11;
	[tilespmem:v18+s29+$0x0] =	vst.idx.msk $0xffff, v21;
	v18 =	vadd.s32 v2, v12;
	v19 =	vadd.f32 v19, v8  }
0x78: {  	v21 =	vadd.s32 v0, v17;
	v32 =	vand.u32 $0x7D, v32;
	v29 =	vld [tilespmem:s14+$0x0];
	v35 =	vadd.f32 v22, v8;
	[tilespmem:v23+s29+$0x0] =	vst.idx.msk $0xffff, v20  }
0x79: {  	v20 =	vadd.s32 v0, v32;
	v15 =	vand.u32 $0x7E, v15;
	v22 =	vadd.f32 v27, v11;
	v23 =	vld [tilespmem:s13+$0xFFFFFFE0];
	[tilespmem:v24+s29+$0x0] =	vst.idx.msk $0xffff, v19  }
0x7a: {  	v13 =	vmov v17;
	v19 =	vadd.s32 v0, v15;
	v24 =	vld [tilespmem:s13+$0x20];
	v26 =	vadd.f32 v26, v9;
	[tilespmem:v28+s29+$0x0] =	vst.idx.msk $0xffff, v35  }
0x7b: {  	v27 =	vadd.s32 v2, v14;
	v17 =	vadd.f32 v31, v11;
	[tilespmem:v33+s29+$0x0] =	vst.idx.msk $0xffff, v22;
	v22 =	vld [tilespmem:s13+$0xFFFFFFA0]  }
0x7c: {  	v31 =	vadd.s32 v2, v34;
	v25 =	vadd.f32 v25, v11;
	v28 =	vld [tilespmem:s14+$0x50];
	[tilespmem:v18+s29+$0x0] =	vst.idx.msk $0xffff, v26  }
0x7d: {  	[tilespmem:v21+s29+$0x0] =	vst.idx.msk $0xffff, v17;
	v17 =	vadd.f32 v29, v11;
	v29 =	vadd.s32 v2, v16;
	v33 =	vld [tilespmem:s13+$0x70]  }
0x7e: {  	v36 =	vadd.s32 v1, v30;
	v35 =	vld [tilespmem:s14+$0xFFFFFF90];
	[tilespmem:v20+s29+$0x0] =	vst.idx.msk $0xffff, v25;
	v18 =	vadd.f32 v23, v9  }
0x7f: {  	v38 =	vadd.s32 v3, v12;
	v12 =	vmov v30;
	v37 =	vld [tilespmem:s14+$0xFFFFFFD0];
	[tilespmem:v19+s29+$0x0] =	vst.idx.msk $0xffff, v17;
	v17 =	vadd.f32 v24, v9  }
.Ltmp3:
0x80: {  	v26 =	vadd.s32 v1, v13;
	v21 =	vld [tilespmem:s14+$0x10];
	v19 =	vadd.f32 v22, v9;
	[tilespmem:v27+s29+$0x0] =	vst.idx.msk $0xffff, v18;
	(pc) =	sbr.rel @p2 .LBB2_4-.Ltmp3, $4  }
0x81: {  	v25 =	vadd.s32 v1, v32;
	v22 =	vadd.f32 v28, v10;
	v20 =	vld [tilespmem:s13+$0xFFFFFFF0];
	[tilespmem:v31+s29+$0x0] =	vst.idx.msk $0xffff, v17  }
0x82: {  	v18 =	vadd.s32 v1, v15;
	v17 =	vmov s2;
	[tilespmem:v29+s29+$0x0] =	vst.idx.msk $0xffff, v19;
	v19 =	vld [tilespmem:s13+$0x30];
	v31 =	vadd.f32 v33, v8  }
0x83: {  	s11 =	sadd.s32 $0x3, s2;
	v23 =	vadd.s32 v3, v14;
	v17 =	vand.u32 $0x7C, v17;
	v28 =	vadd.f32 v35, v10;
	[tilespmem:v36+s29+$0x0] =	vst.idx.msk $0xffff, v22;
	v22 =	vld [tilespmem:s13+$0xFFFFFFB0];
	s13 =	smov.u32 s14;
	s14 =	sadd.s32 $0x100, s14  }
0x84: {  	v30 =	vmov s11;
	v14 =	vmovc v32;
	v24 =	vadd.s32 v3, v34;
	s2 =	sadd.s32 $0x4, s2;
	v27 =	vld [tilespmem:s14+$0x40];
	v29 =	vadd.f32 v37, v10;
	[tilespmem:v38+s29+$0x0] =	vst.idx.msk $0xffff, v31  }
0x85: {  	s2 =	sadd.s32 $0x1, s15  }
0x86: {  	v30 =	vand.u32 $0x7F, v30;
	s15 =	sadd.s32 $0x2, s15;
	v32 =	vld [tilespmem:s14+$0xFFFFFFC0];
	v31 =	vmov s2  }
0x87: {  	v35 =	vld [tilespmem:s14+$0x0];
	v33 =	vadd.s32 v0, v30;
	v34 =	vmov s15;
	v31 =	vand.u32 $0x7D, v31  }
0x88: {  	v36 =	vld [tilespmem:s14+$0xFFFFFF80];
	v34 =	vand.u32 $0x7E, v34;
	v37 =	vadd.s32 v0, v31  }
0x89: {  	v38 =	vadd.s32 v0, v34  }
0x8a: {  	[tilespmem:v26+s29+$0x0] =	vst.idx.msk $0xffff, v28;
	v63 =	vadd.s32 v0, v17;
	v27 =	vadd.f32 v27, v11  }
0x8b: {  	[tilespmem:v25+s29+$0x0] =	vst.idx.msk $0xffff, v29;
	v32 =	vadd.f32 v32, v11  }
0x8c: {  	v35 =	vadd.f32 v35, v11;
	[tilespmem:v33+s29+$0x0] =	vst.idx.msk $0xffff, v27  }
0x8d: {  	v39 =	vadd.f32 v36, v11;
	v40 =	vld [tilespmem:s14+$0x50];
	[tilespmem:v37+s29+$0x0] =	vst.idx.msk $0xffff, v32  }
0x8e: {  	v21 =	vadd.f32 v21, v10;
	v16 =	vadd.s32 v3, v16;
	[tilespmem:v38+s29+$0x0] =	vst.idx.msk $0xffff, v35;
	v41 =	vld [tilespmem:s14+$0xFFFFFFD0]  }
0x8f: {  	v20 =	vadd.f32 v20, v8;
	v42 =	vadd.s32 v1, v30;
	[tilespmem:v63+s29+$0x0] =	vst.idx.msk $0xffff, v39;
	v27 =	vld [tilespmem:s14+$0x10]  }
0x90: {  	[tilespmem:v18+s29+$0x0] =	vst.idx.msk $0xffff, v21;
	v18 =	vadd.f32 v19, v8;
	v43 =	vadd.s32 v1, v31;
	v19 =	vld [tilespmem:s14+$0xFFFFFF90]  }
0x91: {  	v44 =	vld [tilespmem:s13+$0x60];
	v22 =	vadd.f32 v22, v8;
	[tilespmem:v23+s29+$0x0] =	vst.idx.msk $0xffff, v20;
	v20 =	vadd.s32 v1, v34  }
0x92: {  	v45 =	vld [tilespmem:s13+$0xFFFFFFE0];
	[tilespmem:v24+s29+$0x0] =	vst.idx.msk $0xffff, v18;
	v18 =	vadd.s32 v1, v17;
	v46 =	vadd.f32 v40, v10  }
0x93: {  	v47 =	vadd.s32 v2, v12;
	v48 =	vld [tilespmem:s13+$0x20];
	[tilespmem:v16+s29+$0x0] =	vst.idx.msk $0xffff, v22;
	v16 =	vadd.f32 v41, v10  }
0x94: {  	v50 =	vadd.s32 v2, v14;
	v49 =	vld [tilespmem:s13+$0xFFFFFFA0];
	[tilespmem:v42+s29+$0x0] =	vst.idx.msk $0xffff, v46;
	v51 =	vadd.f32 v27, v10  }
0x95: {  	v52 =	vadd.s32 v2, v15;
	v19 =	vadd.f32 v19, v10;
	v53 =	vld [tilespmem:s14+$0x60];
	[tilespmem:v43+s29+$0x0] =	vst.idx.msk $0xffff, v16  }
0x96: {  	v54 =	vadd.s32 v2, v13;
	v16 =	vadd.f32 v44, v9;
	[tilespmem:v20+s29+$0x0] =	vst.idx.msk $0xffff, v51;
	v20 =	vld [tilespmem:s14+$0xFFFFFFE0]  }
0x97: {  	v23 =	vadd.f32 v45, v9;
	[tilespmem:v18+s29+$0x0] =	vst.idx.msk $0xffff, v19;
	v18 =	vadd.s32 v2, v30;
	v19 =	vld [tilespmem:s14+$0x20]  }
0x98: {  	v56 =	vadd.s32 v2, v31;
	v55 =	vld [tilespmem:s14+$0xFFFFFFA0];
	[tilespmem:v47+s29+$0x0] =	vst.idx.msk $0xffff, v16;
	v16 =	vadd.f32 v48, v9  }
0x99: {  	v58 =	vadd.s32 v2, v34;
	v22 =	vadd.f32 v49, v9;
	[tilespmem:v50+s29+$0x0] =	vst.idx.msk $0xffff, v23;
	v57 =	vld [tilespmem:s13+$0x70]  }
0x9a: {  	v59 =	vadd.s32 v2, v17;
	v29 =	vld [tilespmem:s13+$0xFFFFFFF0];
	[tilespmem:v52+s29+$0x0] =	vst.idx.msk $0xffff, v16;
	v16 =	vadd.f32 v53, v9  }
0x9b: {  	v12 =	vadd.s32 v3, v12;
	[tilespmem:v54+s29+$0x0] =	vst.idx.msk $0xffff, v22;
	v60 =	vld [tilespmem:s13+$0x30];
	v20 =	vadd.f32 v20, v9  }
0x9c: {  	v14 =	vadd.s32 v3, v14;
	v22 =	vld [tilespmem:s13+$0xFFFFFFB0];
	[tilespmem:v18+s29+$0x0] =	vst.idx.msk $0xffff, v16;
	v16 =	vadd.f32 v19, v9  }
0x9d: {  	v15 =	vadd.s32 v3, v15;
	v19 =	vadd.f32 v55, v9;
	v18 =	vld [tilespmem:s14+$0x70];
	[tilespmem:v56+s29+$0x0] =	vst.idx.msk $0xffff, v20  }
0x9e: {  	v13 =	vadd.s32 v3, v13;
	v20 =	vadd.f32 v57, v8;
	[tilespmem:v58+s29+$0x0] =	vst.idx.msk $0xffff, v16;
	v61 =	vld [tilespmem:s14+$0xFFFFFFF0]  }
0x9f: {  	v62 =	vadd.s32 v3, v30;
	v16 =	vadd.f32 v29, v8;
	[tilespmem:v59+s29+$0x0] =	vst.idx.msk $0xffff, v19;
	v19 =	vld [tilespmem:s14+$0x30]  }
0xa0: {  	v63 =	vadd.s32 v3, v31;
	[tilespmem:v12+s29+$0x0] =	vst.idx.msk $0xffff, v20;
	v12 =	vadd.f32 v60, v8;
	v20 =	vld [tilespmem:s14+$0xFFFFFFB0]  }
0xa1: {  	v22 =	vadd.f32 v22, v8;
	[tilespmem:v14+s29+$0x0] =	vst.idx.msk $0xffff, v16;
	v14 =	vadd.s32 v3, v34  }
0xa2: {  	[tilespmem:v15+s29+$0x0] =	vst.idx.msk $0xffff, v12;
	v12 =	vadd.f32 v18, v8;
	v15 =	vadd.s32 v3, v17  }
0xa3: {  	p4 =	por $0x1, $0x1;
	[tilespmem:v13+s29+$0x0] =	vst.idx.msk $0xffff, v22;
	v13 =	vadd.f32 v61, v8  }
.Ltmp4:
0xa4: {  	[tilespmem:v62+s29+$0x0] =	vst.idx.msk $0xffff, v12;
	v12 =	vadd.f32 v19, v8;
	(pc) =	sbr.rel @!p4 .LBB2_6-.Ltmp4, $4  }
0xa5: {  	v16 =	vadd.f32 v20, v8;
	[tilespmem:v63+s29+$0x0] =	vst.idx.msk $0xffff, v13  }
0xa6: {  	s15 =	simm.s32 $0x0;
	[tilespmem:v14+s29+$0x0] =	vst.idx.msk $0xffff, v12  }
0xa7: {  	s19 =	simm.s32 $0x3;
	s14 =	simm.s32 $0x20F0;
	v12 =	vmov s15;
	[tilespmem:v15+s29+$0x0] =	vst.idx.msk $0xffff, v16  }
0xa8: {  	p2 =	por $0x0, $0x0;
	p3 =	por $0x0, $0x0;
	s2 =	simm.s32 $0x4;
	v33 =	vmov s19;
	v12 =	vand.u32 $0x7C, v12;
	v19 =	vld [tilespmem:s14+$0xFFFFFFD0]  }
0xa9: {  	s11 =	simm.s32 $0x1;
	v16 =	vand.u32 $0x7F, v33;
	v14 =	vld [tilespmem:s14+$0xFFFFFF10]  }
0xaa: {  	v17 =	vld [tilespmem:s14+$0xFFFFFF50];
	v13 =	vmov s11;
	v15 =	vadd.s32 v4, v16  }
0xab: {  	v20 =	vadd.s32 v4, v12;
	v13 =	vand.u32 $0x7D, v13  }
0xac: {  	v21 =	vadd.s32 v4, v13  }
0xad: {  	s15 =	simm.s32 $0x2;
	v19 =	vadd.f32 v19, v11  }
0xae: {  	v22 =	vld [tilespmem:s14+$0xFFFFFF90];
	v18 =	vmov s15;
	v14 =	vadd.f32 v14, v11  }
0xaf: {  	v18 =	vand.u32 $0x7E, v18;
	[tilespmem:v15+s29+$0x0] =	vst.idx.msk $0xffff, v19;
	v15 =	vadd.f32 v17, v11  }
0xb0: {  	v17 =	vadd.s32 v4, v18;
	v19 =	vld [tilespmem:s14+$0xFFFFFFE0];
	[tilespmem:v20+s29+$0x0] =	vst.idx.msk $0xffff, v14  }
0xb1: {  	v25 =	vld [tilespmem:s14+$0xFFFFFF20];
	[tilespmem:v21+s29+$0x0] =	vst.idx.msk $0xffff, v15  }
0xb2: {  	p4 =	por $0x1, $0x1;
	v15 =	vadd.s32 v5, v16;
	v21 =	vld [tilespmem:s14+$0xFFFFFF60]  }
.Ltmp5:
0xb3: {  	v14 =	vadd.f32 v22, v11;
	(pc) =	sbr.rel @!p4 .LBB2_8-.Ltmp5, $4  }
0xb4: {  	s19 =	simm.s32 $0x7  }
0xb5: {  	v33 =	vmov s19;
	v23 =	vadd.s32 v5, v13;
	[tilespmem:v17+s29+$0x0] =	vst.idx.msk $0xffff, v14;
	v17 =	vadd.f32 v19, v10  }
0xb6: {  	s13 =	simm.s32 $0x21F0;
	v20 =	vadd.s32 v5, v12;
	v22 =	vadd.s32 v5, v18;
	v14 =	vmov s2;
	v24 =	vld [tilespmem:s14+$0xFFFFFFA0]  }
0xb7: {  	p2 =	por $0x1, $0x1;
	s15 =	simm.s32 $0x8;
	v14 =	vand.u32 $0x7C, v14;
	v19 =	vld [tilespmem:s13+$0xFFFFFFD0];
	v25 =	vadd.f32 v25, v10;
	[tilespmem:v15+s29+$0x0] =	vst.idx.msk $0xffff, v17;
	v30 =	vadd.f32 v21, v10  }
0xb8: {  	_ = 	snop  }
0xb9: {  	v15 =	vand.u32 $0x7F, v33;
	v26 =	vld [tilespmem:s14+$0xFFFFFFF0]  }
0xba: {  	s2 =	simm.s32 $0x5;
	v27 =	vld [tilespmem:s13+$0xFFFFFF10];
	v28 =	vadd.s32 v4, v15  }
0xbb: {  	s0 =	simm.s32 $0x6;
	v29 =	vadd.s32 v6, v16;
	v17 =	vmov s2;
	v21 =	vadd.f32 v24, v10;
	v24 =	vld [tilespmem:s13+$0xFFFFFF50]  }
0xbc: {  	v31 =	vld [tilespmem:s13+$0xFFFFFF90];
	[tilespmem:v23+s29+$0x0] =	vst.idx.msk $0xffff, v30;
	v23 =	vmov s0;
	v30 =	vadd.s32 v4, v14;
	v17 =	vand.u32 $0x7D, v17  }
0xbd: {  	v19 =	vadd.f32 v19, v11;
	[tilespmem:v22+s29+$0x0] =	vst.idx.msk $0xffff, v21;
	v22 =	vadd.s32 v4, v17;
	v21 =	vand.u32 $0x7E, v23;
	v23 =	vld [tilespmem:s14+$0xFFFFFF70]  }
0xbe: {  	[tilespmem:v20+s29+$0x0] =	vst.idx.msk $0xffff, v25;
	v26 =	vadd.f32 v26, v9;
	v20 =	vadd.s32 v4, v21;
	v25 =	vld [tilespmem:s14+$0xFFFFFFB0]  }
0xbf: {  	v27 =	vadd.f32 v27, v11;
	[tilespmem:v28+s29+$0x0] =	vst.idx.msk $0xffff, v19;
	v19 =	vld [tilespmem:s14+$0xFFFFFF30];
	v28 =	vadd.s32 v6, v13  }
0xc0: {  	v63 =	vadd.s32 v6, v18;
	v32 =	vld [tilespmem:s13+$0xFFFFFFE0];
	[tilespmem:v29+s29+$0x0] =	vst.idx.msk $0xffff, v26;
	v24 =	vadd.f32 v24, v11  }
0xc1: {  	[tilespmem:v30+s29+$0x0] =	vst.idx.msk $0xffff, v27;
	v26 =	vadd.f32 v31, v11;
	v29 =	vadd.s32 v6, v12;
	v30 =	vld [tilespmem:s14+$0x0]  }
0xc2: {  	v34 =	vadd.s32 v5, v15;
	v31 =	vld [tilespmem:s13+$0xFFFFFF20];
	[tilespmem:v22+s29+$0x0] =	vst.idx.msk $0xffff, v24;
	v22 =	vadd.f32 v23, v9  }
0xc3: {  	v16 =	vadd.s32 v7, v16;
	p4 =	por $0x1, $0x1;
	v35 =	vld [tilespmem:s13+$0xFFFFFF60];
	[tilespmem:v20+s29+$0x0] =	vst.idx.msk $0xffff, v26;
	v25 =	vadd.f32 v25, v9  }
.Ltmp6:
0xc4: {  	v20 =	vadd.s32 v5, v14;
	v19 =	vadd.f32 v19, v9;
	v24 =	vld [tilespmem:s13+$0xFFFFFFA0];
	[tilespmem:v28+s29+$0x0] =	vst.idx.msk $0xffff, v22;
	(pc) =	sbr.rel @!p4 .LBB2_10-.Ltmp6, $4  }
0xc5: {  	v23 =	vadd.s32 v5, v17;
	v26 =	vadd.f32 v32, v10;
	v27 =	vld [tilespmem:s14+$0xFFFFFF80];
	[tilespmem:v63+s29+$0x0] =	vst.idx.msk $0xffff, v25  }
0xc6: {  	v22 =	vadd.s32 v5, v21;
	v25 =	vmov s15;
	[tilespmem:v29+s29+$0x0] =	vst.idx.msk $0xffff, v19;
	v36 =	vadd.f32 v30, v8;
	v28 =	vld [tilespmem:s14+$0xFFFFFFC0]  }
0xc7: {  	s11 =	simm.s32 $0xB;
	s19 =	simm.s32 $0x22F0;
	v29 =	vadd.s32 v7, v13;
	v32 =	vand.u32 $0x7C, v25;
	v25 =	vadd.f32 v31, v10;
	[tilespmem:v34+s29+$0x0] =	vst.idx.msk $0xffff, v26;
	v26 =	vld [tilespmem:s14+$0xFFFFFF40]  }
0xc8: {  	p3 =	por $0x1, $0x1;
	v33 =	vmov s11;
	s11 =	simm.s32 $0xC;
	v19 =	vld [tilespmem:s19+$0xFFFFFFD0];
	v31 =	vadd.s32 v7, v18;
	[tilespmem:v16+s29+$0x0] =	vst.idx.msk $0xffff, v36;
	v30 =	vadd.f32 v35, v10  }
.LBB2_11:
0xc9: {  	p4 =	slt.u32 s11, $0x7C;
	s2 =	sadd.s32 $0x1, s15;
	v13 =	vand.u32 $0x7F, v33;
	[tilespmem:v20+s29+$0x0] =	vst.idx.msk $0xffff, v25;
	v16 =	vadd.f32 v24, v10;
	v18 =	vld [tilespmem:s13+$0xFFFFFFF0];
	v20 =	vadd.s32 v7, v12  }
0xca: {  	v34 =	vmovc v21;
	v24 =	vld [tilespmem:s19+$0xFFFFFF10];
	v25 =	vmov s2;
	s2 =	sadd.s32 $0x2, s15;
	v33 =	vadd.s32 v4, v13;
	[tilespmem:v23+s29+$0x0] =	vst.idx.msk $0xffff, v30;
	v23 =	vadd.f32 v27, v8;
	s15 =	smov.u32 s11  }
0xcb: {  	v12 =	vmovc v14;
	v27 =	vld [tilespmem:s19+$0xFFFFFF50];
	v21 =	vmov s2;
	[tilespmem:v22+s29+$0x0] =	vst.idx.msk $0xffff, v16;
	v16 =	vadd.s32 v6, v15;
	v22 =	vadd.f32 v28, v8  }
0xcc: {  	v28 =	vadd.s32 v4, v32;
	v35 =	vand.u32 $0x7D, v25;
	v25 =	vld [tilespmem:s19+$0xFFFFFF90];
	v30 =	vadd.f32 v26, v8;
	[tilespmem:v29+s29+$0x0] =	vst.idx.msk $0xffff, v23  }
0xcd: {  	v23 =	vadd.s32 v4, v35;
	v21 =	vand.u32 $0x7E, v21;
	v19 =	vadd.f32 v19, v11;
	v26 =	vld [tilespmem:s13+$0xFFFFFF70];
	[tilespmem:v31+s29+$0x0] =	vst.idx.msk $0xffff, v22  }
0xce: {  	v14 =	vmov v32;
	v22 =	vadd.s32 v4, v21;
	v29 =	vld [tilespmem:s13+$0xFFFFFFB0];
	v18 =	vadd.f32 v18, v9;
	[tilespmem:v20+s29+$0x0] =	vst.idx.msk $0xffff, v30  }
0xcf: {  	v30 =	vadd.s32 v6, v17;
	v20 =	vadd.f32 v24, v11;
	[tilespmem:v33+s29+$0x0] =	vst.idx.msk $0xffff, v19;
	v19 =	vld [tilespmem:s13+$0xFFFFFF30]  }
0xd0: {  	v31 =	vadd.s32 v6, v34;
	v24 =	vadd.f32 v27, v11;
	v27 =	vld [tilespmem:s19+$0xFFFFFFE0];
	[tilespmem:v16+s29+$0x0] =	vst.idx.msk $0xffff, v18  }
0xd1: {  	v18 =	vadd.s32 v6, v12;
	[tilespmem:v28+s29+$0x0] =	vst.idx.msk $0xffff, v20;
	v16 =	vadd.f32 v25, v11;
	v25 =	vld [tilespmem:s13+$0x0]  }
0xd2: {  	v36 =	vadd.s32 v5, v13;
	v33 =	vld [tilespmem:s19+$0xFFFFFF20];
	[tilespmem:v23+s29+$0x0] =	vst.idx.msk $0xffff, v24;
	v23 =	vadd.f32 v26, v9  }
0xd3: {  	v38 =	vadd.s32 v7, v15;
	v15 =	vmov v13;
	v37 =	vld [tilespmem:s19+$0xFFFFFF60];
	[tilespmem:v22+s29+$0x0] =	vst.idx.msk $0xffff, v16;
	v16 =	vadd.f32 v29, v9  }
.Ltmp7:
0xd4: {  	v20 =	vadd.s32 v5, v14;
	v24 =	vld [tilespmem:s19+$0xFFFFFFA0];
	v13 =	vadd.f32 v19, v9;
	[tilespmem:v30+s29+$0x0] =	vst.idx.msk $0xffff, v23;
	(pc) =	sbr.rel @p4 .LBB2_11-.Ltmp7, $4  }
0xd5: {  	v23 =	vadd.s32 v5, v35;
	v19 =	vadd.f32 v27, v10;
	v27 =	vld [tilespmem:s13+$0xFFFFFF80];
	[tilespmem:v31+s29+$0x0] =	vst.idx.msk $0xffff, v16  }
0xd6: {  	v22 =	vadd.s32 v5, v21;
	v16 =	vmov s11;
	[tilespmem:v18+s29+$0x0] =	vst.idx.msk $0xffff, v13;
	v28 =	vld [tilespmem:s13+$0xFFFFFFC0];
	v13 =	vadd.f32 v25, v8  }
0xd7: {  	s2 =	sadd.s32 $0x3, s11;
	v29 =	vadd.s32 v7, v17;
	v32 =	vand.u32 $0x7C, v16;
	v25 =	vadd.f32 v33, v10;
	[tilespmem:v36+s29+$0x0] =	vst.idx.msk $0xffff, v19;
	v26 =	vld [tilespmem:s13+$0xFFFFFF40];
	s13 =	smov.u32 s19;
	s19 =	sadd.s32 $0x100, s19  }
0xd8: {  	v17 =	vmovc v35;
	s11 =	sadd.s32 $0x4, s11;
	v31 =	vadd.s32 v7, v34;
	v33 =	vmov s2;
	v19 =	vld [tilespmem:s19+$0xFFFFFFD0];
	v30 =	vadd.f32 v37, v10;
	[tilespmem:v38+s29+$0x0] =	vst.idx.msk $0xffff, v13  }
0xd9: {  	v34 =	vmov v12  }
0xda: {  	s14 =	smov.u32 s19;
	v18 =	vmovc v21;
	v16 =	vmovc v15;
	v15 =	vmov v14;
	v12 =	vmov v32;
	v13 =	vmov v17  }
.LBB2_13:
0xdb: {  	_ =	sdelay $0x1  }
0xdc: {  	s2 =	sadd.s32 $0x1, s15  }
0xdd: {  	v14 =	vand.u32 $0x7F, v33;
	v17 =	vadd.f32 @p2 v24, v10;
	s11 =	sadd.s32 $0x2, s15;
	v55 =	vld [tilespmem:s14+$0xFFFFFF50];
	v21 =	vmov s2  }
0xde: {  	[tilespmem:v20+s29+$0x0] =	vst.idx.msk @p2 $0xffff, v25;
	v32 =	vld [tilespmem:s14+$0xFFFFFF90];
	v56 =	vadd.s32 v4, v14;
	v57 =	vmov s11;
	v21 =	vand.u32 $0x7D, v21  }
0xdf: {  	[tilespmem:v23+s29+$0x0] =	vst.idx.msk @p2 $0xffff, v30;
	v58 =	vld [tilespmem:s14+$0xFFFFFF10];
	v27 =	vadd.f32 @p3 v27, v8;
	v25 =	vand.u32 $0x7E, v57;
	v59 =	vadd.s32 v4, v21  }
0xe0: {  	[tilespmem:v22+s29+$0x0] =	vst.idx.msk @p2 $0xffff, v17;
	v17 =	vadd.f32 @p3 v28, v8;
	v60 =	vadd.s32 v4, v25  }
0xe1: {  	v61 =	vadd.s32 v4, v12;
	v28 =	vld @p2 [tilespmem:s13+$0xFFFFFFF0];
	[tilespmem:v29+s29+$0x0] =	vst.idx.msk @p3 $0xffff, v27;
	v19 =	vadd.f32 v19, v11  }
0xe2: {  	v33 =	vld @p2 [tilespmem:s13+$0xFFFFFF70];
	v29 =	vadd.s32 @p3 v7, v34;
	[tilespmem:v31+s29+$0x0] =	vst.idx.msk @p3 $0xffff, v17;
	v62 =	vadd.f32 v55, v11  }
0xe3: {  	v24 =	vadd.s32 @p2 v6, v16;
	v31 =	vld @p2 [tilespmem:s13+$0xFFFFFFB0];
	v63 =	vadd.f32 v32, v11;
	[tilespmem:v56+s29+$0x0] =	vst.idx.msk $0xffff, v19  }
0xe4: {  	v20 =	vadd.s32 @p2 v6, v13;
	v34 =	vadd.f32 v58, v11;
	v35 =	vld [tilespmem:s14+$0xFFFFFFE0];
	[tilespmem:v59+s29+$0x0] =	vst.idx.msk $0xffff, v62  }
0xe5: {  	v17 =	vadd.f32 @p3 v26, v8;
	v26 =	vadd.s32 @p2 v6, v18;
	[tilespmem:v60+s29+$0x0] =	vst.idx.msk $0xffff, v63;
	v30 =	vld [tilespmem:s14+$0xFFFFFF60]  }
0xe6: {  	v36 =	vadd.s32 v5, v14;
	v19 =	vadd.f32 @p2 v28, v9;
	[tilespmem:v61+s29+$0x0] =	vst.idx.msk $0xffff, v34;
	v22 =	vld [tilespmem:s14+$0xFFFFFFA0]  }
0xe7: {  	v38 =	vadd.s32 v5, v21;
	v27 =	vadd.f32 @p2 v33, v9;
	[tilespmem:v29+s29+$0x0] =	vst.idx.msk @p3 $0xffff, v17;
	v37 =	vld [tilespmem:s14+$0xFFFFFF20]  }
0xe8: {  	v39 =	vadd.s32 v5, v25;
	v29 =	vld @p2 [tilespmem:s13+$0xFFFFFF30];
	[tilespmem:v24+s29+$0x0] =	vst.idx.msk @p2 $0xffff, v19;
	v19 =	vadd.f32 @p2 v31, v9  }
0xe9: {  	v40 =	vadd.s32 v5, v12;
	[tilespmem:v20+s29+$0x0] =	vst.idx.msk @p2 $0xffff, v27;
	v41 =	vadd.f32 v35, v10  }
0xea: {  	v23 =	vadd.s32 @p2 v6, v15;
	v27 =	vld @p2 [tilespmem:s13+$0x0];
	[tilespmem:v26+s29+$0x0] =	vst.idx.msk @p2 $0xffff, v19;
	v42 =	vadd.f32 v30, v10  }
0xeb: {  	[tilespmem:v36+s29+$0x0] =	vst.idx.msk $0xffff, v41;
	v43 =	vadd.f32 v22, v10  }
0xec: {  	v16 =	vadd.s32 @p2 v7, v16;
	v44 =	vadd.f32 v37, v10;
	v45 =	vld [tilespmem:s14+$0xFFFFFFF0];
	[tilespmem:v38+s29+$0x0] =	vst.idx.msk $0xffff, v42  }
0xed: {  	v19 =	vadd.f32 @p2 v29, v9;
	[tilespmem:v39+s29+$0x0] =	vst.idx.msk $0xffff, v43;
	v46 =	vld [tilespmem:s14+$0xFFFFFF70]  }
0xee: {  	v47 =	vadd.s32 v6, v14;
	[tilespmem:v40+s29+$0x0] =	vst.idx.msk $0xffff, v44;
	v48 =	vld [tilespmem:s14+$0xFFFFFFB0]  }
0xef: {  	v50 =	vadd.s32 v6, v21;
	[tilespmem:v23+s29+$0x0] =	vst.idx.msk @p2 $0xffff, v19;
	v19 =	vadd.f32 @p2 v27, v8;
	v49 =	vld [tilespmem:s14+$0xFFFFFF30]  }
0xf0: {  	v13 =	vadd.s32 @p2 v7, v13;
	v53 =	vadd.s32 v6, v12;
	v51 =	vadd.s32 v6, v25;
	v26 =	vld @p2 [tilespmem:s13+$0xFFFFFF80]  }
0xf1: {  	v15 =	vpsel p2, v15, v0;
	[tilespmem:v16+s29+$0x0] =	vst.idx.msk @p2 $0xffff, v19;
	v19 =	vld @p2 [tilespmem:s13+$0xFFFFFF40];
	v52 =	vadd.f32 v45, v9  }
0xf2: {  	v13 =	vpsel p2, v13, v0;
	v15 =	vadd.s32 @p2 v7, v15;
	v24 =	vld @p2 [tilespmem:s13+$0xFFFFFFC0];
	v11 =	vadd.f32 v46, v9  }
0xf3: {  	v14 =	vadd.s32 v7, v14;
	[tilespmem:v47+s29+$0x0] =	vst.idx.msk $0xffff, v52;
	v54 =	vadd.f32 v48, v9  }
0xf4: {  	v18 =	vadd.s32 @p2 v7, v18;
	v56 =	vadd.f32 v49, v9;
	v55 =	vld [tilespmem:s14+$0x0];
	[tilespmem:v50+s29+$0x0] =	vst.idx.msk $0xffff, v11  }
0xf5: {  	v26 =	vpsel p2, v26, v0;
	v16 =	vpsel p2, v18, v0;
	[tilespmem:v51+s29+$0x0] =	vst.idx.msk $0xffff, v54;
	v57 =	vld [tilespmem:s14+$0xFFFFFF80]  }
0xf6: {  	v10 =	vadd.f32 @p2 v26, v8;
	v17 =	vpsel p2, v19, v0;
	[tilespmem:v53+s29+$0x0] =	vst.idx.msk $0xffff, v56;
	v58 =	vld [tilespmem:s14+$0xFFFFFFC0]  }
0xf7: {  	v21 =	vadd.s32 v7, v21;
	v17 =	vadd.f32 @p2 v17, v8;
	v11 =	vpsel p2, v24, v0;
	v59 =	vld [tilespmem:s14+$0xFFFFFF40]  }
0xf8: {  	v60 =	vadd.s32 v7, v25;
	[tilespmem:v13+s29+$0x0] =	vst.idx.msk @p2 $0xffff, v10;
	v11 =	vadd.f32 @p2 v11, v8  }
0xf9: {  	v62 =	vadd.s32 v7, v12;
	[tilespmem:v15+s29+$0x0] =	vst.idx.msk @p2 $0xffff, v17;
	v61 =	vadd.f32 v55, v8  }
0xfa: {  	[tilespmem:v16+s29+$0x0] =	vst.idx.msk @p2 $0xffff, v11;
	v63 =	vadd.f32 v57, v8  }
0xfb: {  	s13 =	sshll.u32 s10, $0x8;
	[tilespmem:v14+s29+$0x0] =	vst.idx.msk $0xffff, v61;
	v9 =	vadd.f32 v58, v8  }
0xfc: {  	s2 =	sand.u32 $0x200, s13;
	v8 =	vadd.f32 v59, v8;
	[tilespmem:v21+s29+$0x0] =	vst.idx.msk $0xffff, v63  }
0xfd: {  	s2 =	sadd.s32 s1, s2;
	s14 =	sshll.u32 s18, $0xD;
	[tilespmem:v60+s29+$0x0] =	vst.idx.msk $0xffff, v9  }
0xfe: {  	s15 =	simm.s32 $0xE340;
	s11 =	sadd.s32 s14, s2;
	[tilespmem:v62+s29+$0x0] =	vst.idx.msk $0xffff, v8  }
0xff: {  	[hbm4b:s11+s4] =	stream.linear.scatter [tilespmem:s15], [sflag:$0x3], $0x80, $0x38;
	[tilespmem:$0x1AF40] =	vst v63  }
0x100: {  	s18 =	simm.s32 $0xE3C8;
	s10 =	sadd.s32 $0x10, s11  }
0x101: {  	[hbm4b:s10+s4] =	stream.linear.scatter [tilespmem:s18], [sflag:$0x3], $0x80, $0x38;
	[tilespmem:$0x1AF40] =	vst v63  }
0x102: {  	s19 =	simm.s32 $0xE450;
	s0 =	sadd.s32 $0x20, s11  }
0x103: {  	[hbm4b:s0+s4] =	stream.linear.scatter [tilespmem:s19], [sflag:$0x3], $0x80, $0x38;
	[tilespmem:$0x1AF40] =	vst v63  }
0x104: {  	s13 =	simm.s32 $0xE4D8;
	s14 =	sadd.s32 $0x30, s11  }
0x105: {  	[hbm4b:s14+s4] =	stream.linear.scatter [tilespmem:s13], [sflag:$0x3], $0x80, $0x38;
	[tilespmem:$0x1AF40] =	vst v63  }
0x106: {  	s15 =	simm.s32 $0xE560;
	s18 =	sadd.s32 $0x40, s11  }
0x107: {  	[hbm4b:s18+s4] =	stream.linear.scatter [tilespmem:s15], [sflag:$0x3], $0x80, $0x38;
	[tilespmem:$0x1AF40] =	vst v63  }
0x108: {  	s19 =	simm.s32 $0xE5E8;
	s0 =	sadd.s32 $0x50, s11  }
0x109: {  	[hbm4b:s0+s4] =	stream.linear.scatter [tilespmem:s19], [sflag:$0x3], $0x80, $0x38;
	[tilespmem:$0x1AF40] =	vst v63  }
0x10a: {  	s13 =	simm.s32 $0xE670;
	s14 =	sadd.s32 $0x60, s11  }
0x10b: {  	[hbm4b:s14+s4] =	stream.linear.scatter [tilespmem:s13], [sflag:$0x3], $0x80, $0x38;
	[tilespmem:$0x1AF40] =	vst v63  }
0x10c: {  	s15 =	simm.s32 $0xE6F8;
	s18 =	sadd.s32 $0x70, s11  }
0x10d: {  	[hbm4b:s18+s4] =	stream.linear.scatter [tilespmem:s15], [sflag:$0x3], $0x80, $0x38;
	[tilespmem:$0x1AF40] =	vst v63  }
0x10e: {  	s19 =	simm.s32 $0xE9A0;
	s0 =	sadd.s32 $0x80, s11  }
0x10f: {  	[hbm4b:s0+s4] =	stream.linear.scatter [tilespmem:s19], [sflag:$0x3], $0x80, $0x38;
	[tilespmem:$0x1AF40] =	vst v63  }
0x110: {  	s13 =	simm.s32 $0xEA28;
	s14 =	sadd.s32 $0x90, s11  }
0x111: {  	[hbm4b:s14+s4] =	stream.linear.scatter [tilespmem:s13], [sflag:$0x3], $0x80, $0x38;
	[tilespmem:$0x1AF40] =	vst v63  }
0x112: {  	s2 =	simm.s32 $0xED58;
	s15 =	simm.s32 $0xEAB0;
	s18 =	sadd.s32 $0xA0, s11  }
0x113: {  	[hbm4b:s18+s4] =	stream.linear.scatter [tilespmem:s15], [sflag:$0x3], $0x80, $0x38;
	[tilespmem:$0x1AF40] =	vst v63  }
0x114: {  	s10 =	simm.s32 $0xEBC0;
	s19 =	simm.s32 $0xEB38;
	s0 =	sadd.s32 $0xB0, s11  }
0x115: {  	[hbm4b:s0+s4] =	stream.linear.scatter [tilespmem:s19], [sflag:$0x3], $0x80, $0x38;
	[tilespmem:$0x1AF40] =	vst v63  }
0x116: {  	s13 =	sadd.s32 $0xC0, s11;
	s14 =	simm.s32 $0xEC48;
	s15 =	sadd.s32 $0xD0, s11  }
0x117: {  	[hbm4b:s13+s4] =	stream.linear.scatter [tilespmem:s10], [sflag:$0x3], $0x80, $0x38;
	[tilespmem:$0x1AF40] =	vst v63  }
0x118: {  	s18 =	simm.s32 $0xECD0;
	s19 =	sadd.s32 $0xE0, s11;
	s10 =	simm.s32 $0xCC0  }
0x119: {  	[hbm4b:s15+s4] =	stream.linear.scatter [tilespmem:s14], [sflag:$0x3], $0x80, $0x38;
	[tilespmem:$0x1AF40] =	vst v63  }
0x11a: {  	s13 =	sadd.s32 $0x400, s11;
	s14 =	simm.s32 $0x6600;
	s15 =	sadd.s32 $0xF0, s11  }
0x11b: {  	[hbm4b:s19+s4] =	stream.linear.scatter [tilespmem:s18], [sflag:$0x3], $0x80, $0x38;
	[tilespmem:$0x1AF40] =	vst v63  }
.LBB2_14:
0x11c: {  	[hbm4b:s15+s4] =	stream.linear.scatter [tilespmem:s2], [sflag:$0x3], $0x80, $0x38;
	[tilespmem:$0x1AF40] =	vst v63  }
0x11d: {  	s2 =	smov.u32 s10;
	s10 =	smov.u32 s14  }
0x11e: {  	s11 =	sadd.s32 $0x3300, s14;
	s10 =	sshra.s32 s10, $0x2;
	s15 =	sadd.s32 $0xE340, s2  }
0x11f: {  	[hbm4b:s13+s4] =	stream.linear.scatter [tilespmem:s15], [sflag:$0x3], $0x80, $0x38;
	[tilespmem:$0x1AF40] =	vst v63  }
0x120: {  	p2 =	sne.s32 s14, $0x16500;
	s14 =	sadd.s32 $0xE3C8, s2;
	s15 =	sadd.s32 $0x10, s13  }
0x121: {  	[hbm4b:s15+s4] =	stream.linear.scatter [tilespmem:s14], [sflag:$0x3], $0x80, $0x38;
	[tilespmem:$0x1AF40] =	vst v63  }
0x122: {  	s14 =	sadd.s32 $0xE450, s2;
	s15 =	sadd.s32 $0x20, s13  }
0x123: {  	[hbm4b:s15+s4] =	stream.linear.scatter [tilespmem:s14], [sflag:$0x3], $0x80, $0x38;
	[tilespmem:$0x1AF40] =	vst v63  }
0x124: {  	s14 =	sadd.s32 $0xE4D8, s2;
	s15 =	sadd.s32 $0x30, s13  }
0x125: {  	[hbm4b:s15+s4] =	stream.linear.scatter [tilespmem:s14], [sflag:$0x3], $0x80, $0x38;
	[tilespmem:$0x1AF40] =	vst v63  }
0x126: {  	s14 =	sadd.s32 $0xE560, s2;
	s15 =	sadd.s32 $0x40, s13  }
0x127: {  	[hbm4b:s15+s4] =	stream.linear.scatter [tilespmem:s14], [sflag:$0x3], $0x80, $0x38;
	[tilespmem:$0x1AF40] =	vst v63  }
0x128: {  	s14 =	sadd.s32 $0xE5E8, s2;
	s15 =	sadd.s32 $0x50, s13  }
0x129: {  	[hbm4b:s15+s4] =	stream.linear.scatter [tilespmem:s14], [sflag:$0x3], $0x80, $0x38;
	[tilespmem:$0x1AF40] =	vst v63  }
0x12a: {  	s14 =	sadd.s32 $0xE670, s2;
	s15 =	sadd.s32 $0x60, s13  }
0x12b: {  	[hbm4b:s15+s4] =	stream.linear.scatter [tilespmem:s14], [sflag:$0x3], $0x80, $0x38;
	[tilespmem:$0x1AF40] =	vst v63  }
0x12c: {  	s14 =	sadd.s32 $0xE6F8, s2;
	s15 =	sadd.s32 $0x70, s13  }
0x12d: {  	[hbm4b:s15+s4] =	stream.linear.scatter [tilespmem:s14], [sflag:$0x3], $0x80, $0x38;
	[tilespmem:$0x1AF40] =	vst v63  }
0x12e: {  	s14 =	sadd.s32 $0xE9A0, s2;
	s15 =	sadd.s32 $0x80, s13  }
0x12f: {  	[hbm4b:s15+s4] =	stream.linear.scatter [tilespmem:s14], [sflag:$0x3], $0x80, $0x38;
	[tilespmem:$0x1AF40] =	vst v63  }
0x130: {  	s14 =	sadd.s32 $0xEA28, s2;
	s15 =	sadd.s32 $0x90, s13  }
0x131: {  	[hbm4b:s15+s4] =	stream.linear.scatter [tilespmem:s14], [sflag:$0x3], $0x80, $0x38;
	[tilespmem:$0x1AF40] =	vst v63  }
0x132: {  	s14 =	sadd.s32 $0xEAB0, s2;
	s15 =	sadd.s32 $0xA0, s13  }
0x133: {  	[hbm4b:s15+s4] =	stream.linear.scatter [tilespmem:s14], [sflag:$0x3], $0x80, $0x38;
	[tilespmem:$0x1AF40] =	vst v63  }
0x134: {  	s14 =	sadd.s32 $0xEB38, s2;
	s15 =	sadd.s32 $0xB0, s13  }
0x135: {  	[hbm4b:s15+s4] =	stream.linear.scatter [tilespmem:s14], [sflag:$0x3], $0x80, $0x38;
	[tilespmem:$0x1AF40] =	vst v63  }
0x136: {  	s14 =	sadd.s32 $0xEBC0, s2;
	s15 =	sadd.s32 $0xC0, s13  }
0x137: {  	[hbm4b:s15+s4] =	stream.linear.scatter [tilespmem:s14], [sflag:$0x3], $0x80, $0x38;
	[tilespmem:$0x1AF40] =	vst v63  }
.Ltmp8:
0x138: {  	s14 =	sadd.s32 $0xEC48, s2;
	s15 =	sadd.s32 $0xD0, s13;
	(pc) =	sbr.rel @p2 .LBB2_14-.Ltmp8, $4  }
0x139: {  	[hbm4b:s15+s4] =	stream.linear.scatter [tilespmem:s14], [sflag:$0x3], $0x80, $0x38;
	[tilespmem:$0x1AF40] =	vst v63  }
0x13a: {  	s14 =	sadd.s32 $0xECD0, s2;
	s15 =	sadd.s32 $0xE0, s13;
	s2 =	sadd.s32 $0xED58, s2  }
0x13b: {  	[hbm4b:s15+s4] =	stream.linear.scatter [tilespmem:s14], [sflag:$0x3], $0x80, $0x38;
	[tilespmem:$0x1AF40] =	vst v63  }
0x13c: {  	s15 =	sadd.s32 $0xF0, s13;
	s13 =	sadd.s32 $0x400, s13;
	s14 =	smov.u32 s11  }
0x13d: {  	[hbm4b:s15+s4] =	stream.linear.scatter [tilespmem:s2], [sflag:$0x3], $0x80, $0x38;
	[tilespmem:$0x1AF40] =	vst v63  }
0x13e: {  	s15 =	sadd.s32 $0xE340, s10  }
0x13f: {  	[hbm4b:s13+s4] =	stream.linear.scatter [tilespmem:s15], [sflag:$0x3], $0x80, $0x38;
	[tilespmem:$0x1AF40] =	vst v63  }
0x140: {  	s18 =	sadd.s32 $0xE3C8, s10;
	s11 =	sadd.s32 $0x10, s13  }
0x141: {  	[hbm4b:s11+s4] =	stream.linear.scatter [tilespmem:s18], [sflag:$0x3], $0x80, $0x38;
	[tilespmem:$0x1AF40] =	vst v63  }
0x142: {  	s19 =	sadd.s32 $0xE450, s10;
	s0 =	sadd.s32 $0x20, s13  }
0x143: {  	[hbm4b:s0+s4] =	stream.linear.scatter [tilespmem:s19], [sflag:$0x3], $0x80, $0x38;
	[tilespmem:$0x1AF40] =	vst v63  }
0x144: {  	s14 =	sadd.s32 $0x30, s13;
	s11 =	sadd.s32 $0xE4D8, s10  }
0x145: {  	[hbm4b:s14+s4] =	stream.linear.scatter [tilespmem:s11], [sflag:$0x3], $0x80, $0x38;
	[tilespmem:$0x1AF40] =	vst v63  }
0x146: {  	s15 =	sadd.s32 $0xE560, s10;
	s18 =	sadd.s32 $0x40, s13  }
0x147: {  	[hbm4b:s18+s4] =	stream.linear.scatter [tilespmem:s15], [sflag:$0x3], $0x80, $0x38;
	[tilespmem:$0x1AF40] =	vst v63  }
0x148: {  	s19 =	sadd.s32 $0xE5E8, s10;
	s0 =	sadd.s32 $0x50, s13  }
0x149: {  	[hbm4b:s0+s4] =	stream.linear.scatter [tilespmem:s19], [sflag:$0x3], $0x80, $0x38;
	[tilespmem:$0x1AF40] =	vst v63  }
0x14a: {  	s11 =	sadd.s32 $0xE670, s10;
	s14 =	sadd.s32 $0x60, s13  }
0x14b: {  	[hbm4b:s14+s4] =	stream.linear.scatter [tilespmem:s11], [sflag:$0x3], $0x80, $0x38;
	[tilespmem:$0x1AF40] =	vst v63  }
0x14c: {  	s15 =	sadd.s32 $0xE6F8, s10;
	s18 =	sadd.s32 $0x70, s13  }
0x14d: {  	[hbm4b:s18+s4] =	stream.linear.scatter [tilespmem:s15], [sflag:$0x3], $0x80, $0x38;
	[tilespmem:$0x1AF40] =	vst v63  }
0x14e: {  	s19 =	sadd.s32 $0xE9A0, s10;
	s0 =	sadd.s32 $0x80, s13  }
0x14f: {  	[hbm4b:s0+s4] =	stream.linear.scatter [tilespmem:s19], [sflag:$0x3], $0x80, $0x38;
	[tilespmem:$0x1AF40] =	vst v63  }
0x150: {  	s11 =	sadd.s32 $0xEA28, s10;
	s14 =	sadd.s32 $0x90, s13  }
0x151: {  	[hbm4b:s14+s4] =	stream.linear.scatter [tilespmem:s11], [sflag:$0x3], $0x80, $0x38;
	[tilespmem:$0x1AF40] =	vst v63  }
0x152: {  	s15 =	sadd.s32 $0xEAB0, s10;
	s18 =	sadd.s32 $0xA0, s13  }
0x153: {  	[hbm4b:s18+s4] =	stream.linear.scatter [tilespmem:s15], [sflag:$0x3], $0x80, $0x38;
	[tilespmem:$0x1AF40] =	vst v63  }
0x154: {  	p2 =	seq.s32 s24, $0x18;
	s19 =	sadd.s32 $0xEB38, s10;
	s0 =	sadd.s32 $0xB0, s13  }
0x155: {  	[hbm4b:s0+s4] =	stream.linear.scatter [tilespmem:s19], [sflag:$0x3], $0x80, $0x38;
	[tilespmem:$0x1AF40] =	vst v63  }
0x156: {  	s2 =	sadd.s32 @!p2 s12, s16;
	s11 =	sadd.s32 $0xEBC0, s10;
	s14 =	sadd.s32 $0xC0, s13  }
0x157: {  	[hbm4b:s14+s4] =	stream.linear.scatter [tilespmem:s11], [sflag:$0x3], $0x80, $0x38;
	[tilespmem:$0x1AF40] =	vst v63  }
0x158: {  	s15 =	sadd.s32 $0xEC48, s10;
	s18 =	sadd.s32 $0xD0, s13;
	s19 =	sadd.s32 $0xECD0, s10  }
0x159: {  	[hbm4b:s18+s4] =	stream.linear.scatter [tilespmem:s15], [sflag:$0x3], $0x80, $0x38;
	[tilespmem:$0x1AF40] =	vst v63  }
0x15a: {  	s0 =	sadd.s32 $0xE0, s13;
	s11 =	sadd.s32 $0xED58, s10;
	s10 =	sshrl.u32 @!p2 s2, $0x5  }
0x15b: {  	[hbm4b:s0+s4] =	stream.linear.scatter [tilespmem:s19], [sflag:$0x3], $0x80, $0x38;
	[tilespmem:$0x1AF40] =	vst v63  }
0x15c: {  	s13 =	sadd.s32 $0xF0, s13;
	s10 =	ssub.s32 @!p2 s10, s7  }
0x15d: {  	[hbm4b:s13+s4] =	stream.linear.scatter [tilespmem:s11], [sflag:$0x3], $0x80, $0x38;
	[tilespmem:$0x1AF40] =	vst v63  }
0x15e: {  	s10 =	sshll.u32 @!p2 s10, $0xF;
	s11 =	sshll.u32 @!p2 s2, $0xB  }
0x15f: {  	s10 =	sshra.s32 @!p2 s10, $0x2;
	s2 =	sshll.u32 @!p2 s2, $0x5;
	s11 =	sand.u32 @!p2 $0x1000, s11  }
0x160: {  	s2 =	sand.u32 @!p2 $0x380, s2;
	s10 =	sor.u32 @!p2 s11, s10  }
0x161: {  	s2 =	sor.u32 @!p2 s2, s10  }
0x162: {  	s13 =	simm.s32 @!p2 $0x0;
	s11 =	simm.s32 @!p2 $0x80;
	s10 =	sadd.s32 @!p2 $0x8000, s2  }
0x163: {  	[tilespmem:s13], [sflag:$0x1] =	stream.indirect.gather @!p2 [hbm4b:s6+s11], $0x40, s10, s11, $0xb8;
	[tilespmem:$0x1AF40] =	vst v63  }
0x164: {  	s2 =	sadd.s32 @!p2 $0x8400, s2;
	s10 =	simm.s32 @!p2 $0x2000  }
0x165: {  	[tilespmem:s10], [sflag:$0x1] =	stream.indirect.gather @!p2 [hbm4b:s6+s11], $0x40, s2, s11, $0xb8;
	[tilespmem:$0x1AF40] =	vst v63  }
0x166: {  	s14 =	sadd.s32 s12, s5;
	_ =	swait.ge [sflag:s30], $0x4000  }
0x167: {  	s18 =	sadd.s32 $0x1, s14;
	[sflag:s30] =	ssyncset.done $0x0  }
0x168: {  	s10 =	sshrl.u32 s18, $0x2;
	s2 =	simm.s32 @!p1 $0x4;
	[sflag:s30] =	ssyncadd.s32 $0xFFFFC000  }
0x169: {  	s15 =	ssub.s32 s10, s9;
	_ =	swait.ge @!p1 [sflag:s2], $0x4000  }
0x16a: {  	s11 =	sshll.u32 s15, $0x8;
	[sflag:s2] =	ssyncset.done @!p1 $0x0  }
0x16b: {  	s19 =	sshra.s32 s11, $0x2;
	[sflag:s2] =	ssyncadd.s32 @!p1 $0xFFFFC000  }
0x16c: {  	s0 =	simm.s32 $0x3;
	s11 =	simm.s32 $0x4080;
	v13 =	vld [tilespmem:s19+$0xE000]  }
0x16d: {  	v8 =	vmov s0;
	v11 =	vld [tilespmem:s11+$0x40]  }
0x16e: {  	v18 =	vand.u32 $0x7F, v8  }
0x16f: {  	s14 =	simm.s32 $0x0;
	v12 =	vadd.s32 v0, v18;
	v10 =	vld [tilespmem:s19+$0xE010]  }
0x170: {  	v8 =	vmov s14;
	s14 =	simm.s32 $0x2;
	s15 =	simm.s32 $0x1;
	v14 =	vld [tilespmem:s11+$0xFFFFFF80]  }
0x171: {  	v15 =	vand.u32 $0x7C, v8;
	v17 =	vmov s14;
	v8 =	vmov s15;
	v19 =	vld [tilespmem:s11+$0xFFFFFFC0]  }
0x172: {  	v20 =	vadd.s32 v0, v15;
	v16 =	vand.u32 $0x7D, v8;
	v21 =	vld [tilespmem:s11+$0x0];
	v11 =	vadd.f32 v11, v13  }
0x173: {  	v17 =	vand.u32 $0x7E, v17;
	v22 =	vadd.s32 v0, v16;
	v9 =	vld [tilespmem:s19+$0xE020]  }
0x174: {  	v23 =	vadd.s32 v0, v17;
	v8 =	vld [tilespmem:s19+$0xE030];
	[tilespmem:v12+s31+$0x0] =	vst.idx.msk $0xffff, v11  }
0x175: {  	v11 =	vadd.f32 v14, v13;
	v12 =	vld [tilespmem:s11+$0x50]  }
0x176: {  	v14 =	vadd.f32 v19, v13  }
0x177: {  	v19 =	vadd.s32 v1, v18;
	[tilespmem:v20+s31+$0x0] =	vst.idx.msk $0xffff, v11;
	v11 =	vadd.f32 v21, v13  }
0x178: {  	[tilespmem:v22+s31+$0x0] =	vst.idx.msk $0xffff, v14  }
0x179: {  	v14 =	vld [tilespmem:s11+$0xFFFFFFD0];
	[tilespmem:v23+s31+$0x0] =	vst.idx.msk $0xffff, v11  }
0x17a: {  	v21 =	vld [tilespmem:s11+$0x10];
	v11 =	vadd.f32 v12, v10  }
0x17b: {  	s0 =	simm.s32 $0x7;
	s15 =	simm.s32 $0x4180;
	v22 =	vadd.s32 v1, v16;
	v20 =	vld [tilespmem:s11+$0xFFFFFF90]  }
0x17c: {  	v24 =	vld [tilespmem:s15+$0x40];
	v23 =	vadd.s32 v1, v17;
	[tilespmem:v19+s31+$0x0] =	vst.idx.msk $0xffff, v11;
	v11 =	vmov s0  }
0x17d: {  	v25 =	vadd.s32 v1, v15;
	v11 =	vand.u32 $0x7F, v11;
	v26 =	vld [tilespmem:s11+$0x60]  }
0x17e: {  	s14 =	simm.s32 $0x5;
	v31 =	vadd.s32 v2, v18;
	s19 =	simm.s32 $0x4;
	v27 =	vld [tilespmem:s15+$0xFFFFFF80];
	v14 =	vadd.f32 v14, v10;
	v28 =	vadd.s32 v0, v11  }
0x17f: {  	v29 =	vmov s14;
	v30 =	vld [tilespmem:s15+$0xFFFFFFC0];
	v12 =	vmov s19;
	v21 =	vadd.f32 v21, v10  }
0x180: {  	s19 =	simm.s32 $0x6;
	v12 =	vand.u32 $0x7C, v12;
	v20 =	vadd.f32 v20, v10;
	[tilespmem:v22+s31+$0x0] =	vst.idx.msk $0xffff, v14;
	v14 =	vand.u32 $0x7D, v29;
	v29 =	vld [tilespmem:s15+$0x0]  }
0x181: {  	v24 =	vadd.f32 v24, v13;
	v19 =	vmov s19;
	v22 =	vadd.s32 v0, v12;
	v32 =	vld [tilespmem:s11+$0xFFFFFFE0];
	[tilespmem:v23+s31+$0x0] =	vst.idx.msk $0xffff, v21  }
0x182: {  	[tilespmem:v25+s31+$0x0] =	vst.idx.msk $0xffff, v20;
	v23 =	vadd.s32 v0, v14;
	v21 =	vand.u32 $0x7E, v19;
	v25 =	vld [tilespmem:s11+$0x20];
	v26 =	vadd.f32 v26, v9  }
0x183: {  	v20 =	vadd.s32 v0, v21;
	[tilespmem:v28+s31+$0x0] =	vst.idx.msk $0xffff, v24;
	v24 =	vld [tilespmem:s11+$0xFFFFFFA0]  }
0x184: {  	v27 =	vadd.f32 v27, v13;
	v28 =	vadd.s32 v2, v16;
	v33 =	vld [tilespmem:s15+$0x50];
	[tilespmem:v31+s31+$0x0] =	vst.idx.msk $0xffff, v26  }
0x185: {  	v30 =	vadd.f32 v30, v13;
	v26 =	vadd.s32 v2, v15;
	v31 =	vld [tilespmem:s11+$0x70]  }
0x186: {  	v36 =	vadd.s32 v2, v17;
	[tilespmem:v22+s31+$0x0] =	vst.idx.msk $0xffff, v27;
	v22 =	vadd.f32 v29, v13  }
0x187: {  	v35 =	vadd.s32 v1, v12;
	v37 =	vld [tilespmem:s15+$0xFFFFFF90];
	v27 =	vadd.f32 v32, v9;
	[tilespmem:v23+s31+$0x0] =	vst.idx.msk $0xffff, v30  }
0x188: {  	v23 =	vadd.s32 v1, v11;
	v38 =	vld [tilespmem:s15+$0xFFFFFFD0];
	[tilespmem:v20+s31+$0x0] =	vst.idx.msk $0xffff, v22;
	v22 =	vadd.f32 v24, v9  }
0x189: {  	v20 =	vadd.f32 v25, v9;
	v25 =	vadd.s32 v3, v18;
	[tilespmem:v28+s31+$0x0] =	vst.idx.msk $0xffff, v27  }
0x18a: {  	s14 =	simm.s32 $0xB;
	v30 =	vld [tilespmem:s15+$0x10];
	v24 =	vadd.f32 v33, v10;
	[tilespmem:v26+s31+$0x0] =	vst.idx.msk $0xffff, v22;
	v26 =	vadd.f32 v31, v8  }
0x18b: {  	v39 =	vmov s14;
	v34 =	vadd.s32 v1, v14;
	[tilespmem:v36+s31+$0x0] =	vst.idx.msk $0xffff, v20;
	v29 =	vld [tilespmem:s11+$0xFFFFFFF0]  }
0x18c: {  	s13 =	simm.s32 $0x8;
	v32 =	vadd.s32 v3, v16;
	v27 =	vadd.s32 v1, v21;
	v28 =	vld [tilespmem:s11+$0x30];
	v37 =	vadd.f32 v37, v10  }
0x18d: {  	s19 =	simm.s32 $0x4280;
	v20 =	vmov s13;
	v33 =	vadd.s32 v3, v17;
	[tilespmem:v23+s31+$0x0] =	vst.idx.msk $0xffff, v24;
	v31 =	vld [tilespmem:s11+$0xFFFFFFB0];
	v38 =	vadd.f32 v38, v10  }
0x18e: {  	s2 =	simm.s32 $0x8;
	v36 =	vld [tilespmem:s19+$0x40];
	v22 =	vand.u32 $0x7C, v20;
	s11 =	simm.s32 $0xC;
	v23 =	vmovc v11;
	[tilespmem:v25+s31+$0x0] =	vst.idx.msk $0xffff, v26;
	v25 =	vmovc v14;
	v24 =	vmov v12;
	v26 =	vmov v15  }
.LBB2_16:
0x18f: {  	p1 =	slt.u32 s11, $0x7C;
	s0 =	sadd.s32 $0x1, s2;
	v39 =	vand.u32 $0x7F, v39;
	[tilespmem:v35+s31+$0x0] =	vst.idx.msk $0xffff, v37;
	v30 =	vadd.f32 v30, v10;
	v35 =	vld [tilespmem:s15+$0x60];
	v37 =	vadd.s32 v3, v26  }
0x190: {  	v43 =	vmovc v21;
	v40 =	vld [tilespmem:s19+$0xFFFFFF80];
	v41 =	vmov s0;
	s0 =	sadd.s32 $0x2, s2;
	v42 =	vadd.s32 v0, v39;
	[tilespmem:v34+s31+$0x0] =	vst.idx.msk $0xffff, v38;
	v29 =	vadd.f32 v29, v8;
	s2 =	smov.u32 s11  }
0x191: {  	v26 =	vmovc v24;
	v34 =	vld [tilespmem:s19+$0xFFFFFFC0];
	v21 =	vmov s0;
	[tilespmem:v27+s31+$0x0] =	vst.idx.msk $0xffff, v30;
	v27 =	vadd.s32 v2, v23;
	v28 =	vadd.f32 v28, v8  }
0x192: {  	v30 =	vadd.s32 v0, v22;
	v41 =	vand.u32 $0x7D, v41;
	v38 =	vld [tilespmem:s19+$0x0];
	v44 =	vadd.f32 v31, v8;
	[tilespmem:v32+s31+$0x0] =	vst.idx.msk $0xffff, v29  }
0x193: {  	v29 =	vadd.s32 v0, v41;
	v21 =	vand.u32 $0x7E, v21;
	v31 =	vadd.f32 v36, v13;
	v32 =	vld [tilespmem:s15+$0xFFFFFFE0];
	[tilespmem:v33+s31+$0x0] =	vst.idx.msk $0xffff, v28  }
0x194: {  	v24 =	vmov v22;
	v28 =	vadd.s32 v0, v21;
	v33 =	vld [tilespmem:s15+$0x20];
	v35 =	vadd.f32 v35, v9;
	[tilespmem:v37+s31+$0x0] =	vst.idx.msk $0xffff, v44  }
0x195: {  	v36 =	vadd.s32 v2, v25;
	v22 =	vadd.f32 v40, v13;
	[tilespmem:v42+s31+$0x0] =	vst.idx.msk $0xffff, v31;
	v31 =	vld [tilespmem:s15+$0xFFFFFFA0]  }
0x196: {  	v40 =	vadd.s32 v2, v43;
	v34 =	vadd.f32 v34, v13;
	v37 =	vld [tilespmem:s19+$0x50];
	[tilespmem:v27+s31+$0x0] =	vst.idx.msk $0xffff, v35  }
0x197: {  	[tilespmem:v30+s31+$0x0] =	vst.idx.msk $0xffff, v22;
	v22 =	vadd.f32 v38, v13;
	v38 =	vadd.s32 v2, v26;
	v42 =	vld [tilespmem:s15+$0x70]  }
0x198: {  	v45 =	vadd.s32 v1, v39;
	v44 =	vld [tilespmem:s19+$0xFFFFFF90];
	[tilespmem:v29+s31+$0x0] =	vst.idx.msk $0xffff, v34;
	v27 =	vadd.f32 v32, v9  }
0x199: {  	v47 =	vadd.s32 v3, v23;
	v23 =	vmov v39;
	v46 =	vld [tilespmem:s19+$0xFFFFFFD0];
	[tilespmem:v28+s31+$0x0] =	vst.idx.msk $0xffff, v22;
	v22 =	vadd.f32 v33, v9  }
.Ltmp9:
0x19a: {  	v35 =	vadd.s32 v1, v24;
	v30 =	vld [tilespmem:s19+$0x10];
	v28 =	vadd.f32 v31, v9;
	[tilespmem:v36+s31+$0x0] =	vst.idx.msk $0xffff, v27;
	(pc) =	sbr.rel @p1 .LBB2_16-.Ltmp9, $4  }
0x19b: {  	v34 =	vadd.s32 v1, v41;
	v31 =	vadd.f32 v37, v10;
	v29 =	vld [tilespmem:s15+$0xFFFFFFF0];
	[tilespmem:v40+s31+$0x0] =	vst.idx.msk $0xffff, v22  }
0x19c: {  	v27 =	vadd.s32 v1, v21;
	v22 =	vmov s11;
	[tilespmem:v38+s31+$0x0] =	vst.idx.msk $0xffff, v28;
	v28 =	vld [tilespmem:s15+$0x30];
	v40 =	vadd.f32 v42, v8  }
0x19d: {  	s0 =	sadd.s32 $0x3, s11;
	v32 =	vadd.s32 v3, v25;
	v22 =	vand.u32 $0x7C, v22;
	v37 =	vadd.f32 v44, v10;
	[tilespmem:v45+s31+$0x0] =	vst.idx.msk $0xffff, v31;
	v31 =	vld [tilespmem:s15+$0xFFFFFFB0];
	s15 =	smov.u32 s19;
	s19 =	sadd.s32 $0x100, s19  }
0x19e: {  	v39 =	vmov s0;
	v25 =	vmovc v41;
	v33 =	vadd.s32 v3, v43;
	s11 =	sadd.s32 $0x4, s11;
	v36 =	vld [tilespmem:s19+$0x40];
	v38 =	vadd.f32 v46, v10;
	[tilespmem:v47+s31+$0x0] =	vst.idx.msk $0xffff, v40  }
0x19f: {  	s0 =	sadd.s32 $0x1, s2  }
0x1a0: {  	v39 =	vand.u32 $0x7F, v39;
	s2 =	sadd.s32 $0x2, s2;
	v41 =	vld [tilespmem:s19+$0xFFFFFFC0];
	v40 =	vmov s0  }
0x1a1: {  	v44 =	vld [tilespmem:s19+$0x0];
	v42 =	vadd.s32 v0, v39;
	v43 =	vmov s2;
	v40 =	vand.u32 $0x7D, v40  }
0x1a2: {  	v45 =	vld [tilespmem:s19+$0xFFFFFF80];
	v43 =	vand.u32 $0x7E, v43;
	v46 =	vadd.s32 v0, v40  }
0x1a3: {  	v47 =	vadd.s32 v0, v43  }
0x1a4: {  	[tilespmem:v35+s31+$0x0] =	vst.idx.msk $0xffff, v37;
	v55 =	vadd.s32 v0, v22;
	v36 =	vadd.f32 v36, v13  }
0x1a5: {  	[tilespmem:v34+s31+$0x0] =	vst.idx.msk $0xffff, v38;
	v56 =	vadd.f32 v41, v13  }
0x1a6: {  	v57 =	vadd.f32 v44, v13;
	[tilespmem:v42+s31+$0x0] =	vst.idx.msk $0xffff, v36  }
0x1a7: {  	v58 =	vadd.f32 v45, v13;
	v59 =	vld [tilespmem:s19+$0x50];
	[tilespmem:v46+s31+$0x0] =	vst.idx.msk $0xffff, v56  }
0x1a8: {  	v30 =	vadd.f32 v30, v10;
	v26 =	vadd.s32 v3, v26;
	[tilespmem:v47+s31+$0x0] =	vst.idx.msk $0xffff, v57;
	v60 =	vld [tilespmem:s19+$0xFFFFFFD0]  }
0x1a9: {  	v29 =	vadd.f32 v29, v8;
	v61 =	vadd.s32 v1, v39;
	[tilespmem:v55+s31+$0x0] =	vst.idx.msk $0xffff, v58;
	v36 =	vld [tilespmem:s19+$0x10]  }
0x1aa: {  	[tilespmem:v27+s31+$0x0] =	vst.idx.msk $0xffff, v30;
	v27 =	vadd.f32 v28, v8;
	v30 =	vadd.s32 v1, v40;
	v28 =	vld [tilespmem:s19+$0xFFFFFF90]  }
0x1ab: {  	v62 =	vld [tilespmem:s15+$0x60];
	v31 =	vadd.f32 v31, v8;
	[tilespmem:v32+s31+$0x0] =	vst.idx.msk $0xffff, v29;
	v29 =	vadd.s32 v1, v43  }
0x1ac: {  	v63 =	vld [tilespmem:s15+$0xFFFFFFE0];
	[tilespmem:v33+s31+$0x0] =	vst.idx.msk $0xffff, v27;
	v27 =	vadd.s32 v1, v22;
	v44 =	vadd.f32 v59, v10  }
0x1ad: {  	v45 =	vadd.s32 v2, v23;
	[tilespmem:v26+s31+$0x0] =	vst.idx.msk $0xffff, v31;
	v46 =	vld [tilespmem:s15+$0x20];
	v26 =	vadd.f32 v60, v10  }
0x1ae: {  	v31 =	vld [tilespmem:s15+$0xFFFFFFA0];
	v47 =	vadd.s32 v2, v25;
	[tilespmem:v61+s31+$0x0] =	vst.idx.msk $0xffff, v44;
	v48 =	vadd.f32 v36, v10  }
0x1af: {  	v49 =	vadd.s32 v2, v21;
	v28 =	vadd.f32 v28, v10;
	v50 =	vld [tilespmem:s19+$0x60];
	[tilespmem:v30+s31+$0x0] =	vst.idx.msk $0xffff, v26  }
0x1b0: {  	v26 =	vadd.f32 v62, v9;
	v30 =	vadd.s32 v2, v24;
	[tilespmem:v29+s31+$0x0] =	vst.idx.msk $0xffff, v48;
	v29 =	vld [tilespmem:s19+$0xFFFFFFE0]  }
0x1b1: {  	v32 =	vadd.f32 v63, v9;
	[tilespmem:v27+s31+$0x0] =	vst.idx.msk $0xffff, v28;
	v27 =	vadd.s32 v2, v39;
	v28 =	vld [tilespmem:s19+$0x20]  }
0x1b2: {  	v52 =	vadd.s32 v2, v40;
	v51 =	vld [tilespmem:s19+$0xFFFFFFA0];
	[tilespmem:v45+s31+$0x0] =	vst.idx.msk $0xffff, v26;
	v26 =	vadd.f32 v46, v9  }
0x1b3: {  	v54 =	vadd.s32 v2, v43;
	v31 =	vadd.f32 v31, v9;
	[tilespmem:v47+s31+$0x0] =	vst.idx.msk $0xffff, v32;
	v53 =	vld [tilespmem:s15+$0x70]  }
0x1b4: {  	v55 =	vadd.s32 v2, v22;
	v38 =	vld [tilespmem:s15+$0xFFFFFFF0];
	[tilespmem:v49+s31+$0x0] =	vst.idx.msk $0xffff, v26;
	v26 =	vadd.f32 v50, v9  }
0x1b5: {  	v23 =	vadd.s32 v3, v23;
	[tilespmem:v30+s31+$0x0] =	vst.idx.msk $0xffff, v31;
	v30 =	vld [tilespmem:s15+$0x30];
	v29 =	vadd.f32 v29, v9  }
0x1b6: {  	v25 =	vadd.s32 v3, v25;
	v31 =	vld [tilespmem:s15+$0xFFFFFFB0];
	[tilespmem:v27+s31+$0x0] =	vst.idx.msk $0xffff, v26;
	v26 =	vadd.f32 v28, v9  }
0x1b7: {  	v21 =	vadd.s32 v3, v21;
	v28 =	vadd.f32 v51, v9;
	v27 =	vld [tilespmem:s19+$0x70];
	[tilespmem:v52+s31+$0x0] =	vst.idx.msk $0xffff, v29  }
0x1b8: {  	v24 =	vadd.s32 v3, v24;
	v29 =	vadd.f32 v53, v8;
	[tilespmem:v54+s31+$0x0] =	vst.idx.msk $0xffff, v26;
	v56 =	vld [tilespmem:s19+$0xFFFFFFF0]  }
0x1b9: {  	v57 =	vadd.s32 v3, v39;
	v26 =	vadd.f32 v38, v8;
	[tilespmem:v55+s31+$0x0] =	vst.idx.msk $0xffff, v28;
	v28 =	vld [tilespmem:s19+$0x30]  }
0x1ba: {  	[tilespmem:v23+s31+$0x0] =	vst.idx.msk $0xffff, v29;
	v23 =	vadd.f32 v30, v8;
	v29 =	vld [tilespmem:s19+$0xFFFFFFB0];
	v30 =	vadd.s32 v3, v40  }
0x1bb: {  	[tilespmem:v25+s31+$0x0] =	vst.idx.msk $0xffff, v26;
	v25 =	vadd.s32 v3, v43;
	v31 =	vadd.f32 v31, v8  }
0x1bc: {  	v22 =	vadd.s32 v3, v22;
	[tilespmem:v21+s31+$0x0] =	vst.idx.msk $0xffff, v23;
	v21 =	vadd.f32 v27, v8  }
0x1bd: {  	[tilespmem:v24+s31+$0x0] =	vst.idx.msk $0xffff, v31;
	v23 =	vadd.f32 v56, v8  }
0x1be: {  	[tilespmem:v57+s31+$0x0] =	vst.idx.msk $0xffff, v21;
	v21 =	vadd.f32 v28, v8  }
0x1bf: {  	v24 =	vadd.f32 v29, v8;
	[tilespmem:v30+s31+$0x0] =	vst.idx.msk $0xffff, v23  }
0x1c0: {  	[tilespmem:v25+s31+$0x0] =	vst.idx.msk $0xffff, v21  }
0x1c1: {  	s11 =	simm.s32 $0x60F0;
	[tilespmem:v22+s31+$0x0] =	vst.idx.msk $0xffff, v24  }
0x1c2: {  	v21 =	vld [tilespmem:s11+$0xFFFFFFD0];
	_ =	sdelay $0x1  }
0x1c3: {  	v22 =	vadd.s32 v4, v18;
	_ =	sdelay $0x1  }
0x1c4: {  	v23 =	vld [tilespmem:s11+$0xFFFFFF50]  }
0x1c5: {  	v24 =	vld [tilespmem:s11+$0xFFFFFF90];
	v21 =	vadd.f32 v21, v13  }
0x1c6: {  	v26 =	vadd.s32 v4, v16;
	v25 =	vld [tilespmem:s11+$0xFFFFFF10]  }
0x1c7: {  	v27 =	vadd.s32 v4, v17;
	[tilespmem:v22+s31+$0x0] =	vst.idx.msk $0xffff, v21  }
0x1c8: {  	v21 =	vadd.s32 v4, v15;
	v22 =	vld [tilespmem:s11+$0xFFFFFFE0]  }
0x1c9: {  	v23 =	vadd.f32 v23, v13  }
0x1ca: {  	v28 =	vadd.s32 v5, v18;
	v24 =	vadd.f32 v24, v13  }
0x1cb: {  	v25 =	vadd.f32 v25, v13;
	[tilespmem:v26+s31+$0x0] =	vst.idx.msk $0xffff, v23  }
0x1cc: {  	[tilespmem:v27+s31+$0x0] =	vst.idx.msk $0xffff, v24;
	v23 =	vld [tilespmem:s11+$0xFFFFFF60]  }
0x1cd: {  	[tilespmem:v21+s31+$0x0] =	vst.idx.msk $0xffff, v25;
	v21 =	vld [tilespmem:s11+$0xFFFFFFA0];
	v22 =	vadd.f32 v22, v10  }
0x1ce: {  	s15 =	simm.s32 $0x61F0;
	v25 =	vadd.s32 v5, v16;
	v24 =	vld [tilespmem:s11+$0xFFFFFF20]  }
0x1cf: {  	v26 =	vadd.s32 v5, v17;
	[tilespmem:v28+s31+$0x0] =	vst.idx.msk $0xffff, v22;
	v22 =	vld [tilespmem:s15+$0xFFFFFFD0]  }
0x1d0: {  	v27 =	vadd.s32 v5, v15;
	v28 =	vld [tilespmem:s11+$0xFFFFFFF0]  }
0x1d1: {  	v30 =	vadd.s32 v4, v11;
	v29 =	vld [tilespmem:s15+$0xFFFFFF10];
	v23 =	vadd.f32 v23, v10  }
0x1d2: {  	v58 =	vadd.s32 v6, v18;
	v31 =	vld [tilespmem:s15+$0xFFFFFF50];
	v21 =	vadd.f32 v21, v10  }
0x1d3: {  	[tilespmem:v25+s31+$0x0] =	vst.idx.msk $0xffff, v23;
	v23 =	vadd.s32 v4, v12;
	v25 =	vld [tilespmem:s15+$0xFFFFFF90];
	v24 =	vadd.f32 v24, v10  }
0x1d4: {  	v19 =	vand.u32 $0x7E, v19;
	[tilespmem:v26+s31+$0x0] =	vst.idx.msk $0xffff, v21;
	v21 =	vadd.s32 v4, v14;
	v26 =	vld [tilespmem:s11+$0xFFFFFF70];
	v22 =	vadd.f32 v22, v13  }
0x1d5: {  	[tilespmem:v27+s31+$0x0] =	vst.idx.msk $0xffff, v24;
	v24 =	vadd.s32 v4, v19;
	v27 =	vld [tilespmem:s11+$0xFFFFFFB0];
	v28 =	vadd.f32 v28, v9  }
0x1d6: {  	v29 =	vadd.f32 v29, v13;
	[tilespmem:v30+s31+$0x0] =	vst.idx.msk $0xffff, v22;
	v22 =	vld [tilespmem:s11+$0xFFFFFF30];
	v30 =	vadd.s32 v6, v16  }
0x1d7: {  	v60 =	vadd.s32 v6, v17;
	v31 =	vadd.f32 v31, v13;
	v59 =	vld [tilespmem:s15+$0xFFFFFFE0];
	[tilespmem:v58+s31+$0x0] =	vst.idx.msk $0xffff, v28  }
0x1d8: {  	[tilespmem:v23+s31+$0x0] =	vst.idx.msk $0xffff, v29;
	v23 =	vadd.f32 v25, v13;
	v28 =	vadd.s32 v6, v15;
	v29 =	vld [tilespmem:s11+$0x0]  }
0x1d9: {  	v61 =	vld [tilespmem:s15+$0xFFFFFF20];
	[tilespmem:v21+s31+$0x0] =	vst.idx.msk $0xffff, v31;
	v31 =	vadd.s32 v5, v11;
	v21 =	vadd.f32 v26, v9  }
0x1da: {  	v62 =	vadd.s32 v7, v18;
	v35 =	vld [tilespmem:s15+$0xFFFFFF60];
	[tilespmem:v24+s31+$0x0] =	vst.idx.msk $0xffff, v23;
	v27 =	vadd.f32 v27, v9  }
0x1db: {  	v26 =	vadd.s32 v5, v12;
	v24 =	vld [tilespmem:s15+$0xFFFFFFA0];
	v18 =	vadd.f32 v22, v9;
	[tilespmem:v30+s31+$0x0] =	vst.idx.msk $0xffff, v21  }
0x1dc: {  	v25 =	vadd.s32 v5, v14;
	[tilespmem:v60+s31+$0x0] =	vst.idx.msk $0xffff, v27;
	v30 =	vadd.f32 v59, v10;
	v23 =	vld [tilespmem:s11+$0xFFFFFF80]  }
0x1dd: {  	v21 =	vadd.s32 v5, v19;
	v22 =	vld [tilespmem:s11+$0xFFFFFFC0];
	[tilespmem:v28+s31+$0x0] =	vst.idx.msk $0xffff, v18;
	v63 =	vadd.f32 v29, v8  }
0x1de: {  	s19 =	simm.s32 $0x62F0;
	v16 =	vadd.s32 v7, v16;
	v18 =	vand.u32 $0x7C, v20;
	v28 =	vadd.f32 v61, v10;
	[tilespmem:v31+s31+$0x0] =	vst.idx.msk $0xffff, v30;
	v20 =	vld [tilespmem:s11+$0xFFFFFF40]  }
0x1df: {  	s2 =	simm.s32 $0xC;
	v17 =	vadd.s32 v7, v17;
	v27 =	vld [tilespmem:s19+$0xFFFFFFD0];
	v30 =	vmov s14;
	v29 =	vadd.f32 v35, v10;
	[tilespmem:v62+s31+$0x0] =	vst.idx.msk $0xffff, v63  }
.LBB2_18:
0x1e0: {  	p1 =	slt.u32 s2, $0x7C;
	s0 =	sadd.s32 $0x1, s13;
	v30 =	vand.u32 $0x7F, v30;
	[tilespmem:v26+s31+$0x0] =	vst.idx.msk $0xffff, v28;
	v24 =	vadd.f32 v24, v10;
	v26 =	vld [tilespmem:s15+$0xFFFFFFF0];
	v28 =	vadd.s32 v7, v15  }
0x1e1: {  	v34 =	vmovc v19;
	v31 =	vld [tilespmem:s19+$0xFFFFFF10];
	v32 =	vmov s0;
	s0 =	sadd.s32 $0x2, s13;
	v33 =	vadd.s32 v4, v30;
	[tilespmem:v25+s31+$0x0] =	vst.idx.msk $0xffff, v29;
	v23 =	vadd.f32 v23, v8;
	s13 =	smov.u32 s2  }
0x1e2: {  	v15 =	vmovc v12;
	v25 =	vld [tilespmem:s19+$0xFFFFFF50];
	v19 =	vmov s0;
	[tilespmem:v21+s31+$0x0] =	vst.idx.msk $0xffff, v24;
	v21 =	vadd.s32 v6, v11;
	v22 =	vadd.f32 v22, v8  }
0x1e3: {  	v24 =	vadd.s32 v4, v18;
	v32 =	vand.u32 $0x7D, v32;
	v29 =	vld [tilespmem:s19+$0xFFFFFF90];
	v35 =	vadd.f32 v20, v8;
	[tilespmem:v16+s31+$0x0] =	vst.idx.msk $0xffff, v23  }
0x1e4: {  	v16 =	vadd.s32 v4, v32;
	v19 =	vand.u32 $0x7E, v19;
	v20 =	vadd.f32 v27, v13;
	v23 =	vld [tilespmem:s15+$0xFFFFFF70];
	[tilespmem:v17+s31+$0x0] =	vst.idx.msk $0xffff, v22  }
0x1e5: {  	v12 =	vmov v18;
	v17 =	vadd.s32 v4, v19;
	v22 =	vld [tilespmem:s15+$0xFFFFFFB0];
	v26 =	vadd.f32 v26, v9;
	[tilespmem:v28+s31+$0x0] =	vst.idx.msk $0xffff, v35  }
0x1e6: {  	v27 =	vadd.s32 v6, v14;
	v18 =	vadd.f32 v31, v13;
	[tilespmem:v33+s31+$0x0] =	vst.idx.msk $0xffff, v20;
	v20 =	vld [tilespmem:s15+$0xFFFFFF30]  }
0x1e7: {  	v31 =	vadd.s32 v6, v34;
	v25 =	vadd.f32 v25, v13;
	v28 =	vld [tilespmem:s19+$0xFFFFFFE0];
	[tilespmem:v21+s31+$0x0] =	vst.idx.msk $0xffff, v26  }
0x1e8: {  	[tilespmem:v24+s31+$0x0] =	vst.idx.msk $0xffff, v18;
	v18 =	vadd.f32 v29, v13;
	v29 =	vadd.s32 v6, v15;
	v33 =	vld [tilespmem:s15+$0x0]  }
0x1e9: {  	v35 =	vld [tilespmem:s19+$0xFFFFFF20];
	[tilespmem:v16+s31+$0x0] =	vst.idx.msk $0xffff, v25;
	v16 =	vadd.s32 v5, v30;
	v21 =	vadd.f32 v23, v9  }
0x1ea: {  	v37 =	vadd.s32 v7, v11;
	v11 =	vmov v30;
	v36 =	vld [tilespmem:s19+$0xFFFFFF60];
	[tilespmem:v17+s31+$0x0] =	vst.idx.msk $0xffff, v18;
	v17 =	vadd.f32 v22, v9  }
.Ltmp10:
0x1eb: {  	v26 =	vadd.s32 v5, v12;
	v24 =	vld [tilespmem:s19+$0xFFFFFFA0];
	v18 =	vadd.f32 v20, v9;
	[tilespmem:v27+s31+$0x0] =	vst.idx.msk $0xffff, v21;
	(pc) =	sbr.rel @p1 .LBB2_18-.Ltmp10, $4  }
0x1ec: {  	v25 =	vadd.s32 v5, v32;
	v20 =	vadd.f32 v28, v10;
	v23 =	vld [tilespmem:s15+$0xFFFFFF80];
	[tilespmem:v31+s31+$0x0] =	vst.idx.msk $0xffff, v17  }
0x1ed: {  	v21 =	vadd.s32 v5, v19;
	v17 =	vmov s2;
	[tilespmem:v29+s31+$0x0] =	vst.idx.msk $0xffff, v18;
	v22 =	vld [tilespmem:s15+$0xFFFFFFC0];
	v31 =	vadd.f32 v33, v8  }
0x1ee: {  	s0 =	sadd.s32 $0x3, s2;
	v18 =	vand.u32 $0x7C, v17;
	v28 =	vadd.f32 v35, v10;
	[tilespmem:v16+s31+$0x0] =	vst.idx.msk $0xffff, v20;
	v20 =	vld [tilespmem:s15+$0xFFFFFF40];
	v16 =	vadd.s32 v7, v14;
	s15 =	smov.u32 s19;
	s19 =	sadd.s32 $0x100, s19  }
0x1ef: {  	v30 =	vmov s0;
	s2 =	sadd.s32 $0x4, s2;
	v17 =	vadd.s32 v7, v34;
	v14 =	vmovc v32;
	v27 =	vld [tilespmem:s19+$0xFFFFFFD0];
	v29 =	vadd.f32 v36, v10;
	[tilespmem:v37+s31+$0x0] =	vst.idx.msk $0xffff, v31  }
0x1f0: {  	s0 =	sadd.s32 $0x1, s13  }
0x1f1: {  	v30 =	vand.u32 $0x7F, v30;
	s2 =	sadd.s32 $0x2, s13;
	v32 =	vld [tilespmem:s19+$0xFFFFFF50];
	v31 =	vmov s0  }
0x1f2: {  	v35 =	vld [tilespmem:s19+$0xFFFFFF90];
	v33 =	vadd.s32 v4, v30;
	v34 =	vmov s2;
	v31 =	vand.u32 $0x7D, v31  }
0x1f3: {  	v36 =	vld [tilespmem:s19+$0xFFFFFF10];
	v34 =	vand.u32 $0x7E, v34;
	v37 =	vadd.s32 v4, v31  }
0x1f4: {  	v38 =	vadd.s32 v4, v34  }
0x1f5: {  	[tilespmem:v26+s31+$0x0] =	vst.idx.msk $0xffff, v28;
	v63 =	vadd.s32 v4, v18;
	v27 =	vadd.f32 v27, v13  }
0x1f6: {  	[tilespmem:v25+s31+$0x0] =	vst.idx.msk $0xffff, v29;
	v32 =	vadd.f32 v32, v13  }
0x1f7: {  	v35 =	vadd.f32 v35, v13;
	[tilespmem:v33+s31+$0x0] =	vst.idx.msk $0xffff, v27  }
0x1f8: {  	v39 =	vadd.f32 v36, v13;
	v40 =	vld [tilespmem:s19+$0xFFFFFFE0];
	[tilespmem:v37+s31+$0x0] =	vst.idx.msk $0xffff, v32  }
0x1f9: {  	v24 =	vadd.f32 v24, v10;
	v15 =	vadd.s32 v7, v15;
	[tilespmem:v38+s31+$0x0] =	vst.idx.msk $0xffff, v35;
	v25 =	vld [tilespmem:s19+$0xFFFFFF60]  }
0x1fa: {  	v23 =	vadd.f32 v23, v8;
	v41 =	vadd.s32 v5, v30;
	[tilespmem:v63+s31+$0x0] =	vst.idx.msk $0xffff, v39;
	v42 =	vld [tilespmem:s19+$0xFFFFFFA0]  }
0x1fb: {  	[tilespmem:v21+s31+$0x0] =	vst.idx.msk $0xffff, v24;
	v43 =	vadd.f32 v22, v8;
	v45 =	vadd.s32 v5, v31;
	v44 =	vld [tilespmem:s19+$0xFFFFFF20]  }
0x1fc: {  	v46 =	vld [tilespmem:s15+$0xFFFFFFF0];
	v20 =	vadd.f32 v20, v8;
	[tilespmem:v16+s31+$0x0] =	vst.idx.msk $0xffff, v23;
	v47 =	vadd.s32 v5, v34  }
0x1fd: {  	v49 =	vadd.s32 v5, v18;
	v48 =	vld [tilespmem:s15+$0xFFFFFF70];
	[tilespmem:v17+s31+$0x0] =	vst.idx.msk $0xffff, v43;
	v50 =	vadd.f32 v40, v10  }
0x1fe: {  	v51 =	vadd.s32 v6, v11;
	v52 =	vld [tilespmem:s15+$0xFFFFFFB0];
	[tilespmem:v15+s31+$0x0] =	vst.idx.msk $0xffff, v20;
	v53 =	vadd.f32 v25, v10  }
0x1ff: {  	v55 =	vadd.s32 v6, v14;
	v54 =	vld [tilespmem:s15+$0xFFFFFF30];
	[tilespmem:v41+s31+$0x0] =	vst.idx.msk $0xffff, v50;
	v56 =	vadd.f32 v42, v10  }
0x200: {  	v57 =	vadd.s32 v6, v19;
	v58 =	vadd.f32 v44, v10;
	v59 =	vld [tilespmem:s19+$0xFFFFFFF0];
	[tilespmem:v45+s31+$0x0] =	vst.idx.msk $0xffff, v53  }
0x201: {  	v61 =	vadd.s32 v6, v12;
	v60 =	vadd.f32 v46, v9;
	[tilespmem:v47+s31+$0x0] =	vst.idx.msk $0xffff, v56;
	v62 =	vld [tilespmem:s19+$0xFFFFFF70]  }
0x202: {  	v63 =	vadd.f32 v48, v9;
	v32 =	vadd.s32 v6, v30;
	[tilespmem:v49+s31+$0x0] =	vst.idx.msk $0xffff, v58;
	v33 =	vld [tilespmem:s19+$0xFFFFFFB0]  }
0x203: {  	[tilespmem:v51+s31+$0x0] =	vst.idx.msk $0xffff, v60;
	v35 =	vadd.f32 v52, v9;
	v37 =	vadd.s32 v6, v31;
	v36 =	vld [tilespmem:s19+$0xFFFFFF30]  }
0x204: {  	v20 =	vadd.f32 v54, v9;
	v39 =	vadd.s32 v6, v34;
	v38 =	vld [tilespmem:s15+$0x0];
	[tilespmem:v55+s31+$0x0] =	vst.idx.msk $0xffff, v63  }
0x205: {  	[tilespmem:v57+s31+$0x0] =	vst.idx.msk $0xffff, v35;
	v25 =	vld [tilespmem:s15+$0xFFFFFF80];
	v41 =	vadd.s32 v6, v18;
	v40 =	vadd.f32 v59, v9  }
0x206: {  	[tilespmem:v61+s31+$0x0] =	vst.idx.msk $0xffff, v20;
	v43 =	vld [tilespmem:s15+$0xFFFFFFC0];
	v42 =	vadd.s32 v7, v11;
	v13 =	vadd.f32 v62, v9  }
0x207: {  	v44 =	vld [tilespmem:s15+$0xFFFFFF40];
	v45 =	vadd.s32 v7, v14;
	[tilespmem:v32+s31+$0x0] =	vst.idx.msk $0xffff, v40;
	v46 =	vadd.f32 v33, v9  }
0x208: {  	v47 =	vadd.s32 v7, v19;
	v49 =	vadd.f32 v36, v9;
	v48 =	vld [tilespmem:s19+$0x0];
	[tilespmem:v37+s31+$0x0] =	vst.idx.msk $0xffff, v13  }
0x209: {  	v51 =	vadd.s32 v7, v12;
	v50 =	vadd.f32 v38, v8;
	[tilespmem:v39+s31+$0x0] =	vst.idx.msk $0xffff, v46;
	v52 =	vld [tilespmem:s19+$0xFFFFFF80]  }
0x20a: {  	v54 =	vadd.s32 v7, v30;
	v53 =	vadd.f32 v25, v8;
	[tilespmem:v41+s31+$0x0] =	vst.idx.msk $0xffff, v49;
	v55 =	vld [tilespmem:s19+$0xFFFFFFC0]  }
0x20b: {  	v58 =	vadd.s32 v7, v31;
	v56 =	vadd.f32 v43, v8;
	[tilespmem:v42+s31+$0x0] =	vst.idx.msk $0xffff, v50;
	v57 =	vld [tilespmem:s19+$0xFFFFFF40]  }
0x20c: {  	v60 =	vadd.s32 v7, v34;
	v59 =	vadd.f32 v44, v8;
	[tilespmem:v45+s31+$0x0] =	vst.idx.msk $0xffff, v53  }
0x20d: {  	[tilespmem:v47+s31+$0x0] =	vst.idx.msk $0xffff, v56;
	v62 =	vadd.s32 v7, v18;
	v61 =	vadd.f32 v48, v8  }
0x20e: {  	[tilespmem:v51+s31+$0x0] =	vst.idx.msk $0xffff, v59;
	v63 =	vadd.f32 v52, v8  }
0x20f: {  	s11 =	sshll.u32 s18, $0x8;
	[tilespmem:v54+s31+$0x0] =	vst.idx.msk $0xffff, v61;
	v9 =	vadd.f32 v55, v8  }
0x210: {  	s0 =	sand.u32 $0x300, s11;
	v8 =	vadd.f32 v57, v8;
	[tilespmem:v58+s31+$0x0] =	vst.idx.msk $0xffff, v63  }
0x211: {  	s2 =	sshll.u32 s10, $0xD;
	s0 =	sadd.s32 s1, s0;
	[tilespmem:v60+s31+$0x0] =	vst.idx.msk $0xffff, v9  }
0x212: {  	s13 =	simm.s32 $0x14940;
	s0 =	sadd.s32 s2, s0;
	[tilespmem:v62+s31+$0x0] =	vst.idx.msk $0xffff, v8  }
0x213: {  	[hbm4b:s0+s4] =	stream.linear.scatter [tilespmem:s13], [sflag:$0x4], $0x80, $0x38;
	[tilespmem:$0x1AF40] =	vst v63  }
0x214: {  	s14 =	simm.s32 $0x149C8;
	s15 =	sadd.s32 $0x10, s0  }
0x215: {  	[hbm4b:s15+s4] =	stream.linear.scatter [tilespmem:s14], [sflag:$0x4], $0x80, $0x38;
	[tilespmem:$0x1AF40] =	vst v63  }
0x216: {  	s18 =	simm.s32 $0x14A50;
	s19 =	sadd.s32 $0x20, s0  }
0x217: {  	[hbm4b:s19+s4] =	stream.linear.scatter [tilespmem:s18], [sflag:$0x4], $0x80, $0x38;
	[tilespmem:$0x1AF40] =	vst v63  }
0x218: {  	s11 =	simm.s32 $0x14AD8;
	s13 =	sadd.s32 $0x30, s0  }
0x219: {  	[hbm4b:s13+s4] =	stream.linear.scatter [tilespmem:s11], [sflag:$0x4], $0x80, $0x38;
	[tilespmem:$0x1AF40] =	vst v63  }
0x21a: {  	s14 =	simm.s32 $0x14B60;
	s15 =	sadd.s32 $0x40, s0  }
0x21b: {  	[hbm4b:s15+s4] =	stream.linear.scatter [tilespmem:s14], [sflag:$0x4], $0x80, $0x38;
	[tilespmem:$0x1AF40] =	vst v63  }
0x21c: {  	s18 =	simm.s32 $0x14BE8;
	s19 =	sadd.s32 $0x50, s0  }
0x21d: {  	[hbm4b:s19+s4] =	stream.linear.scatter [tilespmem:s18], [sflag:$0x4], $0x80, $0x38;
	[tilespmem:$0x1AF40] =	vst v63  }
0x21e: {  	s11 =	simm.s32 $0x14C70;
	s13 =	sadd.s32 $0x60, s0  }
0x21f: {  	[hbm4b:s13+s4] =	stream.linear.scatter [tilespmem:s11], [sflag:$0x4], $0x80, $0x38;
	[tilespmem:$0x1AF40] =	vst v63  }
0x220: {  	s14 =	simm.s32 $0x14CF8;
	s15 =	sadd.s32 $0x70, s0  }
0x221: {  	[hbm4b:s15+s4] =	stream.linear.scatter [tilespmem:s14], [sflag:$0x4], $0x80, $0x38;
	[tilespmem:$0x1AF40] =	vst v63  }
0x222: {  	s18 =	simm.s32 $0x14FA0;
	s19 =	sadd.s32 $0x80, s0  }
0x223: {  	[hbm4b:s19+s4] =	stream.linear.scatter [tilespmem:s18], [sflag:$0x4], $0x80, $0x38;
	[tilespmem:$0x1AF40] =	vst v63  }
0x224: {  	s11 =	simm.s32 $0x15028;
	s13 =	sadd.s32 $0x90, s0  }
0x225: {  	[hbm4b:s13+s4] =	stream.linear.scatter [tilespmem:s11], [sflag:$0x4], $0x80, $0x38;
	[tilespmem:$0x1AF40] =	vst v63  }
0x226: {  	s10 =	simm.s32 $0xCC0;
	s14 =	simm.s32 $0x150B0;
	s15 =	sadd.s32 $0xA0, s0  }
0x227: {  	[hbm4b:s15+s4] =	stream.linear.scatter [tilespmem:s14], [sflag:$0x4], $0x80, $0x38;
	[tilespmem:$0x1AF40] =	vst v63  }
0x228: {  	s2 =	simm.s32 $0x15358;
	s18 =	simm.s32 $0x15138;
	s19 =	sadd.s32 $0xB0, s0  }
0x229: {  	[hbm4b:s19+s4] =	stream.linear.scatter [tilespmem:s18], [sflag:$0x4], $0x80, $0x38;
	[tilespmem:$0x1AF40] =	vst v63  }
0x22a: {  	s11 =	simm.s32 $0x151C0;
	s13 =	sadd.s32 $0xC0, s0;
	s14 =	simm.s32 $0x15248  }
0x22b: {  	[hbm4b:s13+s4] =	stream.linear.scatter [tilespmem:s11], [sflag:$0x4], $0x80, $0x38;
	[tilespmem:$0x1AF40] =	vst v63  }
0x22c: {  	s15 =	sadd.s32 $0xD0, s0;
	s18 =	simm.s32 $0x152D0;
	s19 =	sadd.s32 $0xE0, s0  }
0x22d: {  	[hbm4b:s15+s4] =	stream.linear.scatter [tilespmem:s14], [sflag:$0x4], $0x80, $0x38;
	[tilespmem:$0x1AF40] =	vst v63  }
0x22e: {  	s13 =	sadd.s32 $0x400, s0;
	s14 =	simm.s32 $0x6600;
	s15 =	sadd.s32 $0xF0, s0  }
0x22f: {  	[hbm4b:s19+s4] =	stream.linear.scatter [tilespmem:s18], [sflag:$0x4], $0x80, $0x38;
	[tilespmem:$0x1AF40] =	vst v63  }
.LBB2_20:
0x230: {  	[hbm4b:s15+s4] =	stream.linear.scatter [tilespmem:s2], [sflag:$0x4], $0x80, $0x38;
	[tilespmem:$0x1AF40] =	vst v63  }
0x231: {  	s2 =	smov.u32 s10;
	s0 =	smov.u32 s14  }
0x232: {  	s11 =	sadd.s32 $0x3300, s14;
	s10 =	sshra.s32 s0, $0x2;
	s0 =	sadd.s32 $0x14940, s2  }
0x233: {  	[hbm4b:s13+s4] =	stream.linear.scatter [tilespmem:s0], [sflag:$0x4], $0x80, $0x38;
	[tilespmem:$0x1AF40] =	vst v63  }
0x234: {  	p1 =	sne.s32 s14, $0x16500;
	s14 =	sadd.s32 $0x10, s13;
	s0 =	sadd.s32 $0x149C8, s2  }
0x235: {  	[hbm4b:s14+s4] =	stream.linear.scatter [tilespmem:s0], [sflag:$0x4], $0x80, $0x38;
	[tilespmem:$0x1AF40] =	vst v63  }
0x236: {  	s0 =	sadd.s32 $0x14A50, s2;
	s14 =	sadd.s32 $0x20, s13  }
0x237: {  	[hbm4b:s14+s4] =	stream.linear.scatter [tilespmem:s0], [sflag:$0x4], $0x80, $0x38;
	[tilespmem:$0x1AF40] =	vst v63  }
0x238: {  	s0 =	sadd.s32 $0x14AD8, s2;
	s14 =	sadd.s32 $0x30, s13  }
0x239: {  	[hbm4b:s14+s4] =	stream.linear.scatter [tilespmem:s0], [sflag:$0x4], $0x80, $0x38;
	[tilespmem:$0x1AF40] =	vst v63  }
0x23a: {  	s0 =	sadd.s32 $0x14B60, s2;
	s14 =	sadd.s32 $0x40, s13  }
0x23b: {  	[hbm4b:s14+s4] =	stream.linear.scatter [tilespmem:s0], [sflag:$0x4], $0x80, $0x38;
	[tilespmem:$0x1AF40] =	vst v63  }
0x23c: {  	s0 =	sadd.s32 $0x14BE8, s2;
	s14 =	sadd.s32 $0x50, s13  }
0x23d: {  	[hbm4b:s14+s4] =	stream.linear.scatter [tilespmem:s0], [sflag:$0x4], $0x80, $0x38;
	[tilespmem:$0x1AF40] =	vst v63  }
0x23e: {  	s0 =	sadd.s32 $0x14C70, s2;
	s14 =	sadd.s32 $0x60, s13  }
0x23f: {  	[hbm4b:s14+s4] =	stream.linear.scatter [tilespmem:s0], [sflag:$0x4], $0x80, $0x38;
	[tilespmem:$0x1AF40] =	vst v63  }
0x240: {  	s0 =	sadd.s32 $0x14CF8, s2;
	s14 =	sadd.s32 $0x70, s13  }
0x241: {  	[hbm4b:s14+s4] =	stream.linear.scatter [tilespmem:s0], [sflag:$0x4], $0x80, $0x38;
	[tilespmem:$0x1AF40] =	vst v63  }
0x242: {  	s0 =	sadd.s32 $0x14FA0, s2;
	s14 =	sadd.s32 $0x80, s13  }
0x243: {  	[hbm4b:s14+s4] =	stream.linear.scatter [tilespmem:s0], [sflag:$0x4], $0x80, $0x38;
	[tilespmem:$0x1AF40] =	vst v63  }
0x244: {  	s0 =	sadd.s32 $0x15028, s2;
	s14 =	sadd.s32 $0x90, s13  }
0x245: {  	[hbm4b:s14+s4] =	stream.linear.scatter [tilespmem:s0], [sflag:$0x4], $0x80, $0x38;
	[tilespmem:$0x1AF40] =	vst v63  }
0x246: {  	s0 =	sadd.s32 $0x150B0, s2;
	s14 =	sadd.s32 $0xA0, s13  }
0x247: {  	[hbm4b:s14+s4] =	stream.linear.scatter [tilespmem:s0], [sflag:$0x4], $0x80, $0x38;
	[tilespmem:$0x1AF40] =	vst v63  }
0x248: {  	s0 =	sadd.s32 $0x15138, s2;
	s14 =	sadd.s32 $0xB0, s13  }
0x249: {  	[hbm4b:s14+s4] =	stream.linear.scatter [tilespmem:s0], [sflag:$0x4], $0x80, $0x38;
	[tilespmem:$0x1AF40] =	vst v63  }
0x24a: {  	s0 =	sadd.s32 $0x151C0, s2;
	s14 =	sadd.s32 $0xC0, s13  }
0x24b: {  	[hbm4b:s14+s4] =	stream.linear.scatter [tilespmem:s0], [sflag:$0x4], $0x80, $0x38;
	[tilespmem:$0x1AF40] =	vst v63  }
.Ltmp11:
0x24c: {  	s0 =	sadd.s32 $0x15248, s2;
	s14 =	sadd.s32 $0xD0, s13;
	(pc) =	sbr.rel @p1 .LBB2_20-.Ltmp11, $4  }
0x24d: {  	[hbm4b:s14+s4] =	stream.linear.scatter [tilespmem:s0], [sflag:$0x4], $0x80, $0x38;
	[tilespmem:$0x1AF40] =	vst v63  }
0x24e: {  	s15 =	sadd.s32 $0xF0, s13;
	s0 =	sadd.s32 $0x152D0, s2;
	s14 =	sadd.s32 $0xE0, s13  }
0x24f: {  	[hbm4b:s14+s4] =	stream.linear.scatter [tilespmem:s0], [sflag:$0x4], $0x80, $0x38;
	[tilespmem:$0x1AF40] =	vst v63  }
0x250: {  	s2 =	sadd.s32 $0x15358, s2;
	s13 =	sadd.s32 $0x400, s13;
	s14 =	smov.u32 s11  }
0x251: {  	[hbm4b:s15+s4] =	stream.linear.scatter [tilespmem:s2], [sflag:$0x4], $0x80, $0x38;
	[tilespmem:$0x1AF40] =	vst v63  }
0x252: {  	s0 =	sadd.s32 $0x14940, s10  }
0x253: {  	[hbm4b:s13+s4] =	stream.linear.scatter [tilespmem:s0], [sflag:$0x4], $0x80, $0x38;
	[tilespmem:$0x1AF40] =	vst v63  }
0x254: {  	s2 =	sadd.s32 $0x149C8, s10;
	s11 =	sadd.s32 $0x10, s13  }
0x255: {  	[hbm4b:s11+s4] =	stream.linear.scatter [tilespmem:s2], [sflag:$0x4], $0x80, $0x38;
	[tilespmem:$0x1AF40] =	vst v63  }
0x256: {  	s14 =	sadd.s32 $0x14A50, s10;
	s15 =	sadd.s32 $0x20, s13  }
0x257: {  	[hbm4b:s15+s4] =	stream.linear.scatter [tilespmem:s14], [sflag:$0x4], $0x80, $0x38;
	[tilespmem:$0x1AF40] =	vst v63  }
0x258: {  	s18 =	sadd.s32 $0x14AD8, s10;
	s19 =	sadd.s32 $0x30, s13  }
0x259: {  	[hbm4b:s19+s4] =	stream.linear.scatter [tilespmem:s18], [sflag:$0x4], $0x80, $0x38;
	[tilespmem:$0x1AF40] =	vst v63  }
0x25a: {  	s2 =	sadd.s32 $0x14B60, s10;
	s11 =	sadd.s32 $0x40, s13  }
0x25b: {  	[hbm4b:s11+s4] =	stream.linear.scatter [tilespmem:s2], [sflag:$0x4], $0x80, $0x38;
	[tilespmem:$0x1AF40] =	vst v63  }
0x25c: {  	s14 =	sadd.s32 $0x14BE8, s10;
	s15 =	sadd.s32 $0x50, s13  }
0x25d: {  	[hbm4b:s15+s4] =	stream.linear.scatter [tilespmem:s14], [sflag:$0x4], $0x80, $0x38;
	[tilespmem:$0x1AF40] =	vst v63  }
0x25e: {  	s18 =	sadd.s32 $0x14C70, s10;
	s19 =	sadd.s32 $0x60, s13  }
0x25f: {  	[hbm4b:s19+s4] =	stream.linear.scatter [tilespmem:s18], [sflag:$0x4], $0x80, $0x38;
	[tilespmem:$0x1AF40] =	vst v63  }
0x260: {  	s2 =	sadd.s32 $0x14CF8, s10;
	s11 =	sadd.s32 $0x70, s13  }
0x261: {  	[hbm4b:s11+s4] =	stream.linear.scatter [tilespmem:s2], [sflag:$0x4], $0x80, $0x38;
	[tilespmem:$0x1AF40] =	vst v63  }
0x262: {  	s14 =	sadd.s32 $0x14FA0, s10;
	s15 =	sadd.s32 $0x80, s13  }
0x263: {  	[hbm4b:s15+s4] =	stream.linear.scatter [tilespmem:s14], [sflag:$0x4], $0x80, $0x38;
	[tilespmem:$0x1AF40] =	vst v63  }
0x264: {  	s18 =	sadd.s32 $0x15028, s10;
	s19 =	sadd.s32 $0x90, s13  }
0x265: {  	[hbm4b:s19+s4] =	stream.linear.scatter [tilespmem:s18], [sflag:$0x4], $0x80, $0x38;
	[tilespmem:$0x1AF40] =	vst v63  }
0x266: {  	s2 =	sadd.s32 $0x150B0, s10;
	s11 =	sadd.s32 $0xA0, s13  }
0x267: {  	[hbm4b:s11+s4] =	stream.linear.scatter [tilespmem:s2], [sflag:$0x4], $0x80, $0x38;
	[tilespmem:$0x1AF40] =	vst v63  }
0x268: {  	s14 =	sadd.s32 $0x15138, s10;
	s15 =	sadd.s32 $0xB0, s13  }
0x269: {  	[hbm4b:s15+s4] =	stream.linear.scatter [tilespmem:s14], [sflag:$0x4], $0x80, $0x38;
	[tilespmem:$0x1AF40] =	vst v63  }
0x26a: {  	s18 =	sadd.s32 $0x151C0, s10;
	s19 =	sadd.s32 $0xC0, s13  }
0x26b: {  	[hbm4b:s19+s4] =	stream.linear.scatter [tilespmem:s18], [sflag:$0x4], $0x80, $0x38;
	[tilespmem:$0x1AF40] =	vst v63  }
0x26c: {  	s2 =	sadd.s32 $0x15248, s10;
	s11 =	sadd.s32 $0xD0, s13  }
0x26d: {  	[hbm4b:s11+s4] =	stream.linear.scatter [tilespmem:s2], [sflag:$0x4], $0x80, $0x38;
	[tilespmem:$0x1AF40] =	vst v63  }
.Ltmp12:
0x26e: {  	_ = 	snop;
	(pc) =	sbr.rel @p2 .LBB2_44-.Ltmp12, $4  }
0x26f: {  	s14 =	sadd.s32 $0x152D0, s10;
	s15 =	sadd.s32 $0xE0, s13  }
0x270: {  	[hbm4b:s15+s4] =	stream.linear.scatter [tilespmem:s14], [sflag:$0x4], $0x80, $0x38;
	[tilespmem:$0x1AF40] =	vst v63  }
0x271: {  	s18 =	sadd.s32 $0x15358, s10;
	s19 =	sadd.s32 $0xF0, s13  }
0x272: {  	[hbm4b:s19+s4] =	stream.linear.scatter [tilespmem:s18], [sflag:$0x4], $0x80, $0x38;
	[tilespmem:$0x1AF40] =	vst v63  }
0x273: {  	s0 =	sadd.s32 s12, s17  }
0x274: {  	s2 =	sshrl.u32 s0, $0x5  }
0x275: {  	s2 =	ssub.s32 s2, s7  }
0x276: {  	s10 =	sshll.u32 s0, $0xB;
	s2 =	sshll.u32 s2, $0xF  }
0x277: {  	s0 =	sshll.u32 s0, $0x5;
	s10 =	sand.u32 $0x1800, s10;
	s2 =	sshra.s32 s2, $0x2  }
0x278: {  	s0 =	sand.u32 $0x380, s0;
	s2 =	sor.u32 s10, s2  }
.Ltmp13:
0x279: {  	s0 =	sor.u32 s0, s2;
	(pc) =	sbr.rel .LBB2_3-.Ltmp13, $4  }
0x27a: {  	s2 =	sadd.s32 $0x8000, s0  }
0x27b: {  	[tilespmem:s25], [sflag:$0x2] =	stream.indirect.gather [hbm4b:s6+s23], $0x40, s2, s23, $0xb8;
	[tilespmem:$0x1AF40] =	vst v63  }
0x27c: {  	s24 =	sadd.s32 $0x1, s24;
	s0 =	sadd.s32 $0x8400, s0  }
0x27d: {  	[tilespmem:s26], [sflag:$0x2] =	stream.indirect.gather [hbm4b:s6+s23], $0x40, s0, s23, $0xb8;
	[tilespmem:$0x1AF40] =	vst v63  }
.LBB2_6:
.Ltmp14:
0x27e: {  	(pc) =	sbr.rel .LBB2_13-.Ltmp14, $2  }
0x27f: {  	_ =	sdelay $0x2  }
0x280: {  	_ = 	snop  }
.LBB2_8:
.Ltmp15:
0x281: {  	(pc) =	sbr.rel .LBB2_13-.Ltmp15, $2  }
0x282: {  	_ =	sdelay $0x2  }
0x283: {  	v15 =	vmov v12;
	s15 =	simm.s32 $0x4;
	s13 =	simm.s32 $0x20F0;
	s14 =	simm.s32 $0x21F0;
	v12 =	vmov v14  }
.LBB2_10:
.Ltmp16:
0x284: {  	(pc) =	sbr.rel .LBB2_13-.Ltmp16, $3  }
0x285: {  	_ =	sdelay $0x1  }
0x286: {  	v34 =	vmov v12  }
0x287: {  	s14 =	simm.s32 $0x22F0;
	v18 =	vmovc v21;
	v16 =	vmovc v15;
	v15 =	vmov v14;
	v12 =	vmov v32;
	v13 =	vmov v17  }
.LBB2_23:
0x288: {  	s0 =	rddreg [dreg:$0x9];
	s2 =	simm.s32 $0x8000  }
0x289: {  	[tilespmem:s2], [sflag:$0x5] =	stream.linear.gather [hbm4b:s0+s22], $0x6000, $0x38;
	[tilespmem:$0x1AF40] =	vst v63  }
0x28a: {  	_ =	swait.ge [sflag:s21], $0x6000  }
0x28b: {  	[sflag:s21] =	ssyncset.done $0x0  }
0x28c: {  	s14 =	rddreg [dreg:$0x8];
	[sflag:s21] =	ssyncadd.s32 $0xFFFFA000  }
0x28d: {  	[tilespmem:s22], [sflag:$0x1] =	stream.indirect.gather [hbm4b:s8+s23], $0x40, s14, s23, $0xb8;
	[tilespmem:$0x1AF40] =	vst v63  }
0x28e: {  	s18 =	simm.s32 $0x2000;
	s15 =	rddreg [dreg:$0xa]  }
0x28f: {  	[tilespmem:s18], [sflag:$0x1] =	stream.indirect.gather [hbm4b:s8+s23], $0x40, s15, s23, $0xb8;
	[tilespmem:$0x1AF40] =	vst v63  }
0x290: {  	s19 =	rddreg [dreg:$0xb]  }
0x291: {  	[tilespmem:s25], [sflag:$0x2] =	stream.indirect.gather [hbm4b:s8+s23], $0x40, s19, s23, $0xb8;
	[tilespmem:$0x1AF40] =	vst v63  }
0x292: {  	s24 =	rddreg [dreg:$0xc]  }
0x293: {  	[tilespmem:s26], [sflag:$0x2] =	stream.indirect.gather [hbm4b:s8+s23], $0x40, s24, s23, $0xb8;
	[tilespmem:$0x1AF40] =	vst v63  }
0x294: {  	s24 =	simm.s32 $0x0  }
.LBB2_24:
0x295: {  	s12 =	sshll.u32 s24, $0x1;
	_ =	swait.ge [sflag:s28], $0x4000  }
0x296: {  	p1 =	seq.s32 s24, $0x0;
	s10 =	sadd.s32 s5, s12;
	[sflag:s28] =	ssyncset.done $0x0  }
0x297: {  	s0 =	simm.s32 @!p1 $0x3;
	s18 =	sshrl.u32 s10, $0x2;
	[sflag:s28] =	ssyncadd.s32 $0xFFFFC000  }
0x298: {  	s2 =	ssub.s32 s18, s9;
	_ =	swait.ge @!p1 [sflag:s0], $0x4000  }
0x299: {  	[sflag:s0] =	ssyncset.done @!p1 $0x0;
	s2 =	sshll.u32 s2, $0x8  }
0x29a: {  	[sflag:s0] =	ssyncadd.s32 @!p1 $0xFFFFC000;
	s19 =	sshra.s32 s2, $0x2  }
0x29b: {  	s11 =	simm.s32 $0x80;
	s13 =	simm.s32 $0x3;
	v11 =	vld [tilespmem:s19+$0xE000]  }
0x29c: {  	v8 =	vmov s13;
	v12 =	vld [tilespmem:s11+$0x40]  }
0x29d: {  	v17 =	vand.u32 $0x7F, v8  }
0x29e: {  	v13 =	vadd.s32 v0, v17;
	v10 =	vld [tilespmem:s19+$0xE010]  }
0x29f: {  	s14 =	simm.s32 $0x1;
	s13 =	simm.s32 $0x2;
	v8 =	vmov s22;
	v14 =	vld [tilespmem:s11+$0xFFFFFF80]  }
0x2a0: {  	v18 =	vmov s13;
	v16 =	vand.u32 $0x7C, v8;
	v8 =	vmov s14;
	v15 =	vld [tilespmem:s11+$0xFFFFFFC0]  }
0x2a1: {  	v19 =	vadd.s32 v0, v16;
	v23 =	vand.u32 $0x7D, v8;
	v20 =	vld [tilespmem:s11+$0x0];
	v12 =	vadd.f32 v12, v11  }
0x2a2: {  	v24 =	vand.u32 $0x7E, v18;
	v21 =	vadd.s32 v0, v23;
	v9 =	vld [tilespmem:s19+$0xE020]  }
0x2a3: {  	v18 =	vadd.s32 v0, v24;
	v8 =	vld [tilespmem:s19+$0xE030];
	[tilespmem:v13+s29+$0x0] =	vst.idx.msk $0xffff, v12  }
0x2a4: {  	v12 =	vadd.f32 v14, v11;
	v13 =	vld [tilespmem:s11+$0x50]  }
0x2a5: {  	v14 =	vadd.f32 v15, v11  }
0x2a6: {  	v15 =	vadd.s32 v1, v17;
	[tilespmem:v19+s29+$0x0] =	vst.idx.msk $0xffff, v12;
	v12 =	vadd.f32 v20, v11  }
0x2a7: {  	[tilespmem:v21+s29+$0x0] =	vst.idx.msk $0xffff, v14;
	v19 =	vld [tilespmem:s11+$0xFFFFFF90]  }
0x2a8: {  	v14 =	vld [tilespmem:s11+$0xFFFFFFD0];
	[tilespmem:v18+s29+$0x0] =	vst.idx.msk $0xffff, v12  }
0x2a9: {  	v18 =	vld [tilespmem:s11+$0x10];
	v12 =	vadd.f32 v13, v10  }
0x2aa: {  	s13 =	simm.s32 $0x180;
	s19 =	simm.s32 $0x7;
	v20 =	vadd.s32 v1, v23  }
0x2ab: {  	s15 =	simm.s32 $0x4;
	v30 =	vadd.s32 v2, v17;
	v22 =	vld [tilespmem:s13+$0x40];
	v21 =	vadd.s32 v1, v24;
	[tilespmem:v15+s29+$0x0] =	vst.idx.msk $0xffff, v12;
	v12 =	vmov s19  }
0x2ac: {  	v25 =	vadd.s32 v1, v16;
	v13 =	vmov s15;
	v12 =	vand.u32 $0x7F, v12;
	v26 =	vld [tilespmem:s11+$0x60]  }
0x2ad: {  	s14 =	simm.s32 $0x5;
	v27 =	vld [tilespmem:s13+$0xFFFFFF80];
	v13 =	vand.u32 $0x7C, v13;
	v14 =	vadd.f32 v14, v10;
	v28 =	vadd.s32 v0, v12  }
0x2ae: {  	v29 =	vld [tilespmem:s13+$0xFFFFFFC0];
	s15 =	simm.s32 $0x6;
	v19 =	vadd.f32 v19, v10;
	v15 =	vadd.f32 v18, v10;
	v18 =	vmov s14  }
0x2af: {  	v31 =	vadd.s32 v0, v13;
	[tilespmem:v20+s29+$0x0] =	vst.idx.msk $0xffff, v14;
	v20 =	vmov s15;
	v14 =	vand.u32 $0x7D, v18;
	v18 =	vld [tilespmem:s13+$0x0]  }
0x2b0: {  	[tilespmem:v21+s29+$0x0] =	vst.idx.msk $0xffff, v15;
	v21 =	vadd.s32 v0, v14;
	v15 =	vand.u32 $0x7E, v20;
	v20 =	vadd.f32 v22, v11;
	v22 =	vld [tilespmem:s11+$0xFFFFFFE0]  }
0x2b1: {  	[tilespmem:v25+s29+$0x0] =	vst.idx.msk $0xffff, v19;
	v19 =	vadd.s32 v0, v15;
	v25 =	vld [tilespmem:s11+$0x20];
	v26 =	vadd.f32 v26, v9  }
0x2b2: {  	v27 =	vadd.f32 v27, v11;
	[tilespmem:v28+s29+$0x0] =	vst.idx.msk $0xffff, v20;
	v20 =	vld [tilespmem:s11+$0xFFFFFFA0];
	v28 =	vadd.s32 v2, v23  }
0x2b3: {  	v33 =	vadd.s32 v2, v24;
	v29 =	vadd.f32 v29, v11;
	v32 =	vld [tilespmem:s13+$0x50];
	[tilespmem:v30+s29+$0x0] =	vst.idx.msk $0xffff, v26  }
0x2b4: {  	[tilespmem:v31+s29+$0x0] =	vst.idx.msk $0xffff, v27;
	v27 =	vadd.s32 v2, v16;
	v18 =	vadd.f32 v18, v11;
	v30 =	vld [tilespmem:s11+$0x70]  }
0x2b5: {  	v31 =	vld [tilespmem:s13+$0xFFFFFF90];
	[tilespmem:v21+s29+$0x0] =	vst.idx.msk $0xffff, v29;
	v29 =	vadd.s32 v1, v12;
	v22 =	vadd.f32 v22, v9  }
0x2b6: {  	v35 =	vadd.s32 v3, v17;
	v34 =	vld [tilespmem:s13+$0xFFFFFFD0];
	[tilespmem:v19+s29+$0x0] =	vst.idx.msk $0xffff, v18;
	v18 =	vadd.f32 v25, v9  }
0x2b7: {  	v26 =	vadd.s32 v1, v13;
	v21 =	vld [tilespmem:s13+$0x10];
	v17 =	vadd.f32 v20, v9;
	[tilespmem:v28+s29+$0x0] =	vst.idx.msk $0xffff, v22  }
0x2b8: {  	s15 =	simm.s32 $0x8;
	v25 =	vadd.s32 v1, v14;
	[tilespmem:v33+s29+$0x0] =	vst.idx.msk $0xffff, v18;
	v22 =	vadd.f32 v32, v10;
	v20 =	vld [tilespmem:s11+$0xFFFFFFF0]  }
0x2b9: {  	v28 =	vmov s15;
	v18 =	vadd.s32 v1, v15;
	v19 =	vld [tilespmem:s11+$0x30];
	[tilespmem:v27+s29+$0x0] =	vst.idx.msk $0xffff, v17;
	v63 =	vadd.f32 v30, v8  }
0x2ba: {  	s19 =	simm.s32 $0xB;
	s14 =	simm.s32 $0x280;
	v23 =	vadd.s32 v3, v23;
	v17 =	vand.u32 $0x7C, v28;
	v28 =	vadd.f32 v31, v10;
	[tilespmem:v29+s29+$0x0] =	vst.idx.msk $0xffff, v22;
	v22 =	vld [tilespmem:s11+$0xFFFFFFB0]  }
0x2bb: {  	s2 =	simm.s32 $0xC;
	v24 =	vadd.s32 v3, v24;
	v30 =	vmov s19;
	v27 =	vld [tilespmem:s14+$0x40];
	v29 =	vadd.f32 v34, v10;
	[tilespmem:v35+s29+$0x0] =	vst.idx.msk $0xffff, v63  }
.LBB2_25:
0x2bc: {  	p2 =	slt.u32 s2, $0x7C;
	s0 =	sadd.s32 $0x1, s15;
	v30 =	vand.u32 $0x7F, v30;
	[tilespmem:v26+s29+$0x0] =	vst.idx.msk $0xffff, v28;
	v21 =	vadd.f32 v21, v10;
	v26 =	vld [tilespmem:s13+$0x60];
	v28 =	vadd.s32 v3, v16  }
0x2bd: {  	v34 =	vmovc v15;
	v31 =	vld [tilespmem:s14+$0xFFFFFF80];
	v32 =	vmov s0;
	s0 =	sadd.s32 $0x2, s15;
	v33 =	vadd.s32 v0, v30;
	[tilespmem:v25+s29+$0x0] =	vst.idx.msk $0xffff, v29;
	v20 =	vadd.f32 v20, v8;
	s15 =	smov.u32 s2  }
0x2be: {  	v16 =	vmovc v13;
	v25 =	vld [tilespmem:s14+$0xFFFFFFC0];
	v15 =	vmov s0;
	[tilespmem:v18+s29+$0x0] =	vst.idx.msk $0xffff, v21;
	v18 =	vadd.s32 v2, v12;
	v19 =	vadd.f32 v19, v8  }
0x2bf: {  	v21 =	vadd.s32 v0, v17;
	v32 =	vand.u32 $0x7D, v32;
	v29 =	vld [tilespmem:s14+$0x0];
	v35 =	vadd.f32 v22, v8;
	[tilespmem:v23+s29+$0x0] =	vst.idx.msk $0xffff, v20  }
0x2c0: {  	v20 =	vadd.s32 v0, v32;
	v15 =	vand.u32 $0x7E, v15;
	v22 =	vadd.f32 v27, v11;
	v23 =	vld [tilespmem:s13+$0xFFFFFFE0];
	[tilespmem:v24+s29+$0x0] =	vst.idx.msk $0xffff, v19  }
0x2c1: {  	v13 =	vmov v17;
	v19 =	vadd.s32 v0, v15;
	v24 =	vld [tilespmem:s13+$0x20];
	v26 =	vadd.f32 v26, v9;
	[tilespmem:v28+s29+$0x0] =	vst.idx.msk $0xffff, v35  }
0x2c2: {  	v27 =	vadd.s32 v2, v14;
	v17 =	vadd.f32 v31, v11;
	[tilespmem:v33+s29+$0x0] =	vst.idx.msk $0xffff, v22;
	v22 =	vld [tilespmem:s13+$0xFFFFFFA0]  }
0x2c3: {  	v31 =	vadd.s32 v2, v34;
	v25 =	vadd.f32 v25, v11;
	v28 =	vld [tilespmem:s14+$0x50];
	[tilespmem:v18+s29+$0x0] =	vst.idx.msk $0xffff, v26  }
0x2c4: {  	[tilespmem:v21+s29+$0x0] =	vst.idx.msk $0xffff, v17;
	v17 =	vadd.f32 v29, v11;
	v29 =	vadd.s32 v2, v16;
	v33 =	vld [tilespmem:s13+$0x70]  }
0x2c5: {  	v36 =	vadd.s32 v1, v30;
	v35 =	vld [tilespmem:s14+$0xFFFFFF90];
	[tilespmem:v20+s29+$0x0] =	vst.idx.msk $0xffff, v25;
	v18 =	vadd.f32 v23, v9  }
0x2c6: {  	v38 =	vadd.s32 v3, v12;
	v12 =	vmov v30;
	v37 =	vld [tilespmem:s14+$0xFFFFFFD0];
	[tilespmem:v19+s29+$0x0] =	vst.idx.msk $0xffff, v17;
	v17 =	vadd.f32 v24, v9  }
.Ltmp17:
0x2c7: {  	v26 =	vadd.s32 v1, v13;
	v21 =	vld [tilespmem:s14+$0x10];
	v19 =	vadd.f32 v22, v9;
	[tilespmem:v27+s29+$0x0] =	vst.idx.msk $0xffff, v18;
	(pc) =	sbr.rel @p2 .LBB2_25-.Ltmp17, $4  }
0x2c8: {  	v25 =	vadd.s32 v1, v32;
	v22 =	vadd.f32 v28, v10;
	v20 =	vld [tilespmem:s13+$0xFFFFFFF0];
	[tilespmem:v31+s29+$0x0] =	vst.idx.msk $0xffff, v17  }
0x2c9: {  	v18 =	vadd.s32 v1, v15;
	v17 =	vmov s2;
	[tilespmem:v29+s29+$0x0] =	vst.idx.msk $0xffff, v19;
	v19 =	vld [tilespmem:s13+$0x30];
	v31 =	vadd.f32 v33, v8  }
0x2ca: {  	s0 =	sadd.s32 $0x3, s2;
	v23 =	vadd.s32 v3, v14;
	v17 =	vand.u32 $0x7C, v17;
	v28 =	vadd.f32 v35, v10;
	[tilespmem:v36+s29+$0x0] =	vst.idx.msk $0xffff, v22;
	v22 =	vld [tilespmem:s13+$0xFFFFFFB0];
	s13 =	smov.u32 s14;
	s14 =	sadd.s32 $0x100, s14  }
0x2cb: {  	v30 =	vmov s0;
	v14 =	vmovc v32;
	v24 =	vadd.s32 v3, v34;
	s2 =	sadd.s32 $0x4, s2;
	v27 =	vld [tilespmem:s14+$0x40];
	v29 =	vadd.f32 v37, v10;
	[tilespmem:v38+s29+$0x0] =	vst.idx.msk $0xffff, v31  }
0x2cc: {  	s0 =	sadd.s32 $0x1, s15  }
0x2cd: {  	v30 =	vand.u32 $0x7F, v30;
	s15 =	sadd.s32 $0x2, s15;
	v32 =	vld [tilespmem:s14+$0xFFFFFFC0];
	v31 =	vmov s0  }
0x2ce: {  	v35 =	vld [tilespmem:s14+$0x0];
	v33 =	vadd.s32 v0, v30;
	v34 =	vmov s15;
	v31 =	vand.u32 $0x7D, v31  }
0x2cf: {  	v36 =	vld [tilespmem:s14+$0xFFFFFF80];
	v34 =	vand.u32 $0x7E, v34;
	v37 =	vadd.s32 v0, v31  }
0x2d0: {  	v38 =	vadd.s32 v0, v34  }
0x2d1: {  	[tilespmem:v26+s29+$0x0] =	vst.idx.msk $0xffff, v28;
	v63 =	vadd.s32 v0, v17;
	v27 =	vadd.f32 v27, v11  }
0x2d2: {  	[tilespmem:v25+s29+$0x0] =	vst.idx.msk $0xffff, v29;
	v32 =	vadd.f32 v32, v11  }
0x2d3: {  	v35 =	vadd.f32 v35, v11;
	[tilespmem:v33+s29+$0x0] =	vst.idx.msk $0xffff, v27  }
0x2d4: {  	v39 =	vadd.f32 v36, v11;
	v40 =	vld [tilespmem:s14+$0x50];
	[tilespmem:v37+s29+$0x0] =	vst.idx.msk $0xffff, v32  }
0x2d5: {  	v21 =	vadd.f32 v21, v10;
	v16 =	vadd.s32 v3, v16;
	[tilespmem:v38+s29+$0x0] =	vst.idx.msk $0xffff, v35;
	v41 =	vld [tilespmem:s14+$0xFFFFFFD0]  }
0x2d6: {  	v20 =	vadd.f32 v20, v8;
	v42 =	vadd.s32 v1, v30;
	[tilespmem:v63+s29+$0x0] =	vst.idx.msk $0xffff, v39;
	v27 =	vld [tilespmem:s14+$0x10]  }
0x2d7: {  	[tilespmem:v18+s29+$0x0] =	vst.idx.msk $0xffff, v21;
	v18 =	vadd.f32 v19, v8;
	v43 =	vadd.s32 v1, v31;
	v19 =	vld [tilespmem:s14+$0xFFFFFF90]  }
0x2d8: {  	v44 =	vld [tilespmem:s13+$0x60];
	v22 =	vadd.f32 v22, v8;
	[tilespmem:v23+s29+$0x0] =	vst.idx.msk $0xffff, v20;
	v20 =	vadd.s32 v1, v34  }
0x2d9: {  	v45 =	vld [tilespmem:s13+$0xFFFFFFE0];
	[tilespmem:v24+s29+$0x0] =	vst.idx.msk $0xffff, v18;
	v18 =	vadd.s32 v1, v17;
	v46 =	vadd.f32 v40, v10  }
0x2da: {  	v47 =	vadd.s32 v2, v12;
	v48 =	vld [tilespmem:s13+$0x20];
	[tilespmem:v16+s29+$0x0] =	vst.idx.msk $0xffff, v22;
	v16 =	vadd.f32 v41, v10  }
0x2db: {  	v50 =	vadd.s32 v2, v14;
	v49 =	vld [tilespmem:s13+$0xFFFFFFA0];
	[tilespmem:v42+s29+$0x0] =	vst.idx.msk $0xffff, v46;
	v51 =	vadd.f32 v27, v10  }
0x2dc: {  	v52 =	vadd.s32 v2, v15;
	v19 =	vadd.f32 v19, v10;
	v53 =	vld [tilespmem:s14+$0x60];
	[tilespmem:v43+s29+$0x0] =	vst.idx.msk $0xffff, v16  }
0x2dd: {  	v54 =	vadd.s32 v2, v13;
	v16 =	vadd.f32 v44, v9;
	[tilespmem:v20+s29+$0x0] =	vst.idx.msk $0xffff, v51;
	v20 =	vld [tilespmem:s14+$0xFFFFFFE0]  }
0x2de: {  	v23 =	vadd.f32 v45, v9;
	[tilespmem:v18+s29+$0x0] =	vst.idx.msk $0xffff, v19;
	v18 =	vadd.s32 v2, v30;
	v19 =	vld [tilespmem:s14+$0x20]  }
0x2df: {  	v56 =	vadd.s32 v2, v31;
	v55 =	vld [tilespmem:s14+$0xFFFFFFA0];
	[tilespmem:v47+s29+$0x0] =	vst.idx.msk $0xffff, v16;
	v16 =	vadd.f32 v48, v9  }
0x2e0: {  	v58 =	vadd.s32 v2, v34;
	v22 =	vadd.f32 v49, v9;
	[tilespmem:v50+s29+$0x0] =	vst.idx.msk $0xffff, v23;
	v57 =	vld [tilespmem:s13+$0x70]  }
0x2e1: {  	v59 =	vadd.s32 v2, v17;
	v29 =	vld [tilespmem:s13+$0xFFFFFFF0];
	[tilespmem:v52+s29+$0x0] =	vst.idx.msk $0xffff, v16;
	v16 =	vadd.f32 v53, v9  }
0x2e2: {  	v12 =	vadd.s32 v3, v12;
	[tilespmem:v54+s29+$0x0] =	vst.idx.msk $0xffff, v22;
	v60 =	vld [tilespmem:s13+$0x30];
	v20 =	vadd.f32 v20, v9  }
0x2e3: {  	v14 =	vadd.s32 v3, v14;
	v22 =	vld [tilespmem:s13+$0xFFFFFFB0];
	[tilespmem:v18+s29+$0x0] =	vst.idx.msk $0xffff, v16;
	v16 =	vadd.f32 v19, v9  }
0x2e4: {  	v15 =	vadd.s32 v3, v15;
	v19 =	vadd.f32 v55, v9;
	v18 =	vld [tilespmem:s14+$0x70];
	[tilespmem:v56+s29+$0x0] =	vst.idx.msk $0xffff, v20  }
0x2e5: {  	v13 =	vadd.s32 v3, v13;
	v20 =	vadd.f32 v57, v8;
	[tilespmem:v58+s29+$0x0] =	vst.idx.msk $0xffff, v16;
	v61 =	vld [tilespmem:s14+$0xFFFFFFF0]  }
0x2e6: {  	v62 =	vadd.s32 v3, v30;
	v16 =	vadd.f32 v29, v8;
	[tilespmem:v59+s29+$0x0] =	vst.idx.msk $0xffff, v19;
	v19 =	vld [tilespmem:s14+$0x30]  }
0x2e7: {  	v63 =	vadd.s32 v3, v31;
	[tilespmem:v12+s29+$0x0] =	vst.idx.msk $0xffff, v20;
	v12 =	vadd.f32 v60, v8;
	v20 =	vld [tilespmem:s14+$0xFFFFFFB0]  }
0x2e8: {  	v22 =	vadd.f32 v22, v8;
	[tilespmem:v14+s29+$0x0] =	vst.idx.msk $0xffff, v16;
	v14 =	vadd.s32 v3, v34  }
0x2e9: {  	[tilespmem:v15+s29+$0x0] =	vst.idx.msk $0xffff, v12;
	v12 =	vadd.f32 v18, v8;
	v15 =	vadd.s32 v3, v17  }
0x2ea: {  	p4 =	por $0x1, $0x1;
	[tilespmem:v13+s29+$0x0] =	vst.idx.msk $0xffff, v22;
	v13 =	vadd.f32 v61, v8  }
.Ltmp18:
0x2eb: {  	[tilespmem:v62+s29+$0x0] =	vst.idx.msk $0xffff, v12;
	v12 =	vadd.f32 v19, v8;
	(pc) =	sbr.rel @!p4 .LBB2_27-.Ltmp18, $4  }
0x2ec: {  	v16 =	vadd.f32 v20, v8;
	[tilespmem:v63+s29+$0x0] =	vst.idx.msk $0xffff, v13  }
0x2ed: {  	s15 =	simm.s32 $0x0;
	[tilespmem:v14+s29+$0x0] =	vst.idx.msk $0xffff, v12  }
0x2ee: {  	s19 =	simm.s32 $0x3;
	s14 =	simm.s32 $0x20F0;
	v12 =	vmov s15;
	[tilespmem:v15+s29+$0x0] =	vst.idx.msk $0xffff, v16  }
0x2ef: {  	s2 =	simm.s32 $0x4;
	p2 =	por $0x0, $0x0;
	p3 =	por $0x0, $0x0;
	v33 =	vmov s19;
	v12 =	vand.u32 $0x7C, v12;
	v19 =	vld [tilespmem:s14+$0xFFFFFFD0]  }
0x2f0: {  	s0 =	simm.s32 $0x1;
	v16 =	vand.u32 $0x7F, v33;
	v14 =	vld [tilespmem:s14+$0xFFFFFF10]  }
0x2f1: {  	v17 =	vld [tilespmem:s14+$0xFFFFFF50];
	v13 =	vmov s0;
	v15 =	vadd.s32 v4, v16  }
0x2f2: {  	v20 =	vadd.s32 v4, v12;
	v13 =	vand.u32 $0x7D, v13  }
0x2f3: {  	v21 =	vadd.s32 v4, v13  }
0x2f4: {  	s15 =	simm.s32 $0x2;
	v19 =	vadd.f32 v19, v11  }
0x2f5: {  	v22 =	vld [tilespmem:s14+$0xFFFFFF90];
	v18 =	vmov s15;
	v14 =	vadd.f32 v14, v11  }
0x2f6: {  	v18 =	vand.u32 $0x7E, v18;
	[tilespmem:v15+s29+$0x0] =	vst.idx.msk $0xffff, v19;
	v15 =	vadd.f32 v17, v11  }
0x2f7: {  	v17 =	vadd.s32 v4, v18;
	v19 =	vld [tilespmem:s14+$0xFFFFFFE0];
	[tilespmem:v20+s29+$0x0] =	vst.idx.msk $0xffff, v14  }
0x2f8: {  	v25 =	vld [tilespmem:s14+$0xFFFFFF20];
	[tilespmem:v21+s29+$0x0] =	vst.idx.msk $0xffff, v15  }
0x2f9: {  	p4 =	por $0x1, $0x1;
	v15 =	vadd.s32 v5, v16;
	v21 =	vld [tilespmem:s14+$0xFFFFFF60]  }
.Ltmp19:
0x2fa: {  	v14 =	vadd.f32 v22, v11;
	(pc) =	sbr.rel @!p4 .LBB2_29-.Ltmp19, $4  }
0x2fb: {  	s19 =	simm.s32 $0x7  }
0x2fc: {  	v33 =	vmov s19;
	v23 =	vadd.s32 v5, v13;
	[tilespmem:v17+s29+$0x0] =	vst.idx.msk $0xffff, v14;
	v17 =	vadd.f32 v19, v10  }
0x2fd: {  	s13 =	simm.s32 $0x21F0;
	v20 =	vadd.s32 v5, v12;
	v22 =	vadd.s32 v5, v18;
	v14 =	vmov s2;
	v24 =	vld [tilespmem:s14+$0xFFFFFFA0]  }
0x2fe: {  	p2 =	por $0x1, $0x1;
	s15 =	simm.s32 $0x8;
	v14 =	vand.u32 $0x7C, v14;
	v19 =	vld [tilespmem:s13+$0xFFFFFFD0];
	v25 =	vadd.f32 v25, v10;
	[tilespmem:v15+s29+$0x0] =	vst.idx.msk $0xffff, v17;
	v30 =	vadd.f32 v21, v10  }
0x2ff: {  	_ = 	snop  }
0x300: {  	v15 =	vand.u32 $0x7F, v33;
	v26 =	vld [tilespmem:s14+$0xFFFFFFF0]  }
0x301: {  	s0 =	simm.s32 $0x5;
	v27 =	vld [tilespmem:s13+$0xFFFFFF10];
	v28 =	vadd.s32 v4, v15  }
0x302: {  	s2 =	simm.s32 $0x6;
	v29 =	vadd.s32 v6, v16;
	v17 =	vmov s0;
	v21 =	vadd.f32 v24, v10;
	v24 =	vld [tilespmem:s13+$0xFFFFFF50]  }
0x303: {  	v31 =	vld [tilespmem:s13+$0xFFFFFF90];
	[tilespmem:v23+s29+$0x0] =	vst.idx.msk $0xffff, v30;
	v23 =	vmov s2;
	v30 =	vadd.s32 v4, v14;
	v17 =	vand.u32 $0x7D, v17  }
0x304: {  	v19 =	vadd.f32 v19, v11;
	[tilespmem:v22+s29+$0x0] =	vst.idx.msk $0xffff, v21;
	v22 =	vadd.s32 v4, v17;
	v21 =	vand.u32 $0x7E, v23;
	v23 =	vld [tilespmem:s14+$0xFFFFFF70]  }
0x305: {  	[tilespmem:v20+s29+$0x0] =	vst.idx.msk $0xffff, v25;
	v26 =	vadd.f32 v26, v9;
	v20 =	vadd.s32 v4, v21;
	v25 =	vld [tilespmem:s14+$0xFFFFFFB0]  }
0x306: {  	v27 =	vadd.f32 v27, v11;
	[tilespmem:v28+s29+$0x0] =	vst.idx.msk $0xffff, v19;
	v19 =	vld [tilespmem:s14+$0xFFFFFF30];
	v28 =	vadd.s32 v6, v13  }
0x307: {  	v63 =	vadd.s32 v6, v18;
	v32 =	vld [tilespmem:s13+$0xFFFFFFE0];
	[tilespmem:v29+s29+$0x0] =	vst.idx.msk $0xffff, v26;
	v24 =	vadd.f32 v24, v11  }
0x308: {  	[tilespmem:v30+s29+$0x0] =	vst.idx.msk $0xffff, v27;
	v26 =	vadd.f32 v31, v11;
	v29 =	vadd.s32 v6, v12;
	v30 =	vld [tilespmem:s14+$0x0]  }
0x309: {  	v34 =	vadd.s32 v5, v15;
	v31 =	vld [tilespmem:s13+$0xFFFFFF20];
	[tilespmem:v22+s29+$0x0] =	vst.idx.msk $0xffff, v24;
	v22 =	vadd.f32 v23, v9  }
0x30a: {  	v16 =	vadd.s32 v7, v16;
	p4 =	por $0x1, $0x1;
	v35 =	vld [tilespmem:s13+$0xFFFFFF60];
	[tilespmem:v20+s29+$0x0] =	vst.idx.msk $0xffff, v26;
	v25 =	vadd.f32 v25, v9  }
.Ltmp20:
0x30b: {  	v20 =	vadd.s32 v5, v14;
	v19 =	vadd.f32 v19, v9;
	v24 =	vld [tilespmem:s13+$0xFFFFFFA0];
	[tilespmem:v28+s29+$0x0] =	vst.idx.msk $0xffff, v22;
	(pc) =	sbr.rel @!p4 .LBB2_31-.Ltmp20, $4  }
0x30c: {  	v23 =	vadd.s32 v5, v17;
	v26 =	vadd.f32 v32, v10;
	v27 =	vld [tilespmem:s14+$0xFFFFFF80];
	[tilespmem:v63+s29+$0x0] =	vst.idx.msk $0xffff, v25  }
0x30d: {  	v22 =	vadd.s32 v5, v21;
	v25 =	vmov s15;
	[tilespmem:v29+s29+$0x0] =	vst.idx.msk $0xffff, v19;
	v36 =	vadd.f32 v30, v8;
	v28 =	vld [tilespmem:s14+$0xFFFFFFC0]  }
0x30e: {  	s11 =	simm.s32 $0xB;
	s19 =	simm.s32 $0x22F0;
	v29 =	vadd.s32 v7, v13;
	v32 =	vand.u32 $0x7C, v25;
	v25 =	vadd.f32 v31, v10;
	[tilespmem:v34+s29+$0x0] =	vst.idx.msk $0xffff, v26;
	v26 =	vld [tilespmem:s14+$0xFFFFFF40]  }
0x30f: {  	p3 =	por $0x1, $0x1;
	v33 =	vmov s11;
	s11 =	simm.s32 $0xC;
	v19 =	vld [tilespmem:s19+$0xFFFFFFD0];
	v31 =	vadd.s32 v7, v18;
	[tilespmem:v16+s29+$0x0] =	vst.idx.msk $0xffff, v36;
	v30 =	vadd.f32 v35, v10  }
.LBB2_32:
0x310: {  	p4 =	slt.u32 s11, $0x7C;
	s0 =	sadd.s32 $0x1, s15;
	v13 =	vand.u32 $0x7F, v33;
	[tilespmem:v20+s29+$0x0] =	vst.idx.msk $0xffff, v25;
	v16 =	vadd.f32 v24, v10;
	v18 =	vld [tilespmem:s13+$0xFFFFFFF0];
	v20 =	vadd.s32 v7, v12  }
0x311: {  	v34 =	vmovc v21;
	v24 =	vld [tilespmem:s19+$0xFFFFFF10];
	v25 =	vmov s0;
	s0 =	sadd.s32 $0x2, s15;
	v33 =	vadd.s32 v4, v13;
	[tilespmem:v23+s29+$0x0] =	vst.idx.msk $0xffff, v30;
	v23 =	vadd.f32 v27, v8;
	s15 =	smov.u32 s11  }
0x312: {  	v12 =	vmovc v14;
	v27 =	vld [tilespmem:s19+$0xFFFFFF50];
	v21 =	vmov s0;
	[tilespmem:v22+s29+$0x0] =	vst.idx.msk $0xffff, v16;
	v16 =	vadd.s32 v6, v15;
	v22 =	vadd.f32 v28, v8  }
0x313: {  	v28 =	vadd.s32 v4, v32;
	v35 =	vand.u32 $0x7D, v25;
	v25 =	vld [tilespmem:s19+$0xFFFFFF90];
	v30 =	vadd.f32 v26, v8;
	[tilespmem:v29+s29+$0x0] =	vst.idx.msk $0xffff, v23  }
0x314: {  	v23 =	vadd.s32 v4, v35;
	v21 =	vand.u32 $0x7E, v21;
	v19 =	vadd.f32 v19, v11;
	v26 =	vld [tilespmem:s13+$0xFFFFFF70];
	[tilespmem:v31+s29+$0x0] =	vst.idx.msk $0xffff, v22  }
0x315: {  	v14 =	vmov v32;
	v22 =	vadd.s32 v4, v21;
	v29 =	vld [tilespmem:s13+$0xFFFFFFB0];
	v18 =	vadd.f32 v18, v9;
	[tilespmem:v20+s29+$0x0] =	vst.idx.msk $0xffff, v30  }
0x316: {  	v30 =	vadd.s32 v6, v17;
	v20 =	vadd.f32 v24, v11;
	[tilespmem:v33+s29+$0x0] =	vst.idx.msk $0xffff, v19;
	v19 =	vld [tilespmem:s13+$0xFFFFFF30]  }
0x317: {  	v31 =	vadd.s32 v6, v34;
	v24 =	vadd.f32 v27, v11;
	v27 =	vld [tilespmem:s19+$0xFFFFFFE0];
	[tilespmem:v16+s29+$0x0] =	vst.idx.msk $0xffff, v18  }
0x318: {  	v18 =	vadd.s32 v6, v12;
	[tilespmem:v28+s29+$0x0] =	vst.idx.msk $0xffff, v20;
	v16 =	vadd.f32 v25, v11;
	v25 =	vld [tilespmem:s13+$0x0]  }
0x319: {  	v36 =	vadd.s32 v5, v13;
	v33 =	vld [tilespmem:s19+$0xFFFFFF20];
	[tilespmem:v23+s29+$0x0] =	vst.idx.msk $0xffff, v24;
	v23 =	vadd.f32 v26, v9  }
0x31a: {  	v38 =	vadd.s32 v7, v15;
	v15 =	vmov v13;
	v37 =	vld [tilespmem:s19+$0xFFFFFF60];
	[tilespmem:v22+s29+$0x0] =	vst.idx.msk $0xffff, v16;
	v16 =	vadd.f32 v29, v9  }
.Ltmp21:
0x31b: {  	v20 =	vadd.s32 v5, v14;
	v24 =	vld [tilespmem:s19+$0xFFFFFFA0];
	v13 =	vadd.f32 v19, v9;
	[tilespmem:v30+s29+$0x0] =	vst.idx.msk $0xffff, v23;
	(pc) =	sbr.rel @p4 .LBB2_32-.Ltmp21, $4  }
0x31c: {  	v23 =	vadd.s32 v5, v35;
	v19 =	vadd.f32 v27, v10;
	v27 =	vld [tilespmem:s13+$0xFFFFFF80];
	[tilespmem:v31+s29+$0x0] =	vst.idx.msk $0xffff, v16  }
0x31d: {  	v22 =	vadd.s32 v5, v21;
	v16 =	vmov s11;
	[tilespmem:v18+s29+$0x0] =	vst.idx.msk $0xffff, v13;
	v28 =	vld [tilespmem:s13+$0xFFFFFFC0];
	v13 =	vadd.f32 v25, v8  }
0x31e: {  	s0 =	sadd.s32 $0x3, s11;
	v29 =	vadd.s32 v7, v17;
	v32 =	vand.u32 $0x7C, v16;
	v25 =	vadd.f32 v33, v10;
	[tilespmem:v36+s29+$0x0] =	vst.idx.msk $0xffff, v19;
	v26 =	vld [tilespmem:s13+$0xFFFFFF40];
	s13 =	smov.u32 s19;
	s19 =	sadd.s32 $0x100, s19  }
0x31f: {  	v17 =	vmovc v35;
	s11 =	sadd.s32 $0x4, s11;
	v31 =	vadd.s32 v7, v34;
	v33 =	vmov s0;
	v19 =	vld [tilespmem:s19+$0xFFFFFFD0];
	v30 =	vadd.f32 v37, v10;
	[tilespmem:v38+s29+$0x0] =	vst.idx.msk $0xffff, v13  }
0x320: {  	v34 =	vmov v12  }
0x321: {  	s14 =	smov.u32 s19;
	v18 =	vmovc v21;
	v16 =	vmovc v15;
	v15 =	vmov v14;
	v12 =	vmov v32;
	v13 =	vmov v17  }
.LBB2_34:
0x322: {  	_ =	sdelay $0x1  }
0x323: {  	s0 =	sadd.s32 $0x1, s15  }
0x324: {  	v14 =	vand.u32 $0x7F, v33;
	v17 =	vadd.f32 @p2 v24, v10;
	s2 =	sadd.s32 $0x2, s15;
	v55 =	vld [tilespmem:s14+$0xFFFFFF50];
	v21 =	vmov s0  }
0x325: {  	[tilespmem:v20+s29+$0x0] =	vst.idx.msk @p2 $0xffff, v25;
	v32 =	vld [tilespmem:s14+$0xFFFFFF90];
	v56 =	vadd.s32 v4, v14;
	v57 =	vmov s2;
	v21 =	vand.u32 $0x7D, v21  }
0x326: {  	[tilespmem:v23+s29+$0x0] =	vst.idx.msk @p2 $0xffff, v30;
	v58 =	vld [tilespmem:s14+$0xFFFFFF10];
	v27 =	vadd.f32 @p3 v27, v8;
	v25 =	vand.u32 $0x7E, v57;
	v59 =	vadd.s32 v4, v21  }
0x327: {  	[tilespmem:v22+s29+$0x0] =	vst.idx.msk @p2 $0xffff, v17;
	v17 =	vadd.f32 @p3 v28, v8;
	v60 =	vadd.s32 v4, v25  }
0x328: {  	v61 =	vadd.s32 v4, v12;
	v28 =	vld @p2 [tilespmem:s13+$0xFFFFFFF0];
	[tilespmem:v29+s29+$0x0] =	vst.idx.msk @p3 $0xffff, v27;
	v19 =	vadd.f32 v19, v11  }
0x329: {  	v33 =	vld @p2 [tilespmem:s13+$0xFFFFFF70];
	v29 =	vadd.s32 @p3 v7, v34;
	[tilespmem:v31+s29+$0x0] =	vst.idx.msk @p3 $0xffff, v17;
	v62 =	vadd.f32 v55, v11  }
0x32a: {  	v24 =	vadd.s32 @p2 v6, v16;
	v31 =	vld @p2 [tilespmem:s13+$0xFFFFFFB0];
	v63 =	vadd.f32 v32, v11;
	[tilespmem:v56+s29+$0x0] =	vst.idx.msk $0xffff, v19  }
0x32b: {  	v20 =	vadd.s32 @p2 v6, v13;
	v34 =	vadd.f32 v58, v11;
	v35 =	vld [tilespmem:s14+$0xFFFFFFE0];
	[tilespmem:v59+s29+$0x0] =	vst.idx.msk $0xffff, v62  }
0x32c: {  	v17 =	vadd.f32 @p3 v26, v8;
	v26 =	vadd.s32 @p2 v6, v18;
	[tilespmem:v60+s29+$0x0] =	vst.idx.msk $0xffff, v63;
	v30 =	vld [tilespmem:s14+$0xFFFFFF60]  }
0x32d: {  	v36 =	vadd.s32 v5, v14;
	v19 =	vadd.f32 @p2 v28, v9;
	[tilespmem:v61+s29+$0x0] =	vst.idx.msk $0xffff, v34;
	v22 =	vld [tilespmem:s14+$0xFFFFFFA0]  }
0x32e: {  	v38 =	vadd.s32 v5, v21;
	v27 =	vadd.f32 @p2 v33, v9;
	[tilespmem:v29+s29+$0x0] =	vst.idx.msk @p3 $0xffff, v17;
	v37 =	vld [tilespmem:s14+$0xFFFFFF20]  }
0x32f: {  	v39 =	vadd.s32 v5, v25;
	v29 =	vld @p2 [tilespmem:s13+$0xFFFFFF30];
	[tilespmem:v24+s29+$0x0] =	vst.idx.msk @p2 $0xffff, v19;
	v19 =	vadd.f32 @p2 v31, v9  }
0x330: {  	v40 =	vadd.s32 v5, v12;
	[tilespmem:v20+s29+$0x0] =	vst.idx.msk @p2 $0xffff, v27;
	v41 =	vadd.f32 v35, v10  }
0x331: {  	v23 =	vadd.s32 @p2 v6, v15;
	v27 =	vld @p2 [tilespmem:s13+$0x0];
	[tilespmem:v26+s29+$0x0] =	vst.idx.msk @p2 $0xffff, v19;
	v42 =	vadd.f32 v30, v10  }
0x332: {  	[tilespmem:v36+s29+$0x0] =	vst.idx.msk $0xffff, v41;
	v43 =	vadd.f32 v22, v10  }
0x333: {  	v16 =	vadd.s32 @p2 v7, v16;
	v44 =	vadd.f32 v37, v10;
	v45 =	vld [tilespmem:s14+$0xFFFFFFF0];
	[tilespmem:v38+s29+$0x0] =	vst.idx.msk $0xffff, v42  }
0x334: {  	v19 =	vadd.f32 @p2 v29, v9;
	[tilespmem:v39+s29+$0x0] =	vst.idx.msk $0xffff, v43;
	v46 =	vld [tilespmem:s14+$0xFFFFFF70]  }
0x335: {  	v47 =	vadd.s32 v6, v14;
	[tilespmem:v40+s29+$0x0] =	vst.idx.msk $0xffff, v44;
	v48 =	vld [tilespmem:s14+$0xFFFFFFB0]  }
0x336: {  	v50 =	vadd.s32 v6, v21;
	[tilespmem:v23+s29+$0x0] =	vst.idx.msk @p2 $0xffff, v19;
	v19 =	vadd.f32 @p2 v27, v8;
	v49 =	vld [tilespmem:s14+$0xFFFFFF30]  }
0x337: {  	v13 =	vadd.s32 @p2 v7, v13;
	v53 =	vadd.s32 v6, v12;
	v51 =	vadd.s32 v6, v25;
	v26 =	vld @p2 [tilespmem:s13+$0xFFFFFF80]  }
0x338: {  	v15 =	vpsel p2, v15, v0;
	[tilespmem:v16+s29+$0x0] =	vst.idx.msk @p2 $0xffff, v19;
	v19 =	vld @p2 [tilespmem:s13+$0xFFFFFF40];
	v52 =	vadd.f32 v45, v9  }
0x339: {  	v13 =	vpsel p2, v13, v0;
	v15 =	vadd.s32 @p2 v7, v15;
	v24 =	vld @p2 [tilespmem:s13+$0xFFFFFFC0];
	v11 =	vadd.f32 v46, v9  }
0x33a: {  	v14 =	vadd.s32 v7, v14;
	[tilespmem:v47+s29+$0x0] =	vst.idx.msk $0xffff, v52;
	v54 =	vadd.f32 v48, v9  }
0x33b: {  	v18 =	vadd.s32 @p2 v7, v18;
	v56 =	vadd.f32 v49, v9;
	v55 =	vld [tilespmem:s14+$0x0];
	[tilespmem:v50+s29+$0x0] =	vst.idx.msk $0xffff, v11  }
0x33c: {  	v26 =	vpsel p2, v26, v0;
	v16 =	vpsel p2, v18, v0;
	[tilespmem:v51+s29+$0x0] =	vst.idx.msk $0xffff, v54;
	v57 =	vld [tilespmem:s14+$0xFFFFFF80]  }
0x33d: {  	v10 =	vadd.f32 @p2 v26, v8;
	v17 =	vpsel p2, v19, v0;
	[tilespmem:v53+s29+$0x0] =	vst.idx.msk $0xffff, v56;
	v58 =	vld [tilespmem:s14+$0xFFFFFFC0]  }
0x33e: {  	v21 =	vadd.s32 v7, v21;
	v17 =	vadd.f32 @p2 v17, v8;
	v11 =	vpsel p2, v24, v0;
	v59 =	vld [tilespmem:s14+$0xFFFFFF40]  }
0x33f: {  	v60 =	vadd.s32 v7, v25;
	[tilespmem:v13+s29+$0x0] =	vst.idx.msk @p2 $0xffff, v10;
	v11 =	vadd.f32 @p2 v11, v8  }
0x340: {  	v62 =	vadd.s32 v7, v12;
	[tilespmem:v15+s29+$0x0] =	vst.idx.msk @p2 $0xffff, v17;
	v61 =	vadd.f32 v55, v8  }
0x341: {  	[tilespmem:v16+s29+$0x0] =	vst.idx.msk @p2 $0xffff, v11;
	v63 =	vadd.f32 v57, v8  }
0x342: {  	s11 =	sshll.u32 s10, $0x8;
	[tilespmem:v14+s29+$0x0] =	vst.idx.msk $0xffff, v61;
	v9 =	vadd.f32 v58, v8  }
0x343: {  	s0 =	sand.u32 $0x200, s11;
	v8 =	vadd.f32 v59, v8;
	[tilespmem:v21+s29+$0x0] =	vst.idx.msk $0xffff, v63  }
0x344: {  	s2 =	sshll.u32 s18, $0xD;
	s0 =	sadd.s32 s3, s0;
	[tilespmem:v60+s29+$0x0] =	vst.idx.msk $0xffff, v9  }
0x345: {  	s0 =	sadd.s32 s2, s0;
	s13 =	simm.s32 $0xE340;
	[tilespmem:v62+s29+$0x0] =	vst.idx.msk $0xffff, v8  }
0x346: {  	[hbm4b:s0+s4] =	stream.linear.scatter [tilespmem:s13], [sflag:$0x3], $0x80, $0x38;
	[tilespmem:$0x1AF40] =	vst v63  }
0x347: {  	s15 =	sadd.s32 $0x10, s0;
	s14 =	simm.s32 $0xE3C8  }
0x348: {  	[hbm4b:s15+s4] =	stream.linear.scatter [tilespmem:s14], [sflag:$0x3], $0x80, $0x38;
	[tilespmem:$0x1AF40] =	vst v63  }
0x349: {  	s18 =	simm.s32 $0xE450;
	s19 =	sadd.s32 $0x20, s0  }
0x34a: {  	[hbm4b:s19+s4] =	stream.linear.scatter [tilespmem:s18], [sflag:$0x3], $0x80, $0x38;
	[tilespmem:$0x1AF40] =	vst v63  }
0x34b: {  	s11 =	simm.s32 $0xE4D8;
	s13 =	sadd.s32 $0x30, s0  }
0x34c: {  	[hbm4b:s13+s4] =	stream.linear.scatter [tilespmem:s11], [sflag:$0x3], $0x80, $0x38;
	[tilespmem:$0x1AF40] =	vst v63  }
0x34d: {  	s14 =	simm.s32 $0xE560;
	s15 =	sadd.s32 $0x40, s0  }
0x34e: {  	[hbm4b:s15+s4] =	stream.linear.scatter [tilespmem:s14], [sflag:$0x3], $0x80, $0x38;
	[tilespmem:$0x1AF40] =	vst v63  }
0x34f: {  	s18 =	simm.s32 $0xE5E8;
	s19 =	sadd.s32 $0x50, s0  }
0x350: {  	[hbm4b:s19+s4] =	stream.linear.scatter [tilespmem:s18], [sflag:$0x3], $0x80, $0x38;
	[tilespmem:$0x1AF40] =	vst v63  }
0x351: {  	s11 =	simm.s32 $0xE670;
	s13 =	sadd.s32 $0x60, s0  }
0x352: {  	[hbm4b:s13+s4] =	stream.linear.scatter [tilespmem:s11], [sflag:$0x3], $0x80, $0x38;
	[tilespmem:$0x1AF40] =	vst v63  }
0x353: {  	s14 =	simm.s32 $0xE6F8;
	s15 =	sadd.s32 $0x70, s0  }
0x354: {  	[hbm4b:s15+s4] =	stream.linear.scatter [tilespmem:s14], [sflag:$0x3], $0x80, $0x38;
	[tilespmem:$0x1AF40] =	vst v63  }
0x355: {  	s18 =	simm.s32 $0xE9A0;
	s19 =	sadd.s32 $0x80, s0  }
0x356: {  	[hbm4b:s19+s4] =	stream.linear.scatter [tilespmem:s18], [sflag:$0x3], $0x80, $0x38;
	[tilespmem:$0x1AF40] =	vst v63  }
0x357: {  	s11 =	simm.s32 $0xEA28;
	s13 =	sadd.s32 $0x90, s0  }
0x358: {  	[hbm4b:s13+s4] =	stream.linear.scatter [tilespmem:s11], [sflag:$0x3], $0x80, $0x38;
	[tilespmem:$0x1AF40] =	vst v63  }
0x359: {  	s10 =	simm.s32 $0xCC0;
	s14 =	simm.s32 $0xEAB0;
	s15 =	sadd.s32 $0xA0, s0  }
0x35a: {  	[hbm4b:s15+s4] =	stream.linear.scatter [tilespmem:s14], [sflag:$0x3], $0x80, $0x38;
	[tilespmem:$0x1AF40] =	vst v63  }
0x35b: {  	s2 =	simm.s32 $0xED58;
	s18 =	simm.s32 $0xEB38;
	s19 =	sadd.s32 $0xB0, s0  }
0x35c: {  	[hbm4b:s19+s4] =	stream.linear.scatter [tilespmem:s18], [sflag:$0x3], $0x80, $0x38;
	[tilespmem:$0x1AF40] =	vst v63  }
0x35d: {  	s11 =	simm.s32 $0xEBC0;
	s13 =	sadd.s32 $0xC0, s0;
	s14 =	simm.s32 $0xEC48  }
0x35e: {  	[hbm4b:s13+s4] =	stream.linear.scatter [tilespmem:s11], [sflag:$0x3], $0x80, $0x38;
	[tilespmem:$0x1AF40] =	vst v63  }
0x35f: {  	s15 =	sadd.s32 $0xD0, s0;
	s18 =	simm.s32 $0xECD0;
	s19 =	sadd.s32 $0xE0, s0  }
0x360: {  	[hbm4b:s15+s4] =	stream.linear.scatter [tilespmem:s14], [sflag:$0x3], $0x80, $0x38;
	[tilespmem:$0x1AF40] =	vst v63  }
0x361: {  	s13 =	sadd.s32 $0x400, s0;
	s14 =	simm.s32 $0x6600;
	s15 =	sadd.s32 $0xF0, s0  }
0x362: {  	[hbm4b:s19+s4] =	stream.linear.scatter [tilespmem:s18], [sflag:$0x3], $0x80, $0x38;
	[tilespmem:$0x1AF40] =	vst v63  }
.LBB2_35:
0x363: {  	[hbm4b:s15+s4] =	stream.linear.scatter [tilespmem:s2], [sflag:$0x3], $0x80, $0x38;
	[tilespmem:$0x1AF40] =	vst v63  }
0x364: {  	s2 =	smov.u32 s10;
	s0 =	smov.u32 s14  }
0x365: {  	s11 =	sadd.s32 $0x3300, s14;
	s10 =	sshra.s32 s0, $0x2;
	s0 =	sadd.s32 $0xE340, s2  }
0x366: {  	[hbm4b:s13+s4] =	stream.linear.scatter [tilespmem:s0], [sflag:$0x3], $0x80, $0x38;
	[tilespmem:$0x1AF40] =	vst v63  }
0x367: {  	p2 =	sne.s32 s14, $0x16500;
	s14 =	sadd.s32 $0x10, s13;
	s0 =	sadd.s32 $0xE3C8, s2  }
0x368: {  	[hbm4b:s14+s4] =	stream.linear.scatter [tilespmem:s0], [sflag:$0x3], $0x80, $0x38;
	[tilespmem:$0x1AF40] =	vst v63  }
0x369: {  	s0 =	sadd.s32 $0xE450, s2;
	s14 =	sadd.s32 $0x20, s13  }
0x36a: {  	[hbm4b:s14+s4] =	stream.linear.scatter [tilespmem:s0], [sflag:$0x3], $0x80, $0x38;
	[tilespmem:$0x1AF40] =	vst v63  }
0x36b: {  	s0 =	sadd.s32 $0xE4D8, s2;
	s14 =	sadd.s32 $0x30, s13  }
0x36c: {  	[hbm4b:s14+s4] =	stream.linear.scatter [tilespmem:s0], [sflag:$0x3], $0x80, $0x38;
	[tilespmem:$0x1AF40] =	vst v63  }
0x36d: {  	s0 =	sadd.s32 $0xE560, s2;
	s14 =	sadd.s32 $0x40, s13  }
0x36e: {  	[hbm4b:s14+s4] =	stream.linear.scatter [tilespmem:s0], [sflag:$0x3], $0x80, $0x38;
	[tilespmem:$0x1AF40] =	vst v63  }
0x36f: {  	s0 =	sadd.s32 $0xE5E8, s2;
	s14 =	sadd.s32 $0x50, s13  }
0x370: {  	[hbm4b:s14+s4] =	stream.linear.scatter [tilespmem:s0], [sflag:$0x3], $0x80, $0x38;
	[tilespmem:$0x1AF40] =	vst v63  }
0x371: {  	s0 =	sadd.s32 $0xE670, s2;
	s14 =	sadd.s32 $0x60, s13  }
0x372: {  	[hbm4b:s14+s4] =	stream.linear.scatter [tilespmem:s0], [sflag:$0x3], $0x80, $0x38;
	[tilespmem:$0x1AF40] =	vst v63  }
0x373: {  	s0 =	sadd.s32 $0xE6F8, s2;
	s14 =	sadd.s32 $0x70, s13  }
0x374: {  	[hbm4b:s14+s4] =	stream.linear.scatter [tilespmem:s0], [sflag:$0x3], $0x80, $0x38;
	[tilespmem:$0x1AF40] =	vst v63  }
0x375: {  	s0 =	sadd.s32 $0xE9A0, s2;
	s14 =	sadd.s32 $0x80, s13  }
0x376: {  	[hbm4b:s14+s4] =	stream.linear.scatter [tilespmem:s0], [sflag:$0x3], $0x80, $0x38;
	[tilespmem:$0x1AF40] =	vst v63  }
0x377: {  	s0 =	sadd.s32 $0xEA28, s2;
	s14 =	sadd.s32 $0x90, s13  }
0x378: {  	[hbm4b:s14+s4] =	stream.linear.scatter [tilespmem:s0], [sflag:$0x3], $0x80, $0x38;
	[tilespmem:$0x1AF40] =	vst v63  }
0x379: {  	s0 =	sadd.s32 $0xEAB0, s2;
	s14 =	sadd.s32 $0xA0, s13  }
0x37a: {  	[hbm4b:s14+s4] =	stream.linear.scatter [tilespmem:s0], [sflag:$0x3], $0x80, $0x38;
	[tilespmem:$0x1AF40] =	vst v63  }
0x37b: {  	s0 =	sadd.s32 $0xEB38, s2;
	s14 =	sadd.s32 $0xB0, s13  }
0x37c: {  	[hbm4b:s14+s4] =	stream.linear.scatter [tilespmem:s0], [sflag:$0x3], $0x80, $0x38;
	[tilespmem:$0x1AF40] =	vst v63  }
0x37d: {  	s0 =	sadd.s32 $0xEBC0, s2;
	s14 =	sadd.s32 $0xC0, s13  }
0x37e: {  	[hbm4b:s14+s4] =	stream.linear.scatter [tilespmem:s0], [sflag:$0x3], $0x80, $0x38;
	[tilespmem:$0x1AF40] =	vst v63  }
.Ltmp22:
0x37f: {  	s0 =	sadd.s32 $0xEC48, s2;
	s14 =	sadd.s32 $0xD0, s13;
	(pc) =	sbr.rel @p2 .LBB2_35-.Ltmp22, $4  }
0x380: {  	[hbm4b:s14+s4] =	stream.linear.scatter [tilespmem:s0], [sflag:$0x3], $0x80, $0x38;
	[tilespmem:$0x1AF40] =	vst v63  }
0x381: {  	s15 =	sadd.s32 $0xF0, s13;
	s0 =	sadd.s32 $0xECD0, s2;
	s14 =	sadd.s32 $0xE0, s13  }
0x382: {  	[hbm4b:s14+s4] =	stream.linear.scatter [tilespmem:s0], [sflag:$0x3], $0x80, $0x38;
	[tilespmem:$0x1AF40] =	vst v63  }
0x383: {  	s2 =	sadd.s32 $0xED58, s2;
	s13 =	sadd.s32 $0x400, s13;
	s14 =	smov.u32 s11  }
0x384: {  	[hbm4b:s15+s4] =	stream.linear.scatter [tilespmem:s2], [sflag:$0x3], $0x80, $0x38;
	[tilespmem:$0x1AF40] =	vst v63  }
0x385: {  	s0 =	sadd.s32 $0xE340, s10  }
0x386: {  	[hbm4b:s13+s4] =	stream.linear.scatter [tilespmem:s0], [sflag:$0x3], $0x80, $0x38;
	[tilespmem:$0x1AF40] =	vst v63  }
0x387: {  	s2 =	sadd.s32 $0xE3C8, s10;
	s11 =	sadd.s32 $0x10, s13  }
0x388: {  	[hbm4b:s11+s4] =	stream.linear.scatter [tilespmem:s2], [sflag:$0x3], $0x80, $0x38;
	[tilespmem:$0x1AF40] =	vst v63  }
0x389: {  	s14 =	sadd.s32 $0xE450, s10;
	s15 =	sadd.s32 $0x20, s13  }
0x38a: {  	[hbm4b:s15+s4] =	stream.linear.scatter [tilespmem:s14], [sflag:$0x3], $0x80, $0x38;
	[tilespmem:$0x1AF40] =	vst v63  }
0x38b: {  	s18 =	sadd.s32 $0xE4D8, s10;
	s19 =	sadd.s32 $0x30, s13  }
0x38c: {  	[hbm4b:s19+s4] =	stream.linear.scatter [tilespmem:s18], [sflag:$0x3], $0x80, $0x38;
	[tilespmem:$0x1AF40] =	vst v63  }
0x38d: {  	s2 =	sadd.s32 $0xE560, s10;
	s11 =	sadd.s32 $0x40, s13  }
0x38e: {  	[hbm4b:s11+s4] =	stream.linear.scatter [tilespmem:s2], [sflag:$0x3], $0x80, $0x38;
	[tilespmem:$0x1AF40] =	vst v63  }
0x38f: {  	s14 =	sadd.s32 $0xE5E8, s10;
	s15 =	sadd.s32 $0x50, s13  }
0x390: {  	[hbm4b:s15+s4] =	stream.linear.scatter [tilespmem:s14], [sflag:$0x3], $0x80, $0x38;
	[tilespmem:$0x1AF40] =	vst v63  }
0x391: {  	s18 =	sadd.s32 $0xE670, s10;
	s19 =	sadd.s32 $0x60, s13  }
0x392: {  	[hbm4b:s19+s4] =	stream.linear.scatter [tilespmem:s18], [sflag:$0x3], $0x80, $0x38;
	[tilespmem:$0x1AF40] =	vst v63  }
0x393: {  	s2 =	sadd.s32 $0xE6F8, s10;
	s11 =	sadd.s32 $0x70, s13  }
0x394: {  	[hbm4b:s11+s4] =	stream.linear.scatter [tilespmem:s2], [sflag:$0x3], $0x80, $0x38;
	[tilespmem:$0x1AF40] =	vst v63  }
0x395: {  	s14 =	sadd.s32 $0xE9A0, s10;
	s15 =	sadd.s32 $0x80, s13  }
0x396: {  	[hbm4b:s15+s4] =	stream.linear.scatter [tilespmem:s14], [sflag:$0x3], $0x80, $0x38;
	[tilespmem:$0x1AF40] =	vst v63  }
0x397: {  	s18 =	sadd.s32 $0xEA28, s10;
	s19 =	sadd.s32 $0x90, s13  }
0x398: {  	[hbm4b:s19+s4] =	stream.linear.scatter [tilespmem:s18], [sflag:$0x3], $0x80, $0x38;
	[tilespmem:$0x1AF40] =	vst v63  }
0x399: {  	s2 =	sadd.s32 $0xEAB0, s10;
	s11 =	sadd.s32 $0xA0, s13  }
0x39a: {  	[hbm4b:s11+s4] =	stream.linear.scatter [tilespmem:s2], [sflag:$0x3], $0x80, $0x38;
	[tilespmem:$0x1AF40] =	vst v63  }
0x39b: {  	s14 =	sadd.s32 $0xEB38, s10;
	s15 =	sadd.s32 $0xB0, s13  }
0x39c: {  	[hbm4b:s15+s4] =	stream.linear.scatter [tilespmem:s14], [sflag:$0x3], $0x80, $0x38;
	[tilespmem:$0x1AF40] =	vst v63  }
0x39d: {  	p2 =	seq.s32 s24, $0x18;
	s18 =	sadd.s32 $0xEBC0, s10;
	s19 =	sadd.s32 $0xC0, s13  }
0x39e: {  	[hbm4b:s19+s4] =	stream.linear.scatter [tilespmem:s18], [sflag:$0x3], $0x80, $0x38;
	[tilespmem:$0x1AF40] =	vst v63  }
0x39f: {  	s0 =	sadd.s32 @!p2 s12, s16;
	s2 =	sadd.s32 $0xEC48, s10;
	s11 =	sadd.s32 $0xD0, s13  }
0x3a0: {  	[hbm4b:s11+s4] =	stream.linear.scatter [tilespmem:s2], [sflag:$0x3], $0x80, $0x38;
	[tilespmem:$0x1AF40] =	vst v63  }
0x3a1: {  	s14 =	sadd.s32 $0xECD0, s10;
	s2 =	sshrl.u32 @!p2 s0, $0x5  }
0x3a2: {  	s15 =	sadd.s32 $0xE0, s13;
	s18 =	sadd.s32 $0xED58, s10;
	s2 =	ssub.s32 @!p2 s2, s7  }
0x3a3: {  	[hbm4b:s15+s4] =	stream.linear.scatter [tilespmem:s14], [sflag:$0x3], $0x80, $0x38;
	[tilespmem:$0x1AF40] =	vst v63  }
0x3a4: {  	s19 =	sadd.s32 $0xF0, s13;
	s10 =	sshll.u32 @!p2 s0, $0xB;
	s2 =	sshll.u32 @!p2 s2, $0xF  }
0x3a5: {  	s10 =	sand.u32 @!p2 $0x1000, s10;
	s0 =	sshll.u32 @!p2 s0, $0x5;
	s2 =	sshra.s32 @!p2 s2, $0x2  }
0x3a6: {  	[hbm4b:s19+s4] =	stream.linear.scatter [tilespmem:s18], [sflag:$0x3], $0x80, $0x38;
	[tilespmem:$0x1AF40] =	vst v63  }
0x3a7: {  	s0 =	sand.u32 @!p2 $0x380, s0;
	s2 =	sor.u32 @!p2 s10, s2  }
0x3a8: {  	s0 =	sor.u32 @!p2 s0, s2  }
0x3a9: {  	s11 =	simm.s32 @!p2 $0x0;
	s10 =	simm.s32 @!p2 $0x80;
	s2 =	sadd.s32 @!p2 $0x8000, s0  }
0x3aa: {  	[tilespmem:s11], [sflag:$0x1] =	stream.indirect.gather @!p2 [hbm4b:s8+s10], $0x40, s2, s10, $0xb8;
	[tilespmem:$0x1AF40] =	vst v63  }
0x3ab: {  	s0 =	sadd.s32 @!p2 $0x8400, s0;
	s2 =	simm.s32 @!p2 $0x2000  }
0x3ac: {  	[tilespmem:s2], [sflag:$0x1] =	stream.indirect.gather @!p2 [hbm4b:s8+s10], $0x40, s0, s10, $0xb8;
	[tilespmem:$0x1AF40] =	vst v63  }
0x3ad: {  	s10 =	sadd.s32 s12, s5;
	_ =	swait.ge [sflag:s30], $0x4000  }
0x3ae: {  	s18 =	sadd.s32 $0x1, s10;
	[sflag:s30] =	ssyncset.done $0x0  }
0x3af: {  	s0 =	simm.s32 @!p1 $0x4;
	s10 =	sshrl.u32 s18, $0x2;
	[sflag:s30] =	ssyncadd.s32 $0xFFFFC000  }
0x3b0: {  	s11 =	ssub.s32 s10, s9;
	_ =	swait.ge @!p1 [sflag:s0], $0x4000  }
0x3b1: {  	s2 =	sshll.u32 s11, $0x8;
	[sflag:s0] =	ssyncset.done @!p1 $0x0  }
0x3b2: {  	[sflag:s0] =	ssyncadd.s32 @!p1 $0xFFFFC000;
	s0 =	sshra.s32 s2, $0x2  }
0x3b3: {  	s13 =	simm.s32 $0x3;
	s11 =	simm.s32 $0x4080;
	v13 =	vld [tilespmem:s0+$0xE000]  }
0x3b4: {  	v8 =	vmov s13;
	v11 =	vld [tilespmem:s11+$0x40]  }
0x3b5: {  	v18 =	vand.u32 $0x7F, v8  }
0x3b6: {  	v12 =	vadd.s32 v0, v18;
	s14 =	simm.s32 $0x0;
	v10 =	vld [tilespmem:s0+$0xE010]  }
0x3b7: {  	s15 =	simm.s32 $0x1;
	v8 =	vmov s14;
	s19 =	simm.s32 $0x2;
	v14 =	vld [tilespmem:s11+$0xFFFFFF80]  }
0x3b8: {  	v15 =	vand.u32 $0x7C, v8;
	v8 =	vmov s15;
	v17 =	vmov s19;
	v19 =	vld [tilespmem:s11+$0xFFFFFFC0]  }
0x3b9: {  	v20 =	vadd.s32 v0, v15;
	v16 =	vand.u32 $0x7D, v8;
	v21 =	vld [tilespmem:s11+$0x0];
	v11 =	vadd.f32 v11, v13  }
0x3ba: {  	v22 =	vadd.s32 v0, v16;
	v17 =	vand.u32 $0x7E, v17;
	v9 =	vld [tilespmem:s0+$0xE020]  }
0x3bb: {  	v23 =	vadd.s32 v0, v17;
	v8 =	vld [tilespmem:s0+$0xE030];
	[tilespmem:v12+s31+$0x0] =	vst.idx.msk $0xffff, v11  }
0x3bc: {  	v11 =	vadd.f32 v14, v13;
	v12 =	vld [tilespmem:s11+$0x50]  }
0x3bd: {  	v14 =	vadd.f32 v19, v13  }
0x3be: {  	v19 =	vadd.s32 v1, v18;
	[tilespmem:v20+s31+$0x0] =	vst.idx.msk $0xffff, v11;
	v11 =	vadd.f32 v21, v13  }
0x3bf: {  	[tilespmem:v22+s31+$0x0] =	vst.idx.msk $0xffff, v14  }
0x3c0: {  	v14 =	vld [tilespmem:s11+$0xFFFFFFD0];
	[tilespmem:v23+s31+$0x0] =	vst.idx.msk $0xffff, v11  }
0x3c1: {  	v21 =	vld [tilespmem:s11+$0x10];
	v11 =	vadd.f32 v12, v10  }
0x3c2: {  	s13 =	simm.s32 $0x7;
	s15 =	simm.s32 $0x4180;
	v22 =	vadd.s32 v1, v16;
	v20 =	vld [tilespmem:s11+$0xFFFFFF90]  }
0x3c3: {  	v24 =	vld [tilespmem:s15+$0x40];
	v23 =	vadd.s32 v1, v17;
	[tilespmem:v19+s31+$0x0] =	vst.idx.msk $0xffff, v11;
	v11 =	vmov s13  }
0x3c4: {  	v25 =	vadd.s32 v1, v15;
	v11 =	vand.u32 $0x7F, v11;
	v26 =	vld [tilespmem:s11+$0x60]  }
0x3c5: {  	v31 =	vadd.s32 v2, v18;
	s14 =	simm.s32 $0x5;
	s2 =	simm.s32 $0x4;
	v27 =	vld [tilespmem:s15+$0xFFFFFF80];
	v14 =	vadd.f32 v14, v10;
	v28 =	vadd.s32 v0, v11  }
0x3c6: {  	v29 =	vmov s14;
	v30 =	vld [tilespmem:s15+$0xFFFFFFC0];
	v12 =	vmov s2;
	v21 =	vadd.f32 v21, v10  }
0x3c7: {  	s19 =	simm.s32 $0x6;
	v12 =	vand.u32 $0x7C, v12;
	v20 =	vadd.f32 v20, v10;
	[tilespmem:v22+s31+$0x0] =	vst.idx.msk $0xffff, v14;
	v14 =	vand.u32 $0x7D, v29;
	v29 =	vld [tilespmem:s15+$0x0]  }
0x3c8: {  	v24 =	vadd.f32 v24, v13;
	v19 =	vmov s19;
	v22 =	vadd.s32 v0, v12;
	v32 =	vld [tilespmem:s11+$0xFFFFFFE0];
	[tilespmem:v23+s31+$0x0] =	vst.idx.msk $0xffff, v21  }
0x3c9: {  	[tilespmem:v25+s31+$0x0] =	vst.idx.msk $0xffff, v20;
	v23 =	vadd.s32 v0, v14;
	v21 =	vand.u32 $0x7E, v19;
	v25 =	vld [tilespmem:s11+$0x20];
	v26 =	vadd.f32 v26, v9  }
0x3ca: {  	v20 =	vadd.s32 v0, v21;
	[tilespmem:v28+s31+$0x0] =	vst.idx.msk $0xffff, v24;
	v24 =	vld [tilespmem:s11+$0xFFFFFFA0]  }
0x3cb: {  	v27 =	vadd.f32 v27, v13;
	v28 =	vadd.s32 v2, v16;
	v33 =	vld [tilespmem:s15+$0x50];
	[tilespmem:v31+s31+$0x0] =	vst.idx.msk $0xffff, v26  }
0x3cc: {  	v30 =	vadd.f32 v30, v13;
	v26 =	vadd.s32 v2, v15;
	v31 =	vld [tilespmem:s11+$0x70]  }
0x3cd: {  	v36 =	vadd.s32 v2, v17;
	[tilespmem:v22+s31+$0x0] =	vst.idx.msk $0xffff, v27;
	v22 =	vadd.f32 v29, v13  }
0x3ce: {  	v35 =	vadd.s32 v1, v12;
	v37 =	vld [tilespmem:s15+$0xFFFFFF90];
	v27 =	vadd.f32 v32, v9;
	[tilespmem:v23+s31+$0x0] =	vst.idx.msk $0xffff, v30  }
0x3cf: {  	v23 =	vadd.s32 v1, v11;
	v38 =	vld [tilespmem:s15+$0xFFFFFFD0];
	[tilespmem:v20+s31+$0x0] =	vst.idx.msk $0xffff, v22;
	v22 =	vadd.f32 v24, v9  }
0x3d0: {  	v20 =	vadd.f32 v25, v9;
	v25 =	vadd.s32 v3, v18;
	[tilespmem:v28+s31+$0x0] =	vst.idx.msk $0xffff, v27  }
0x3d1: {  	s14 =	simm.s32 $0xB;
	v30 =	vld [tilespmem:s15+$0x10];
	v24 =	vadd.f32 v33, v10;
	[tilespmem:v26+s31+$0x0] =	vst.idx.msk $0xffff, v22;
	v26 =	vadd.f32 v31, v8  }
0x3d2: {  	v39 =	vmov s14;
	v34 =	vadd.s32 v1, v14;
	[tilespmem:v36+s31+$0x0] =	vst.idx.msk $0xffff, v20;
	v29 =	vld [tilespmem:s11+$0xFFFFFFF0]  }
0x3d3: {  	s13 =	simm.s32 $0x8;
	v32 =	vadd.s32 v3, v16;
	v27 =	vadd.s32 v1, v21;
	v28 =	vld [tilespmem:s11+$0x30];
	v37 =	vadd.f32 v37, v10  }
0x3d4: {  	s19 =	simm.s32 $0x4280;
	v20 =	vmov s13;
	v33 =	vadd.s32 v3, v17;
	[tilespmem:v23+s31+$0x0] =	vst.idx.msk $0xffff, v24;
	v31 =	vld [tilespmem:s11+$0xFFFFFFB0];
	v38 =	vadd.f32 v38, v10  }
0x3d5: {  	s2 =	simm.s32 $0x8;
	v36 =	vld [tilespmem:s19+$0x40];
	v22 =	vand.u32 $0x7C, v20;
	s11 =	simm.s32 $0xC;
	v23 =	vmovc v11;
	[tilespmem:v25+s31+$0x0] =	vst.idx.msk $0xffff, v26;
	v25 =	vmovc v14;
	v24 =	vmov v12;
	v26 =	vmov v15  }
.LBB2_37:
0x3d6: {  	p1 =	slt.u32 s11, $0x7C;
	s0 =	sadd.s32 $0x1, s2;
	v39 =	vand.u32 $0x7F, v39;
	[tilespmem:v35+s31+$0x0] =	vst.idx.msk $0xffff, v37;
	v30 =	vadd.f32 v30, v10;
	v35 =	vld [tilespmem:s15+$0x60];
	v37 =	vadd.s32 v3, v26  }
0x3d7: {  	v43 =	vmovc v21;
	v40 =	vld [tilespmem:s19+$0xFFFFFF80];
	v41 =	vmov s0;
	s0 =	sadd.s32 $0x2, s2;
	v42 =	vadd.s32 v0, v39;
	[tilespmem:v34+s31+$0x0] =	vst.idx.msk $0xffff, v38;
	v29 =	vadd.f32 v29, v8;
	s2 =	smov.u32 s11  }
0x3d8: {  	v26 =	vmovc v24;
	v34 =	vld [tilespmem:s19+$0xFFFFFFC0];
	v21 =	vmov s0;
	[tilespmem:v27+s31+$0x0] =	vst.idx.msk $0xffff, v30;
	v27 =	vadd.s32 v2, v23;
	v28 =	vadd.f32 v28, v8  }
0x3d9: {  	v30 =	vadd.s32 v0, v22;
	v41 =	vand.u32 $0x7D, v41;
	v38 =	vld [tilespmem:s19+$0x0];
	v44 =	vadd.f32 v31, v8;
	[tilespmem:v32+s31+$0x0] =	vst.idx.msk $0xffff, v29  }
0x3da: {  	v29 =	vadd.s32 v0, v41;
	v21 =	vand.u32 $0x7E, v21;
	v31 =	vadd.f32 v36, v13;
	v32 =	vld [tilespmem:s15+$0xFFFFFFE0];
	[tilespmem:v33+s31+$0x0] =	vst.idx.msk $0xffff, v28  }
0x3db: {  	v24 =	vmov v22;
	v28 =	vadd.s32 v0, v21;
	v33 =	vld [tilespmem:s15+$0x20];
	v35 =	vadd.f32 v35, v9;
	[tilespmem:v37+s31+$0x0] =	vst.idx.msk $0xffff, v44  }
0x3dc: {  	v36 =	vadd.s32 v2, v25;
	v22 =	vadd.f32 v40, v13;
	[tilespmem:v42+s31+$0x0] =	vst.idx.msk $0xffff, v31;
	v31 =	vld [tilespmem:s15+$0xFFFFFFA0]  }
0x3dd: {  	v40 =	vadd.s32 v2, v43;
	v34 =	vadd.f32 v34, v13;
	v37 =	vld [tilespmem:s19+$0x50];
	[tilespmem:v27+s31+$0x0] =	vst.idx.msk $0xffff, v35  }
0x3de: {  	[tilespmem:v30+s31+$0x0] =	vst.idx.msk $0xffff, v22;
	v22 =	vadd.f32 v38, v13;
	v38 =	vadd.s32 v2, v26;
	v42 =	vld [tilespmem:s15+$0x70]  }
0x3df: {  	v45 =	vadd.s32 v1, v39;
	v44 =	vld [tilespmem:s19+$0xFFFFFF90];
	[tilespmem:v29+s31+$0x0] =	vst.idx.msk $0xffff, v34;
	v27 =	vadd.f32 v32, v9  }
0x3e0: {  	v47 =	vadd.s32 v3, v23;
	v23 =	vmov v39;
	v46 =	vld [tilespmem:s19+$0xFFFFFFD0];
	[tilespmem:v28+s31+$0x0] =	vst.idx.msk $0xffff, v22;
	v22 =	vadd.f32 v33, v9  }
.Ltmp23:
0x3e1: {  	v35 =	vadd.s32 v1, v24;
	v30 =	vld [tilespmem:s19+$0x10];
	v28 =	vadd.f32 v31, v9;
	[tilespmem:v36+s31+$0x0] =	vst.idx.msk $0xffff, v27;
	(pc) =	sbr.rel @p1 .LBB2_37-.Ltmp23, $4  }
0x3e2: {  	v34 =	vadd.s32 v1, v41;
	v31 =	vadd.f32 v37, v10;
	v29 =	vld [tilespmem:s15+$0xFFFFFFF0];
	[tilespmem:v40+s31+$0x0] =	vst.idx.msk $0xffff, v22  }
0x3e3: {  	v27 =	vadd.s32 v1, v21;
	v22 =	vmov s11;
	[tilespmem:v38+s31+$0x0] =	vst.idx.msk $0xffff, v28;
	v28 =	vld [tilespmem:s15+$0x30];
	v40 =	vadd.f32 v42, v8  }
0x3e4: {  	s0 =	sadd.s32 $0x3, s11;
	v32 =	vadd.s32 v3, v25;
	v22 =	vand.u32 $0x7C, v22;
	v37 =	vadd.f32 v44, v10;
	[tilespmem:v45+s31+$0x0] =	vst.idx.msk $0xffff, v31;
	v31 =	vld [tilespmem:s15+$0xFFFFFFB0];
	s15 =	smov.u32 s19;
	s19 =	sadd.s32 $0x100, s19  }
0x3e5: {  	v39 =	vmov s0;
	v25 =	vmovc v41;
	v33 =	vadd.s32 v3, v43;
	s11 =	sadd.s32 $0x4, s11;
	v36 =	vld [tilespmem:s19+$0x40];
	v38 =	vadd.f32 v46, v10;
	[tilespmem:v47+s31+$0x0] =	vst.idx.msk $0xffff, v40  }
0x3e6: {  	s0 =	sadd.s32 $0x1, s2  }
0x3e7: {  	v39 =	vand.u32 $0x7F, v39;
	s2 =	sadd.s32 $0x2, s2;
	v41 =	vld [tilespmem:s19+$0xFFFFFFC0];
	v40 =	vmov s0  }
0x3e8: {  	v44 =	vld [tilespmem:s19+$0x0];
	v42 =	vadd.s32 v0, v39;
	v43 =	vmov s2;
	v40 =	vand.u32 $0x7D, v40  }
0x3e9: {  	v45 =	vld [tilespmem:s19+$0xFFFFFF80];
	v43 =	vand.u32 $0x7E, v43;
	v46 =	vadd.s32 v0, v40  }
0x3ea: {  	v47 =	vadd.s32 v0, v43  }
0x3eb: {  	[tilespmem:v35+s31+$0x0] =	vst.idx.msk $0xffff, v37;
	v55 =	vadd.s32 v0, v22;
	v36 =	vadd.f32 v36, v13  }
0x3ec: {  	[tilespmem:v34+s31+$0x0] =	vst.idx.msk $0xffff, v38;
	v56 =	vadd.f32 v41, v13  }
0x3ed: {  	v57 =	vadd.f32 v44, v13;
	[tilespmem:v42+s31+$0x0] =	vst.idx.msk $0xffff, v36  }
0x3ee: {  	v58 =	vadd.f32 v45, v13;
	v59 =	vld [tilespmem:s19+$0x50];
	[tilespmem:v46+s31+$0x0] =	vst.idx.msk $0xffff, v56  }
0x3ef: {  	v30 =	vadd.f32 v30, v10;
	v26 =	vadd.s32 v3, v26;
	[tilespmem:v47+s31+$0x0] =	vst.idx.msk $0xffff, v57;
	v60 =	vld [tilespmem:s19+$0xFFFFFFD0]  }
0x3f0: {  	v29 =	vadd.f32 v29, v8;
	v61 =	vadd.s32 v1, v39;
	[tilespmem:v55+s31+$0x0] =	vst.idx.msk $0xffff, v58;
	v36 =	vld [tilespmem:s19+$0x10]  }
0x3f1: {  	[tilespmem:v27+s31+$0x0] =	vst.idx.msk $0xffff, v30;
	v27 =	vadd.f32 v28, v8;
	v30 =	vadd.s32 v1, v40;
	v28 =	vld [tilespmem:s19+$0xFFFFFF90]  }
0x3f2: {  	v62 =	vld [tilespmem:s15+$0x60];
	v31 =	vadd.f32 v31, v8;
	[tilespmem:v32+s31+$0x0] =	vst.idx.msk $0xffff, v29;
	v29 =	vadd.s32 v1, v43  }
0x3f3: {  	v63 =	vld [tilespmem:s15+$0xFFFFFFE0];
	[tilespmem:v33+s31+$0x0] =	vst.idx.msk $0xffff, v27;
	v27 =	vadd.s32 v1, v22;
	v44 =	vadd.f32 v59, v10  }
0x3f4: {  	v45 =	vadd.s32 v2, v23;
	[tilespmem:v26+s31+$0x0] =	vst.idx.msk $0xffff, v31;
	v46 =	vld [tilespmem:s15+$0x20];
	v26 =	vadd.f32 v60, v10  }
0x3f5: {  	v31 =	vld [tilespmem:s15+$0xFFFFFFA0];
	v47 =	vadd.s32 v2, v25;
	[tilespmem:v61+s31+$0x0] =	vst.idx.msk $0xffff, v44;
	v48 =	vadd.f32 v36, v10  }
0x3f6: {  	v49 =	vadd.s32 v2, v21;
	v28 =	vadd.f32 v28, v10;
	v50 =	vld [tilespmem:s19+$0x60];
	[tilespmem:v30+s31+$0x0] =	vst.idx.msk $0xffff, v26  }
0x3f7: {  	v26 =	vadd.f32 v62, v9;
	v30 =	vadd.s32 v2, v24;
	[tilespmem:v29+s31+$0x0] =	vst.idx.msk $0xffff, v48;
	v29 =	vld [tilespmem:s19+$0xFFFFFFE0]  }
0x3f8: {  	v32 =	vadd.f32 v63, v9;
	[tilespmem:v27+s31+$0x0] =	vst.idx.msk $0xffff, v28;
	v27 =	vadd.s32 v2, v39;
	v28 =	vld [tilespmem:s19+$0x20]  }
0x3f9: {  	v52 =	vadd.s32 v2, v40;
	v51 =	vld [tilespmem:s19+$0xFFFFFFA0];
	[tilespmem:v45+s31+$0x0] =	vst.idx.msk $0xffff, v26;
	v26 =	vadd.f32 v46, v9  }
0x3fa: {  	v54 =	vadd.s32 v2, v43;
	v31 =	vadd.f32 v31, v9;
	[tilespmem:v47+s31+$0x0] =	vst.idx.msk $0xffff, v32;
	v53 =	vld [tilespmem:s15+$0x70]  }
0x3fb: {  	v55 =	vadd.s32 v2, v22;
	v38 =	vld [tilespmem:s15+$0xFFFFFFF0];
	[tilespmem:v49+s31+$0x0] =	vst.idx.msk $0xffff, v26;
	v26 =	vadd.f32 v50, v9  }
0x3fc: {  	v23 =	vadd.s32 v3, v23;
	[tilespmem:v30+s31+$0x0] =	vst.idx.msk $0xffff, v31;
	v30 =	vld [tilespmem:s15+$0x30];
	v29 =	vadd.f32 v29, v9  }
0x3fd: {  	v25 =	vadd.s32 v3, v25;
	v31 =	vld [tilespmem:s15+$0xFFFFFFB0];
	[tilespmem:v27+s31+$0x0] =	vst.idx.msk $0xffff, v26;
	v26 =	vadd.f32 v28, v9  }
0x3fe: {  	v21 =	vadd.s32 v3, v21;
	v28 =	vadd.f32 v51, v9;
	v27 =	vld [tilespmem:s19+$0x70];
	[tilespmem:v52+s31+$0x0] =	vst.idx.msk $0xffff, v29  }
0x3ff: {  	v24 =	vadd.s32 v3, v24;
	v29 =	vadd.f32 v53, v8;
	[tilespmem:v54+s31+$0x0] =	vst.idx.msk $0xffff, v26;
	v56 =	vld [tilespmem:s19+$0xFFFFFFF0]  }
0x400: {  	v57 =	vadd.s32 v3, v39;
	v26 =	vadd.f32 v38, v8;
	[tilespmem:v55+s31+$0x0] =	vst.idx.msk $0xffff, v28;
	v28 =	vld [tilespmem:s19+$0x30]  }
0x401: {  	[tilespmem:v23+s31+$0x0] =	vst.idx.msk $0xffff, v29;
	v23 =	vadd.f32 v30, v8;
	v29 =	vld [tilespmem:s19+$0xFFFFFFB0];
	v30 =	vadd.s32 v3, v40  }
0x402: {  	[tilespmem:v25+s31+$0x0] =	vst.idx.msk $0xffff, v26;
	v25 =	vadd.s32 v3, v43;
	v31 =	vadd.f32 v31, v8  }
0x403: {  	v22 =	vadd.s32 v3, v22;
	[tilespmem:v21+s31+$0x0] =	vst.idx.msk $0xffff, v23;
	v21 =	vadd.f32 v27, v8  }
0x404: {  	[tilespmem:v24+s31+$0x0] =	vst.idx.msk $0xffff, v31;
	v23 =	vadd.f32 v56, v8  }
0x405: {  	[tilespmem:v57+s31+$0x0] =	vst.idx.msk $0xffff, v21;
	v21 =	vadd.f32 v28, v8  }
0x406: {  	v24 =	vadd.f32 v29, v8;
	[tilespmem:v30+s31+$0x0] =	vst.idx.msk $0xffff, v23  }
0x407: {  	[tilespmem:v25+s31+$0x0] =	vst.idx.msk $0xffff, v21  }
0x408: {  	s11 =	simm.s32 $0x60F0;
	[tilespmem:v22+s31+$0x0] =	vst.idx.msk $0xffff, v24  }
0x409: {  	v21 =	vld [tilespmem:s11+$0xFFFFFFD0];
	_ =	sdelay $0x1  }
0x40a: {  	v22 =	vadd.s32 v4, v18;
	_ =	sdelay $0x1  }
0x40b: {  	v23 =	vld [tilespmem:s11+$0xFFFFFF50]  }
0x40c: {  	v24 =	vld [tilespmem:s11+$0xFFFFFF90];
	v21 =	vadd.f32 v21, v13  }
0x40d: {  	v26 =	vadd.s32 v4, v16;
	v25 =	vld [tilespmem:s11+$0xFFFFFF10]  }
0x40e: {  	v27 =	vadd.s32 v4, v17;
	[tilespmem:v22+s31+$0x0] =	vst.idx.msk $0xffff, v21  }
0x40f: {  	v21 =	vadd.s32 v4, v15;
	v22 =	vld [tilespmem:s11+$0xFFFFFFE0]  }
0x410: {  	v23 =	vadd.f32 v23, v13  }
0x411: {  	v28 =	vadd.s32 v5, v18;
	v24 =	vadd.f32 v24, v13  }
0x412: {  	v25 =	vadd.f32 v25, v13;
	[tilespmem:v26+s31+$0x0] =	vst.idx.msk $0xffff, v23  }
0x413: {  	[tilespmem:v27+s31+$0x0] =	vst.idx.msk $0xffff, v24;
	v23 =	vld [tilespmem:s11+$0xFFFFFF60]  }
0x414: {  	[tilespmem:v21+s31+$0x0] =	vst.idx.msk $0xffff, v25;
	v21 =	vld [tilespmem:s11+$0xFFFFFFA0];
	v22 =	vadd.f32 v22, v10  }
0x415: {  	s15 =	simm.s32 $0x61F0;
	v25 =	vadd.s32 v5, v16;
	v24 =	vld [tilespmem:s11+$0xFFFFFF20]  }
0x416: {  	v26 =	vadd.s32 v5, v17;
	[tilespmem:v28+s31+$0x0] =	vst.idx.msk $0xffff, v22;
	v22 =	vld [tilespmem:s15+$0xFFFFFFD0]  }
0x417: {  	v27 =	vadd.s32 v5, v15;
	v28 =	vld [tilespmem:s11+$0xFFFFFFF0]  }
0x418: {  	v30 =	vadd.s32 v4, v11;
	v29 =	vld [tilespmem:s15+$0xFFFFFF10];
	v23 =	vadd.f32 v23, v10  }
0x419: {  	v58 =	vadd.s32 v6, v18;
	v31 =	vld [tilespmem:s15+$0xFFFFFF50];
	v21 =	vadd.f32 v21, v10  }
0x41a: {  	[tilespmem:v25+s31+$0x0] =	vst.idx.msk $0xffff, v23;
	v23 =	vadd.s32 v4, v12;
	v25 =	vld [tilespmem:s15+$0xFFFFFF90];
	v24 =	vadd.f32 v24, v10  }
0x41b: {  	v19 =	vand.u32 $0x7E, v19;
	[tilespmem:v26+s31+$0x0] =	vst.idx.msk $0xffff, v21;
	v21 =	vadd.s32 v4, v14;
	v26 =	vld [tilespmem:s11+$0xFFFFFF70];
	v22 =	vadd.f32 v22, v13  }
0x41c: {  	[tilespmem:v27+s31+$0x0] =	vst.idx.msk $0xffff, v24;
	v24 =	vadd.s32 v4, v19;
	v27 =	vld [tilespmem:s11+$0xFFFFFFB0];
	v28 =	vadd.f32 v28, v9  }
0x41d: {  	v29 =	vadd.f32 v29, v13;
	[tilespmem:v30+s31+$0x0] =	vst.idx.msk $0xffff, v22;
	v22 =	vld [tilespmem:s11+$0xFFFFFF30];
	v30 =	vadd.s32 v6, v16  }
0x41e: {  	v60 =	vadd.s32 v6, v17;
	v31 =	vadd.f32 v31, v13;
	v59 =	vld [tilespmem:s15+$0xFFFFFFE0];
	[tilespmem:v58+s31+$0x0] =	vst.idx.msk $0xffff, v28  }
0x41f: {  	[tilespmem:v23+s31+$0x0] =	vst.idx.msk $0xffff, v29;
	v23 =	vadd.f32 v25, v13;
	v28 =	vadd.s32 v6, v15;
	v29 =	vld [tilespmem:s11+$0x0]  }
0x420: {  	v61 =	vld [tilespmem:s15+$0xFFFFFF20];
	[tilespmem:v21+s31+$0x0] =	vst.idx.msk $0xffff, v31;
	v31 =	vadd.s32 v5, v11;
	v21 =	vadd.f32 v26, v9  }
0x421: {  	v62 =	vadd.s32 v7, v18;
	v35 =	vld [tilespmem:s15+$0xFFFFFF60];
	[tilespmem:v24+s31+$0x0] =	vst.idx.msk $0xffff, v23;
	v27 =	vadd.f32 v27, v9  }
0x422: {  	v26 =	vadd.s32 v5, v12;
	v24 =	vld [tilespmem:s15+$0xFFFFFFA0];
	v18 =	vadd.f32 v22, v9;
	[tilespmem:v30+s31+$0x0] =	vst.idx.msk $0xffff, v21  }
0x423: {  	v25 =	vadd.s32 v5, v14;
	[tilespmem:v60+s31+$0x0] =	vst.idx.msk $0xffff, v27;
	v30 =	vadd.f32 v59, v10;
	v23 =	vld [tilespmem:s11+$0xFFFFFF80]  }
0x424: {  	v21 =	vadd.s32 v5, v19;
	v22 =	vld [tilespmem:s11+$0xFFFFFFC0];
	[tilespmem:v28+s31+$0x0] =	vst.idx.msk $0xffff, v18;
	v63 =	vadd.f32 v29, v8  }
0x425: {  	s19 =	simm.s32 $0x62F0;
	v16 =	vadd.s32 v7, v16;
	v18 =	vand.u32 $0x7C, v20;
	v28 =	vadd.f32 v61, v10;
	[tilespmem:v31+s31+$0x0] =	vst.idx.msk $0xffff, v30;
	v20 =	vld [tilespmem:s11+$0xFFFFFF40]  }
0x426: {  	s2 =	simm.s32 $0xC;
	v17 =	vadd.s32 v7, v17;
	v27 =	vld [tilespmem:s19+$0xFFFFFFD0];
	v30 =	vmov s14;
	v29 =	vadd.f32 v35, v10;
	[tilespmem:v62+s31+$0x0] =	vst.idx.msk $0xffff, v63  }
.LBB2_39:
0x427: {  	p1 =	slt.u32 s2, $0x7C;
	s0 =	sadd.s32 $0x1, s13;
	v30 =	vand.u32 $0x7F, v30;
	[tilespmem:v26+s31+$0x0] =	vst.idx.msk $0xffff, v28;
	v24 =	vadd.f32 v24, v10;
	v26 =	vld [tilespmem:s15+$0xFFFFFFF0];
	v28 =	vadd.s32 v7, v15  }
0x428: {  	v34 =	vmovc v19;
	v31 =	vld [tilespmem:s19+$0xFFFFFF10];
	v32 =	vmov s0;
	s0 =	sadd.s32 $0x2, s13;
	v33 =	vadd.s32 v4, v30;
	[tilespmem:v25+s31+$0x0] =	vst.idx.msk $0xffff, v29;
	v23 =	vadd.f32 v23, v8;
	s13 =	smov.u32 s2  }
0x429: {  	v15 =	vmovc v12;
	v25 =	vld [tilespmem:s19+$0xFFFFFF50];
	v19 =	vmov s0;
	[tilespmem:v21+s31+$0x0] =	vst.idx.msk $0xffff, v24;
	v21 =	vadd.s32 v6, v11;
	v22 =	vadd.f32 v22, v8  }
0x42a: {  	v24 =	vadd.s32 v4, v18;
	v32 =	vand.u32 $0x7D, v32;
	v29 =	vld [tilespmem:s19+$0xFFFFFF90];
	v35 =	vadd.f32 v20, v8;
	[tilespmem:v16+s31+$0x0] =	vst.idx.msk $0xffff, v23  }
0x42b: {  	v16 =	vadd.s32 v4, v32;
	v19 =	vand.u32 $0x7E, v19;
	v20 =	vadd.f32 v27, v13;
	v23 =	vld [tilespmem:s15+$0xFFFFFF70];
	[tilespmem:v17+s31+$0x0] =	vst.idx.msk $0xffff, v22  }
0x42c: {  	v12 =	vmov v18;
	v17 =	vadd.s32 v4, v19;
	v22 =	vld [tilespmem:s15+$0xFFFFFFB0];
	v26 =	vadd.f32 v26, v9;
	[tilespmem:v28+s31+$0x0] =	vst.idx.msk $0xffff, v35  }
0x42d: {  	v27 =	vadd.s32 v6, v14;
	v18 =	vadd.f32 v31, v13;
	[tilespmem:v33+s31+$0x0] =	vst.idx.msk $0xffff, v20;
	v20 =	vld [tilespmem:s15+$0xFFFFFF30]  }
0x42e: {  	v31 =	vadd.s32 v6, v34;
	v25 =	vadd.f32 v25, v13;
	v28 =	vld [tilespmem:s19+$0xFFFFFFE0];
	[tilespmem:v21+s31+$0x0] =	vst.idx.msk $0xffff, v26  }
0x42f: {  	[tilespmem:v24+s31+$0x0] =	vst.idx.msk $0xffff, v18;
	v18 =	vadd.f32 v29, v13;
	v29 =	vadd.s32 v6, v15;
	v33 =	vld [tilespmem:s15+$0x0]  }
0x430: {  	v35 =	vld [tilespmem:s19+$0xFFFFFF20];
	[tilespmem:v16+s31+$0x0] =	vst.idx.msk $0xffff, v25;
	v16 =	vadd.s32 v5, v30;
	v21 =	vadd.f32 v23, v9  }
0x431: {  	v37 =	vadd.s32 v7, v11;
	v11 =	vmov v30;
	v36 =	vld [tilespmem:s19+$0xFFFFFF60];
	[tilespmem:v17+s31+$0x0] =	vst.idx.msk $0xffff, v18;
	v17 =	vadd.f32 v22, v9  }
.Ltmp24:
0x432: {  	v26 =	vadd.s32 v5, v12;
	v24 =	vld [tilespmem:s19+$0xFFFFFFA0];
	v18 =	vadd.f32 v20, v9;
	[tilespmem:v27+s31+$0x0] =	vst.idx.msk $0xffff, v21;
	(pc) =	sbr.rel @p1 .LBB2_39-.Ltmp24, $4  }
0x433: {  	v25 =	vadd.s32 v5, v32;
	v20 =	vadd.f32 v28, v10;
	v23 =	vld [tilespmem:s15+$0xFFFFFF80];
	[tilespmem:v31+s31+$0x0] =	vst.idx.msk $0xffff, v17  }
0x434: {  	v21 =	vadd.s32 v5, v19;
	v17 =	vmov s2;
	[tilespmem:v29+s31+$0x0] =	vst.idx.msk $0xffff, v18;
	v22 =	vld [tilespmem:s15+$0xFFFFFFC0];
	v31 =	vadd.f32 v33, v8  }
0x435: {  	s0 =	sadd.s32 $0x3, s2;
	v18 =	vand.u32 $0x7C, v17;
	v28 =	vadd.f32 v35, v10;
	[tilespmem:v16+s31+$0x0] =	vst.idx.msk $0xffff, v20;
	v20 =	vld [tilespmem:s15+$0xFFFFFF40];
	v16 =	vadd.s32 v7, v14;
	s15 =	smov.u32 s19;
	s19 =	sadd.s32 $0x100, s19  }
0x436: {  	v30 =	vmov s0;
	s2 =	sadd.s32 $0x4, s2;
	v17 =	vadd.s32 v7, v34;
	v14 =	vmovc v32;
	v27 =	vld [tilespmem:s19+$0xFFFFFFD0];
	v29 =	vadd.f32 v36, v10;
	[tilespmem:v37+s31+$0x0] =	vst.idx.msk $0xffff, v31  }
0x437: {  	s0 =	sadd.s32 $0x1, s13  }
0x438: {  	v30 =	vand.u32 $0x7F, v30;
	s2 =	sadd.s32 $0x2, s13;
	v32 =	vld [tilespmem:s19+$0xFFFFFF50];
	v31 =	vmov s0  }
0x439: {  	v35 =	vld [tilespmem:s19+$0xFFFFFF90];
	v33 =	vadd.s32 v4, v30;
	v34 =	vmov s2;
	v31 =	vand.u32 $0x7D, v31  }
0x43a: {  	v36 =	vld [tilespmem:s19+$0xFFFFFF10];
	v34 =	vand.u32 $0x7E, v34;
	v37 =	vadd.s32 v4, v31  }
0x43b: {  	v38 =	vadd.s32 v4, v34  }
0x43c: {  	[tilespmem:v26+s31+$0x0] =	vst.idx.msk $0xffff, v28;
	v63 =	vadd.s32 v4, v18;
	v27 =	vadd.f32 v27, v13  }
0x43d: {  	[tilespmem:v25+s31+$0x0] =	vst.idx.msk $0xffff, v29;
	v32 =	vadd.f32 v32, v13  }
0x43e: {  	v35 =	vadd.f32 v35, v13;
	[tilespmem:v33+s31+$0x0] =	vst.idx.msk $0xffff, v27  }
0x43f: {  	v39 =	vadd.f32 v36, v13;
	v40 =	vld [tilespmem:s19+$0xFFFFFFE0];
	[tilespmem:v37+s31+$0x0] =	vst.idx.msk $0xffff, v32  }
0x440: {  	v24 =	vadd.f32 v24, v10;
	v15 =	vadd.s32 v7, v15;
	[tilespmem:v38+s31+$0x0] =	vst.idx.msk $0xffff, v35;
	v25 =	vld [tilespmem:s19+$0xFFFFFF60]  }
0x441: {  	v23 =	vadd.f32 v23, v8;
	v41 =	vadd.s32 v5, v30;
	[tilespmem:v63+s31+$0x0] =	vst.idx.msk $0xffff, v39;
	v42 =	vld [tilespmem:s19+$0xFFFFFFA0]  }
0x442: {  	[tilespmem:v21+s31+$0x0] =	vst.idx.msk $0xffff, v24;
	v43 =	vadd.f32 v22, v8;
	v45 =	vadd.s32 v5, v31;
	v44 =	vld [tilespmem:s19+$0xFFFFFF20]  }
0x443: {  	v46 =	vld [tilespmem:s15+$0xFFFFFFF0];
	v20 =	vadd.f32 v20, v8;
	[tilespmem:v16+s31+$0x0] =	vst.idx.msk $0xffff, v23;
	v47 =	vadd.s32 v5, v34  }
0x444: {  	v49 =	vadd.s32 v5, v18;
	v48 =	vld [tilespmem:s15+$0xFFFFFF70];
	[tilespmem:v17+s31+$0x0] =	vst.idx.msk $0xffff, v43;
	v50 =	vadd.f32 v40, v10  }
0x445: {  	v51 =	vadd.s32 v6, v11;
	v52 =	vld [tilespmem:s15+$0xFFFFFFB0];
	[tilespmem:v15+s31+$0x0] =	vst.idx.msk $0xffff, v20;
	v53 =	vadd.f32 v25, v10  }
0x446: {  	v55 =	vadd.s32 v6, v14;
	v54 =	vld [tilespmem:s15+$0xFFFFFF30];
	[tilespmem:v41+s31+$0x0] =	vst.idx.msk $0xffff, v50;
	v56 =	vadd.f32 v42, v10  }
0x447: {  	v57 =	vadd.s32 v6, v19;
	v58 =	vadd.f32 v44, v10;
	v59 =	vld [tilespmem:s19+$0xFFFFFFF0];
	[tilespmem:v45+s31+$0x0] =	vst.idx.msk $0xffff, v53  }
0x448: {  	v61 =	vadd.s32 v6, v12;
	v60 =	vadd.f32 v46, v9;
	[tilespmem:v47+s31+$0x0] =	vst.idx.msk $0xffff, v56;
	v62 =	vld [tilespmem:s19+$0xFFFFFF70]  }
0x449: {  	v63 =	vadd.f32 v48, v9;
	v32 =	vadd.s32 v6, v30;
	[tilespmem:v49+s31+$0x0] =	vst.idx.msk $0xffff, v58;
	v33 =	vld [tilespmem:s19+$0xFFFFFFB0]  }
0x44a: {  	[tilespmem:v51+s31+$0x0] =	vst.idx.msk $0xffff, v60;
	v35 =	vadd.f32 v52, v9;
	v37 =	vadd.s32 v6, v31;
	v36 =	vld [tilespmem:s19+$0xFFFFFF30]  }
0x44b: {  	v20 =	vadd.f32 v54, v9;
	v39 =	vadd.s32 v6, v34;
	v38 =	vld [tilespmem:s15+$0x0];
	[tilespmem:v55+s31+$0x0] =	vst.idx.msk $0xffff, v63  }
0x44c: {  	[tilespmem:v57+s31+$0x0] =	vst.idx.msk $0xffff, v35;
	v25 =	vld [tilespmem:s15+$0xFFFFFF80];
	v41 =	vadd.s32 v6, v18;
	v40 =	vadd.f32 v59, v9  }
0x44d: {  	[tilespmem:v61+s31+$0x0] =	vst.idx.msk $0xffff, v20;
	v43 =	vld [tilespmem:s15+$0xFFFFFFC0];
	v42 =	vadd.s32 v7, v11;
	v13 =	vadd.f32 v62, v9  }
0x44e: {  	v44 =	vld [tilespmem:s15+$0xFFFFFF40];
	v45 =	vadd.s32 v7, v14;
	[tilespmem:v32+s31+$0x0] =	vst.idx.msk $0xffff, v40;
	v46 =	vadd.f32 v33, v9  }
0x44f: {  	v47 =	vadd.s32 v7, v19;
	v49 =	vadd.f32 v36, v9;
	v48 =	vld [tilespmem:s19+$0x0];
	[tilespmem:v37+s31+$0x0] =	vst.idx.msk $0xffff, v13  }
0x450: {  	v51 =	vadd.s32 v7, v12;
	v50 =	vadd.f32 v38, v8;
	[tilespmem:v39+s31+$0x0] =	vst.idx.msk $0xffff, v46;
	v52 =	vld [tilespmem:s19+$0xFFFFFF80]  }
0x451: {  	v54 =	vadd.s32 v7, v30;
	v53 =	vadd.f32 v25, v8;
	[tilespmem:v41+s31+$0x0] =	vst.idx.msk $0xffff, v49;
	v55 =	vld [tilespmem:s19+$0xFFFFFFC0]  }
0x452: {  	v58 =	vadd.s32 v7, v31;
	v56 =	vadd.f32 v43, v8;
	[tilespmem:v42+s31+$0x0] =	vst.idx.msk $0xffff, v50;
	v57 =	vld [tilespmem:s19+$0xFFFFFF40]  }
0x453: {  	v60 =	vadd.s32 v7, v34;
	v59 =	vadd.f32 v44, v8;
	[tilespmem:v45+s31+$0x0] =	vst.idx.msk $0xffff, v53  }
0x454: {  	[tilespmem:v47+s31+$0x0] =	vst.idx.msk $0xffff, v56;
	v62 =	vadd.s32 v7, v18;
	v61 =	vadd.f32 v48, v8  }
0x455: {  	[tilespmem:v51+s31+$0x0] =	vst.idx.msk $0xffff, v59;
	v63 =	vadd.f32 v52, v8  }
0x456: {  	s11 =	sshll.u32 s18, $0x8;
	[tilespmem:v54+s31+$0x0] =	vst.idx.msk $0xffff, v61;
	v9 =	vadd.f32 v55, v8  }
0x457: {  	s0 =	sand.u32 $0x300, s11;
	v8 =	vadd.f32 v57, v8;
	[tilespmem:v58+s31+$0x0] =	vst.idx.msk $0xffff, v63  }
0x458: {  	s2 =	sshll.u32 s10, $0xD;
	s0 =	sadd.s32 s3, s0;
	[tilespmem:v60+s31+$0x0] =	vst.idx.msk $0xffff, v9  }
0x459: {  	s13 =	simm.s32 $0x14940;
	s0 =	sadd.s32 s2, s0;
	[tilespmem:v62+s31+$0x0] =	vst.idx.msk $0xffff, v8  }
0x45a: {  	[hbm4b:s0+s4] =	stream.linear.scatter [tilespmem:s13], [sflag:$0x4], $0x80, $0x38;
	[tilespmem:$0x1AF40] =	vst v63  }
0x45b: {  	s14 =	simm.s32 $0x149C8;
	s15 =	sadd.s32 $0x10, s0  }
0x45c: {  	[hbm4b:s15+s4] =	stream.linear.scatter [tilespmem:s14], [sflag:$0x4], $0x80, $0x38;
	[tilespmem:$0x1AF40] =	vst v63  }
0x45d: {  	s18 =	simm.s32 $0x14A50;
	s19 =	sadd.s32 $0x20, s0  }
0x45e: {  	[hbm4b:s19+s4] =	stream.linear.scatter [tilespmem:s18], [sflag:$0x4], $0x80, $0x38;
	[tilespmem:$0x1AF40] =	vst v63  }
0x45f: {  	s11 =	simm.s32 $0x14AD8;
	s13 =	sadd.s32 $0x30, s0  }
0x460: {  	[hbm4b:s13+s4] =	stream.linear.scatter [tilespmem:s11], [sflag:$0x4], $0x80, $0x38;
	[tilespmem:$0x1AF40] =	vst v63  }
0x461: {  	s14 =	simm.s32 $0x14B60;
	s15 =	sadd.s32 $0x40, s0  }
0x462: {  	[hbm4b:s15+s4] =	stream.linear.scatter [tilespmem:s14], [sflag:$0x4], $0x80, $0x38;
	[tilespmem:$0x1AF40] =	vst v63  }
0x463: {  	s18 =	simm.s32 $0x14BE8;
	s19 =	sadd.s32 $0x50, s0  }
0x464: {  	[hbm4b:s19+s4] =	stream.linear.scatter [tilespmem:s18], [sflag:$0x4], $0x80, $0x38;
	[tilespmem:$0x1AF40] =	vst v63  }
0x465: {  	s11 =	simm.s32 $0x14C70;
	s13 =	sadd.s32 $0x60, s0  }
0x466: {  	[hbm4b:s13+s4] =	stream.linear.scatter [tilespmem:s11], [sflag:$0x4], $0x80, $0x38;
	[tilespmem:$0x1AF40] =	vst v63  }
0x467: {  	s14 =	simm.s32 $0x14CF8;
	s15 =	sadd.s32 $0x70, s0  }
0x468: {  	[hbm4b:s15+s4] =	stream.linear.scatter [tilespmem:s14], [sflag:$0x4], $0x80, $0x38;
	[tilespmem:$0x1AF40] =	vst v63  }
0x469: {  	s18 =	simm.s32 $0x14FA0;
	s19 =	sadd.s32 $0x80, s0  }
0x46a: {  	[hbm4b:s19+s4] =	stream.linear.scatter [tilespmem:s18], [sflag:$0x4], $0x80, $0x38;
	[tilespmem:$0x1AF40] =	vst v63  }
0x46b: {  	s11 =	simm.s32 $0x15028;
	s13 =	sadd.s32 $0x90, s0  }
0x46c: {  	[hbm4b:s13+s4] =	stream.linear.scatter [tilespmem:s11], [sflag:$0x4], $0x80, $0x38;
	[tilespmem:$0x1AF40] =	vst v63  }
0x46d: {  	s10 =	simm.s32 $0xCC0;
	s14 =	simm.s32 $0x150B0;
	s15 =	sadd.s32 $0xA0, s0  }
0x46e: {  	[hbm4b:s15+s4] =	stream.linear.scatter [tilespmem:s14], [sflag:$0x4], $0x80, $0x38;
	[tilespmem:$0x1AF40] =	vst v63  }
0x46f: {  	s2 =	simm.s32 $0x15358;
	s18 =	simm.s32 $0x15138;
	s19 =	sadd.s32 $0xB0, s0  }
0x470: {  	[hbm4b:s19+s4] =	stream.linear.scatter [tilespmem:s18], [sflag:$0x4], $0x80, $0x38;
	[tilespmem:$0x1AF40] =	vst v63  }
0x471: {  	s11 =	simm.s32 $0x151C0;
	s13 =	sadd.s32 $0xC0, s0;
	s14 =	simm.s32 $0x15248  }
0x472: {  	[hbm4b:s13+s4] =	stream.linear.scatter [tilespmem:s11], [sflag:$0x4], $0x80, $0x38;
	[tilespmem:$0x1AF40] =	vst v63  }
0x473: {  	s15 =	sadd.s32 $0xD0, s0;
	s18 =	simm.s32 $0x152D0;
	s19 =	sadd.s32 $0xE0, s0  }
0x474: {  	[hbm4b:s15+s4] =	stream.linear.scatter [tilespmem:s14], [sflag:$0x4], $0x80, $0x38;
	[tilespmem:$0x1AF40] =	vst v63  }
0x475: {  	s13 =	sadd.s32 $0x400, s0;
	s14 =	simm.s32 $0x6600;
	s15 =	sadd.s32 $0xF0, s0  }
0x476: {  	[hbm4b:s19+s4] =	stream.linear.scatter [tilespmem:s18], [sflag:$0x4], $0x80, $0x38;
	[tilespmem:$0x1AF40] =	vst v63  }
.LBB2_41:
0x477: {  	[hbm4b:s15+s4] =	stream.linear.scatter [tilespmem:s2], [sflag:$0x4], $0x80, $0x38;
	[tilespmem:$0x1AF40] =	vst v63  }
0x478: {  	s2 =	smov.u32 s10;
	s0 =	smov.u32 s14  }
0x479: {  	s11 =	sadd.s32 $0x3300, s14;
	s10 =	sshra.s32 s0, $0x2;
	s0 =	sadd.s32 $0x14940, s2  }
0x47a: {  	[hbm4b:s13+s4] =	stream.linear.scatter [tilespmem:s0], [sflag:$0x4], $0x80, $0x38;
	[tilespmem:$0x1AF40] =	vst v63  }
0x47b: {  	p1 =	sne.s32 s14, $0x16500;
	s14 =	sadd.s32 $0x10, s13;
	s0 =	sadd.s32 $0x149C8, s2  }
0x47c: {  	[hbm4b:s14+s4] =	stream.linear.scatter [tilespmem:s0], [sflag:$0x4], $0x80, $0x38;
	[tilespmem:$0x1AF40] =	vst v63  }
0x47d: {  	s0 =	sadd.s32 $0x14A50, s2;
	s14 =	sadd.s32 $0x20, s13  }
0x47e: {  	[hbm4b:s14+s4] =	stream.linear.scatter [tilespmem:s0], [sflag:$0x4], $0x80, $0x38;
	[tilespmem:$0x1AF40] =	vst v63  }
0x47f: {  	s0 =	sadd.s32 $0x14AD8, s2;
	s14 =	sadd.s32 $0x30, s13  }
0x480: {  	[hbm4b:s14+s4] =	stream.linear.scatter [tilespmem:s0], [sflag:$0x4], $0x80, $0x38;
	[tilespmem:$0x1AF40] =	vst v63  }
0x481: {  	s0 =	sadd.s32 $0x14B60, s2;
	s14 =	sadd.s32 $0x40, s13  }
0x482: {  	[hbm4b:s14+s4] =	stream.linear.scatter [tilespmem:s0], [sflag:$0x4], $0x80, $0x38;
	[tilespmem:$0x1AF40] =	vst v63  }
0x483: {  	s0 =	sadd.s32 $0x14BE8, s2;
	s14 =	sadd.s32 $0x50, s13  }
0x484: {  	[hbm4b:s14+s4] =	stream.linear.scatter [tilespmem:s0], [sflag:$0x4], $0x80, $0x38;
	[tilespmem:$0x1AF40] =	vst v63  }
0x485: {  	s0 =	sadd.s32 $0x14C70, s2;
	s14 =	sadd.s32 $0x60, s13  }
0x486: {  	[hbm4b:s14+s4] =	stream.linear.scatter [tilespmem:s0], [sflag:$0x4], $0x80, $0x38;
	[tilespmem:$0x1AF40] =	vst v63  }
0x487: {  	s0 =	sadd.s32 $0x14CF8, s2;
	s14 =	sadd.s32 $0x70, s13  }
0x488: {  	[hbm4b:s14+s4] =	stream.linear.scatter [tilespmem:s0], [sflag:$0x4], $0x80, $0x38;
	[tilespmem:$0x1AF40] =	vst v63  }
0x489: {  	s0 =	sadd.s32 $0x14FA0, s2;
	s14 =	sadd.s32 $0x80, s13  }
0x48a: {  	[hbm4b:s14+s4] =	stream.linear.scatter [tilespmem:s0], [sflag:$0x4], $0x80, $0x38;
	[tilespmem:$0x1AF40] =	vst v63  }
0x48b: {  	s0 =	sadd.s32 $0x15028, s2;
	s14 =	sadd.s32 $0x90, s13  }
0x48c: {  	[hbm4b:s14+s4] =	stream.linear.scatter [tilespmem:s0], [sflag:$0x4], $0x80, $0x38;
	[tilespmem:$0x1AF40] =	vst v63  }
0x48d: {  	s0 =	sadd.s32 $0x150B0, s2;
	s14 =	sadd.s32 $0xA0, s13  }
0x48e: {  	[hbm4b:s14+s4] =	stream.linear.scatter [tilespmem:s0], [sflag:$0x4], $0x80, $0x38;
	[tilespmem:$0x1AF40] =	vst v63  }
0x48f: {  	s0 =	sadd.s32 $0x15138, s2;
	s14 =	sadd.s32 $0xB0, s13  }
0x490: {  	[hbm4b:s14+s4] =	stream.linear.scatter [tilespmem:s0], [sflag:$0x4], $0x80, $0x38;
	[tilespmem:$0x1AF40] =	vst v63  }
0x491: {  	s0 =	sadd.s32 $0x151C0, s2;
	s14 =	sadd.s32 $0xC0, s13  }
0x492: {  	[hbm4b:s14+s4] =	stream.linear.scatter [tilespmem:s0], [sflag:$0x4], $0x80, $0x38;
	[tilespmem:$0x1AF40] =	vst v63  }
.Ltmp25:
0x493: {  	s0 =	sadd.s32 $0x15248, s2;
	s14 =	sadd.s32 $0xD0, s13;
	(pc) =	sbr.rel @p1 .LBB2_41-.Ltmp25, $4  }
0x494: {  	[hbm4b:s14+s4] =	stream.linear.scatter [tilespmem:s0], [sflag:$0x4], $0x80, $0x38;
	[tilespmem:$0x1AF40] =	vst v63  }
0x495: {  	s15 =	sadd.s32 $0xF0, s13;
	s0 =	sadd.s32 $0x152D0, s2;
	s14 =	sadd.s32 $0xE0, s13  }
0x496: {  	[hbm4b:s14+s4] =	stream.linear.scatter [tilespmem:s0], [sflag:$0x4], $0x80, $0x38;
	[tilespmem:$0x1AF40] =	vst v63  }
0x497: {  	s2 =	sadd.s32 $0x15358, s2;
	s13 =	sadd.s32 $0x400, s13;
	s14 =	smov.u32 s11  }
0x498: {  	[hbm4b:s15+s4] =	stream.linear.scatter [tilespmem:s2], [sflag:$0x4], $0x80, $0x38;
	[tilespmem:$0x1AF40] =	vst v63  }
0x499: {  	s0 =	sadd.s32 $0x14940, s10  }
0x49a: {  	[hbm4b:s13+s4] =	stream.linear.scatter [tilespmem:s0], [sflag:$0x4], $0x80, $0x38;
	[tilespmem:$0x1AF40] =	vst v63  }
0x49b: {  	s2 =	sadd.s32 $0x149C8, s10;
	s11 =	sadd.s32 $0x10, s13  }
0x49c: {  	[hbm4b:s11+s4] =	stream.linear.scatter [tilespmem:s2], [sflag:$0x4], $0x80, $0x38;
	[tilespmem:$0x1AF40] =	vst v63  }
0x49d: {  	s14 =	sadd.s32 $0x14A50, s10;
	s15 =	sadd.s32 $0x20, s13  }
0x49e: {  	[hbm4b:s15+s4] =	stream.linear.scatter [tilespmem:s14], [sflag:$0x4], $0x80, $0x38;
	[tilespmem:$0x1AF40] =	vst v63  }
0x49f: {  	s18 =	sadd.s32 $0x14AD8, s10;
	s19 =	sadd.s32 $0x30, s13  }
0x4a0: {  	[hbm4b:s19+s4] =	stream.linear.scatter [tilespmem:s18], [sflag:$0x4], $0x80, $0x38;
	[tilespmem:$0x1AF40] =	vst v63  }
0x4a1: {  	s2 =	sadd.s32 $0x14B60, s10;
	s11 =	sadd.s32 $0x40, s13  }
0x4a2: {  	[hbm4b:s11+s4] =	stream.linear.scatter [tilespmem:s2], [sflag:$0x4], $0x80, $0x38;
	[tilespmem:$0x1AF40] =	vst v63  }
0x4a3: {  	s14 =	sadd.s32 $0x14BE8, s10;
	s15 =	sadd.s32 $0x50, s13  }
0x4a4: {  	[hbm4b:s15+s4] =	stream.linear.scatter [tilespmem:s14], [sflag:$0x4], $0x80, $0x38;
	[tilespmem:$0x1AF40] =	vst v63  }
0x4a5: {  	s18 =	sadd.s32 $0x14C70, s10;
	s19 =	sadd.s32 $0x60, s13  }
0x4a6: {  	[hbm4b:s19+s4] =	stream.linear.scatter [tilespmem:s18], [sflag:$0x4], $0x80, $0x38;
	[tilespmem:$0x1AF40] =	vst v63  }
0x4a7: {  	s2 =	sadd.s32 $0x14CF8, s10;
	s11 =	sadd.s32 $0x70, s13  }
0x4a8: {  	[hbm4b:s11+s4] =	stream.linear.scatter [tilespmem:s2], [sflag:$0x4], $0x80, $0x38;
	[tilespmem:$0x1AF40] =	vst v63  }
0x4a9: {  	s14 =	sadd.s32 $0x14FA0, s10;
	s15 =	sadd.s32 $0x80, s13  }
0x4aa: {  	[hbm4b:s15+s4] =	stream.linear.scatter [tilespmem:s14], [sflag:$0x4], $0x80, $0x38;
	[tilespmem:$0x1AF40] =	vst v63  }
0x4ab: {  	s18 =	sadd.s32 $0x15028, s10;
	s19 =	sadd.s32 $0x90, s13  }
0x4ac: {  	[hbm4b:s19+s4] =	stream.linear.scatter [tilespmem:s18], [sflag:$0x4], $0x80, $0x38;
	[tilespmem:$0x1AF40] =	vst v63  }
0x4ad: {  	s2 =	sadd.s32 $0x150B0, s10;
	s11 =	sadd.s32 $0xA0, s13  }
0x4ae: {  	[hbm4b:s11+s4] =	stream.linear.scatter [tilespmem:s2], [sflag:$0x4], $0x80, $0x38;
	[tilespmem:$0x1AF40] =	vst v63  }
0x4af: {  	s14 =	sadd.s32 $0x15138, s10;
	s15 =	sadd.s32 $0xB0, s13  }
0x4b0: {  	[hbm4b:s15+s4] =	stream.linear.scatter [tilespmem:s14], [sflag:$0x4], $0x80, $0x38;
	[tilespmem:$0x1AF40] =	vst v63  }
0x4b1: {  	s18 =	sadd.s32 $0x151C0, s10;
	s19 =	sadd.s32 $0xC0, s13  }
0x4b2: {  	[hbm4b:s19+s4] =	stream.linear.scatter [tilespmem:s18], [sflag:$0x4], $0x80, $0x38;
	[tilespmem:$0x1AF40] =	vst v63  }
0x4b3: {  	s2 =	sadd.s32 $0x15248, s10;
	s11 =	sadd.s32 $0xD0, s13  }
0x4b4: {  	[hbm4b:s11+s4] =	stream.linear.scatter [tilespmem:s2], [sflag:$0x4], $0x80, $0x38;
	[tilespmem:$0x1AF40] =	vst v63  }
.Ltmp26:
0x4b5: {  	_ = 	snop;
	(pc) =	sbr.rel @p2 .LBB2_44-.Ltmp26, $4  }
0x4b6: {  	s14 =	sadd.s32 $0x152D0, s10;
	s15 =	sadd.s32 $0xE0, s13  }
0x4b7: {  	[hbm4b:s15+s4] =	stream.linear.scatter [tilespmem:s14], [sflag:$0x4], $0x80, $0x38;
	[tilespmem:$0x1AF40] =	vst v63  }
0x4b8: {  	s18 =	sadd.s32 $0x15358, s10;
	s19 =	sadd.s32 $0xF0, s13  }
0x4b9: {  	[hbm4b:s19+s4] =	stream.linear.scatter [tilespmem:s18], [sflag:$0x4], $0x80, $0x38;
	[tilespmem:$0x1AF40] =	vst v63  }
0x4ba: {  	s0 =	sadd.s32 s12, s17  }
0x4bb: {  	s2 =	sshrl.u32 s0, $0x5  }
0x4bc: {  	s2 =	ssub.s32 s2, s7  }
0x4bd: {  	s10 =	sshll.u32 s0, $0xB;
	s2 =	sshll.u32 s2, $0xF  }
0x4be: {  	s0 =	sshll.u32 s0, $0x5;
	s10 =	sand.u32 $0x1800, s10;
	s2 =	sshra.s32 s2, $0x2  }
0x4bf: {  	s0 =	sand.u32 $0x380, s0;
	s2 =	sor.u32 s10, s2  }
.Ltmp27:
0x4c0: {  	s0 =	sor.u32 s0, s2;
	(pc) =	sbr.rel .LBB2_24-.Ltmp27, $4  }
0x4c1: {  	s2 =	sadd.s32 $0x8000, s0  }
0x4c2: {  	[tilespmem:s25], [sflag:$0x2] =	stream.indirect.gather [hbm4b:s8+s23], $0x40, s2, s23, $0xb8;
	[tilespmem:$0x1AF40] =	vst v63  }
0x4c3: {  	s24 =	sadd.s32 $0x1, s24;
	s0 =	sadd.s32 $0x8400, s0  }
0x4c4: {  	[tilespmem:s26], [sflag:$0x2] =	stream.indirect.gather [hbm4b:s8+s23], $0x40, s0, s23, $0xb8;
	[tilespmem:$0x1AF40] =	vst v63  }
.LBB2_27:
.Ltmp28:
0x4c5: {  	(pc) =	sbr.rel .LBB2_34-.Ltmp28, $2  }
0x4c6: {  	_ =	sdelay $0x2  }
0x4c7: {  	_ = 	snop  }
.LBB2_29:
.Ltmp29:
0x4c8: {  	(pc) =	sbr.rel .LBB2_34-.Ltmp29, $2  }
0x4c9: {  	_ =	sdelay $0x2  }
0x4ca: {  	v15 =	vmov v12;
	s15 =	simm.s32 $0x4;
	s13 =	simm.s32 $0x20F0;
	s14 =	simm.s32 $0x21F0;
	v12 =	vmov v14  }
.LBB2_31:
.Ltmp30:
0x4cb: {  	(pc) =	sbr.rel .LBB2_34-.Ltmp30, $3  }
0x4cc: {  	_ =	sdelay $0x1  }
0x4cd: {  	v34 =	vmov v12  }
0x4ce: {  	s14 =	simm.s32 $0x22F0;
	v18 =	vmovc v21;
	v16 =	vmovc v15;
	v15 =	vmov v14;
	v12 =	vmov v32;
	v13 =	vmov v17  }
.LBB2_45:
0x4cf: {  	_ =	sfence.sel $0x180000  }
0x4d0: {  	[bflag:$0x0] =	sbarrier.arrive $0xFFFF  }
0x4d1: {  	_ =	strace $0x90000047  }
0x4d2: {  	s0 =	stileid.u32;
	[bflag:$0x2] =	sbarrier.arrive $0xFFFF  }
0x4d3: {  	p0 =	sne.s32 s0, $0x0;
	s0 =	rddreg [dreg:$0x6]  }
0x4d4: {  	s0 =	sadd.s32 @!p0 $0x100000, s0  }
0x4d5: {  	[sflag:s0] =	ssyncadd.tile.s32 @!p0 $0x1;
	_ =	shalt  }
.Lfunc_end2:
_tile_overlayer_lowered:
.L_overlay_start_2:
0x4d6: {  	(tag) =	ssettag $0x2  }
0x4d7: {  	s0 =	rddreg [dreg:$0x0];
	s2 =	stileid.u32  }
0x4d8: {  	s1 =	rddreg [dreg:$0x1];
	p0 =	sne.s32 s2, $0x0  }
0x4d9: {  	s3 =	rddreg [dreg:$0x2];
	[bflag:$0x3] =	sbarrier.arrive $0xFFFF;
	s2 =	simm.s32 @!p0 $0x1C05  }
0x4da: {  	[timem:s3], [sflag:s2] =	dma.local @!p0 [hbm:s0], s1  }
0x4db: {  	s0 =	simm.s32 @!p0 $0x5  }
0x4dc: {  	_ =	swait.ge @!p0 [sflag:s0], s1  }
0x4dd: {  	s1 =	ssub.s32 @!p0 $0x0, s1;
	[sflag:s0] =	ssyncset.done @!p0 $0x0  }
0x4de: {  	[sflag:s0] =	ssyncadd.s32 @!p0 s1  }
0x4df: {  	[bflag:$0x3] =	sbarrier.arrive $0xFFFF  }
0x4e0: {  	_ =	shalt  }

</sc_bundles>
